<compile_context>
chip_gen: v7x
topology: tpu7x:2x2x1
jax: 0.10.2.dev20260603
libtpu: 0.0.44.dev20260713+nightly
codegen_flags: <defaults>
</compile_context>

<pallas_src>
import functools

import jax
import jax.numpy as jnp
from jax import lax
from jax.experimental import pallas as pl
from jax.experimental.pallas import tpu as pltpu
from jax.experimental.pallas import tpu_sc as plsc


def _shuf(v, p):
    dnums = lax.GatherDimensionNumbers(
        offset_dims=(), collapsed_slice_dims=(0,), start_index_map=(0,))
    return lax.gather(v, p[:, None], dnums, (1,),
                      mode=lax.GatherScatterMode.PROMISE_IN_BOUNDS)


VOCAB = 1000000
DIM = 64
BATCH = 4096
HIST = 200
NC, NS, L = 2, 16, 16
NW = NC * NS
BLK = BATCH // NW
NBUF = 4
NST = 2
PITCH = BLK + 1


def _ln_body(xt_hbm, tab_hbm, g_hbm, b_hbm, out_hbm,
             idx_v, r0_v, r1_v, r2_v, r3_v, st0_v, st1_v,
             gb_v,
             gs0, gs1, gs2, gs3, os0, os1):
    wid = lax.axis_index("s") * NC + lax.axis_index("c")
    b0 = wid * BLK

    pltpu.sync_copy(xt_hbm.at[:, pl.ds(b0, BLK)], idx_v)
    pltpu.sync_copy(g_hbm, gb_v.at[0])
    pltpu.sync_copy(b_hbm, gb_v.at[1])

    rows = (r0_v, r1_v, r2_v, r3_v)
    stg = (st0_v, st1_v)
    gsems = (gs0, gs1, gs2, gs3)
    osems = (os0, os1)

    NSPLIT = 4

    def fire_gather(ch, slot):
        for t in range(NSPLIT):
            w = BLK // NSPLIT
            pltpu.async_copy(tab_hbm.at[idx_v.at[ch, pl.ds(t * w, w)]],
                             rows[slot].at[pl.ds(t * w, w)], gsems[slot])

    def wait_gather(ch, slot):
        for t in range(NSPLIT):
            w = BLK // NSPLIT
            pltpu.make_async_copy(tab_hbm.at[idx_v.at[ch, pl.ds(t * w, w)]],
                                  rows[slot].at[pl.ds(t * w, w)],
                                  gsems[slot]).wait()

    def fire_write(ch, slot):
        pltpu.async_copy(stg[slot].at[:, pl.ds(0, BLK)],
                         out_hbm.at[ch, :, pl.ds(b0, BLK)], osems[slot])

    def wait_write(ch, slot):
        pltpu.make_async_copy(stg[slot].at[:, pl.ds(0, BLK)],
                              out_hbm.at[ch, :, pl.ds(b0, BLK)],
                              osems[slot]).wait()

    def compute(rslot, sslot):
        r_ref = rows[rslot]
        s_ref = stg[sslot]
        iot = lax.iota(jnp.int32, L)
        perms = [iot ^ 8, iot ^ 4, iot ^ 2, iot ^ 1]
        gk = [gb_v[0, pl.ds(k * L, L)] for k in range(DIM // L)]
        bk = [gb_v[1, pl.ds(k * L, L)] for k in range(DIM // L)]
        colk = [k * L + iot for k in range(DIM // L)]
        zer = jnp.full((L,), 0, jnp.int32)

        @plsc.parallel_loop(0, BLK, unroll=4)
        def _rows(r):
            c = [r_ref[r, pl.ds(k * L, L)] for k in range(DIM // L)]
            s = (c[0] + c[1]) + (c[2] + c[3])
            q = (c[0] * c[0] + c[1] * c[1]) + (c[2] * c[2] + c[3] * c[3])
            for p in perms:
                s = s + _shuf(s, p)
                q = q + _shuf(q, p)
            mean = s * (1.0 / DIM)
            var = q * (1.0 / DIM) - mean * mean
            xv = var + 1e-5
            ii = plsc.bitcast(xv, jnp.int32)
            ii = jnp.int32(0x5F3759DF) - lax.shift_right_logical(ii, 1)
            y = plsc.bitcast(ii, jnp.float32)
            hx = xv * 0.5
            for _ in range(2):
                y = y * (1.5 - hx * y * y)
            rvec = zer + r
            for k in range(DIM // L):
                o = (c[k] - mean) * y * gk[k] + bk[k]
                plsc.store_scatter(s_ref, [colk[k], rvec], o)

    for p in range(NBUF - 1):
        fire_gather(p, p)

    def quad_body(i, carry):
        for b2 in range(NBUF):
            ch = NBUF * i + b2
            pre = ch + NBUF - 1
            pre_slot = (b2 + NBUF - 1) % NBUF
            st_slot = b2 % NST

            @pl.when(pre < HIST)
            def _():
                fire_gather(pre, pre_slot)

            wait_gather(ch, b2)

            @pl.when(ch >= NST)
            def _():
                wait_write(ch - NST, st_slot)

            compute(b2, st_slot)
            fire_write(ch, st_slot)
        return carry

    lax.fori_loop(0, HIST // NBUF, quad_body, 0)
    wait_write(HIST - 2, 0)
    wait_write(HIST - 1, 1)


_emb_ln = functools.partial(
    pl.kernel,
    out_type=jax.ShapeDtypeStruct((HIST, DIM, BATCH), jnp.float32),
    mesh=plsc.VectorSubcoreMesh(core_axis_name="c", subcore_axis_name="s"),
    compiler_params=pltpu.CompilerParams(needs_layout_passes=False,
                                         use_tc_tiling_on_sc=False),
    scratch_types=[
        pltpu.VMEM((HIST, BLK), jnp.int32),
        pltpu.VMEM((BLK, DIM), jnp.float32),
        pltpu.VMEM((BLK, DIM), jnp.float32),
        pltpu.VMEM((BLK, DIM), jnp.float32),
        pltpu.VMEM((BLK, DIM), jnp.float32),
        pltpu.VMEM((DIM, PITCH), jnp.float32),
        pltpu.VMEM((DIM, PITCH), jnp.float32),
        pltpu.VMEM((2, DIM), jnp.float32),
        pltpu.SemaphoreType.DMA,
        pltpu.SemaphoreType.DMA,
        pltpu.SemaphoreType.DMA,
        pltpu.SemaphoreType.DMA,
        pltpu.SemaphoreType.DMA,
        pltpu.SemaphoreType.DMA,
    ],
)(_ln_body)


def kernel(x, table, gamma, beta):
    xt = x.T.astype(jnp.int32)
    out = _emb_ln(xt, table, gamma, beta)
    return out.transpose(2, 0, 1)

# --- scband reference (transcript-rebuilt; emitter-appended) ---
"""Pipeline reference for scband-gene-encoder-62122406969893 (READ-ONLY COPY).

The authoritative reference and input builder live on the scoring server;
editing this copy changes nothing except your own understanding.
"""

import jax, jax.numpy as jnp
import numpy as np

VOCAB = 1000000
DIM = 64
BATCH = 4096
HIST = 200


def setup_inputs(seed: int = 0) -> dict:
    key = jax.random.key(seed)
    k1, k2 = jax.random.split(key, 2)
    x = jax.random.randint(k1, (BATCH, HIST), 0, VOCAB, dtype=jnp.int64 if jax.config.jax_enable_x64 else jnp.int32)
    table = jax.random.normal(k2, (VOCAB, DIM), dtype=jnp.float32) * 0.02
    gamma = jnp.ones((DIM,), dtype=jnp.float32)
    beta = jnp.zeros((DIM,), dtype=jnp.float32)
    return {"x": x, "table": table, "gamma": gamma, "beta": beta}


def reference(x, table, gamma, beta):
    # nn.Embedding lookup
    emb = jnp.take(table, x, axis=0)  # [B, L, D]
    # nn.LayerNorm over last dim, eps=1e-5, elementwise affine
    mean = jnp.mean(emb, axis=-1, keepdims=True)
    var = jnp.mean(jnp.square(emb - mean), axis=-1, keepdims=True)
    normed = (emb - mean) / jnp.sqrt(var + 1e-5)
    return normed * gamma + beta

if __name__ == "__main__":
    import jax
    _d = setup_inputs()
    print(jax.jit(kernel)(*tuple(_d.values())))

</pallas_src>

<mosaic_0001>
#map = affine_map<(d0, d1) -> (0, 0)>
#map1 = affine_map<(d0, d1) -> (0)>
#map2 = affine_map<(d0, d1) -> (0, 0, 0)>
module attributes {stable_mosaic.version = 14 : i64} {
  func.func @_ln_body(%arg0: i32, %arg1: i32, %arg2: memref<200x4096xi32, #tpu.memory_space<hbm>>, %arg3: memref<1000000x64xf32, #tpu.memory_space<hbm>>, %arg4: memref<64xf32, #tpu.memory_space<hbm>>, %arg5: memref<64xf32, #tpu.memory_space<hbm>>, %arg6: memref<200x64x4096xf32, #tpu.memory_space<hbm>>, %arg7: memref<200x128xi32, #tpu.memory_space<vmem>>, %arg8: memref<128x64xf32, #tpu.memory_space<vmem>>, %arg9: memref<128x64xf32, #tpu.memory_space<vmem>>, %arg10: memref<128x64xf32, #tpu.memory_space<vmem>>, %arg11: memref<128x64xf32, #tpu.memory_space<vmem>>, %arg12: memref<64x129xf32, #tpu.memory_space<vmem>>, %arg13: memref<64x129xf32, #tpu.memory_space<vmem>>, %arg14: memref<2x64xf32, #tpu.memory_space<vmem>>, %arg15: memref<!tpu.dma_semaphore, #tpu.memory_space<semaphore_mem>>, %arg16: memref<!tpu.dma_semaphore, #tpu.memory_space<semaphore_mem>>, %arg17: memref<!tpu.dma_semaphore, #tpu.memory_space<semaphore_mem>>, %arg18: memref<!tpu.dma_semaphore, #tpu.memory_space<semaphore_mem>>, %arg19: memref<!tpu.dma_semaphore, #tpu.memory_space<semaphore_mem>>, %arg20: memref<!tpu.dma_semaphore, #tpu.memory_space<semaphore_mem>>) attributes {dimension_semantics = [#tpu.dimension_semantics<core_parallel>, #tpu.dimension_semantics<subcore_parallel>], iteration_bounds = array<i64: 2, 16>, scalar_prefetch = 0 : i64, scratch_operands = 14 : i64, tpu.core_type = #tpu.core_type<sc_vector_subcore>, window_params = [{transform_indices = #map}, {transform_indices = #map}, {transform_indices = #map1}, {transform_indices = #map1}, {transform_indices = #map2}]} {
    %mul3A = arith.constant 2 : i32
    %mul3A_0 = arith.muli %arg1, %mul3A : i32
    %add3A = arith.addi %mul3A_0, %arg0 : i32
    %mul3A_1 = arith.constant 128 : i32
    %mul3A_2 = arith.muli %add3A, %mul3A_1 : i32
    "tpu.region"() ({
      %run_scoped3A_153 = tpu.sem_alloc : memref<!tpu.dma_semaphore, #tpu.memory_space<semaphore_mem>>
      %dma_start3A_154 = arith.constant 0 : i32
      %dma_start3A_155 = tpu.memref_slice %arg2[%dma_start3A_154, %mul3A_2] : memref<200x4096xi32, #tpu.memory_space<hbm>> -> memref<200x128xi32, #tpu.memory_space<hbm>>
      %dma_start3A_156 = arith.constant 0 : i32
      %dma_start3A_157 = tpu.memref_slice %arg2[%dma_start3A_156, %mul3A_2] : memref<200x4096xi32, #tpu.memory_space<hbm>> -> memref<200x128xi32, #tpu.memory_space<hbm>>
      tpu.enqueue_dma source(%dma_start3A_157 : memref<200x128xi32, #tpu.memory_space<hbm>>) target(%arg7 : memref<200x128xi32, #tpu.memory_space<vmem>>) target_semaphore(%run_scoped3A_153 : memref<!tpu.dma_semaphore, #tpu.memory_space<semaphore_mem>>)
      %dma_wait3A_158 = arith.constant 0 : i32
      %dma_wait3A_159 = tpu.memref_slice %arg2[%dma_wait3A_158, %mul3A_2] : memref<200x4096xi32, #tpu.memory_space<hbm>> -> memref<200x128xi32, #tpu.memory_space<hbm>>
      %dma_wait3A_160 = arith.constant 0 : i32
      %dma_wait3A_161 = tpu.memref_slice %arg2[%dma_wait3A_160, %mul3A_2] : memref<200x4096xi32, #tpu.memory_space<hbm>> -> memref<200x128xi32, #tpu.memory_space<hbm>>
      tpu.wait_dma2 semaphore(%run_scoped3A_153 : memref<!tpu.dma_semaphore, #tpu.memory_space<semaphore_mem>>) src(%dma_wait3A_161 : memref<200x128xi32, #tpu.memory_space<hbm>>) dst(%arg7 : memref<200x128xi32, #tpu.memory_space<vmem>>)
      tpu.yield
    }) : () -> ()
    %run_scoped3A = arith.constant 0 : i32
    "tpu.region"() ({
      %run_scoped3A_153 = tpu.sem_alloc : memref<!tpu.dma_semaphore, #tpu.memory_space<semaphore_mem>>
      %dma_start3A_154 = arith.constant 0 : i32
      %dma_start3A_155 = tpu.memref_slice %arg14[%run_scoped3A, %dma_start3A_154] : memref<2x64xf32, #tpu.memory_space<vmem>> -> memref<1x64xf32, #tpu.memory_space<vmem>>
      %dma_start3A_156 = tpu.memref_squeeze %dma_start3A_155 : memref<1x64xf32, #tpu.memory_space<vmem>> -> memref<64xf32, #tpu.memory_space<vmem>>
      %dma_start3A_157 = arith.constant 0 : i32
      %dma_start3A_158 = tpu.memref_slice %arg14[%run_scoped3A, %dma_start3A_157] : memref<2x64xf32, #tpu.memory_space<vmem>> -> memref<1x64xf32, #tpu.memory_space<vmem>>
      %dma_start3A_159 = tpu.memref_squeeze %dma_start3A_158 : memref<1x64xf32, #tpu.memory_space<vmem>> -> memref<64xf32, #tpu.memory_space<vmem>>
      tpu.enqueue_dma source(%arg4 : memref<64xf32, #tpu.memory_space<hbm>>) target(%dma_start3A_159 : memref<64xf32, #tpu.memory_space<vmem>>) target_semaphore(%run_scoped3A_153 : memref<!tpu.dma_semaphore, #tpu.memory_space<semaphore_mem>>)
      %dma_wait3A_160 = arith.constant 0 : i32
      %dma_wait3A_161 = tpu.memref_slice %arg14[%run_scoped3A, %dma_wait3A_160] : memref<2x64xf32, #tpu.memory_space<vmem>> -> memref<1x64xf32, #tpu.memory_space<vmem>>
      %dma_wait3A_162 = tpu.memref_squeeze %dma_wait3A_161 : memref<1x64xf32, #tpu.memory_space<vmem>> -> memref<64xf32, #tpu.memory_space<vmem>>
      %dma_wait3A_163 = arith.constant 0 : i32
      %dma_wait3A_164 = tpu.memref_slice %arg14[%run_scoped3A, %dma_wait3A_163] : memref<2x64xf32, #tpu.memory_space<vmem>> -> memref<1x64xf32, #tpu.memory_space<vmem>>
      %dma_wait3A_165 = tpu.memref_squeeze %dma_wait3A_164 : memref<1x64xf32, #tpu.memory_space<vmem>> -> memref<64xf32, #tpu.memory_space<vmem>>
      tpu.wait_dma2 semaphore(%run_scoped3A_153 : memref<!tpu.dma_semaphore, #tpu.memory_space<semaphore_mem>>) src(%arg4 : memref<64xf32, #tpu.memory_space<hbm>>) dst(%dma_wait3A_165 : memref<64xf32, #tpu.memory_space<vmem>>)
      tpu.yield
    }) : () -> ()
    %run_scoped3A_3 = arith.constant 1 : i32
    "tpu.region"() ({
      %run_scoped3A_153 = tpu.sem_alloc : memref<!tpu.dma_semaphore, #tpu.memory_space<semaphore_mem>>
      %dma_start3A_154 = arith.constant 0 : i32
      %dma_start3A_155 = tpu.memref_slice %arg14[%run_scoped3A_3, %dma_start3A_154] : memref<2x64xf32, #tpu.memory_space<vmem>> -> memref<1x64xf32, #tpu.memory_space<vmem>>
      %dma_start3A_156 = tpu.memref_squeeze %dma_start3A_155 : memref<1x64xf32, #tpu.memory_space<vmem>> -> memref<64xf32, #tpu.memory_space<vmem>>
      %dma_start3A_157 = arith.constant 0 : i32
      %dma_start3A_158 = tpu.memref_slice %arg14[%run_scoped3A_3, %dma_start3A_157] : memref<2x64xf32, #tpu.memory_space<vmem>> -> memref<1x64xf32, #tpu.memory_space<vmem>>
      %dma_start3A_159 = tpu.memref_squeeze %dma_start3A_158 : memref<1x64xf32, #tpu.memory_space<vmem>> -> memref<64xf32, #tpu.memory_space<vmem>>
      tpu.enqueue_dma source(%arg5 : memref<64xf32, #tpu.memory_space<hbm>>) target(%dma_start3A_159 : memref<64xf32, #tpu.memory_space<vmem>>) target_semaphore(%run_scoped3A_153 : memref<!tpu.dma_semaphore, #tpu.memory_space<semaphore_mem>>)
      %dma_wait3A_160 = arith.constant 0 : i32
      %dma_wait3A_161 = tpu.memref_slice %arg14[%run_scoped3A_3, %dma_wait3A_160] : memref<2x64xf32, #tpu.memory_space<vmem>> -> memref<1x64xf32, #tpu.memory_space<vmem>>
      %dma_wait3A_162 = tpu.memref_squeeze %dma_wait3A_161 : memref<1x64xf32, #tpu.memory_space<vmem>> -> memref<64xf32, #tpu.memory_space<vmem>>
      %dma_wait3A_163 = arith.constant 0 : i32
      %dma_wait3A_164 = tpu.memref_slice %arg14[%run_scoped3A_3, %dma_wait3A_163] : memref<2x64xf32, #tpu.memory_space<vmem>> -> memref<1x64xf32, #tpu.memory_space<vmem>>
      %dma_wait3A_165 = tpu.memref_squeeze %dma_wait3A_164 : memref<1x64xf32, #tpu.memory_space<vmem>> -> memref<64xf32, #tpu.memory_space<vmem>>
      tpu.wait_dma2 semaphore(%run_scoped3A_153 : memref<!tpu.dma_semaphore, #tpu.memory_space<semaphore_mem>>) src(%arg5 : memref<64xf32, #tpu.memory_space<hbm>>) dst(%dma_wait3A_165 : memref<64xf32, #tpu.memory_space<vmem>>)
      tpu.yield
    }) : () -> ()
    %dma_start3A = arith.constant 0 : i32
    %dma_start3A_4 = arith.constant 0 : i32
    %dma_start3A_5 = arith.constant 0 : i32
    %dma_start3A_6 = tpu.memref_slice %arg8[%dma_start3A_4, %dma_start3A_5] : memref<128x64xf32, #tpu.memory_space<vmem>> -> memref<32x64xf32, #tpu.memory_space<vmem>>
    %dma_start3A_7 = arith.constant 0 : i32
    %dma_start3A_8 = tpu.memref_slice %arg7[%dma_start3A, %dma_start3A_7] : memref<200x128xi32, #tpu.memory_space<vmem>> -> memref<1x32xi32, #tpu.memory_space<vmem>>
    %dma_start3A_9 = tpu.memref_squeeze %dma_start3A_8 : memref<1x32xi32, #tpu.memory_space<vmem>> -> memref<32xi32, #tpu.memory_space<vmem>>
    %dma_start3A_10 = arith.constant 0 : i32
    %dma_start3A_11 = arith.constant 0 : i32
    %dma_start3A_12 = tpu.memref_slice %arg3[%dma_start3A_10, %dma_start3A_11] : memref<1000000x64xf32, #tpu.memory_space<hbm>> -> memref<1000000x64xf32, #tpu.memory_space<hbm>>
    tpu.enqueue_indirect_dma source(%dma_start3A_12 : memref<1000000x64xf32, #tpu.memory_space<hbm>>) target(%dma_start3A_6 : memref<32x64xf32, #tpu.memory_space<vmem>>) offsets(%dma_start3A_9 : memref<32xi32, #tpu.memory_space<vmem>>) semaphore(%arg15 : memref<!tpu.dma_semaphore, #tpu.memory_space<semaphore_mem>>)
    %dma_start3A_13 = arith.constant 0 : i32
    %dma_start3A_14 = arith.constant 32 : i32
    %dma_start3A_15 = arith.constant 0 : i32
    %dma_start3A_16 = tpu.memref_slice %arg8[%dma_start3A_14, %dma_start3A_15] : memref<128x64xf32, #tpu.memory_space<vmem>> -> memref<32x64xf32, #tpu.memory_space<vmem>>
    %dma_start3A_17 = arith.constant 32 : i32
    %dma_start3A_18 = tpu.memref_slice %arg7[%dma_start3A_13, %dma_start3A_17] : memref<200x128xi32, #tpu.memory_space<vmem>> -> memref<1x32xi32, #tpu.memory_space<vmem>>
    %dma_start3A_19 = tpu.memref_squeeze %dma_start3A_18 : memref<1x32xi32, #tpu.memory_space<vmem>> -> memref<32xi32, #tpu.memory_space<vmem>>
    %dma_start3A_20 = arith.constant 0 : i32
    %dma_start3A_21 = arith.constant 0 : i32
    %dma_start3A_22 = tpu.memref_slice %arg3[%dma_start3A_20, %dma_start3A_21] : memref<1000000x64xf32, #tpu.memory_space<hbm>> -> memref<1000000x64xf32, #tpu.memory_space<hbm>>
    tpu.enqueue_indirect_dma source(%dma_start3A_22 : memref<1000000x64xf32, #tpu.memory_space<hbm>>) target(%dma_start3A_16 : memref<32x64xf32, #tpu.memory_space<vmem>>) offsets(%dma_start3A_19 : memref<32xi32, #tpu.memory_space<vmem>>) semaphore(%arg15 : memref<!tpu.dma_semaphore, #tpu.memory_space<semaphore_mem>>)
    %dma_start3A_23 = arith.constant 0 : i32
    %dma_start3A_24 = arith.constant 64 : i32
    %dma_start3A_25 = arith.constant 0 : i32
    %dma_start3A_26 = tpu.memref_slice %arg8[%dma_start3A_24, %dma_start3A_25] : memref<128x64xf32, #tpu.memory_space<vmem>> -> memref<32x64xf32, #tpu.memory_space<vmem>>
    %dma_start3A_27 = arith.constant 64 : i32
    %dma_start3A_28 = tpu.memref_slice %arg7[%dma_start3A_23, %dma_start3A_27] : memref<200x128xi32, #tpu.memory_space<vmem>> -> memref<1x32xi32, #tpu.memory_space<vmem>>
    %dma_start3A_29 = tpu.memref_squeeze %dma_start3A_28 : memref<1x32xi32, #tpu.memory_space<vmem>> -> memref<32xi32, #tpu.memory_space<vmem>>
    %dma_start3A_30 = arith.constant 0 : i32
    %dma_start3A_31 = arith.constant 0 : i32
    %dma_start3A_32 = tpu.memref_slice %arg3[%dma_start3A_30, %dma_start3A_31] : memref<1000000x64xf32, #tpu.memory_space<hbm>> -> memref<1000000x64xf32, #tpu.memory_space<hbm>>
    tpu.enqueue_indirect_dma source(%dma_start3A_32 : memref<1000000x64xf32, #tpu.memory_space<hbm>>) target(%dma_start3A_26 : memref<32x64xf32, #tpu.memory_space<vmem>>) offsets(%dma_start3A_29 : memref<32xi32, #tpu.memory_space<vmem>>) semaphore(%arg15 : memref<!tpu.dma_semaphore, #tpu.memory_space<semaphore_mem>>)
    %dma_start3A_33 = arith.constant 0 : i32
    %dma_start3A_34 = arith.constant 96 : i32
    %dma_start3A_35 = arith.constant 0 : i32
    %dma_start3A_36 = tpu.memref_slice %arg8[%dma_start3A_34, %dma_start3A_35] : memref<128x64xf32, #tpu.memory_space<vmem>> -> memref<32x64xf32, #tpu.memory_space<vmem>>
    %dma_start3A_37 = arith.constant 96 : i32
    %dma_start3A_38 = tpu.memref_slice %arg7[%dma_start3A_33, %dma_start3A_37] : memref<200x128xi32, #tpu.memory_space<vmem>> -> memref<1x32xi32, #tpu.memory_space<vmem>>
    %dma_start3A_39 = tpu.memref_squeeze %dma_start3A_38 : memref<1x32xi32, #tpu.memory_space<vmem>> -> memref<32xi32, #tpu.memory_space<vmem>>
    %dma_start3A_40 = arith.constant 0 : i32
    %dma_start3A_41 = arith.constant 0 : i32
    %dma_start3A_42 = tpu.memref_slice %arg3[%dma_start3A_40, %dma_start3A_41] : memref<1000000x64xf32, #tpu.memory_space<hbm>> -> memref<1000000x64xf32, #tpu.memory_space<hbm>>
    tpu.enqueue_indirect_dma source(%dma_start3A_42 : memref<1000000x64xf32, #tpu.memory_space<hbm>>) target(%dma_start3A_36 : memref<32x64xf32, #tpu.memory_space<vmem>>) offsets(%dma_start3A_39 : memref<32xi32, #tpu.memory_space<vmem>>) semaphore(%arg15 : memref<!tpu.dma_semaphore, #tpu.memory_space<semaphore_mem>>)
    %dma_start3A_43 = arith.constant 1 : i32
    %dma_start3A_44 = arith.constant 0 : i32
    %dma_start3A_45 = arith.constant 0 : i32
    %dma_start3A_46 = tpu.memref_slice %arg9[%dma_start3A_44, %dma_start3A_45] : memref<128x64xf32, #tpu.memory_space<vmem>> -> memref<32x64xf32, #tpu.memory_space<vmem>>
    %dma_start3A_47 = arith.constant 0 : i32
    %dma_start3A_48 = tpu.memref_slice %arg7[%dma_start3A_43, %dma_start3A_47] : memref<200x128xi32, #tpu.memory_space<vmem>> -> memref<1x32xi32, #tpu.memory_space<vmem>>
    %dma_start3A_49 = tpu.memref_squeeze %dma_start3A_48 : memref<1x32xi32, #tpu.memory_space<vmem>> -> memref<32xi32, #tpu.memory_space<vmem>>
    %dma_start3A_50 = arith.constant 0 : i32
    %dma_start3A_51 = arith.constant 0 : i32
    %dma_start3A_52 = tpu.memref_slice %arg3[%dma_start3A_50, %dma_start3A_51] : memref<1000000x64xf32, #tpu.memory_space<hbm>> -> memref<1000000x64xf32, #tpu.memory_space<hbm>>
    tpu.enqueue_indirect_dma source(%dma_start3A_52 : memref<1000000x64xf32, #tpu.memory_space<hbm>>) target(%dma_start3A_46 : memref<32x64xf32, #tpu.memory_space<vmem>>) offsets(%dma_start3A_49 : memref<32xi32, #tpu.memory_space<vmem>>) semaphore(%arg16 : memref<!tpu.dma_semaphore, #tpu.memory_space<semaphore_mem>>)
    %dma_start3A_53 = arith.constant 1 : i32
    %dma_start3A_54 = arith.constant 32 : i32
    %dma_start3A_55 = arith.constant 0 : i32
    %dma_start3A_56 = tpu.memref_slice %arg9[%dma_start3A_54, %dma_start3A_55] : memref<128x64xf32, #tpu.memory_space<vmem>> -> memref<32x64xf32, #tpu.memory_space<vmem>>
    %dma_start3A_57 = arith.constant 32 : i32
    %dma_start3A_58 = tpu.memref_slice %arg7[%dma_start3A_53, %dma_start3A_57] : memref<200x128xi32, #tpu.memory_space<vmem>> -> memref<1x32xi32, #tpu.memory_space<vmem>>
    %dma_start3A_59 = tpu.memref_squeeze %dma_start3A_58 : memref<1x32xi32, #tpu.memory_space<vmem>> -> memref<32xi32, #tpu.memory_space<vmem>>
    %dma_start3A_60 = arith.constant 0 : i32
    %dma_start3A_61 = arith.constant 0 : i32
    %dma_start3A_62 = tpu.memref_slice %arg3[%dma_start3A_60, %dma_start3A_61] : memref<1000000x64xf32, #tpu.memory_space<hbm>> -> memref<1000000x64xf32, #tpu.memory_space<hbm>>
    tpu.enqueue_indirect_dma source(%dma_start3A_62 : memref<1000000x64xf32, #tpu.memory_space<hbm>>) target(%dma_start3A_56 : memref<32x64xf32, #tpu.memory_space<vmem>>) offsets(%dma_start3A_59 : memref<32xi32, #tpu.memory_space<vmem>>) semaphore(%arg16 : memref<!tpu.dma_semaphore, #tpu.memory_space<semaphore_mem>>)
    %dma_start3A_63 = arith.constant 1 : i32
    %dma_start3A_64 = arith.constant 64 : i32
    %dma_start3A_65 = arith.constant 0 : i32
    %dma_start3A_66 = tpu.memref_slice %arg9[%dma_start3A_64, %dma_start3A_65] : memref<128x64xf32, #tpu.memory_space<vmem>> -> memref<32x64xf32, #tpu.memory_space<vmem>>
    %dma_start3A_67 = arith.constant 64 : i32
    %dma_start3A_68 = tpu.memref_slice %arg7[%dma_start3A_63, %dma_start3A_67] : memref<200x128xi32, #tpu.memory_space<vmem>> -> memref<1x32xi32, #tpu.memory_space<vmem>>
    %dma_start3A_69 = tpu.memref_squeeze %dma_start3A_68 : memref<1x32xi32, #tpu.memory_space<vmem>> -> memref<32xi32, #tpu.memory_space<vmem>>
    %dma_start3A_70 = arith.constant 0 : i32
    %dma_start3A_71 = arith.constant 0 : i32
    %dma_start3A_72 = tpu.memref_slice %arg3[%dma_start3A_70, %dma_start3A_71] : memref<1000000x64xf32, #tpu.memory_space<hbm>> -> memref<1000000x64xf32, #tpu.memory_space<hbm>>
    tpu.enqueue_indirect_dma source(%dma_start3A_72 : memref<1000000x64xf32, #tpu.memory_space<hbm>>) target(%dma_start3A_66 : memref<32x64xf32, #tpu.memory_space<vmem>>) offsets(%dma_start3A_69 : memref<32xi32, #tpu.memory_space<vmem>>) semaphore(%arg16 : memref<!tpu.dma_semaphore, #tpu.memory_space<semaphore_mem>>)
    %dma_start3A_73 = arith.constant 1 : i32
    %dma_start3A_74 = arith.constant 96 : i32
    %dma_start3A_75 = arith.constant 0 : i32
    %dma_start3A_76 = tpu.memref_slice %arg9[%dma_start3A_74, %dma_start3A_75] : memref<128x64xf32, #tpu.memory_space<vmem>> -> memref<32x64xf32, #tpu.memory_space<vmem>>
    %dma_start3A_77 = arith.constant 96 : i32
    %dma_start3A_78 = tpu.memref_slice %arg7[%dma_start3A_73, %dma_start3A_77] : memref<200x128xi32, #tpu.memory_space<vmem>> -> memref<1x32xi32, #tpu.memory_space<vmem>>
    %dma_start3A_79 = tpu.memref_squeeze %dma_start3A_78 : memref<1x32xi32, #tpu.memory_space<vmem>> -> memref<32xi32, #tpu.memory_space<vmem>>
    %dma_start3A_80 = arith.constant 0 : i32
    %dma_start3A_81 = arith.constant 0 : i32
    %dma_start3A_82 = tpu.memref_slice %arg3[%dma_start3A_80, %dma_start3A_81] : memref<1000000x64xf32, #tpu.memory_space<hbm>> -> memref<1000000x64xf32, #tpu.memory_space<hbm>>
    tpu.enqueue_indirect_dma source(%dma_start3A_82 : memref<1000000x64xf32, #tpu.memory_space<hbm>>) target(%dma_start3A_76 : memref<32x64xf32, #tpu.memory_space<vmem>>) offsets(%dma_start3A_79 : memref<32xi32, #tpu.memory_space<vmem>>) semaphore(%arg16 : memref<!tpu.dma_semaphore, #tpu.memory_space<semaphore_mem>>)
    %dma_start3A_83 = arith.constant 2 : i32
    %dma_start3A_84 = arith.constant 0 : i32
    %dma_start3A_85 = arith.constant 0 : i32
    %dma_start3A_86 = tpu.memref_slice %arg10[%dma_start3A_84, %dma_start3A_85] : memref<128x64xf32, #tpu.memory_space<vmem>> -> memref<32x64xf32, #tpu.memory_space<vmem>>
    %dma_start3A_87 = arith.constant 0 : i32
    %dma_start3A_88 = tpu.memref_slice %arg7[%dma_start3A_83, %dma_start3A_87] : memref<200x128xi32, #tpu.memory_space<vmem>> -> memref<1x32xi32, #tpu.memory_space<vmem>>
    %dma_start3A_89 = tpu.memref_squeeze %dma_start3A_88 : memref<1x32xi32, #tpu.memory_space<vmem>> -> memref<32xi32, #tpu.memory_space<vmem>>
    %dma_start3A_90 = arith.constant 0 : i32
    %dma_start3A_91 = arith.constant 0 : i32
    %dma_start3A_92 = tpu.memref_slice %arg3[%dma_start3A_90, %dma_start3A_91] : memref<1000000x64xf32, #tpu.memory_space<hbm>> -> memref<1000000x64xf32, #tpu.memory_space<hbm>>
    tpu.enqueue_indirect_dma source(%dma_start3A_92 : memref<1000000x64xf32, #tpu.memory_space<hbm>>) target(%dma_start3A_86 : memref<32x64xf32, #tpu.memory_space<vmem>>) offsets(%dma_start3A_89 : memref<32xi32, #tpu.memory_space<vmem>>) semaphore(%arg17 : memref<!tpu.dma_semaphore, #tpu.memory_space<semaphore_mem>>)
    %dma_start3A_93 = arith.constant 2 : i32
    %dma_start3A_94 = arith.constant 32 : i32
    %dma_start3A_95 = arith.constant 0 : i32
    %dma_start3A_96 = tpu.memref_slice %arg10[%dma_start3A_94, %dma_start3A_95] : memref<128x64xf32, #tpu.memory_space<vmem>> -> memref<32x64xf32, #tpu.memory_space<vmem>>
    %dma_start3A_97 = arith.constant 32 : i32
    %dma_start3A_98 = tpu.memref_slice %arg7[%dma_start3A_93, %dma_start3A_97] : memref<200x128xi32, #tpu.memory_space<vmem>> -> memref<1x32xi32, #tpu.memory_space<vmem>>
    %dma_start3A_99 = tpu.memref_squeeze %dma_start3A_98 : memref<1x32xi32, #tpu.memory_space<vmem>> -> memref<32xi32, #tpu.memory_space<vmem>>
    %dma_start3A_100 = arith.constant 0 : i32
    %dma_start3A_101 = arith.constant 0 : i32
    %dma_start3A_102 = tpu.memref_slice %arg3[%dma_start3A_100, %dma_start3A_101] : memref<1000000x64xf32, #tpu.memory_space<hbm>> -> memref<1000000x64xf32, #tpu.memory_space<hbm>>
    tpu.enqueue_indirect_dma source(%dma_start3A_102 : memref<1000000x64xf32, #tpu.memory_space<hbm>>) target(%dma_start3A_96 : memref<32x64xf32, #tpu.memory_space<vmem>>) offsets(%dma_start3A_99 : memref<32xi32, #tpu.memory_space<vmem>>) semaphore(%arg17 : memref<!tpu.dma_semaphore, #tpu.memory_space<semaphore_mem>>)
    %dma_start3A_103 = arith.constant 2 : i32
    %dma_start3A_104 = arith.constant 64 : i32
    %dma_start3A_105 = arith.constant 0 : i32
    %dma_start3A_106 = tpu.memref_slice %arg10[%dma_start3A_104, %dma_start3A_105] : memref<128x64xf32, #tpu.memory_space<vmem>> -> memref<32x64xf32, #tpu.memory_space<vmem>>
    %dma_start3A_107 = arith.constant 64 : i32
    %dma_start3A_108 = tpu.memref_slice %arg7[%dma_start3A_103, %dma_start3A_107] : memref<200x128xi32, #tpu.memory_space<vmem>> -> memref<1x32xi32, #tpu.memory_space<vmem>>
    %dma_start3A_109 = tpu.memref_squeeze %dma_start3A_108 : memref<1x32xi32, #tpu.memory_space<vmem>> -> memref<32xi32, #tpu.memory_space<vmem>>
    %dma_start3A_110 = arith.constant 0 : i32
    %dma_start3A_111 = arith.constant 0 : i32
    %dma_start3A_112 = tpu.memref_slice %arg3[%dma_start3A_110, %dma_start3A_111] : memref<1000000x64xf32, #tpu.memory_space<hbm>> -> memref<1000000x64xf32, #tpu.memory_space<hbm>>
    tpu.enqueue_indirect_dma source(%dma_start3A_112 : memref<1000000x64xf32, #tpu.memory_space<hbm>>) target(%dma_start3A_106 : memref<32x64xf32, #tpu.memory_space<vmem>>) offsets(%dma_start3A_109 : memref<32xi32, #tpu.memory_space<vmem>>) semaphore(%arg17 : memref<!tpu.dma_semaphore, #tpu.memory_space<semaphore_mem>>)
    %dma_start3A_113 = arith.constant 2 : i32
    %dma_start3A_114 = arith.constant 96 : i32
    %dma_start3A_115 = arith.constant 0 : i32
    %dma_start3A_116 = tpu.memref_slice %arg10[%dma_start3A_114, %dma_start3A_115] : memref<128x64xf32, #tpu.memory_space<vmem>> -> memref<32x64xf32, #tpu.memory_space<vmem>>
    %dma_start3A_117 = arith.constant 96 : i32
    %dma_start3A_118 = tpu.memref_slice %arg7[%dma_start3A_113, %dma_start3A_117] : memref<200x128xi32, #tpu.memory_space<vmem>> -> memref<1x32xi32, #tpu.memory_space<vmem>>
    %dma_start3A_119 = tpu.memref_squeeze %dma_start3A_118 : memref<1x32xi32, #tpu.memory_space<vmem>> -> memref<32xi32, #tpu.memory_space<vmem>>
    %dma_start3A_120 = arith.constant 0 : i32
    %dma_start3A_121 = arith.constant 0 : i32
    %dma_start3A_122 = tpu.memref_slice %arg3[%dma_start3A_120, %dma_start3A_121] : memref<1000000x64xf32, #tpu.memory_space<hbm>> -> memref<1000000x64xf32, #tpu.memory_space<hbm>>
    tpu.enqueue_indirect_dma source(%dma_start3A_122 : memref<1000000x64xf32, #tpu.memory_space<hbm>>) target(%dma_start3A_116 : memref<32x64xf32, #tpu.memory_space<vmem>>) offsets(%dma_start3A_119 : memref<32xi32, #tpu.memory_space<vmem>>) semaphore(%arg17 : memref<!tpu.dma_semaphore, #tpu.memory_space<semaphore_mem>>)
    %scan3A = arith.constant 0 : i32
    %scan3A_123 = arith.constant 0 : i32
    %scan3A_124 = arith.constant 50 : i32
    %scan3A_125 = arith.addi %scan3A_123, %scan3A_124 : i32
    %scan3A_126 = arith.constant 1 : i32
    scf.for %scan3A_153 = %scan3A_123 to %scan3A_125 step %scan3A_126  : i32 {
      %mul3A_154 = arith.constant 4 : i32
      %mul3A_155 = arith.muli %mul3A_154, %scan3A_153 : i32
      %add3A_156 = arith.constant 0 : i32
      %add3A_157 = arith.addi %mul3A_155, %add3A_156 : i32
      %add3A_158 = arith.constant 4 : i32
      %add3A_159 = arith.addi %add3A_157, %add3A_158 : i32
      %sub3A = arith.constant 1 : i32
      %sub3A_160 = arith.subi %add3A_159, %sub3A : i32
      %lt3A = arith.constant 200 : i32
      %lt3A_161 = arith.cmpi slt, %sub3A_160, %lt3A : i32
      %convert_element_type3A = arith.extui %lt3A_161 : i1 to i32
      %cond3A = arith.constant 0 : i32
      %cond3A_162 = arith.cmpi ne, %convert_element_type3A, %cond3A : i32
      scf.if %cond3A_162 {
        %dma_start3A_656 = arith.constant 0 : i32
        %dma_start3A_657 = arith.constant 0 : i32
        %dma_start3A_658 = tpu.memref_slice %arg11[%dma_start3A_656, %dma_start3A_657] : memref<128x64xf32, #tpu.memory_space<vmem>> -> memref<32x64xf32, #tpu.memory_space<vmem>>
        %dma_start3A_659 = arith.constant 0 : i32
        %dma_start3A_660 = tpu.memref_slice %arg7[%sub3A_160, %dma_start3A_659] : memref<200x128xi32, #tpu.memory_space<vmem>> -> memref<1x32xi32, #tpu.memory_space<vmem>>
        %dma_start3A_661 = tpu.memref_squeeze %dma_start3A_660 : memref<1x32xi32, #tpu.memory_space<vmem>> -> memref<32xi32, #tpu.memory_space<vmem>>
        %dma_start3A_662 = arith.constant 0 : i32
        %dma_start3A_663 = arith.constant 0 : i32
        %dma_start3A_664 = tpu.memref_slice %arg3[%dma_start3A_662, %dma_start3A_663] : memref<1000000x64xf32, #tpu.memory_space<hbm>> -> memref<1000000x64xf32, #tpu.memory_space<hbm>>
        tpu.enqueue_indirect_dma source(%dma_start3A_664 : memref<1000000x64xf32, #tpu.memory_space<hbm>>) target(%dma_start3A_658 : memref<32x64xf32, #tpu.memory_space<vmem>>) offsets(%dma_start3A_661 : memref<32xi32, #tpu.memory_space<vmem>>) semaphore(%arg18 : memref<!tpu.dma_semaphore, #tpu.memory_space<semaphore_mem>>)
        %dma_start3A_665 = arith.constant 32 : i32
        %dma_start3A_666 = arith.constant 0 : i32
        %dma_start3A_667 = tpu.memref_slice %arg11[%dma_start3A_665, %dma_start3A_666] : memref<128x64xf32, #tpu.memory_space<vmem>> -> memref<32x64xf32, #tpu.memory_space<vmem>>
        %dma_start3A_668 = arith.constant 32 : i32
        %dma_start3A_669 = tpu.memref_slice %arg7[%sub3A_160, %dma_start3A_668] : memref<200x128xi32, #tpu.memory_space<vmem>> -> memref<1x32xi32, #tpu.memory_space<vmem>>
        %dma_start3A_670 = tpu.memref_squeeze %dma_start3A_669 : memref<1x32xi32, #tpu.memory_space<vmem>> -> memref<32xi32, #tpu.memory_space<vmem>>
        %dma_start3A_671 = arith.constant 0 : i32
        %dma_start3A_672 = arith.constant 0 : i32
        %dma_start3A_673 = tpu.memref_slice %arg3[%dma_start3A_671, %dma_start3A_672] : memref<1000000x64xf32, #tpu.memory_space<hbm>> -> memref<1000000x64xf32, #tpu.memory_space<hbm>>
        tpu.enqueue_indirect_dma source(%dma_start3A_673 : memref<1000000x64xf32, #tpu.memory_space<hbm>>) target(%dma_start3A_667 : memref<32x64xf32, #tpu.memory_space<vmem>>) offsets(%dma_start3A_670 : memref<32xi32, #tpu.memory_space<vmem>>) semaphore(%arg18 : memref<!tpu.dma_semaphore, #tpu.memory_space<semaphore_mem>>)
        %dma_start3A_674 = arith.constant 64 : i32
        %dma_start3A_675 = arith.constant 0 : i32
        %dma_start3A_676 = tpu.memref_slice %arg11[%dma_start3A_674, %dma_start3A_675] : memref<128x64xf32, #tpu.memory_space<vmem>> -> memref<32x64xf32, #tpu.memory_space<vmem>>
        %dma_start3A_677 = arith.constant 64 : i32
        %dma_start3A_678 = tpu.memref_slice %arg7[%sub3A_160, %dma_start3A_677] : memref<200x128xi32, #tpu.memory_space<vmem>> -> memref<1x32xi32, #tpu.memory_space<vmem>>
        %dma_start3A_679 = tpu.memref_squeeze %dma_start3A_678 : memref<1x32xi32, #tpu.memory_space<vmem>> -> memref<32xi32, #tpu.memory_space<vmem>>
        %dma_start3A_680 = arith.constant 0 : i32
        %dma_start3A_681 = arith.constant 0 : i32
        %dma_start3A_682 = tpu.memref_slice %arg3[%dma_start3A_680, %dma_start3A_681] : memref<1000000x64xf32, #tpu.memory_space<hbm>> -> memref<1000000x64xf32, #tpu.memory_space<hbm>>
        tpu.enqueue_indirect_dma source(%dma_start3A_682 : memref<1000000x64xf32, #tpu.memory_space<hbm>>) target(%dma_start3A_676 : memref<32x64xf32, #tpu.memory_space<vmem>>) offsets(%dma_start3A_679 : memref<32xi32, #tpu.memory_space<vmem>>) semaphore(%arg18 : memref<!tpu.dma_semaphore, #tpu.memory_space<semaphore_mem>>)
        %dma_start3A_683 = arith.constant 96 : i32
        %dma_start3A_684 = arith.constant 0 : i32
        %dma_start3A_685 = tpu.memref_slice %arg11[%dma_start3A_683, %dma_start3A_684] : memref<128x64xf32, #tpu.memory_space<vmem>> -> memref<32x64xf32, #tpu.memory_space<vmem>>
        %dma_start3A_686 = arith.constant 96 : i32
        %dma_start3A_687 = tpu.memref_slice %arg7[%sub3A_160, %dma_start3A_686] : memref<200x128xi32, #tpu.memory_space<vmem>> -> memref<1x32xi32, #tpu.memory_space<vmem>>
        %dma_start3A_688 = tpu.memref_squeeze %dma_start3A_687 : memref<1x32xi32, #tpu.memory_space<vmem>> -> memref<32xi32, #tpu.memory_space<vmem>>
        %dma_start3A_689 = arith.constant 0 : i32
        %dma_start3A_690 = arith.constant 0 : i32
        %dma_start3A_691 = tpu.memref_slice %arg3[%dma_start3A_689, %dma_start3A_690] : memref<1000000x64xf32, #tpu.memory_space<hbm>> -> memref<1000000x64xf32, #tpu.memory_space<hbm>>
        tpu.enqueue_indirect_dma source(%dma_start3A_691 : memref<1000000x64xf32, #tpu.memory_space<hbm>>) target(%dma_start3A_685 : memref<32x64xf32, #tpu.memory_space<vmem>>) offsets(%dma_start3A_688 : memref<32xi32, #tpu.memory_space<vmem>>) semaphore(%arg18 : memref<!tpu.dma_semaphore, #tpu.memory_space<semaphore_mem>>)
      } else {
      }
      %dma_wait3A_163 = arith.constant 0 : i32
      %dma_wait3A_164 = arith.constant 0 : i32
      %dma_wait3A_165 = tpu.memref_slice %arg8[%dma_wait3A_163, %dma_wait3A_164] : memref<128x64xf32, #tpu.memory_space<vmem>> -> memref<32x64xf32, #tpu.memory_space<vmem>>
      %dma_wait3A_166 = arith.constant 0 : i32
      %dma_wait3A_167 = tpu.memref_slice %arg7[%add3A_157, %dma_wait3A_166] : memref<200x128xi32, #tpu.memory_space<vmem>> -> memref<1x32xi32, #tpu.memory_space<vmem>>
      %dma_wait3A_168 = tpu.memref_squeeze %dma_wait3A_167 : memref<1x32xi32, #tpu.memory_space<vmem>> -> memref<32xi32, #tpu.memory_space<vmem>>
      %dma_wait3A_169 = arith.constant 0 : i32
      %dma_wait3A_170 = arith.constant 0 : i32
      %dma_wait3A_171 = tpu.memref_slice %arg3[%dma_wait3A_169, %dma_wait3A_170] : memref<1000000x64xf32, #tpu.memory_space<hbm>> -> memref<1000000x64xf32, #tpu.memory_space<hbm>>
      tpu.wait_indirect_dma semaphore(%arg15 : memref<!tpu.dma_semaphore, #tpu.memory_space<semaphore_mem>>) src(%dma_wait3A_171 : memref<1000000x64xf32, #tpu.memory_space<hbm>>) dst(%dma_wait3A_165 : memref<32x64xf32, #tpu.memory_space<vmem>>)
      %dma_wait3A_172 = arith.constant 32 : i32
      %dma_wait3A_173 = arith.constant 0 : i32
      %dma_wait3A_174 = tpu.memref_slice %arg8[%dma_wait3A_172, %dma_wait3A_173] : memref<128x64xf32, #tpu.memory_space<vmem>> -> memref<32x64xf32, #tpu.memory_space<vmem>>
      %dma_wait3A_175 = arith.constant 32 : i32
      %dma_wait3A_176 = tpu.memref_slice %arg7[%add3A_157, %dma_wait3A_175] : memref<200x128xi32, #tpu.memory_space<vmem>> -> memref<1x32xi32, #tpu.memory_space<vmem>>
      %dma_wait3A_177 = tpu.memref_squeeze %dma_wait3A_176 : memref<1x32xi32, #tpu.memory_space<vmem>> -> memref<32xi32, #tpu.memory_space<vmem>>
      %dma_wait3A_178 = arith.constant 0 : i32
      %dma_wait3A_179 = arith.constant 0 : i32
      %dma_wait3A_180 = tpu.memref_slice %arg3[%dma_wait3A_178, %dma_wait3A_179] : memref<1000000x64xf32, #tpu.memory_space<hbm>> -> memref<1000000x64xf32, #tpu.memory_space<hbm>>
      tpu.wait_indirect_dma semaphore(%arg15 : memref<!tpu.dma_semaphore, #tpu.memory_space<semaphore_mem>>) src(%dma_wait3A_180 : memref<1000000x64xf32, #tpu.memory_space<hbm>>) dst(%dma_wait3A_174 : memref<32x64xf32, #tpu.memory_space<vmem>>)
      %dma_wait3A_181 = arith.constant 64 : i32
      %dma_wait3A_182 = arith.constant 0 : i32
      %dma_wait3A_183 = tpu.memref_slice %arg8[%dma_wait3A_181, %dma_wait3A_182] : memref<128x64xf32, #tpu.memory_space<vmem>> -> memref<32x64xf32, #tpu.memory_space<vmem>>
      %dma_wait3A_184 = arith.constant 64 : i32
      %dma_wait3A_185 = tpu.memref_slice %arg7[%add3A_157, %dma_wait3A_184] : memref<200x128xi32, #tpu.memory_space<vmem>> -> memref<1x32xi32, #tpu.memory_space<vmem>>
      %dma_wait3A_186 = tpu.memref_squeeze %dma_wait3A_185 : memref<1x32xi32, #tpu.memory_space<vmem>> -> memref<32xi32, #tpu.memory_space<vmem>>
      %dma_wait3A_187 = arith.constant 0 : i32
      %dma_wait3A_188 = arith.constant 0 : i32
      %dma_wait3A_189 = tpu.memref_slice %arg3[%dma_wait3A_187, %dma_wait3A_188] : memref<1000000x64xf32, #tpu.memory_space<hbm>> -> memref<1000000x64xf32, #tpu.memory_space<hbm>>
      tpu.wait_indirect_dma semaphore(%arg15 : memref<!tpu.dma_semaphore, #tpu.memory_space<semaphore_mem>>) src(%dma_wait3A_189 : memref<1000000x64xf32, #tpu.memory_space<hbm>>) dst(%dma_wait3A_183 : memref<32x64xf32, #tpu.memory_space<vmem>>)
      %dma_wait3A_190 = arith.constant 96 : i32
      %dma_wait3A_191 = arith.constant 0 : i32
      %dma_wait3A_192 = tpu.memref_slice %arg8[%dma_wait3A_190, %dma_wait3A_191] : memref<128x64xf32, #tpu.memory_space<vmem>> -> memref<32x64xf32, #tpu.memory_space<vmem>>
      %dma_wait3A_193 = arith.constant 96 : i32
      %dma_wait3A_194 = tpu.memref_slice %arg7[%add3A_157, %dma_wait3A_193] : memref<200x128xi32, #tpu.memory_space<vmem>> -> memref<1x32xi32, #tpu.memory_space<vmem>>
      %dma_wait3A_195 = tpu.memref_squeeze %dma_wait3A_194 : memref<1x32xi32, #tpu.memory_space<vmem>> -> memref<32xi32, #tpu.memory_space<vmem>>
      %dma_wait3A_196 = arith.constant 0 : i32
      %dma_wait3A_197 = arith.constant 0 : i32
      %dma_wait3A_198 = tpu.memref_slice %arg3[%dma_wait3A_196, %dma_wait3A_197] : memref<1000000x64xf32, #tpu.memory_space<hbm>> -> memref<1000000x64xf32, #tpu.memory_space<hbm>>
      tpu.wait_indirect_dma semaphore(%arg15 : memref<!tpu.dma_semaphore, #tpu.memory_space<semaphore_mem>>) src(%dma_wait3A_198 : memref<1000000x64xf32, #tpu.memory_space<hbm>>) dst(%dma_wait3A_192 : memref<32x64xf32, #tpu.memory_space<vmem>>)
      %ge3A = arith.constant 2 : i32
      %ge3A_199 = arith.cmpi sge, %add3A_157, %ge3A : i32
      %convert_element_type3A_200 = arith.extui %ge3A_199 : i1 to i32
      %cond3A_201 = arith.constant 0 : i32
      %cond3A_202 = arith.cmpi ne, %convert_element_type3A_200, %cond3A_201 : i32
      scf.if %cond3A_202 {
        %sub3A_656 = arith.constant 2 : i32
        %sub3A_657 = arith.subi %add3A_157, %sub3A_656 : i32
        %dma_wait3A_658 = arith.constant 0 : i32
        %dma_wait3A_659 = arith.constant 0 : i32
        %dma_wait3A_660 = tpu.memref_slice %arg12[%dma_wait3A_658, %dma_wait3A_659] : memref<64x129xf32, #tpu.memory_space<vmem>> -> memref<64x128xf32, #tpu.memory_space<vmem>>
        %dma_wait3A_661 = arith.constant 0 : i32
        %dma_wait3A_662 = tpu.memref_slice %arg6[%sub3A_657, %dma_wait3A_661, %mul3A_2] : memref<200x64x4096xf32, #tpu.memory_space<hbm>> -> memref<1x64x128xf32, #tpu.memory_space<hbm>>
        %dma_wait3A_663 = tpu.memref_squeeze %dma_wait3A_662 : memref<1x64x128xf32, #tpu.memory_space<hbm>> -> memref<64x128xf32, #tpu.memory_space<hbm>>
        %dma_wait3A_664 = arith.constant 0 : i32
        %dma_wait3A_665 = tpu.memref_slice %arg6[%sub3A_657, %dma_wait3A_664, %mul3A_2] : memref<200x64x4096xf32, #tpu.memory_space<hbm>> -> memref<1x64x128xf32, #tpu.memory_space<hbm>>
        %dma_wait3A_666 = tpu.memref_squeeze %dma_wait3A_665 : memref<1x64x128xf32, #tpu.memory_space<hbm>> -> memref<64x128xf32, #tpu.memory_space<hbm>>
        %dma_wait3A_667 = arith.constant 0 : i32
        %dma_wait3A_668 = arith.constant 0 : i32
        %dma_wait3A_669 = tpu.memref_slice %arg12[%dma_wait3A_667, %dma_wait3A_668] : memref<64x129xf32, #tpu.memory_space<vmem>> -> memref<64x128xf32, #tpu.memory_space<vmem>>
        tpu.wait_dma2 semaphore(%arg19 : memref<!tpu.dma_semaphore, #tpu.memory_space<semaphore_mem>>) src(%dma_wait3A_669 : memref<64x128xf32, #tpu.memory_space<vmem>>) dst(%dma_wait3A_666 : memref<64x128xf32, #tpu.memory_space<hbm>>)
      } else {
      }
      %iota3A = tpu.iota {dimensions = array<i32: 0>} : vector<16xi32>
      %xor3A = arith.constant 8 : i32
      %xor3A_203 = vector.broadcast %xor3A : i32 to vector<16xi32>
      %xor3A_204 = arith.xori %iota3A, %xor3A_203 : vector<16xi32>
      %xor3A_205 = arith.constant 4 : i32
      %xor3A_206 = vector.broadcast %xor3A_205 : i32 to vector<16xi32>
      %xor3A_207 = arith.xori %iota3A, %xor3A_206 : vector<16xi32>
      %xor3A_208 = arith.constant 2 : i32
      %xor3A_209 = vector.broadcast %xor3A_208 : i32 to vector<16xi32>
      %xor3A_210 = arith.xori %iota3A, %xor3A_209 : vector<16xi32>
      %xor3A_211 = arith.constant 1 : i32
      %xor3A_212 = vector.broadcast %xor3A_211 : i32 to vector<16xi32>
      %xor3A_213 = arith.xori %iota3A, %xor3A_212 : vector<16xi32>
      %get3A = arith.constant 0 : i32
      %get3A_214 = arith.index_cast %get3A : i32 to index
      %get3A_215 = arith.constant 0 : index
      %get3A_216 = tpu.vector_load %arg14[%get3A_214, %get3A_215] {strides = array<i32>} : memref<2x64xf32, #tpu.memory_space<vmem>>, vector<16xf32>,
      %get3A_217 = arith.constant 0 : i32
      %get3A_218 = arith.index_cast %get3A_217 : i32 to index
      %get3A_219 = arith.constant 16 : index
      %get3A_220 = tpu.vector_load %arg14[%get3A_218, %get3A_219] {strides = array<i32>} : memref<2x64xf32, #tpu.memory_space<vmem>>, vector<16xf32>,
      %get3A_221 = arith.constant 0 : i32
      %get3A_222 = arith.index_cast %get3A_221 : i32 to index
      %get3A_223 = arith.constant 32 : index
      %get3A_224 = tpu.vector_load %arg14[%get3A_222, %get3A_223] {strides = array<i32>} : memref<2x64xf32, #tpu.memory_space<vmem>>, vector<16xf32>,
      %get3A_225 = arith.constant 0 : i32
      %get3A_226 = arith.index_cast %get3A_225 : i32 to index
      %get3A_227 = arith.constant 48 : index
      %get3A_228 = tpu.vector_load %arg14[%get3A_226, %get3A_227] {strides = array<i32>} : memref<2x64xf32, #tpu.memory_space<vmem>>, vector<16xf32>,
      %get3A_229 = arith.constant 1 : i32
      %get3A_230 = arith.index_cast %get3A_229 : i32 to index
      %get3A_231 = arith.constant 0 : index
      %get3A_232 = tpu.vector_load %arg14[%get3A_230, %get3A_231] {strides = array<i32>} : memref<2x64xf32, #tpu.memory_space<vmem>>, vector<16xf32>,
      %get3A_233 = arith.constant 1 : i32
      %get3A_234 = arith.index_cast %get3A_233 : i32 to index
      %get3A_235 = arith.constant 16 : index
      %get3A_236 = tpu.vector_load %arg14[%get3A_234, %get3A_235] {strides = array<i32>} : memref<2x64xf32, #tpu.memory_space<vmem>>, vector<16xf32>,
      %get3A_237 = arith.constant 1 : i32
      %get3A_238 = arith.index_cast %get3A_237 : i32 to index
      %get3A_239 = arith.constant 32 : index
      %get3A_240 = tpu.vector_load %arg14[%get3A_238, %get3A_239] {strides = array<i32>} : memref<2x64xf32, #tpu.memory_space<vmem>>, vector<16xf32>,
      %get3A_241 = arith.constant 1 : i32
      %get3A_242 = arith.index_cast %get3A_241 : i32 to index
      %get3A_243 = arith.constant 48 : index
      %get3A_244 = tpu.vector_load %arg14[%get3A_242, %get3A_243] {strides = array<i32>} : memref<2x64xf32, #tpu.memory_space<vmem>>, vector<16xf32>,
      %add3A_245 = arith.constant 0 : i32
      %add3A_246 = vector.broadcast %add3A_245 : i32 to vector<16xi32>
      %add3A_247 = arith.addi %add3A_246, %iota3A : vector<16xi32>
      %add3A_248 = arith.constant 16 : i32
      %add3A_249 = vector.broadcast %add3A_248 : i32 to vector<16xi32>
      %add3A_250 = arith.addi %add3A_249, %iota3A : vector<16xi32>
      %add3A_251 = arith.constant 32 : i32
      %add3A_252 = vector.broadcast %add3A_251 : i32 to vector<16xi32>
      %add3A_253 = arith.addi %add3A_252, %iota3A : vector<16xi32>
      %add3A_254 = arith.constant 48 : i32
      %add3A_255 = vector.broadcast %add3A_254 : i32 to vector<16xi32>
      %add3A_256 = arith.addi %add3A_255, %iota3A : vector<16xi32>
      %broadcast_in_dim3A = arith.constant 0 : i32
      %broadcast_in_dim3A_257 = vector.broadcast %broadcast_in_dim3A : i32 to vector<16xi32>
      %parallel_loop3A = arith.constant 0 : i32
      %parallel_loop3A_258 = arith.constant 128 : i32
      %parallel_loop3A_259 = arith.constant 1 : i32
      scf.for %parallel_loop3A_656 = %parallel_loop3A to %parallel_loop3A_258 step %parallel_loop3A_259  : i32 {
        %parallel_loop3A_657 = arith.index_cast %parallel_loop3A_656 : i32 to index
        %parallel_loop3A_658 = arith.constant 0 : index
        %parallel_loop3A_659 = tpu.vector_load %arg8[%parallel_loop3A_657, %parallel_loop3A_658] {strides = array<i32>} : memref<128x64xf32, #tpu.memory_space<vmem>>, vector<16xf32>,
        %parallel_loop3A_660 = arith.index_cast %parallel_loop3A_656 : i32 to index
        %parallel_loop3A_661 = arith.constant 16 : index
        %parallel_loop3A_662 = tpu.vector_load %arg8[%parallel_loop3A_660, %parallel_loop3A_661] {strides = array<i32>} : memref<128x64xf32, #tpu.memory_space<vmem>>, vector<16xf32>,
        %parallel_loop3A_663 = arith.index_cast %parallel_loop3A_656 : i32 to index
        %parallel_loop3A_664 = arith.constant 32 : index
        %parallel_loop3A_665 = tpu.vector_load %arg8[%parallel_loop3A_663, %parallel_loop3A_664] {strides = array<i32>} : memref<128x64xf32, #tpu.memory_space<vmem>>, vector<16xf32>,
        %parallel_loop3A_666 = arith.index_cast %parallel_loop3A_656 : i32 to index
        %parallel_loop3A_667 = arith.constant 48 : index
        %parallel_loop3A_668 = tpu.vector_load %arg8[%parallel_loop3A_666, %parallel_loop3A_667] {strides = array<i32>} : memref<128x64xf32, #tpu.memory_space<vmem>>, vector<16xf32>,
        %parallel_loop3A_669 = arith.addf %parallel_loop3A_659, %parallel_loop3A_662 : vector<16xf32>
        %parallel_loop3A_670 = arith.addf %parallel_loop3A_665, %parallel_loop3A_668 : vector<16xf32>
        %parallel_loop3A_671 = arith.addf %parallel_loop3A_669, %parallel_loop3A_670 : vector<16xf32>
        %parallel_loop3A_672 = arith.mulf %parallel_loop3A_659, %parallel_loop3A_659 : vector<16xf32>
        %parallel_loop3A_673 = arith.mulf %parallel_loop3A_662, %parallel_loop3A_662 : vector<16xf32>
        %parallel_loop3A_674 = arith.addf %parallel_loop3A_672, %parallel_loop3A_673 : vector<16xf32>
        %parallel_loop3A_675 = arith.mulf %parallel_loop3A_665, %parallel_loop3A_665 : vector<16xf32>
        %parallel_loop3A_676 = arith.mulf %parallel_loop3A_668, %parallel_loop3A_668 : vector<16xf32>
        %parallel_loop3A_677 = arith.addf %parallel_loop3A_675, %parallel_loop3A_676 : vector<16xf32>
        %parallel_loop3A_678 = arith.addf %parallel_loop3A_674, %parallel_loop3A_677 : vector<16xf32>
        %parallel_loop3A_679 = vector.shape_cast %xor3A_204 : vector<16xi32> to vector<16x1xi32>
        %parallel_loop3A_680 = vector.shape_cast %parallel_loop3A_679 : vector<16x1xi32> to vector<16xi32>
        %parallel_loop3A_681 = tpu.dynamic_gather %parallel_loop3A_671[%parallel_loop3A_680] in [0] : vector<16xf32>, vector<16xi32> -> vector<16xf32>
        %parallel_loop3A_682 = arith.addf %parallel_loop3A_671, %parallel_loop3A_681 : vector<16xf32>
        %parallel_loop3A_683 = vector.shape_cast %xor3A_204 : vector<16xi32> to vector<16x1xi32>
        %parallel_loop3A_684 = vector.shape_cast %parallel_loop3A_683 : vector<16x1xi32> to vector<16xi32>
        %parallel_loop3A_685 = tpu.dynamic_gather %parallel_loop3A_678[%parallel_loop3A_684] in [0] : vector<16xf32>, vector<16xi32> -> vector<16xf32>
        %parallel_loop3A_686 = arith.addf %parallel_loop3A_678, %parallel_loop3A_685 : vector<16xf32>
        %parallel_loop3A_687 = vector.shape_cast %xor3A_207 : vector<16xi32> to vector<16x1xi32>
        %parallel_loop3A_688 = vector.shape_cast %parallel_loop3A_687 : vector<16x1xi32> to vector<16xi32>
        %parallel_loop3A_689 = tpu.dynamic_gather %parallel_loop3A_682[%parallel_loop3A_688] in [0] : vector<16xf32>, vector<16xi32> -> vector<16xf32>
        %parallel_loop3A_690 = arith.addf %parallel_loop3A_682, %parallel_loop3A_689 : vector<16xf32>
        %parallel_loop3A_691 = vector.shape_cast %xor3A_207 : vector<16xi32> to vector<16x1xi32>
        %parallel_loop3A_692 = vector.shape_cast %parallel_loop3A_691 : vector<16x1xi32> to vector<16xi32>
        %parallel_loop3A_693 = tpu.dynamic_gather %parallel_loop3A_686[%parallel_loop3A_692] in [0] : vector<16xf32>, vector<16xi32> -> vector<16xf32>
        %parallel_loop3A_694 = arith.addf %parallel_loop3A_686, %parallel_loop3A_693 : vector<16xf32>
        %parallel_loop3A_695 = vector.shape_cast %xor3A_210 : vector<16xi32> to vector<16x1xi32>
        %parallel_loop3A_696 = vector.shape_cast %parallel_loop3A_695 : vector<16x1xi32> to vector<16xi32>
        %parallel_loop3A_697 = tpu.dynamic_gather %parallel_loop3A_690[%parallel_loop3A_696] in [0] : vector<16xf32>, vector<16xi32> -> vector<16xf32>
        %parallel_loop3A_698 = arith.addf %parallel_loop3A_690, %parallel_loop3A_697 : vector<16xf32>
        %parallel_loop3A_699 = vector.shape_cast %xor3A_210 : vector<16xi32> to vector<16x1xi32>
        %parallel_loop3A_700 = vector.shape_cast %parallel_loop3A_699 : vector<16x1xi32> to vector<16xi32>
        %parallel_loop3A_701 = tpu.dynamic_gather %parallel_loop3A_694[%parallel_loop3A_700] in [0] : vector<16xf32>, vector<16xi32> -> vector<16xf32>
        %parallel_loop3A_702 = arith.addf %parallel_loop3A_694, %parallel_loop3A_701 : vector<16xf32>
        %parallel_loop3A_703 = vector.shape_cast %xor3A_213 : vector<16xi32> to vector<16x1xi32>
        %parallel_loop3A_704 = vector.shape_cast %parallel_loop3A_703 : vector<16x1xi32> to vector<16xi32>
        %parallel_loop3A_705 = tpu.dynamic_gather %parallel_loop3A_698[%parallel_loop3A_704] in [0] : vector<16xf32>, vector<16xi32> -> vector<16xf32>
        %parallel_loop3A_706 = arith.addf %parallel_loop3A_698, %parallel_loop3A_705 : vector<16xf32>
        %parallel_loop3A_707 = vector.shape_cast %xor3A_213 : vector<16xi32> to vector<16x1xi32>
        %parallel_loop3A_708 = vector.shape_cast %parallel_loop3A_707 : vector<16x1xi32> to vector<16xi32>
        %parallel_loop3A_709 = tpu.dynamic_gather %parallel_loop3A_702[%parallel_loop3A_708] in [0] : vector<16xf32>, vector<16xi32> -> vector<16xf32>
        %parallel_loop3A_710 = arith.addf %parallel_loop3A_702, %parallel_loop3A_709 : vector<16xf32>
        %parallel_loop3A_711 = arith.constant 1.562500e-02 : f32
        %parallel_loop3A_712 = vector.broadcast %parallel_loop3A_711 : f32 to vector<16xf32>
        %parallel_loop3A_713 = arith.mulf %parallel_loop3A_706, %parallel_loop3A_712 : vector<16xf32>
        %parallel_loop3A_714 = arith.constant 1.562500e-02 : f32
        %parallel_loop3A_715 = vector.broadcast %parallel_loop3A_714 : f32 to vector<16xf32>
        %parallel_loop3A_716 = arith.mulf %parallel_loop3A_710, %parallel_loop3A_715 : vector<16xf32>
        %parallel_loop3A_717 = arith.mulf %parallel_loop3A_713, %parallel_loop3A_713 : vector<16xf32>
        %parallel_loop3A_718 = arith.subf %parallel_loop3A_716, %parallel_loop3A_717 : vector<16xf32>
        %parallel_loop3A_719 = arith.constant 9.99999974E-6 : f32
        %parallel_loop3A_720 = vector.broadcast %parallel_loop3A_719 : f32 to vector<16xf32>
        %parallel_loop3A_721 = arith.addf %parallel_loop3A_718, %parallel_loop3A_720 : vector<16xf32>
        %parallel_loop3A_722 = vector.bitcast %parallel_loop3A_721 : vector<16xf32> to vector<16xi32>
        %parallel_loop3A_723 = arith.constant 1 : i32
        %parallel_loop3A_724 = vector.broadcast %parallel_loop3A_723 : i32 to vector<16xi32>
        %parallel_loop3A_725 = arith.shrui %parallel_loop3A_722, %parallel_loop3A_724 : vector<16xi32>
        %parallel_loop3A_726 = arith.constant 1597463007 : i32
        %parallel_loop3A_727 = vector.broadcast %parallel_loop3A_726 : i32 to vector<16xi32>
        %parallel_loop3A_728 = arith.subi %parallel_loop3A_727, %parallel_loop3A_725 : vector<16xi32>
        %parallel_loop3A_729 = vector.bitcast %parallel_loop3A_728 : vector<16xi32> to vector<16xf32>
        %parallel_loop3A_730 = arith.constant 5.000000e-01 : f32
        %parallel_loop3A_731 = vector.broadcast %parallel_loop3A_730 : f32 to vector<16xf32>
        %parallel_loop3A_732 = arith.mulf %parallel_loop3A_721, %parallel_loop3A_731 : vector<16xf32>
        %parallel_loop3A_733 = arith.mulf %parallel_loop3A_732, %parallel_loop3A_729 : vector<16xf32>
        %parallel_loop3A_734 = arith.mulf %parallel_loop3A_733, %parallel_loop3A_729 : vector<16xf32>
        %parallel_loop3A_735 = arith.constant 1.500000e+00 : f32
        %parallel_loop3A_736 = vector.broadcast %parallel_loop3A_735 : f32 to vector<16xf32>
        %parallel_loop3A_737 = arith.subf %parallel_loop3A_736, %parallel_loop3A_734 : vector<16xf32>
        %parallel_loop3A_738 = arith.mulf %parallel_loop3A_729, %parallel_loop3A_737 : vector<16xf32>
        %parallel_loop3A_739 = arith.mulf %parallel_loop3A_732, %parallel_loop3A_738 : vector<16xf32>
        %parallel_loop3A_740 = arith.mulf %parallel_loop3A_739, %parallel_loop3A_738 : vector<16xf32>
        %parallel_loop3A_741 = arith.constant 1.500000e+00 : f32
        %parallel_loop3A_742 = vector.broadcast %parallel_loop3A_741 : f32 to vector<16xf32>
        %parallel_loop3A_743 = arith.subf %parallel_loop3A_742, %parallel_loop3A_740 : vector<16xf32>
        %parallel_loop3A_744 = arith.mulf %parallel_loop3A_738, %parallel_loop3A_743 : vector<16xf32>
        %parallel_loop3A_745 = vector.broadcast %parallel_loop3A_656 : i32 to vector<16xi32>
        %parallel_loop3A_746 = arith.addi %broadcast_in_dim3A_257, %parallel_loop3A_745 : vector<16xi32>
        %parallel_loop3A_747 = arith.subf %parallel_loop3A_659, %parallel_loop3A_713 : vector<16xf32>
        %parallel_loop3A_748 = arith.mulf %parallel_loop3A_747, %parallel_loop3A_744 : vector<16xf32>
        %parallel_loop3A_749 = arith.mulf %parallel_loop3A_748, %get3A_216 : vector<16xf32>
        %parallel_loop3A_750 = arith.addf %parallel_loop3A_749, %get3A_232 : vector<16xf32>
        tpu.vector_store_idx %arg12[%add3A_247, %parallel_loop3A_746], %parallel_loop3A_750 : memref<64x129xf32, #tpu.memory_space<vmem>>[vector<16xi32>, vector<16xi32>], vector<16xf32>,
        %parallel_loop3A_751 = arith.subf %parallel_loop3A_662, %parallel_loop3A_713 : vector<16xf32>
        %parallel_loop3A_752 = arith.mulf %parallel_loop3A_751, %parallel_loop3A_744 : vector<16xf32>
        %parallel_loop3A_753 = arith.mulf %parallel_loop3A_752, %get3A_220 : vector<16xf32>
        %parallel_loop3A_754 = arith.addf %parallel_loop3A_753, %get3A_236 : vector<16xf32>
        tpu.vector_store_idx %arg12[%add3A_250, %parallel_loop3A_746], %parallel_loop3A_754 : memref<64x129xf32, #tpu.memory_space<vmem>>[vector<16xi32>, vector<16xi32>], vector<16xf32>,
        %parallel_loop3A_755 = arith.subf %parallel_loop3A_665, %parallel_loop3A_713 : vector<16xf32>
        %parallel_loop3A_756 = arith.mulf %parallel_loop3A_755, %parallel_loop3A_744 : vector<16xf32>
        %parallel_loop3A_757 = arith.mulf %parallel_loop3A_756, %get3A_224 : vector<16xf32>
        %parallel_loop3A_758 = arith.addf %parallel_loop3A_757, %get3A_240 : vector<16xf32>
        tpu.vector_store_idx %arg12[%add3A_253, %parallel_loop3A_746], %parallel_loop3A_758 : memref<64x129xf32, #tpu.memory_space<vmem>>[vector<16xi32>, vector<16xi32>], vector<16xf32>,
        %parallel_loop3A_759 = arith.subf %parallel_loop3A_668, %parallel_loop3A_713 : vector<16xf32>
        %parallel_loop3A_760 = arith.mulf %parallel_loop3A_759, %parallel_loop3A_744 : vector<16xf32>
        %parallel_loop3A_761 = arith.mulf %parallel_loop3A_760, %get3A_228 : vector<16xf32>
        %parallel_loop3A_762 = arith.addf %parallel_loop3A_761, %get3A_244 : vector<16xf32>
        tpu.vector_store_idx %arg12[%add3A_256, %parallel_loop3A_746], %parallel_loop3A_762 : memref<64x129xf32, #tpu.memory_space<vmem>>[vector<16xi32>, vector<16xi32>], vector<16xf32>,
      } {sc.loop_unroll_factor = 4 : i64, sc.parallel_access}
      %dma_start3A_260 = arith.constant 0 : i32
      %dma_start3A_261 = arith.constant 0 : i32
      %dma_start3A_262 = tpu.memref_slice %arg12[%dma_start3A_260, %dma_start3A_261] : memref<64x129xf32, #tpu.memory_space<vmem>> -> memref<64x128xf32, #tpu.memory_space<vmem>>
      %dma_start3A_263 = arith.constant 0 : i32
      %dma_start3A_264 = tpu.memref_slice %arg6[%add3A_157, %dma_start3A_263, %mul3A_2] : memref<200x64x4096xf32, #tpu.memory_space<hbm>> -> memref<1x64x128xf32, #tpu.memory_space<hbm>>
      %dma_start3A_265 = tpu.memref_squeeze %dma_start3A_264 : memref<1x64x128xf32, #tpu.memory_space<hbm>> -> memref<64x128xf32, #tpu.memory_space<hbm>>
      %dma_start3A_266 = arith.constant 0 : i32
      %dma_start3A_267 = tpu.memref_slice %arg6[%add3A_157, %dma_start3A_266, %mul3A_2] : memref<200x64x4096xf32, #tpu.memory_space<hbm>> -> memref<1x64x128xf32, #tpu.memory_space<hbm>>
      %dma_start3A_268 = tpu.memref_squeeze %dma_start3A_267 : memref<1x64x128xf32, #tpu.memory_space<hbm>> -> memref<64x128xf32, #tpu.memory_space<hbm>>
      %dma_start3A_269 = arith.constant 0 : i32
      %dma_start3A_270 = arith.constant 0 : i32
      %dma_start3A_271 = tpu.memref_slice %arg12[%dma_start3A_269, %dma_start3A_270] : memref<64x129xf32, #tpu.memory_space<vmem>> -> memref<64x128xf32, #tpu.memory_space<vmem>>
      tpu.enqueue_dma source(%dma_start3A_271 : memref<64x128xf32, #tpu.memory_space<vmem>>) target(%dma_start3A_268 : memref<64x128xf32, #tpu.memory_space<hbm>>) target_semaphore(%arg19 : memref<!tpu.dma_semaphore, #tpu.memory_space<semaphore_mem>>)
      %mul3A_272 = arith.constant 4 : i32
      %mul3A_273 = arith.muli %mul3A_272, %scan3A_153 : i32
      %add3A_274 = arith.constant 1 : i32
      %add3A_275 = arith.addi %mul3A_273, %add3A_274 : i32
      %add3A_276 = arith.constant 4 : i32
      %add3A_277 = arith.addi %add3A_275, %add3A_276 : i32
      %sub3A_278 = arith.constant 1 : i32
      %sub3A_279 = arith.subi %add3A_277, %sub3A_278 : i32
      %lt3A_280 = arith.constant 200 : i32
      %lt3A_281 = arith.cmpi slt, %sub3A_279, %lt3A_280 : i32
      %convert_element_type3A_282 = arith.extui %lt3A_281 : i1 to i32
      %cond3A_283 = arith.constant 0 : i32
      %cond3A_284 = arith.cmpi ne, %convert_element_type3A_282, %cond3A_283 : i32
      scf.if %cond3A_284 {
        %dma_start3A_656 = arith.constant 0 : i32
        %dma_start3A_657 = arith.constant 0 : i32
        %dma_start3A_658 = tpu.memref_slice %arg8[%dma_start3A_656, %dma_start3A_657] : memref<128x64xf32, #tpu.memory_space<vmem>> -> memref<32x64xf32, #tpu.memory_space<vmem>>
        %dma_start3A_659 = arith.constant 0 : i32
        %dma_start3A_660 = tpu.memref_slice %arg7[%sub3A_279, %dma_start3A_659] : memref<200x128xi32, #tpu.memory_space<vmem>> -> memref<1x32xi32, #tpu.memory_space<vmem>>
        %dma_start3A_661 = tpu.memref_squeeze %dma_start3A_660 : memref<1x32xi32, #tpu.memory_space<vmem>> -> memref<32xi32, #tpu.memory_space<vmem>>
        %dma_start3A_662 = arith.constant 0 : i32
        %dma_start3A_663 = arith.constant 0 : i32
        %dma_start3A_664 = tpu.memref_slice %arg3[%dma_start3A_662, %dma_start3A_663] : memref<1000000x64xf32, #tpu.memory_space<hbm>> -> memref<1000000x64xf32, #tpu.memory_space<hbm>>
        tpu.enqueue_indirect_dma source(%dma_start3A_664 : memref<1000000x64xf32, #tpu.memory_space<hbm>>) target(%dma_start3A_658 : memref<32x64xf32, #tpu.memory_space<vmem>>) offsets(%dma_start3A_661 : memref<32xi32, #tpu.memory_space<vmem>>) semaphore(%arg15 : memref<!tpu.dma_semaphore, #tpu.memory_space<semaphore_mem>>)
        %dma_start3A_665 = arith.constant 32 : i32
        %dma_start3A_666 = arith.constant 0 : i32
        %dma_start3A_667 = tpu.memref_slice %arg8[%dma_start3A_665, %dma_start3A_666] : memref<128x64xf32, #tpu.memory_space<vmem>> -> memref<32x64xf32, #tpu.memory_space<vmem>>
        %dma_start3A_668 = arith.constant 32 : i32
        %dma_start3A_669 = tpu.memref_slice %arg7[%sub3A_279, %dma_start3A_668] : memref<200x128xi32, #tpu.memory_space<vmem>> -> memref<1x32xi32, #tpu.memory_space<vmem>>
        %dma_start3A_670 = tpu.memref_squeeze %dma_start3A_669 : memref<1x32xi32, #tpu.memory_space<vmem>> -> memref<32xi32, #tpu.memory_space<vmem>>
        %dma_start3A_671 = arith.constant 0 : i32
        %dma_start3A_672 = arith.constant 0 : i32
        %dma_start3A_673 = tpu.memref_slice %arg3[%dma_start3A_671, %dma_start3A_672] : memref<1000000x64xf32, #tpu.memory_space<hbm>> -> memref<1000000x64xf32, #tpu.memory_space<hbm>>
        tpu.enqueue_indirect_dma source(%dma_start3A_673 : memref<1000000x64xf32, #tpu.memory_space<hbm>>) target(%dma_start3A_667 : memref<32x64xf32, #tpu.memory_space<vmem>>) offsets(%dma_start3A_670 : memref<32xi32, #tpu.memory_space<vmem>>) semaphore(%arg15 : memref<!tpu.dma_semaphore, #tpu.memory_space<semaphore_mem>>)
        %dma_start3A_674 = arith.constant 64 : i32
        %dma_start3A_675 = arith.constant 0 : i32
        %dma_start3A_676 = tpu.memref_slice %arg8[%dma_start3A_674, %dma_start3A_675] : memref<128x64xf32, #tpu.memory_space<vmem>> -> memref<32x64xf32, #tpu.memory_space<vmem>>
        %dma_start3A_677 = arith.constant 64 : i32
        %dma_start3A_678 = tpu.memref_slice %arg7[%sub3A_279, %dma_start3A_677] : memref<200x128xi32, #tpu.memory_space<vmem>> -> memref<1x32xi32, #tpu.memory_space<vmem>>
        %dma_start3A_679 = tpu.memref_squeeze %dma_start3A_678 : memref<1x32xi32, #tpu.memory_space<vmem>> -> memref<32xi32, #tpu.memory_space<vmem>>
        %dma_start3A_680 = arith.constant 0 : i32
        %dma_start3A_681 = arith.constant 0 : i32
        %dma_start3A_682 = tpu.memref_slice %arg3[%dma_start3A_680, %dma_start3A_681] : memref<1000000x64xf32, #tpu.memory_space<hbm>> -> memref<1000000x64xf32, #tpu.memory_space<hbm>>
        tpu.enqueue_indirect_dma source(%dma_start3A_682 : memref<1000000x64xf32, #tpu.memory_space<hbm>>) target(%dma_start3A_676 : memref<32x64xf32, #tpu.memory_space<vmem>>) offsets(%dma_start3A_679 : memref<32xi32, #tpu.memory_space<vmem>>) semaphore(%arg15 : memref<!tpu.dma_semaphore, #tpu.memory_space<semaphore_mem>>)
        %dma_start3A_683 = arith.constant 96 : i32
        %dma_start3A_684 = arith.constant 0 : i32
        %dma_start3A_685 = tpu.memref_slice %arg8[%dma_start3A_683, %dma_start3A_684] : memref<128x64xf32, #tpu.memory_space<vmem>> -> memref<32x64xf32, #tpu.memory_space<vmem>>
        %dma_start3A_686 = arith.constant 96 : i32
        %dma_start3A_687 = tpu.memref_slice %arg7[%sub3A_279, %dma_start3A_686] : memref<200x128xi32, #tpu.memory_space<vmem>> -> memref<1x32xi32, #tpu.memory_space<vmem>>
        %dma_start3A_688 = tpu.memref_squeeze %dma_start3A_687 : memref<1x32xi32, #tpu.memory_space<vmem>> -> memref<32xi32, #tpu.memory_space<vmem>>
        %dma_start3A_689 = arith.constant 0 : i32
        %dma_start3A_690 = arith.constant 0 : i32
        %dma_start3A_691 = tpu.memref_slice %arg3[%dma_start3A_689, %dma_start3A_690] : memref<1000000x64xf32, #tpu.memory_space<hbm>> -> memref<1000000x64xf32, #tpu.memory_space<hbm>>
        tpu.enqueue_indirect_dma source(%dma_start3A_691 : memref<1000000x64xf32, #tpu.memory_space<hbm>>) target(%dma_start3A_685 : memref<32x64xf32, #tpu.memory_space<vmem>>) offsets(%dma_start3A_688 : memref<32xi32, #tpu.memory_space<vmem>>) semaphore(%arg15 : memref<!tpu.dma_semaphore, #tpu.memory_space<semaphore_mem>>)
      } else {
      }
      %dma_wait3A_285 = arith.constant 0 : i32
      %dma_wait3A_286 = arith.constant 0 : i32
      %dma_wait3A_287 = tpu.memref_slice %arg9[%dma_wait3A_285, %dma_wait3A_286] : memref<128x64xf32, #tpu.memory_space<vmem>> -> memref<32x64xf32, #tpu.memory_space<vmem>>
      %dma_wait3A_288 = arith.constant 0 : i32
      %dma_wait3A_289 = tpu.memref_slice %arg7[%add3A_275, %dma_wait3A_288] : memref<200x128xi32, #tpu.memory_space<vmem>> -> memref<1x32xi32, #tpu.memory_space<vmem>>
      %dma_wait3A_290 = tpu.memref_squeeze %dma_wait3A_289 : memref<1x32xi32, #tpu.memory_space<vmem>> -> memref<32xi32, #tpu.memory_space<vmem>>
      %dma_wait3A_291 = arith.constant 0 : i32
      %dma_wait3A_292 = arith.constant 0 : i32
      %dma_wait3A_293 = tpu.memref_slice %arg3[%dma_wait3A_291, %dma_wait3A_292] : memref<1000000x64xf32, #tpu.memory_space<hbm>> -> memref<1000000x64xf32, #tpu.memory_space<hbm>>
      tpu.wait_indirect_dma semaphore(%arg16 : memref<!tpu.dma_semaphore, #tpu.memory_space<semaphore_mem>>) src(%dma_wait3A_293 : memref<1000000x64xf32, #tpu.memory_space<hbm>>) dst(%dma_wait3A_287 : memref<32x64xf32, #tpu.memory_space<vmem>>)
      %dma_wait3A_294 = arith.constant 32 : i32
      %dma_wait3A_295 = arith.constant 0 : i32
      %dma_wait3A_296 = tpu.memref_slice %arg9[%dma_wait3A_294, %dma_wait3A_295] : memref<128x64xf32, #tpu.memory_space<vmem>> -> memref<32x64xf32, #tpu.memory_space<vmem>>
      %dma_wait3A_297 = arith.constant 32 : i32
      %dma_wait3A_298 = tpu.memref_slice %arg7[%add3A_275, %dma_wait3A_297] : memref<200x128xi32, #tpu.memory_space<vmem>> -> memref<1x32xi32, #tpu.memory_space<vmem>>
      %dma_wait3A_299 = tpu.memref_squeeze %dma_wait3A_298 : memref<1x32xi32, #tpu.memory_space<vmem>> -> memref<32xi32, #tpu.memory_space<vmem>>
      %dma_wait3A_300 = arith.constant 0 : i32
      %dma_wait3A_301 = arith.constant 0 : i32
      %dma_wait3A_302 = tpu.memref_slice %arg3[%dma_wait3A_300, %dma_wait3A_301] : memref<1000000x64xf32, #tpu.memory_space<hbm>> -> memref<1000000x64xf32, #tpu.memory_space<hbm>>
      tpu.wait_indirect_dma semaphore(%arg16 : memref<!tpu.dma_semaphore, #tpu.memory_space<semaphore_mem>>) src(%dma_wait3A_302 : memref<1000000x64xf32, #tpu.memory_space<hbm>>) dst(%dma_wait3A_296 : memref<32x64xf32, #tpu.memory_space<vmem>>)
      %dma_wait3A_303 = arith.constant 64 : i32
      %dma_wait3A_304 = arith.constant 0 : i32
      %dma_wait3A_305 = tpu.memref_slice %arg9[%dma_wait3A_303, %dma_wait3A_304] : memref<128x64xf32, #tpu.memory_space<vmem>> -> memref<32x64xf32, #tpu.memory_space<vmem>>
      %dma_wait3A_306 = arith.constant 64 : i32
      %dma_wait3A_307 = tpu.memref_slice %arg7[%add3A_275, %dma_wait3A_306] : memref<200x128xi32, #tpu.memory_space<vmem>> -> memref<1x32xi32, #tpu.memory_space<vmem>>
      %dma_wait3A_308 = tpu.memref_squeeze %dma_wait3A_307 : memref<1x32xi32, #tpu.memory_space<vmem>> -> memref<32xi32, #tpu.memory_space<vmem>>
      %dma_wait3A_309 = arith.constant 0 : i32
      %dma_wait3A_310 = arith.constant 0 : i32
      %dma_wait3A_311 = tpu.memref_slice %arg3[%dma_wait3A_309, %dma_wait3A_310] : memref<1000000x64xf32, #tpu.memory_space<hbm>> -> memref<1000000x64xf32, #tpu.memory_space<hbm>>
      tpu.wait_indirect_dma semaphore(%arg16 : memref<!tpu.dma_semaphore, #tpu.memory_space<semaphore_mem>>) src(%dma_wait3A_311 : memref<1000000x64xf32, #tpu.memory_space<hbm>>) dst(%dma_wait3A_305 : memref<32x64xf32, #tpu.memory_space<vmem>>)
      %dma_wait3A_312 = arith.constant 96 : i32
      %dma_wait3A_313 = arith.constant 0 : i32
      %dma_wait3A_314 = tpu.memref_slice %arg9[%dma_wait3A_312, %dma_wait3A_313] : memref<128x64xf32, #tpu.memory_space<vmem>> -> memref<32x64xf32, #tpu.memory_space<vmem>>
      %dma_wait3A_315 = arith.constant 96 : i32
      %dma_wait3A_316 = tpu.memref_slice %arg7[%add3A_275, %dma_wait3A_315] : memref<200x128xi32, #tpu.memory_space<vmem>> -> memref<1x32xi32, #tpu.memory_space<vmem>>
      %dma_wait3A_317 = tpu.memref_squeeze %dma_wait3A_316 : memref<1x32xi32, #tpu.memory_space<vmem>> -> memref<32xi32, #tpu.memory_space<vmem>>
      %dma_wait3A_318 = arith.constant 0 : i32
      %dma_wait3A_319 = arith.constant 0 : i32
      %dma_wait3A_320 = tpu.memref_slice %arg3[%dma_wait3A_318, %dma_wait3A_319] : memref<1000000x64xf32, #tpu.memory_space<hbm>> -> memref<1000000x64xf32, #tpu.memory_space<hbm>>
      tpu.wait_indirect_dma semaphore(%arg16 : memref<!tpu.dma_semaphore, #tpu.memory_space<semaphore_mem>>) src(%dma_wait3A_320 : memref<1000000x64xf32, #tpu.memory_space<hbm>>) dst(%dma_wait3A_314 : memref<32x64xf32, #tpu.memory_space<vmem>>)
      %ge3A_321 = arith.constant 2 : i32
      %ge3A_322 = arith.cmpi sge, %add3A_275, %ge3A_321 : i32
      %convert_element_type3A_323 = arith.extui %ge3A_322 : i1 to i32
      %cond3A_324 = arith.constant 0 : i32
      %cond3A_325 = arith.cmpi ne, %convert_element_type3A_323, %cond3A_324 : i32
      scf.if %cond3A_325 {
        %sub3A_656 = arith.constant 2 : i32
        %sub3A_657 = arith.subi %add3A_275, %sub3A_656 : i32
        %dma_wait3A_658 = arith.constant 0 : i32
        %dma_wait3A_659 = arith.constant 0 : i32
        %dma_wait3A_660 = tpu.memref_slice %arg13[%dma_wait3A_658, %dma_wait3A_659] : memref<64x129xf32, #tpu.memory_space<vmem>> -> memref<64x128xf32, #tpu.memory_space<vmem>>
        %dma_wait3A_661 = arith.constant 0 : i32
        %dma_wait3A_662 = tpu.memref_slice %arg6[%sub3A_657, %dma_wait3A_661, %mul3A_2] : memref<200x64x4096xf32, #tpu.memory_space<hbm>> -> memref<1x64x128xf32, #tpu.memory_space<hbm>>
        %dma_wait3A_663 = tpu.memref_squeeze %dma_wait3A_662 : memref<1x64x128xf32, #tpu.memory_space<hbm>> -> memref<64x128xf32, #tpu.memory_space<hbm>>
        %dma_wait3A_664 = arith.constant 0 : i32
        %dma_wait3A_665 = tpu.memref_slice %arg6[%sub3A_657, %dma_wait3A_664, %mul3A_2] : memref<200x64x4096xf32, #tpu.memory_space<hbm>> -> memref<1x64x128xf32, #tpu.memory_space<hbm>>
        %dma_wait3A_666 = tpu.memref_squeeze %dma_wait3A_665 : memref<1x64x128xf32, #tpu.memory_space<hbm>> -> memref<64x128xf32, #tpu.memory_space<hbm>>
        %dma_wait3A_667 = arith.constant 0 : i32
        %dma_wait3A_668 = arith.constant 0 : i32
        %dma_wait3A_669 = tpu.memref_slice %arg13[%dma_wait3A_667, %dma_wait3A_668] : memref<64x129xf32, #tpu.memory_space<vmem>> -> memref<64x128xf32, #tpu.memory_space<vmem>>
        tpu.wait_dma2 semaphore(%arg20 : memref<!tpu.dma_semaphore, #tpu.memory_space<semaphore_mem>>) src(%dma_wait3A_669 : memref<64x128xf32, #tpu.memory_space<vmem>>) dst(%dma_wait3A_666 : memref<64x128xf32, #tpu.memory_space<hbm>>)
      } else {
      }
      %iota3A_326 = tpu.iota {dimensions = array<i32: 0>} : vector<16xi32>
      %xor3A_327 = arith.constant 8 : i32
      %xor3A_328 = vector.broadcast %xor3A_327 : i32 to vector<16xi32>
      %xor3A_329 = arith.xori %iota3A_326, %xor3A_328 : vector<16xi32>
      %xor3A_330 = arith.constant 4 : i32
      %xor3A_331 = vector.broadcast %xor3A_330 : i32 to vector<16xi32>
      %xor3A_332 = arith.xori %iota3A_326, %xor3A_331 : vector<16xi32>
      %xor3A_333 = arith.constant 2 : i32
      %xor3A_334 = vector.broadcast %xor3A_333 : i32 to vector<16xi32>
      %xor3A_335 = arith.xori %iota3A_326, %xor3A_334 : vector<16xi32>
      %xor3A_336 = arith.constant 1 : i32
      %xor3A_337 = vector.broadcast %xor3A_336 : i32 to vector<16xi32>
      %xor3A_338 = arith.xori %iota3A_326, %xor3A_337 : vector<16xi32>
      %get3A_339 = arith.constant 0 : i32
      %get3A_340 = arith.index_cast %get3A_339 : i32 to index
      %get3A_341 = arith.constant 0 : index
      %get3A_342 = tpu.vector_load %arg14[%get3A_340, %get3A_341] {strides = array<i32>} : memref<2x64xf32, #tpu.memory_space<vmem>>, vector<16xf32>,
      %get3A_343 = arith.constant 0 : i32
      %get3A_344 = arith.index_cast %get3A_343 : i32 to index
      %get3A_345 = arith.constant 16 : index
      %get3A_346 = tpu.vector_load %arg14[%get3A_344, %get3A_345] {strides = array<i32>} : memref<2x64xf32, #tpu.memory_space<vmem>>, vector<16xf32>,
      %get3A_347 = arith.constant 0 : i32
      %get3A_348 = arith.index_cast %get3A_347 : i32 to index
      %get3A_349 = arith.constant 32 : index
      %get3A_350 = tpu.vector_load %arg14[%get3A_348, %get3A_349] {strides = array<i32>} : memref<2x64xf32, #tpu.memory_space<vmem>>, vector<16xf32>,
      %get3A_351 = arith.constant 0 : i32
      %get3A_352 = arith.index_cast %get3A_351 : i32 to index
      %get3A_353 = arith.constant 48 : index
      %get3A_354 = tpu.vector_load %arg14[%get3A_352, %get3A_353] {strides = array<i32>} : memref<2x64xf32, #tpu.memory_space<vmem>>, vector<16xf32>,
      %get3A_355 = arith.constant 1 : i32
      %get3A_356 = arith.index_cast %get3A_355 : i32 to index
      %get3A_357 = arith.constant 0 : index
      %get3A_358 = tpu.vector_load %arg14[%get3A_356, %get3A_357] {strides = array<i32>} : memref<2x64xf32, #tpu.memory_space<vmem>>, vector<16xf32>,
      %get3A_359 = arith.constant 1 : i32
      %get3A_360 = arith.index_cast %get3A_359 : i32 to index
      %get3A_361 = arith.constant 16 : index
      %get3A_362 = tpu.vector_load %arg14[%get3A_360, %get3A_361] {strides = array<i32>} : memref<2x64xf32, #tpu.memory_space<vmem>>, vector<16xf32>,
      %get3A_363 = arith.constant 1 : i32
      %get3A_364 = arith.index_cast %get3A_363 : i32 to index
      %get3A_365 = arith.constant 32 : index
      %get3A_366 = tpu.vector_load %arg14[%get3A_364, %get3A_365] {strides = array<i32>} : memref<2x64xf32, #tpu.memory_space<vmem>>, vector<16xf32>,
      %get3A_367 = arith.constant 1 : i32
      %get3A_368 = arith.index_cast %get3A_367 : i32 to index
      %get3A_369 = arith.constant 48 : index
      %get3A_370 = tpu.vector_load %arg14[%get3A_368, %get3A_369] {strides = array<i32>} : memref<2x64xf32, #tpu.memory_space<vmem>>, vector<16xf32>,
      %add3A_371 = arith.constant 0 : i32
      %add3A_372 = vector.broadcast %add3A_371 : i32 to vector<16xi32>
      %add3A_373 = arith.addi %add3A_372, %iota3A_326 : vector<16xi32>
      %add3A_374 = arith.constant 16 : i32
      %add3A_375 = vector.broadcast %add3A_374 : i32 to vector<16xi32>
      %add3A_376 = arith.addi %add3A_375, %iota3A_326 : vector<16xi32>
      %add3A_377 = arith.constant 32 : i32
      %add3A_378 = vector.broadcast %add3A_377 : i32 to vector<16xi32>
      %add3A_379 = arith.addi %add3A_378, %iota3A_326 : vector<16xi32>
      %add3A_380 = arith.constant 48 : i32
      %add3A_381 = vector.broadcast %add3A_380 : i32 to vector<16xi32>
      %add3A_382 = arith.addi %add3A_381, %iota3A_326 : vector<16xi32>
      %broadcast_in_dim3A_383 = arith.constant 0 : i32
      %broadcast_in_dim3A_384 = vector.broadcast %broadcast_in_dim3A_383 : i32 to vector<16xi32>
      %parallel_loop3A_385 = arith.constant 0 : i32
      %parallel_loop3A_386 = arith.constant 128 : i32
      %parallel_loop3A_387 = arith.constant 1 : i32
      scf.for %parallel_loop3A_656 = %parallel_loop3A_385 to %parallel_loop3A_386 step %parallel_loop3A_387  : i32 {
        %parallel_loop3A_657 = arith.index_cast %parallel_loop3A_656 : i32 to index
        %parallel_loop3A_658 = arith.constant 0 : index
        %parallel_loop3A_659 = tpu.vector_load %arg9[%parallel_loop3A_657, %parallel_loop3A_658] {strides = array<i32>} : memref<128x64xf32, #tpu.memory_space<vmem>>, vector<16xf32>,
        %parallel_loop3A_660 = arith.index_cast %parallel_loop3A_656 : i32 to index
        %parallel_loop3A_661 = arith.constant 16 : index
        %parallel_loop3A_662 = tpu.vector_load %arg9[%parallel_loop3A_660, %parallel_loop3A_661] {strides = array<i32>} : memref<128x64xf32, #tpu.memory_space<vmem>>, vector<16xf32>,
        %parallel_loop3A_663 = arith.index_cast %parallel_loop3A_656 : i32 to index
        %parallel_loop3A_664 = arith.constant 32 : index
        %parallel_loop3A_665 = tpu.vector_load %arg9[%parallel_loop3A_663, %parallel_loop3A_664] {strides = array<i32>} : memref<128x64xf32, #tpu.memory_space<vmem>>, vector<16xf32>,
        %parallel_loop3A_666 = arith.index_cast %parallel_loop3A_656 : i32 to index
        %parallel_loop3A_667 = arith.constant 48 : index
        %parallel_loop3A_668 = tpu.vector_load %arg9[%parallel_loop3A_666, %parallel_loop3A_667] {strides = array<i32>} : memref<128x64xf32, #tpu.memory_space<vmem>>, vector<16xf32>,
        %parallel_loop3A_669 = arith.addf %parallel_loop3A_659, %parallel_loop3A_662 : vector<16xf32>
        %parallel_loop3A_670 = arith.addf %parallel_loop3A_665, %parallel_loop3A_668 : vector<16xf32>
        %parallel_loop3A_671 = arith.addf %parallel_loop3A_669, %parallel_loop3A_670 : vector<16xf32>
        %parallel_loop3A_672 = arith.mulf %parallel_loop3A_659, %parallel_loop3A_659 : vector<16xf32>
        %parallel_loop3A_673 = arith.mulf %parallel_loop3A_662, %parallel_loop3A_662 : vector<16xf32>
        %parallel_loop3A_674 = arith.addf %parallel_loop3A_672, %parallel_loop3A_673 : vector<16xf32>
        %parallel_loop3A_675 = arith.mulf %parallel_loop3A_665, %parallel_loop3A_665 : vector<16xf32>
        %parallel_loop3A_676 = arith.mulf %parallel_loop3A_668, %parallel_loop3A_668 : vector<16xf32>
        %parallel_loop3A_677 = arith.addf %parallel_loop3A_675, %parallel_loop3A_676 : vector<16xf32>
        %parallel_loop3A_678 = arith.addf %parallel_loop3A_674, %parallel_loop3A_677 : vector<16xf32>
        %parallel_loop3A_679 = vector.shape_cast %xor3A_329 : vector<16xi32> to vector<16x1xi32>
        %parallel_loop3A_680 = vector.shape_cast %parallel_loop3A_679 : vector<16x1xi32> to vector<16xi32>
        %parallel_loop3A_681 = tpu.dynamic_gather %parallel_loop3A_671[%parallel_loop3A_680] in [0] : vector<16xf32>, vector<16xi32> -> vector<16xf32>
        %parallel_loop3A_682 = arith.addf %parallel_loop3A_671, %parallel_loop3A_681 : vector<16xf32>
        %parallel_loop3A_683 = vector.shape_cast %xor3A_329 : vector<16xi32> to vector<16x1xi32>
        %parallel_loop3A_684 = vector.shape_cast %parallel_loop3A_683 : vector<16x1xi32> to vector<16xi32>
        %parallel_loop3A_685 = tpu.dynamic_gather %parallel_loop3A_678[%parallel_loop3A_684] in [0] : vector<16xf32>, vector<16xi32> -> vector<16xf32>
        %parallel_loop3A_686 = arith.addf %parallel_loop3A_678, %parallel_loop3A_685 : vector<16xf32>
        %parallel_loop3A_687 = vector.shape_cast %xor3A_332 : vector<16xi32> to vector<16x1xi32>
        %parallel_loop3A_688 = vector.shape_cast %parallel_loop3A_687 : vector<16x1xi32> to vector<16xi32>
        %parallel_loop3A_689 = tpu.dynamic_gather %parallel_loop3A_682[%parallel_loop3A_688] in [0] : vector<16xf32>, vector<16xi32> -> vector<16xf32>
        %parallel_loop3A_690 = arith.addf %parallel_loop3A_682, %parallel_loop3A_689 : vector<16xf32>
        %parallel_loop3A_691 = vector.shape_cast %xor3A_332 : vector<16xi32> to vector<16x1xi32>
        %parallel_loop3A_692 = vector.shape_cast %parallel_loop3A_691 : vector<16x1xi32> to vector<16xi32>
        %parallel_loop3A_693 = tpu.dynamic_gather %parallel_loop3A_686[%parallel_loop3A_692] in [0] : vector<16xf32>, vector<16xi32> -> vector<16xf32>
        %parallel_loop3A_694 = arith.addf %parallel_loop3A_686, %parallel_loop3A_693 : vector<16xf32>
        %parallel_loop3A_695 = vector.shape_cast %xor3A_335 : vector<16xi32> to vector<16x1xi32>
        %parallel_loop3A_696 = vector.shape_cast %parallel_loop3A_695 : vector<16x1xi32> to vector<16xi32>
        %parallel_loop3A_697 = tpu.dynamic_gather %parallel_loop3A_690[%parallel_loop3A_696] in [0] : vector<16xf32>, vector<16xi32> -> vector<16xf32>
        %parallel_loop3A_698 = arith.addf %parallel_loop3A_690, %parallel_loop3A_697 : vector<16xf32>
        %parallel_loop3A_699 = vector.shape_cast %xor3A_335 : vector<16xi32> to vector<16x1xi32>
        %parallel_loop3A_700 = vector.shape_cast %parallel_loop3A_699 : vector<16x1xi32> to vector<16xi32>
        %parallel_loop3A_701 = tpu.dynamic_gather %parallel_loop3A_694[%parallel_loop3A_700] in [0] : vector<16xf32>, vector<16xi32> -> vector<16xf32>
        %parallel_loop3A_702 = arith.addf %parallel_loop3A_694, %parallel_loop3A_701 : vector<16xf32>
        %parallel_loop3A_703 = vector.shape_cast %xor3A_338 : vector<16xi32> to vector<16x1xi32>
        %parallel_loop3A_704 = vector.shape_cast %parallel_loop3A_703 : vector<16x1xi32> to vector<16xi32>
        %parallel_loop3A_705 = tpu.dynamic_gather %parallel_loop3A_698[%parallel_loop3A_704] in [0] : vector<16xf32>, vector<16xi32> -> vector<16xf32>
        %parallel_loop3A_706 = arith.addf %parallel_loop3A_698, %parallel_loop3A_705 : vector<16xf32>
        %parallel_loop3A_707 = vector.shape_cast %xor3A_338 : vector<16xi32> to vector<16x1xi32>
        %parallel_loop3A_708 = vector.shape_cast %parallel_loop3A_707 : vector<16x1xi32> to vector<16xi32>
        %parallel_loop3A_709 = tpu.dynamic_gather %parallel_loop3A_702[%parallel_loop3A_708] in [0] : vector<16xf32>, vector<16xi32> -> vector<16xf32>
        %parallel_loop3A_710 = arith.addf %parallel_loop3A_702, %parallel_loop3A_709 : vector<16xf32>
        %parallel_loop3A_711 = arith.constant 1.562500e-02 : f32
        %parallel_loop3A_712 = vector.broadcast %parallel_loop3A_711 : f32 to vector<16xf32>
        %parallel_loop3A_713 = arith.mulf %parallel_loop3A_706, %parallel_loop3A_712 : vector<16xf32>
        %parallel_loop3A_714 = arith.constant 1.562500e-02 : f32
        %parallel_loop3A_715 = vector.broadcast %parallel_loop3A_714 : f32 to vector<16xf32>
        %parallel_loop3A_716 = arith.mulf %parallel_loop3A_710, %parallel_loop3A_715 : vector<16xf32>
        %parallel_loop3A_717 = arith.mulf %parallel_loop3A_713, %parallel_loop3A_713 : vector<16xf32>
        %parallel_loop3A_718 = arith.subf %parallel_loop3A_716, %parallel_loop3A_717 : vector<16xf32>
        %parallel_loop3A_719 = arith.constant 9.99999974E-6 : f32
        %parallel_loop3A_720 = vector.broadcast %parallel_loop3A_719 : f32 to vector<16xf32>
        %parallel_loop3A_721 = arith.addf %parallel_loop3A_718, %parallel_loop3A_720 : vector<16xf32>
        %parallel_loop3A_722 = vector.bitcast %parallel_loop3A_721 : vector<16xf32> to vector<16xi32>
        %parallel_loop3A_723 = arith.constant 1 : i32
        %parallel_loop3A_724 = vector.broadcast %parallel_loop3A_723 : i32 to vector<16xi32>
        %parallel_loop3A_725 = arith.shrui %parallel_loop3A_722, %parallel_loop3A_724 : vector<16xi32>
        %parallel_loop3A_726 = arith.constant 1597463007 : i32
        %parallel_loop3A_727 = vector.broadcast %parallel_loop3A_726 : i32 to vector<16xi32>
        %parallel_loop3A_728 = arith.subi %parallel_loop3A_727, %parallel_loop3A_725 : vector<16xi32>
        %parallel_loop3A_729 = vector.bitcast %parallel_loop3A_728 : vector<16xi32> to vector<16xf32>
        %parallel_loop3A_730 = arith.constant 5.000000e-01 : f32
        %parallel_loop3A_731 = vector.broadcast %parallel_loop3A_730 : f32 to vector<16xf32>
        %parallel_loop3A_732 = arith.mulf %parallel_loop3A_721, %parallel_loop3A_731 : vector<16xf32>
        %parallel_loop3A_733 = arith.mulf %parallel_loop3A_732, %parallel_loop3A_729 : vector<16xf32>
        %parallel_loop3A_734 = arith.mulf %parallel_loop3A_733, %parallel_loop3A_729 : vector<16xf32>
        %parallel_loop3A_735 = arith.constant 1.500000e+00 : f32
        %parallel_loop3A_736 = vector.broadcast %parallel_loop3A_735 : f32 to vector<16xf32>
        %parallel_loop3A_737 = arith.subf %parallel_loop3A_736, %parallel_loop3A_734 : vector<16xf32>
        %parallel_loop3A_738 = arith.mulf %parallel_loop3A_729, %parallel_loop3A_737 : vector<16xf32>
        %parallel_loop3A_739 = arith.mulf %parallel_loop3A_732, %parallel_loop3A_738 : vector<16xf32>
        %parallel_loop3A_740 = arith.mulf %parallel_loop3A_739, %parallel_loop3A_738 : vector<16xf32>
        %parallel_loop3A_741 = arith.constant 1.500000e+00 : f32
        %parallel_loop3A_742 = vector.broadcast %parallel_loop3A_741 : f32 to vector<16xf32>
        %parallel_loop3A_743 = arith.subf %parallel_loop3A_742, %parallel_loop3A_740 : vector<16xf32>
        %parallel_loop3A_744 = arith.mulf %parallel_loop3A_738, %parallel_loop3A_743 : vector<16xf32>
        %parallel_loop3A_745 = vector.broadcast %parallel_loop3A_656 : i32 to vector<16xi32>
        %parallel_loop3A_746 = arith.addi %broadcast_in_dim3A_384, %parallel_loop3A_745 : vector<16xi32>
        %parallel_loop3A_747 = arith.subf %parallel_loop3A_659, %parallel_loop3A_713 : vector<16xf32>
        %parallel_loop3A_748 = arith.mulf %parallel_loop3A_747, %parallel_loop3A_744 : vector<16xf32>
        %parallel_loop3A_749 = arith.mulf %parallel_loop3A_748, %get3A_342 : vector<16xf32>
        %parallel_loop3A_750 = arith.addf %parallel_loop3A_749, %get3A_358 : vector<16xf32>
        tpu.vector_store_idx %arg13[%add3A_373, %parallel_loop3A_746], %parallel_loop3A_750 : memref<64x129xf32, #tpu.memory_space<vmem>>[vector<16xi32>, vector<16xi32>], vector<16xf32>,
        %parallel_loop3A_751 = arith.subf %parallel_loop3A_662, %parallel_loop3A_713 : vector<16xf32>
        %parallel_loop3A_752 = arith.mulf %parallel_loop3A_751, %parallel_loop3A_744 : vector<16xf32>
        %parallel_loop3A_753 = arith.mulf %parallel_loop3A_752, %get3A_346 : vector<16xf32>
        %parallel_loop3A_754 = arith.addf %parallel_loop3A_753, %get3A_362 : vector<16xf32>
        tpu.vector_store_idx %arg13[%add3A_376, %parallel_loop3A_746], %parallel_loop3A_754 : memref<64x129xf32, #tpu.memory_space<vmem>>[vector<16xi32>, vector<16xi32>], vector<16xf32>,
        %parallel_loop3A_755 = arith.subf %parallel_loop3A_665, %parallel_loop3A_713 : vector<16xf32>
        %parallel_loop3A_756 = arith.mulf %parallel_loop3A_755, %parallel_loop3A_744 : vector<16xf32>
        %parallel_loop3A_757 = arith.mulf %parallel_loop3A_756, %get3A_350 : vector<16xf32>
        %parallel_loop3A_758 = arith.addf %parallel_loop3A_757, %get3A_366 : vector<16xf32>
        tpu.vector_store_idx %arg13[%add3A_379, %parallel_loop3A_746], %parallel_loop3A_758 : memref<64x129xf32, #tpu.memory_space<vmem>>[vector<16xi32>, vector<16xi32>], vector<16xf32>,
        %parallel_loop3A_759 = arith.subf %parallel_loop3A_668, %parallel_loop3A_713 : vector<16xf32>
        %parallel_loop3A_760 = arith.mulf %parallel_loop3A_759, %parallel_loop3A_744 : vector<16xf32>
        %parallel_loop3A_761 = arith.mulf %parallel_loop3A_760, %get3A_354 : vector<16xf32>
        %parallel_loop3A_762 = arith.addf %parallel_loop3A_761, %get3A_370 : vector<16xf32>
        tpu.vector_store_idx %arg13[%add3A_382, %parallel_loop3A_746], %parallel_loop3A_762 : memref<64x129xf32, #tpu.memory_space<vmem>>[vector<16xi32>, vector<16xi32>], vector<16xf32>,
      } {sc.loop_unroll_factor = 4 : i64, sc.parallel_access}
      %dma_start3A_388 = arith.constant 0 : i32
      %dma_start3A_389 = arith.constant 0 : i32
      %dma_start3A_390 = tpu.memref_slice %arg13[%dma_start3A_388, %dma_start3A_389] : memref<64x129xf32, #tpu.memory_space<vmem>> -> memref<64x128xf32, #tpu.memory_space<vmem>>
      %dma_start3A_391 = arith.constant 0 : i32
      %dma_start3A_392 = tpu.memref_slice %arg6[%add3A_275, %dma_start3A_391, %mul3A_2] : memref<200x64x4096xf32, #tpu.memory_space<hbm>> -> memref<1x64x128xf32, #tpu.memory_space<hbm>>
      %dma_start3A_393 = tpu.memref_squeeze %dma_start3A_392 : memref<1x64x128xf32, #tpu.memory_space<hbm>> -> memref<64x128xf32, #tpu.memory_space<hbm>>
      %dma_start3A_394 = arith.constant 0 : i32
      %dma_start3A_395 = tpu.memref_slice %arg6[%add3A_275, %dma_start3A_394, %mul3A_2] : memref<200x64x4096xf32, #tpu.memory_space<hbm>> -> memref<1x64x128xf32, #tpu.memory_space<hbm>>
      %dma_start3A_396 = tpu.memref_squeeze %dma_start3A_395 : memref<1x64x128xf32, #tpu.memory_space<hbm>> -> memref<64x128xf32, #tpu.memory_space<hbm>>
      %dma_start3A_397 = arith.constant 0 : i32
      %dma_start3A_398 = arith.constant 0 : i32
      %dma_start3A_399 = tpu.memref_slice %arg13[%dma_start3A_397, %dma_start3A_398] : memref<64x129xf32, #tpu.memory_space<vmem>> -> memref<64x128xf32, #tpu.memory_space<vmem>>
      tpu.enqueue_dma source(%dma_start3A_399 : memref<64x128xf32, #tpu.memory_space<vmem>>) target(%dma_start3A_396 : memref<64x128xf32, #tpu.memory_space<hbm>>) target_semaphore(%arg20 : memref<!tpu.dma_semaphore, #tpu.memory_space<semaphore_mem>>)
      %mul3A_400 = arith.constant 4 : i32
      %mul3A_401 = arith.muli %mul3A_400, %scan3A_153 : i32
      %add3A_402 = arith.constant 2 : i32
      %add3A_403 = arith.addi %mul3A_401, %add3A_402 : i32
      %add3A_404 = arith.constant 4 : i32
      %add3A_405 = arith.addi %add3A_403, %add3A_404 : i32
      %sub3A_406 = arith.constant 1 : i32
      %sub3A_407 = arith.subi %add3A_405, %sub3A_406 : i32
      %lt3A_408 = arith.constant 200 : i32
      %lt3A_409 = arith.cmpi slt, %sub3A_407, %lt3A_408 : i32
      %convert_element_type3A_410 = arith.extui %lt3A_409 : i1 to i32
      %cond3A_411 = arith.constant 0 : i32
      %cond3A_412 = arith.cmpi ne, %convert_element_type3A_410, %cond3A_411 : i32
      scf.if %cond3A_412 {
        %dma_start3A_656 = arith.constant 0 : i32
        %dma_start3A_657 = arith.constant 0 : i32
        %dma_start3A_658 = tpu.memref_slice %arg9[%dma_start3A_656, %dma_start3A_657] : memref<128x64xf32, #tpu.memory_space<vmem>> -> memref<32x64xf32, #tpu.memory_space<vmem>>
        %dma_start3A_659 = arith.constant 0 : i32
        %dma_start3A_660 = tpu.memref_slice %arg7[%sub3A_407, %dma_start3A_659] : memref<200x128xi32, #tpu.memory_space<vmem>> -> memref<1x32xi32, #tpu.memory_space<vmem>>
        %dma_start3A_661 = tpu.memref_squeeze %dma_start3A_660 : memref<1x32xi32, #tpu.memory_space<vmem>> -> memref<32xi32, #tpu.memory_space<vmem>>
        %dma_start3A_662 = arith.constant 0 : i32
        %dma_start3A_663 = arith.constant 0 : i32
        %dma_start3A_664 = tpu.memref_slice %arg3[%dma_start3A_662, %dma_start3A_663] : memref<1000000x64xf32, #tpu.memory_space<hbm>> -> memref<1000000x64xf32, #tpu.memory_space<hbm>>
        tpu.enqueue_indirect_dma source(%dma_start3A_664 : memref<1000000x64xf32, #tpu.memory_space<hbm>>) target(%dma_start3A_658 : memref<32x64xf32, #tpu.memory_space<vmem>>) offsets(%dma_start3A_661 : memref<32xi32, #tpu.memory_space<vmem>>) semaphore(%arg16 : memref<!tpu.dma_semaphore, #tpu.memory_space<semaphore_mem>>)
        %dma_start3A_665 = arith.constant 32 : i32
        %dma_start3A_666 = arith.constant 0 : i32
        %dma_start3A_667 = tpu.memref_slice %arg9[%dma_start3A_665, %dma_start3A_666] : memref<128x64xf32, #tpu.memory_space<vmem>> -> memref<32x64xf32, #tpu.memory_space<vmem>>
        %dma_start3A_668 = arith.constant 32 : i32
        %dma_start3A_669 = tpu.memref_slice %arg7[%sub3A_407, %dma_start3A_668] : memref<200x128xi32, #tpu.memory_space<vmem>> -> memref<1x32xi32, #tpu.memory_space<vmem>>
        %dma_start3A_670 = tpu.memref_squeeze %dma_start3A_669 : memref<1x32xi32, #tpu.memory_space<vmem>> -> memref<32xi32, #tpu.memory_space<vmem>>
        %dma_start3A_671 = arith.constant 0 : i32
        %dma_start3A_672 = arith.constant 0 : i32
        %dma_start3A_673 = tpu.memref_slice %arg3[%dma_start3A_671, %dma_start3A_672] : memref<1000000x64xf32, #tpu.memory_space<hbm>> -> memref<1000000x64xf32, #tpu.memory_space<hbm>>
        tpu.enqueue_indirect_dma source(%dma_start3A_673 : memref<1000000x64xf32, #tpu.memory_space<hbm>>) target(%dma_start3A_667 : memref<32x64xf32, #tpu.memory_space<vmem>>) offsets(%dma_start3A_670 : memref<32xi32, #tpu.memory_space<vmem>>) semaphore(%arg16 : memref<!tpu.dma_semaphore, #tpu.memory_space<semaphore_mem>>)
        %dma_start3A_674 = arith.constant 64 : i32
        %dma_start3A_675 = arith.constant 0 : i32
        %dma_start3A_676 = tpu.memref_slice %arg9[%dma_start3A_674, %dma_start3A_675] : memref<128x64xf32, #tpu.memory_space<vmem>> -> memref<32x64xf32, #tpu.memory_space<vmem>>
        %dma_start3A_677 = arith.constant 64 : i32
        %dma_start3A_678 = tpu.memref_slice %arg7[%sub3A_407, %dma_start3A_677] : memref<200x128xi32, #tpu.memory_space<vmem>> -> memref<1x32xi32, #tpu.memory_space<vmem>>
        %dma_start3A_679 = tpu.memref_squeeze %dma_start3A_678 : memref<1x32xi32, #tpu.memory_space<vmem>> -> memref<32xi32, #tpu.memory_space<vmem>>
        %dma_start3A_680 = arith.constant 0 : i32
        %dma_start3A_681 = arith.constant 0 : i32
        %dma_start3A_682 = tpu.memref_slice %arg3[%dma_start3A_680, %dma_start3A_681] : memref<1000000x64xf32, #tpu.memory_space<hbm>> -> memref<1000000x64xf32, #tpu.memory_space<hbm>>
        tpu.enqueue_indirect_dma source(%dma_start3A_682 : memref<1000000x64xf32, #tpu.memory_space<hbm>>) target(%dma_start3A_676 : memref<32x64xf32, #tpu.memory_space<vmem>>) offsets(%dma_start3A_679 : memref<32xi32, #tpu.memory_space<vmem>>) semaphore(%arg16 : memref<!tpu.dma_semaphore, #tpu.memory_space<semaphore_mem>>)
        %dma_start3A_683 = arith.constant 96 : i32
        %dma_start3A_684 = arith.constant 0 : i32
        %dma_start3A_685 = tpu.memref_slice %arg9[%dma_start3A_683, %dma_start3A_684] : memref<128x64xf32, #tpu.memory_space<vmem>> -> memref<32x64xf32, #tpu.memory_space<vmem>>
        %dma_start3A_686 = arith.constant 96 : i32
        %dma_start3A_687 = tpu.memref_slice %arg7[%sub3A_407, %dma_start3A_686] : memref<200x128xi32, #tpu.memory_space<vmem>> -> memref<1x32xi32, #tpu.memory_space<vmem>>
        %dma_start3A_688 = tpu.memref_squeeze %dma_start3A_687 : memref<1x32xi32, #tpu.memory_space<vmem>> -> memref<32xi32, #tpu.memory_space<vmem>>
        %dma_start3A_689 = arith.constant 0 : i32
        %dma_start3A_690 = arith.constant 0 : i32
        %dma_start3A_691 = tpu.memref_slice %arg3[%dma_start3A_689, %dma_start3A_690] : memref<1000000x64xf32, #tpu.memory_space<hbm>> -> memref<1000000x64xf32, #tpu.memory_space<hbm>>
        tpu.enqueue_indirect_dma source(%dma_start3A_691 : memref<1000000x64xf32, #tpu.memory_space<hbm>>) target(%dma_start3A_685 : memref<32x64xf32, #tpu.memory_space<vmem>>) offsets(%dma_start3A_688 : memref<32xi32, #tpu.memory_space<vmem>>) semaphore(%arg16 : memref<!tpu.dma_semaphore, #tpu.memory_space<semaphore_mem>>)
      } else {
      }
      %dma_wait3A_413 = arith.constant 0 : i32
      %dma_wait3A_414 = arith.constant 0 : i32
      %dma_wait3A_415 = tpu.memref_slice %arg10[%dma_wait3A_413, %dma_wait3A_414] : memref<128x64xf32, #tpu.memory_space<vmem>> -> memref<32x64xf32, #tpu.memory_space<vmem>>
      %dma_wait3A_416 = arith.constant 0 : i32
      %dma_wait3A_417 = tpu.memref_slice %arg7[%add3A_403, %dma_wait3A_416] : memref<200x128xi32, #tpu.memory_space<vmem>> -> memref<1x32xi32, #tpu.memory_space<vmem>>
      %dma_wait3A_418 = tpu.memref_squeeze %dma_wait3A_417 : memref<1x32xi32, #tpu.memory_space<vmem>> -> memref<32xi32, #tpu.memory_space<vmem>>
      %dma_wait3A_419 = arith.constant 0 : i32
      %dma_wait3A_420 = arith.constant 0 : i32
      %dma_wait3A_421 = tpu.memref_slice %arg3[%dma_wait3A_419, %dma_wait3A_420] : memref<1000000x64xf32, #tpu.memory_space<hbm>> -> memref<1000000x64xf32, #tpu.memory_space<hbm>>
      tpu.wait_indirect_dma semaphore(%arg17 : memref<!tpu.dma_semaphore, #tpu.memory_space<semaphore_mem>>) src(%dma_wait3A_421 : memref<1000000x64xf32, #tpu.memory_space<hbm>>) dst(%dma_wait3A_415 : memref<32x64xf32, #tpu.memory_space<vmem>>)
      %dma_wait3A_422 = arith.constant 32 : i32
      %dma_wait3A_423 = arith.constant 0 : i32
      %dma_wait3A_424 = tpu.memref_slice %arg10[%dma_wait3A_422, %dma_wait3A_423] : memref<128x64xf32, #tpu.memory_space<vmem>> -> memref<32x64xf32, #tpu.memory_space<vmem>>
      %dma_wait3A_425 = arith.constant 32 : i32
      %dma_wait3A_426 = tpu.memref_slice %arg7[%add3A_403, %dma_wait3A_425] : memref<200x128xi32, #tpu.memory_space<vmem>> -> memref<1x32xi32, #tpu.memory_space<vmem>>
      %dma_wait3A_427 = tpu.memref_squeeze %dma_wait3A_426 : memref<1x32xi32, #tpu.memory_space<vmem>> -> memref<32xi32, #tpu.memory_space<vmem>>
      %dma_wait3A_428 = arith.constant 0 : i32
      %dma_wait3A_429 = arith.constant 0 : i32
      %dma_wait3A_430 = tpu.memref_slice %arg3[%dma_wait3A_428, %dma_wait3A_429] : memref<1000000x64xf32, #tpu.memory_space<hbm>> -> memref<1000000x64xf32, #tpu.memory_space<hbm>>
      tpu.wait_indirect_dma semaphore(%arg17 : memref<!tpu.dma_semaphore, #tpu.memory_space<semaphore_mem>>) src(%dma_wait3A_430 : memref<1000000x64xf32, #tpu.memory_space<hbm>>) dst(%dma_wait3A_424 : memref<32x64xf32, #tpu.memory_space<vmem>>)
      %dma_wait3A_431 = arith.constant 64 : i32
      %dma_wait3A_432 = arith.constant 0 : i32
      %dma_wait3A_433 = tpu.memref_slice %arg10[%dma_wait3A_431, %dma_wait3A_432] : memref<128x64xf32, #tpu.memory_space<vmem>> -> memref<32x64xf32, #tpu.memory_space<vmem>>
      %dma_wait3A_434 = arith.constant 64 : i32
      %dma_wait3A_435 = tpu.memref_slice %arg7[%add3A_403, %dma_wait3A_434] : memref<200x128xi32, #tpu.memory_space<vmem>> -> memref<1x32xi32, #tpu.memory_space<vmem>>
      %dma_wait3A_436 = tpu.memref_squeeze %dma_wait3A_435 : memref<1x32xi32, #tpu.memory_space<vmem>> -> memref<32xi32, #tpu.memory_space<vmem>>
      %dma_wait3A_437 = arith.constant 0 : i32
      %dma_wait3A_438 = arith.constant 0 : i32
      %dma_wait3A_439 = tpu.memref_slice %arg3[%dma_wait3A_437, %dma_wait3A_438] : memref<1000000x64xf32, #tpu.memory_space<hbm>> -> memref<1000000x64xf32, #tpu.memory_space<hbm>>
      tpu.wait_indirect_dma semaphore(%arg17 : memref<!tpu.dma_semaphore, #tpu.memory_space<semaphore_mem>>) src(%dma_wait3A_439 : memref<1000000x64xf32, #tpu.memory_space<hbm>>) dst(%dma_wait3A_433 : memref<32x64xf32, #tpu.memory_space<vmem>>)
      %dma_wait3A_440 = arith.constant 96 : i32
      %dma_wait3A_441 = arith.constant 0 : i32
      %dma_wait3A_442 = tpu.memref_slice %arg10[%dma_wait3A_440, %dma_wait3A_441] : memref<128x64xf32, #tpu.memory_space<vmem>> -> memref<32x64xf32, #tpu.memory_space<vmem>>
      %dma_wait3A_443 = arith.constant 96 : i32
      %dma_wait3A_444 = tpu.memref_slice %arg7[%add3A_403, %dma_wait3A_443] : memref<200x128xi32, #tpu.memory_space<vmem>> -> memref<1x32xi32, #tpu.memory_space<vmem>>
      %dma_wait3A_445 = tpu.memref_squeeze %dma_wait3A_444 : memref<1x32xi32, #tpu.memory_space<vmem>> -> memref<32xi32, #tpu.memory_space<vmem>>
      %dma_wait3A_446 = arith.constant 0 : i32
      %dma_wait3A_447 = arith.constant 0 : i32
      %dma_wait3A_448 = tpu.memref_slice %arg3[%dma_wait3A_446, %dma_wait3A_447] : memref<1000000x64xf32, #tpu.memory_space<hbm>> -> memref<1000000x64xf32, #tpu.memory_space<hbm>>
      tpu.wait_indirect_dma semaphore(%arg17 : memref<!tpu.dma_semaphore, #tpu.memory_space<semaphore_mem>>) src(%dma_wait3A_448 : memref<1000000x64xf32, #tpu.memory_space<hbm>>) dst(%dma_wait3A_442 : memref<32x64xf32, #tpu.memory_space<vmem>>)
      %ge3A_449 = arith.constant 2 : i32
      %ge3A_450 = arith.cmpi sge, %add3A_403, %ge3A_449 : i32
      %convert_element_type3A_451 = arith.extui %ge3A_450 : i1 to i32
      %cond3A_452 = arith.constant 0 : i32
      %cond3A_453 = arith.cmpi ne, %convert_element_type3A_451, %cond3A_452 : i32
      scf.if %cond3A_453 {
        %sub3A_656 = arith.constant 2 : i32
        %sub3A_657 = arith.subi %add3A_403, %sub3A_656 : i32
        %dma_wait3A_658 = arith.constant 0 : i32
        %dma_wait3A_659 = arith.constant 0 : i32
        %dma_wait3A_660 = tpu.memref_slice %arg12[%dma_wait3A_658, %dma_wait3A_659] : memref<64x129xf32, #tpu.memory_space<vmem>> -> memref<64x128xf32, #tpu.memory_space<vmem>>
        %dma_wait3A_661 = arith.constant 0 : i32
        %dma_wait3A_662 = tpu.memref_slice %arg6[%sub3A_657, %dma_wait3A_661, %mul3A_2] : memref<200x64x4096xf32, #tpu.memory_space<hbm>> -> memref<1x64x128xf32, #tpu.memory_space<hbm>>
        %dma_wait3A_663 = tpu.memref_squeeze %dma_wait3A_662 : memref<1x64x128xf32, #tpu.memory_space<hbm>> -> memref<64x128xf32, #tpu.memory_space<hbm>>
        %dma_wait3A_664 = arith.constant 0 : i32
        %dma_wait3A_665 = tpu.memref_slice %arg6[%sub3A_657, %dma_wait3A_664, %mul3A_2] : memref<200x64x4096xf32, #tpu.memory_space<hbm>> -> memref<1x64x128xf32, #tpu.memory_space<hbm>>
        %dma_wait3A_666 = tpu.memref_squeeze %dma_wait3A_665 : memref<1x64x128xf32, #tpu.memory_space<hbm>> -> memref<64x128xf32, #tpu.memory_space<hbm>>
        %dma_wait3A_667 = arith.constant 0 : i32
        %dma_wait3A_668 = arith.constant 0 : i32
        %dma_wait3A_669 = tpu.memref_slice %arg12[%dma_wait3A_667, %dma_wait3A_668] : memref<64x129xf32, #tpu.memory_space<vmem>> -> memref<64x128xf32, #tpu.memory_space<vmem>>
        tpu.wait_dma2 semaphore(%arg19 : memref<!tpu.dma_semaphore, #tpu.memory_space<semaphore_mem>>) src(%dma_wait3A_669 : memref<64x128xf32, #tpu.memory_space<vmem>>) dst(%dma_wait3A_666 : memref<64x128xf32, #tpu.memory_space<hbm>>)
      } else {
      }
      %iota3A_454 = tpu.iota {dimensions = array<i32: 0>} : vector<16xi32>
      %xor3A_455 = arith.constant 8 : i32
      %xor3A_456 = vector.broadcast %xor3A_455 : i32 to vector<16xi32>
      %xor3A_457 = arith.xori %iota3A_454, %xor3A_456 : vector<16xi32>
      %xor3A_458 = arith.constant 4 : i32
      %xor3A_459 = vector.broadcast %xor3A_458 : i32 to vector<16xi32>
      %xor3A_460 = arith.xori %iota3A_454, %xor3A_459 : vector<16xi32>
      %xor3A_461 = arith.constant 2 : i32
      %xor3A_462 = vector.broadcast %xor3A_461 : i32 to vector<16xi32>
      %xor3A_463 = arith.xori %iota3A_454, %xor3A_462 : vector<16xi32>
      %xor3A_464 = arith.constant 1 : i32
      %xor3A_465 = vector.broadcast %xor3A_464 : i32 to vector<16xi32>
      %xor3A_466 = arith.xori %iota3A_454, %xor3A_465 : vector<16xi32>
      %get3A_467 = arith.constant 0 : i32
      %get3A_468 = arith.index_cast %get3A_467 : i32 to index
      %get3A_469 = arith.constant 0 : index
      %get3A_470 = tpu.vector_load %arg14[%get3A_468, %get3A_469] {strides = array<i32>} : memref<2x64xf32, #tpu.memory_space<vmem>>, vector<16xf32>,
      %get3A_471 = arith.constant 0 : i32
      %get3A_472 = arith.index_cast %get3A_471 : i32 to index
      %get3A_473 = arith.constant 16 : index
      %get3A_474 = tpu.vector_load %arg14[%get3A_472, %get3A_473] {strides = array<i32>} : memref<2x64xf32, #tpu.memory_space<vmem>>, vector<16xf32>,
      %get3A_475 = arith.constant 0 : i32
      %get3A_476 = arith.index_cast %get3A_475 : i32 to index
      %get3A_477 = arith.constant 32 : index
      %get3A_478 = tpu.vector_load %arg14[%get3A_476, %get3A_477] {strides = array<i32>} : memref<2x64xf32, #tpu.memory_space<vmem>>, vector<16xf32>,
      %get3A_479 = arith.constant 0 : i32
      %get3A_480 = arith.index_cast %get3A_479 : i32 to index
      %get3A_481 = arith.constant 48 : index
      %get3A_482 = tpu.vector_load %arg14[%get3A_480, %get3A_481] {strides = array<i32>} : memref<2x64xf32, #tpu.memory_space<vmem>>, vector<16xf32>,
      %get3A_483 = arith.constant 1 : i32
      %get3A_484 = arith.index_cast %get3A_483 : i32 to index
      %get3A_485 = arith.constant 0 : index
      %get3A_486 = tpu.vector_load %arg14[%get3A_484, %get3A_485] {strides = array<i32>} : memref<2x64xf32, #tpu.memory_space<vmem>>, vector<16xf32>,
      %get3A_487 = arith.constant 1 : i32
      %get3A_488 = arith.index_cast %get3A_487 : i32 to index
      %get3A_489 = arith.constant 16 : index
      %get3A_490 = tpu.vector_load %arg14[%get3A_488, %get3A_489] {strides = array<i32>} : memref<2x64xf32, #tpu.memory_space<vmem>>, vector<16xf32>,
      %get3A_491 = arith.constant 1 : i32
      %get3A_492 = arith.index_cast %get3A_491 : i32 to index
      %get3A_493 = arith.constant 32 : index
      %get3A_494 = tpu.vector_load %arg14[%get3A_492, %get3A_493] {strides = array<i32>} : memref<2x64xf32, #tpu.memory_space<vmem>>, vector<16xf32>,
      %get3A_495 = arith.constant 1 : i32
      %get3A_496 = arith.index_cast %get3A_495 : i32 to index
      %get3A_497 = arith.constant 48 : index
      %get3A_498 = tpu.vector_load %arg14[%get3A_496, %get3A_497] {strides = array<i32>} : memref<2x64xf32, #tpu.memory_space<vmem>>, vector<16xf32>,
      %add3A_499 = arith.constant 0 : i32
      %add3A_500 = vector.broadcast %add3A_499 : i32 to vector<16xi32>
      %add3A_501 = arith.addi %add3A_500, %iota3A_454 : vector<16xi32>
      %add3A_502 = arith.constant 16 : i32
      %add3A_503 = vector.broadcast %add3A_502 : i32 to vector<16xi32>
      %add3A_504 = arith.addi %add3A_503, %iota3A_454 : vector<16xi32>
      %add3A_505 = arith.constant 32 : i32
      %add3A_506 = vector.broadcast %add3A_505 : i32 to vector<16xi32>
      %add3A_507 = arith.addi %add3A_506, %iota3A_454 : vector<16xi32>
      %add3A_508 = arith.constant 48 : i32
      %add3A_509 = vector.broadcast %add3A_508 : i32 to vector<16xi32>
      %add3A_510 = arith.addi %add3A_509, %iota3A_454 : vector<16xi32>
      %broadcast_in_dim3A_511 = arith.constant 0 : i32
      %broadcast_in_dim3A_512 = vector.broadcast %broadcast_in_dim3A_511 : i32 to vector<16xi32>
      %parallel_loop3A_513 = arith.constant 0 : i32
      %parallel_loop3A_514 = arith.constant 128 : i32
      %parallel_loop3A_515 = arith.constant 1 : i32
      scf.for %parallel_loop3A_656 = %parallel_loop3A_513 to %parallel_loop3A_514 step %parallel_loop3A_515  : i32 {
        %parallel_loop3A_657 = arith.index_cast %parallel_loop3A_656 : i32 to index
        %parallel_loop3A_658 = arith.constant 0 : index
        %parallel_loop3A_659 = tpu.vector_load %arg10[%parallel_loop3A_657, %parallel_loop3A_658] {strides = array<i32>} : memref<128x64xf32, #tpu.memory_space<vmem>>, vector<16xf32>,
        %parallel_loop3A_660 = arith.index_cast %parallel_loop3A_656 : i32 to index
        %parallel_loop3A_661 = arith.constant 16 : index
        %parallel_loop3A_662 = tpu.vector_load %arg10[%parallel_loop3A_660, %parallel_loop3A_661] {strides = array<i32>} : memref<128x64xf32, #tpu.memory_space<vmem>>, vector<16xf32>,
        %parallel_loop3A_663 = arith.index_cast %parallel_loop3A_656 : i32 to index
        %parallel_loop3A_664 = arith.constant 32 : index
        %parallel_loop3A_665 = tpu.vector_load %arg10[%parallel_loop3A_663, %parallel_loop3A_664] {strides = array<i32>} : memref<128x64xf32, #tpu.memory_space<vmem>>, vector<16xf32>,
        %parallel_loop3A_666 = arith.index_cast %parallel_loop3A_656 : i32 to index
        %parallel_loop3A_667 = arith.constant 48 : index
        %parallel_loop3A_668 = tpu.vector_load %arg10[%parallel_loop3A_666, %parallel_loop3A_667] {strides = array<i32>} : memref<128x64xf32, #tpu.memory_space<vmem>>, vector<16xf32>,
        %parallel_loop3A_669 = arith.addf %parallel_loop3A_659, %parallel_loop3A_662 : vector<16xf32>
        %parallel_loop3A_670 = arith.addf %parallel_loop3A_665, %parallel_loop3A_668 : vector<16xf32>
        %parallel_loop3A_671 = arith.addf %parallel_loop3A_669, %parallel_loop3A_670 : vector<16xf32>
        %parallel_loop3A_672 = arith.mulf %parallel_loop3A_659, %parallel_loop3A_659 : vector<16xf32>
        %parallel_loop3A_673 = arith.mulf %parallel_loop3A_662, %parallel_loop3A_662 : vector<16xf32>
        %parallel_loop3A_674 = arith.addf %parallel_loop3A_672, %parallel_loop3A_673 : vector<16xf32>
        %parallel_loop3A_675 = arith.mulf %parallel_loop3A_665, %parallel_loop3A_665 : vector<16xf32>
        %parallel_loop3A_676 = arith.mulf %parallel_loop3A_668, %parallel_loop3A_668 : vector<16xf32>
        %parallel_loop3A_677 = arith.addf %parallel_loop3A_675, %parallel_loop3A_676 : vector<16xf32>
        %parallel_loop3A_678 = arith.addf %parallel_loop3A_674, %parallel_loop3A_677 : vector<16xf32>
        %parallel_loop3A_679 = vector.shape_cast %xor3A_457 : vector<16xi32> to vector<16x1xi32>
        %parallel_loop3A_680 = vector.shape_cast %parallel_loop3A_679 : vector<16x1xi32> to vector<16xi32>
        %parallel_loop3A_681 = tpu.dynamic_gather %parallel_loop3A_671[%parallel_loop3A_680] in [0] : vector<16xf32>, vector<16xi32> -> vector<16xf32>
        %parallel_loop3A_682 = arith.addf %parallel_loop3A_671, %parallel_loop3A_681 : vector<16xf32>
        %parallel_loop3A_683 = vector.shape_cast %xor3A_457 : vector<16xi32> to vector<16x1xi32>
        %parallel_loop3A_684 = vector.shape_cast %parallel_loop3A_683 : vector<16x1xi32> to vector<16xi32>
        %parallel_loop3A_685 = tpu.dynamic_gather %parallel_loop3A_678[%parallel_loop3A_684] in [0] : vector<16xf32>, vector<16xi32> -> vector<16xf32>
        %parallel_loop3A_686 = arith.addf %parallel_loop3A_678, %parallel_loop3A_685 : vector<16xf32>
        %parallel_loop3A_687 = vector.shape_cast %xor3A_460 : vector<16xi32> to vector<16x1xi32>
        %parallel_loop3A_688 = vector.shape_cast %parallel_loop3A_687 : vector<16x1xi32> to vector<16xi32>
        %parallel_loop3A_689 = tpu.dynamic_gather %parallel_loop3A_682[%parallel_loop3A_688] in [0] : vector<16xf32>, vector<16xi32> -> vector<16xf32>
        %parallel_loop3A_690 = arith.addf %parallel_loop3A_682, %parallel_loop3A_689 : vector<16xf32>
        %parallel_loop3A_691 = vector.shape_cast %xor3A_460 : vector<16xi32> to vector<16x1xi32>
        %parallel_loop3A_692 = vector.shape_cast %parallel_loop3A_691 : vector<16x1xi32> to vector<16xi32>
        %parallel_loop3A_693 = tpu.dynamic_gather %parallel_loop3A_686[%parallel_loop3A_692] in [0] : vector<16xf32>, vector<16xi32> -> vector<16xf32>
        %parallel_loop3A_694 = arith.addf %parallel_loop3A_686, %parallel_loop3A_693 : vector<16xf32>
        %parallel_loop3A_695 = vector.shape_cast %xor3A_463 : vector<16xi32> to vector<16x1xi32>
        %parallel_loop3A_696 = vector.shape_cast %parallel_loop3A_695 : vector<16x1xi32> to vector<16xi32>
        %parallel_loop3A_697 = tpu.dynamic_gather %parallel_loop3A_690[%parallel_loop3A_696] in [0] : vector<16xf32>, vector<16xi32> -> vector<16xf32>
        %parallel_loop3A_698 = arith.addf %parallel_loop3A_690, %parallel_loop3A_697 : vector<16xf32>
        %parallel_loop3A_699 = vector.shape_cast %xor3A_463 : vector<16xi32> to vector<16x1xi32>
        %parallel_loop3A_700 = vector.shape_cast %parallel_loop3A_699 : vector<16x1xi32> to vector<16xi32>
        %parallel_loop3A_701 = tpu.dynamic_gather %parallel_loop3A_694[%parallel_loop3A_700] in [0] : vector<16xf32>, vector<16xi32> -> vector<16xf32>
        %parallel_loop3A_702 = arith.addf %parallel_loop3A_694, %parallel_loop3A_701 : vector<16xf32>
        %parallel_loop3A_703 = vector.shape_cast %xor3A_466 : vector<16xi32> to vector<16x1xi32>
        %parallel_loop3A_704 = vector.shape_cast %parallel_loop3A_703 : vector<16x1xi32> to vector<16xi32>
        %parallel_loop3A_705 = tpu.dynamic_gather %parallel_loop3A_698[%parallel_loop3A_704] in [0] : vector<16xf32>, vector<16xi32> -> vector<16xf32>
        %parallel_loop3A_706 = arith.addf %parallel_loop3A_698, %parallel_loop3A_705 : vector<16xf32>
        %parallel_loop3A_707 = vector.shape_cast %xor3A_466 : vector<16xi32> to vector<16x1xi32>
        %parallel_loop3A_708 = vector.shape_cast %parallel_loop3A_707 : vector<16x1xi32> to vector<16xi32>
        %parallel_loop3A_709 = tpu.dynamic_gather %parallel_loop3A_702[%parallel_loop3A_708] in [0] : vector<16xf32>, vector<16xi32> -> vector<16xf32>
        %parallel_loop3A_710 = arith.addf %parallel_loop3A_702, %parallel_loop3A_709 : vector<16xf32>
        %parallel_loop3A_711 = arith.constant 1.562500e-02 : f32
        %parallel_loop3A_712 = vector.broadcast %parallel_loop3A_711 : f32 to vector<16xf32>
        %parallel_loop3A_713 = arith.mulf %parallel_loop3A_706, %parallel_loop3A_712 : vector<16xf32>
        %parallel_loop3A_714 = arith.constant 1.562500e-02 : f32
        %parallel_loop3A_715 = vector.broadcast %parallel_loop3A_714 : f32 to vector<16xf32>
        %parallel_loop3A_716 = arith.mulf %parallel_loop3A_710, %parallel_loop3A_715 : vector<16xf32>
        %parallel_loop3A_717 = arith.mulf %parallel_loop3A_713, %parallel_loop3A_713 : vector<16xf32>
        %parallel_loop3A_718 = arith.subf %parallel_loop3A_716, %parallel_loop3A_717 : vector<16xf32>
        %parallel_loop3A_719 = arith.constant 9.99999974E-6 : f32
        %parallel_loop3A_720 = vector.broadcast %parallel_loop3A_719 : f32 to vector<16xf32>
        %parallel_loop3A_721 = arith.addf %parallel_loop3A_718, %parallel_loop3A_720 : vector<16xf32>
        %parallel_loop3A_722 = vector.bitcast %parallel_loop3A_721 : vector<16xf32> to vector<16xi32>
        %parallel_loop3A_723 = arith.constant 1 : i32
        %parallel_loop3A_724 = vector.broadcast %parallel_loop3A_723 : i32 to vector<16xi32>
        %parallel_loop3A_725 = arith.shrui %parallel_loop3A_722, %parallel_loop3A_724 : vector<16xi32>
        %parallel_loop3A_726 = arith.constant 1597463007 : i32
        %parallel_loop3A_727 = vector.broadcast %parallel_loop3A_726 : i32 to vector<16xi32>
        %parallel_loop3A_728 = arith.subi %parallel_loop3A_727, %parallel_loop3A_725 : vector<16xi32>
        %parallel_loop3A_729 = vector.bitcast %parallel_loop3A_728 : vector<16xi32> to vector<16xf32>
        %parallel_loop3A_730 = arith.constant 5.000000e-01 : f32
        %parallel_loop3A_731 = vector.broadcast %parallel_loop3A_730 : f32 to vector<16xf32>
        %parallel_loop3A_732 = arith.mulf %parallel_loop3A_721, %parallel_loop3A_731 : vector<16xf32>
        %parallel_loop3A_733 = arith.mulf %parallel_loop3A_732, %parallel_loop3A_729 : vector<16xf32>
        %parallel_loop3A_734 = arith.mulf %parallel_loop3A_733, %parallel_loop3A_729 : vector<16xf32>
        %parallel_loop3A_735 = arith.constant 1.500000e+00 : f32
        %parallel_loop3A_736 = vector.broadcast %parallel_loop3A_735 : f32 to vector<16xf32>
        %parallel_loop3A_737 = arith.subf %parallel_loop3A_736, %parallel_loop3A_734 : vector<16xf32>
        %parallel_loop3A_738 = arith.mulf %parallel_loop3A_729, %parallel_loop3A_737 : vector<16xf32>
        %parallel_loop3A_739 = arith.mulf %parallel_loop3A_732, %parallel_loop3A_738 : vector<16xf32>
        %parallel_loop3A_740 = arith.mulf %parallel_loop3A_739, %parallel_loop3A_738 : vector<16xf32>
        %parallel_loop3A_741 = arith.constant 1.500000e+00 : f32
        %parallel_loop3A_742 = vector.broadcast %parallel_loop3A_741 : f32 to vector<16xf32>
        %parallel_loop3A_743 = arith.subf %parallel_loop3A_742, %parallel_loop3A_740 : vector<16xf32>
        %parallel_loop3A_744 = arith.mulf %parallel_loop3A_738, %parallel_loop3A_743 : vector<16xf32>
        %parallel_loop3A_745 = vector.broadcast %parallel_loop3A_656 : i32 to vector<16xi32>
        %parallel_loop3A_746 = arith.addi %broadcast_in_dim3A_512, %parallel_loop3A_745 : vector<16xi32>
        %parallel_loop3A_747 = arith.subf %parallel_loop3A_659, %parallel_loop3A_713 : vector<16xf32>
        %parallel_loop3A_748 = arith.mulf %parallel_loop3A_747, %parallel_loop3A_744 : vector<16xf32>
        %parallel_loop3A_749 = arith.mulf %parallel_loop3A_748, %get3A_470 : vector<16xf32>
        %parallel_loop3A_750 = arith.addf %parallel_loop3A_749, %get3A_486 : vector<16xf32>
        tpu.vector_store_idx %arg12[%add3A_501, %parallel_loop3A_746], %parallel_loop3A_750 : memref<64x129xf32, #tpu.memory_space<vmem>>[vector<16xi32>, vector<16xi32>], vector<16xf32>,
        %parallel_loop3A_751 = arith.subf %parallel_loop3A_662, %parallel_loop3A_713 : vector<16xf32>
        %parallel_loop3A_752 = arith.mulf %parallel_loop3A_751, %parallel_loop3A_744 : vector<16xf32>
        %parallel_loop3A_753 = arith.mulf %parallel_loop3A_752, %get3A_474 : vector<16xf32>
        %parallel_loop3A_754 = arith.addf %parallel_loop3A_753, %get3A_490 : vector<16xf32>
        tpu.vector_store_idx %arg12[%add3A_504, %parallel_loop3A_746], %parallel_loop3A_754 : memref<64x129xf32, #tpu.memory_space<vmem>>[vector<16xi32>, vector<16xi32>], vector<16xf32>,
        %parallel_loop3A_755 = arith.subf %parallel_loop3A_665, %parallel_loop3A_713 : vector<16xf32>
        %parallel_loop3A_756 = arith.mulf %parallel_loop3A_755, %parallel_loop3A_744 : vector<16xf32>
        %parallel_loop3A_757 = arith.mulf %parallel_loop3A_756, %get3A_478 : vector<16xf32>
        %parallel_loop3A_758 = arith.addf %parallel_loop3A_757, %get3A_494 : vector<16xf32>
        tpu.vector_store_idx %arg12[%add3A_507, %parallel_loop3A_746], %parallel_loop3A_758 : memref<64x129xf32, #tpu.memory_space<vmem>>[vector<16xi32>, vector<16xi32>], vector<16xf32>,
        %parallel_loop3A_759 = arith.subf %parallel_loop3A_668, %parallel_loop3A_713 : vector<16xf32>
        %parallel_loop3A_760 = arith.mulf %parallel_loop3A_759, %parallel_loop3A_744 : vector<16xf32>
        %parallel_loop3A_761 = arith.mulf %parallel_loop3A_760, %get3A_482 : vector<16xf32>
        %parallel_loop3A_762 = arith.addf %parallel_loop3A_761, %get3A_498 : vector<16xf32>
        tpu.vector_store_idx %arg12[%add3A_510, %parallel_loop3A_746], %parallel_loop3A_762 : memref<64x129xf32, #tpu.memory_space<vmem>>[vector<16xi32>, vector<16xi32>], vector<16xf32>,
      } {sc.loop_unroll_factor = 4 : i64, sc.parallel_access}
      %dma_start3A_516 = arith.constant 0 : i32
      %dma_start3A_517 = arith.constant 0 : i32
      %dma_start3A_518 = tpu.memref_slice %arg12[%dma_start3A_516, %dma_start3A_517] : memref<64x129xf32, #tpu.memory_space<vmem>> -> memref<64x128xf32, #tpu.memory_space<vmem>>
      %dma_start3A_519 = arith.constant 0 : i32
      %dma_start3A_520 = tpu.memref_slice %arg6[%add3A_403, %dma_start3A_519, %mul3A_2] : memref<200x64x4096xf32, #tpu.memory_space<hbm>> -> memref<1x64x128xf32, #tpu.memory_space<hbm>>
      %dma_start3A_521 = tpu.memref_squeeze %dma_start3A_520 : memref<1x64x128xf32, #tpu.memory_space<hbm>> -> memref<64x128xf32, #tpu.memory_space<hbm>>
      %dma_start3A_522 = arith.constant 0 : i32
      %dma_start3A_523 = tpu.memref_slice %arg6[%add3A_403, %dma_start3A_522, %mul3A_2] : memref<200x64x4096xf32, #tpu.memory_space<hbm>> -> memref<1x64x128xf32, #tpu.memory_space<hbm>>
      %dma_start3A_524 = tpu.memref_squeeze %dma_start3A_523 : memref<1x64x128xf32, #tpu.memory_space<hbm>> -> memref<64x128xf32, #tpu.memory_space<hbm>>
      %dma_start3A_525 = arith.constant 0 : i32
      %dma_start3A_526 = arith.constant 0 : i32
      %dma_start3A_527 = tpu.memref_slice %arg12[%dma_start3A_525, %dma_start3A_526] : memref<64x129xf32, #tpu.memory_space<vmem>> -> memref<64x128xf32, #tpu.memory_space<vmem>>
      tpu.enqueue_dma source(%dma_start3A_527 : memref<64x128xf32, #tpu.memory_space<vmem>>) target(%dma_start3A_524 : memref<64x128xf32, #tpu.memory_space<hbm>>) target_semaphore(%arg19 : memref<!tpu.dma_semaphore, #tpu.memory_space<semaphore_mem>>)
      %mul3A_528 = arith.constant 4 : i32
      %mul3A_529 = arith.muli %mul3A_528, %scan3A_153 : i32
      %add3A_530 = arith.constant 3 : i32
      %add3A_531 = arith.addi %mul3A_529, %add3A_530 : i32
      %add3A_532 = arith.constant 4 : i32
      %add3A_533 = arith.addi %add3A_531, %add3A_532 : i32
      %sub3A_534 = arith.constant 1 : i32
      %sub3A_535 = arith.subi %add3A_533, %sub3A_534 : i32
      %lt3A_536 = arith.constant 200 : i32
      %lt3A_537 = arith.cmpi slt, %sub3A_535, %lt3A_536 : i32
      %convert_element_type3A_538 = arith.extui %lt3A_537 : i1 to i32
      %cond3A_539 = arith.constant 0 : i32
      %cond3A_540 = arith.cmpi ne, %convert_element_type3A_538, %cond3A_539 : i32
      scf.if %cond3A_540 {
        %dma_start3A_656 = arith.constant 0 : i32
        %dma_start3A_657 = arith.constant 0 : i32
        %dma_start3A_658 = tpu.memref_slice %arg10[%dma_start3A_656, %dma_start3A_657] : memref<128x64xf32, #tpu.memory_space<vmem>> -> memref<32x64xf32, #tpu.memory_space<vmem>>
        %dma_start3A_659 = arith.constant 0 : i32
        %dma_start3A_660 = tpu.memref_slice %arg7[%sub3A_535, %dma_start3A_659] : memref<200x128xi32, #tpu.memory_space<vmem>> -> memref<1x32xi32, #tpu.memory_space<vmem>>
        %dma_start3A_661 = tpu.memref_squeeze %dma_start3A_660 : memref<1x32xi32, #tpu.memory_space<vmem>> -> memref<32xi32, #tpu.memory_space<vmem>>
        %dma_start3A_662 = arith.constant 0 : i32
        %dma_start3A_663 = arith.constant 0 : i32
        %dma_start3A_664 = tpu.memref_slice %arg3[%dma_start3A_662, %dma_start3A_663] : memref<1000000x64xf32, #tpu.memory_space<hbm>> -> memref<1000000x64xf32, #tpu.memory_space<hbm>>
        tpu.enqueue_indirect_dma source(%dma_start3A_664 : memref<1000000x64xf32, #tpu.memory_space<hbm>>) target(%dma_start3A_658 : memref<32x64xf32, #tpu.memory_space<vmem>>) offsets(%dma_start3A_661 : memref<32xi32, #tpu.memory_space<vmem>>) semaphore(%arg17 : memref<!tpu.dma_semaphore, #tpu.memory_space<semaphore_mem>>)
        %dma_start3A_665 = arith.constant 32 : i32
        %dma_start3A_666 = arith.constant 0 : i32
        %dma_start3A_667 = tpu.memref_slice %arg10[%dma_start3A_665, %dma_start3A_666] : memref<128x64xf32, #tpu.memory_space<vmem>> -> memref<32x64xf32, #tpu.memory_space<vmem>>
        %dma_start3A_668 = arith.constant 32 : i32
        %dma_start3A_669 = tpu.memref_slice %arg7[%sub3A_535, %dma_start3A_668] : memref<200x128xi32, #tpu.memory_space<vmem>> -> memref<1x32xi32, #tpu.memory_space<vmem>>
        %dma_start3A_670 = tpu.memref_squeeze %dma_start3A_669 : memref<1x32xi32, #tpu.memory_space<vmem>> -> memref<32xi32, #tpu.memory_space<vmem>>
        %dma_start3A_671 = arith.constant 0 : i32
        %dma_start3A_672 = arith.constant 0 : i32
        %dma_start3A_673 = tpu.memref_slice %arg3[%dma_start3A_671, %dma_start3A_672] : memref<1000000x64xf32, #tpu.memory_space<hbm>> -> memref<1000000x64xf32, #tpu.memory_space<hbm>>
        tpu.enqueue_indirect_dma source(%dma_start3A_673 : memref<1000000x64xf32, #tpu.memory_space<hbm>>) target(%dma_start3A_667 : memref<32x64xf32, #tpu.memory_space<vmem>>) offsets(%dma_start3A_670 : memref<32xi32, #tpu.memory_space<vmem>>) semaphore(%arg17 : memref<!tpu.dma_semaphore, #tpu.memory_space<semaphore_mem>>)
        %dma_start3A_674 = arith.constant 64 : i32
        %dma_start3A_675 = arith.constant 0 : i32
        %dma_start3A_676 = tpu.memref_slice %arg10[%dma_start3A_674, %dma_start3A_675] : memref<128x64xf32, #tpu.memory_space<vmem>> -> memref<32x64xf32, #tpu.memory_space<vmem>>
        %dma_start3A_677 = arith.constant 64 : i32
        %dma_start3A_678 = tpu.memref_slice %arg7[%sub3A_535, %dma_start3A_677] : memref<200x128xi32, #tpu.memory_space<vmem>> -> memref<1x32xi32, #tpu.memory_space<vmem>>
        %dma_start3A_679 = tpu.memref_squeeze %dma_start3A_678 : memref<1x32xi32, #tpu.memory_space<vmem>> -> memref<32xi32, #tpu.memory_space<vmem>>
        %dma_start3A_680 = arith.constant 0 : i32
        %dma_start3A_681 = arith.constant 0 : i32
        %dma_start3A_682 = tpu.memref_slice %arg3[%dma_start3A_680, %dma_start3A_681] : memref<1000000x64xf32, #tpu.memory_space<hbm>> -> memref<1000000x64xf32, #tpu.memory_space<hbm>>
        tpu.enqueue_indirect_dma source(%dma_start3A_682 : memref<1000000x64xf32, #tpu.memory_space<hbm>>) target(%dma_start3A_676 : memref<32x64xf32, #tpu.memory_space<vmem>>) offsets(%dma_start3A_679 : memref<32xi32, #tpu.memory_space<vmem>>) semaphore(%arg17 : memref<!tpu.dma_semaphore, #tpu.memory_space<semaphore_mem>>)
        %dma_start3A_683 = arith.constant 96 : i32
        %dma_start3A_684 = arith.constant 0 : i32
        %dma_start3A_685 = tpu.memref_slice %arg10[%dma_start3A_683, %dma_start3A_684] : memref<128x64xf32, #tpu.memory_space<vmem>> -> memref<32x64xf32, #tpu.memory_space<vmem>>
        %dma_start3A_686 = arith.constant 96 : i32
        %dma_start3A_687 = tpu.memref_slice %arg7[%sub3A_535, %dma_start3A_686] : memref<200x128xi32, #tpu.memory_space<vmem>> -> memref<1x32xi32, #tpu.memory_space<vmem>>
        %dma_start3A_688 = tpu.memref_squeeze %dma_start3A_687 : memref<1x32xi32, #tpu.memory_space<vmem>> -> memref<32xi32, #tpu.memory_space<vmem>>
        %dma_start3A_689 = arith.constant 0 : i32
        %dma_start3A_690 = arith.constant 0 : i32
        %dma_start3A_691 = tpu.memref_slice %arg3[%dma_start3A_689, %dma_start3A_690] : memref<1000000x64xf32, #tpu.memory_space<hbm>> -> memref<1000000x64xf32, #tpu.memory_space<hbm>>
        tpu.enqueue_indirect_dma source(%dma_start3A_691 : memref<1000000x64xf32, #tpu.memory_space<hbm>>) target(%dma_start3A_685 : memref<32x64xf32, #tpu.memory_space<vmem>>) offsets(%dma_start3A_688 : memref<32xi32, #tpu.memory_space<vmem>>) semaphore(%arg17 : memref<!tpu.dma_semaphore, #tpu.memory_space<semaphore_mem>>)
      } else {
      }
      %dma_wait3A_541 = arith.constant 0 : i32
      %dma_wait3A_542 = arith.constant 0 : i32
      %dma_wait3A_543 = tpu.memref_slice %arg11[%dma_wait3A_541, %dma_wait3A_542] : memref<128x64xf32, #tpu.memory_space<vmem>> -> memref<32x64xf32, #tpu.memory_space<vmem>>
      %dma_wait3A_544 = arith.constant 0 : i32
      %dma_wait3A_545 = tpu.memref_slice %arg7[%add3A_531, %dma_wait3A_544] : memref<200x128xi32, #tpu.memory_space<vmem>> -> memref<1x32xi32, #tpu.memory_space<vmem>>
      %dma_wait3A_546 = tpu.memref_squeeze %dma_wait3A_545 : memref<1x32xi32, #tpu.memory_space<vmem>> -> memref<32xi32, #tpu.memory_space<vmem>>
      %dma_wait3A_547 = arith.constant 0 : i32
      %dma_wait3A_548 = arith.constant 0 : i32
      %dma_wait3A_549 = tpu.memref_slice %arg3[%dma_wait3A_547, %dma_wait3A_548] : memref<1000000x64xf32, #tpu.memory_space<hbm>> -> memref<1000000x64xf32, #tpu.memory_space<hbm>>
      tpu.wait_indirect_dma semaphore(%arg18 : memref<!tpu.dma_semaphore, #tpu.memory_space<semaphore_mem>>) src(%dma_wait3A_549 : memref<1000000x64xf32, #tpu.memory_space<hbm>>) dst(%dma_wait3A_543 : memref<32x64xf32, #tpu.memory_space<vmem>>)
      %dma_wait3A_550 = arith.constant 32 : i32
      %dma_wait3A_551 = arith.constant 0 : i32
      %dma_wait3A_552 = tpu.memref_slice %arg11[%dma_wait3A_550, %dma_wait3A_551] : memref<128x64xf32, #tpu.memory_space<vmem>> -> memref<32x64xf32, #tpu.memory_space<vmem>>
      %dma_wait3A_553 = arith.constant 32 : i32
      %dma_wait3A_554 = tpu.memref_slice %arg7[%add3A_531, %dma_wait3A_553] : memref<200x128xi32, #tpu.memory_space<vmem>> -> memref<1x32xi32, #tpu.memory_space<vmem>>
      %dma_wait3A_555 = tpu.memref_squeeze %dma_wait3A_554 : memref<1x32xi32, #tpu.memory_space<vmem>> -> memref<32xi32, #tpu.memory_space<vmem>>
      %dma_wait3A_556 = arith.constant 0 : i32
      %dma_wait3A_557 = arith.constant 0 : i32
      %dma_wait3A_558 = tpu.memref_slice %arg3[%dma_wait3A_556, %dma_wait3A_557] : memref<1000000x64xf32, #tpu.memory_space<hbm>> -> memref<1000000x64xf32, #tpu.memory_space<hbm>>
      tpu.wait_indirect_dma semaphore(%arg18 : memref<!tpu.dma_semaphore, #tpu.memory_space<semaphore_mem>>) src(%dma_wait3A_558 : memref<1000000x64xf32, #tpu.memory_space<hbm>>) dst(%dma_wait3A_552 : memref<32x64xf32, #tpu.memory_space<vmem>>)
      %dma_wait3A_559 = arith.constant 64 : i32
      %dma_wait3A_560 = arith.constant 0 : i32
      %dma_wait3A_561 = tpu.memref_slice %arg11[%dma_wait3A_559, %dma_wait3A_560] : memref<128x64xf32, #tpu.memory_space<vmem>> -> memref<32x64xf32, #tpu.memory_space<vmem>>
      %dma_wait3A_562 = arith.constant 64 : i32
      %dma_wait3A_563 = tpu.memref_slice %arg7[%add3A_531, %dma_wait3A_562] : memref<200x128xi32, #tpu.memory_space<vmem>> -> memref<1x32xi32, #tpu.memory_space<vmem>>
      %dma_wait3A_564 = tpu.memref_squeeze %dma_wait3A_563 : memref<1x32xi32, #tpu.memory_space<vmem>> -> memref<32xi32, #tpu.memory_space<vmem>>
      %dma_wait3A_565 = arith.constant 0 : i32
      %dma_wait3A_566 = arith.constant 0 : i32
      %dma_wait3A_567 = tpu.memref_slice %arg3[%dma_wait3A_565, %dma_wait3A_566] : memref<1000000x64xf32, #tpu.memory_space<hbm>> -> memref<1000000x64xf32, #tpu.memory_space<hbm>>
      tpu.wait_indirect_dma semaphore(%arg18 : memref<!tpu.dma_semaphore, #tpu.memory_space<semaphore_mem>>) src(%dma_wait3A_567 : memref<1000000x64xf32, #tpu.memory_space<hbm>>) dst(%dma_wait3A_561 : memref<32x64xf32, #tpu.memory_space<vmem>>)
      %dma_wait3A_568 = arith.constant 96 : i32
      %dma_wait3A_569 = arith.constant 0 : i32
      %dma_wait3A_570 = tpu.memref_slice %arg11[%dma_wait3A_568, %dma_wait3A_569] : memref<128x64xf32, #tpu.memory_space<vmem>> -> memref<32x64xf32, #tpu.memory_space<vmem>>
      %dma_wait3A_571 = arith.constant 96 : i32
      %dma_wait3A_572 = tpu.memref_slice %arg7[%add3A_531, %dma_wait3A_571] : memref<200x128xi32, #tpu.memory_space<vmem>> -> memref<1x32xi32, #tpu.memory_space<vmem>>
      %dma_wait3A_573 = tpu.memref_squeeze %dma_wait3A_572 : memref<1x32xi32, #tpu.memory_space<vmem>> -> memref<32xi32, #tpu.memory_space<vmem>>
      %dma_wait3A_574 = arith.constant 0 : i32
      %dma_wait3A_575 = arith.constant 0 : i32
      %dma_wait3A_576 = tpu.memref_slice %arg3[%dma_wait3A_574, %dma_wait3A_575] : memref<1000000x64xf32, #tpu.memory_space<hbm>> -> memref<1000000x64xf32, #tpu.memory_space<hbm>>
      tpu.wait_indirect_dma semaphore(%arg18 : memref<!tpu.dma_semaphore, #tpu.memory_space<semaphore_mem>>) src(%dma_wait3A_576 : memref<1000000x64xf32, #tpu.memory_space<hbm>>) dst(%dma_wait3A_570 : memref<32x64xf32, #tpu.memory_space<vmem>>)
      %ge3A_577 = arith.constant 2 : i32
      %ge3A_578 = arith.cmpi sge, %add3A_531, %ge3A_577 : i32
      %convert_element_type3A_579 = arith.extui %ge3A_578 : i1 to i32
      %cond3A_580 = arith.constant 0 : i32
      %cond3A_581 = arith.cmpi ne, %convert_element_type3A_579, %cond3A_580 : i32
      scf.if %cond3A_581 {
        %sub3A_656 = arith.constant 2 : i32
        %sub3A_657 = arith.subi %add3A_531, %sub3A_656 : i32
        %dma_wait3A_658 = arith.constant 0 : i32
        %dma_wait3A_659 = arith.constant 0 : i32
        %dma_wait3A_660 = tpu.memref_slice %arg13[%dma_wait3A_658, %dma_wait3A_659] : memref<64x129xf32, #tpu.memory_space<vmem>> -> memref<64x128xf32, #tpu.memory_space<vmem>>
        %dma_wait3A_661 = arith.constant 0 : i32
        %dma_wait3A_662 = tpu.memref_slice %arg6[%sub3A_657, %dma_wait3A_661, %mul3A_2] : memref<200x64x4096xf32, #tpu.memory_space<hbm>> -> memref<1x64x128xf32, #tpu.memory_space<hbm>>
        %dma_wait3A_663 = tpu.memref_squeeze %dma_wait3A_662 : memref<1x64x128xf32, #tpu.memory_space<hbm>> -> memref<64x128xf32, #tpu.memory_space<hbm>>
        %dma_wait3A_664 = arith.constant 0 : i32
        %dma_wait3A_665 = tpu.memref_slice %arg6[%sub3A_657, %dma_wait3A_664, %mul3A_2] : memref<200x64x4096xf32, #tpu.memory_space<hbm>> -> memref<1x64x128xf32, #tpu.memory_space<hbm>>
        %dma_wait3A_666 = tpu.memref_squeeze %dma_wait3A_665 : memref<1x64x128xf32, #tpu.memory_space<hbm>> -> memref<64x128xf32, #tpu.memory_space<hbm>>
        %dma_wait3A_667 = arith.constant 0 : i32
        %dma_wait3A_668 = arith.constant 0 : i32
        %dma_wait3A_669 = tpu.memref_slice %arg13[%dma_wait3A_667, %dma_wait3A_668] : memref<64x129xf32, #tpu.memory_space<vmem>> -> memref<64x128xf32, #tpu.memory_space<vmem>>
        tpu.wait_dma2 semaphore(%arg20 : memref<!tpu.dma_semaphore, #tpu.memory_space<semaphore_mem>>) src(%dma_wait3A_669 : memref<64x128xf32, #tpu.memory_space<vmem>>) dst(%dma_wait3A_666 : memref<64x128xf32, #tpu.memory_space<hbm>>)
      } else {
      }
      %iota3A_582 = tpu.iota {dimensions = array<i32: 0>} : vector<16xi32>
      %xor3A_583 = arith.constant 8 : i32
      %xor3A_584 = vector.broadcast %xor3A_583 : i32 to vector<16xi32>
      %xor3A_585 = arith.xori %iota3A_582, %xor3A_584 : vector<16xi32>
      %xor3A_586 = arith.constant 4 : i32
      %xor3A_587 = vector.broadcast %xor3A_586 : i32 to vector<16xi32>
      %xor3A_588 = arith.xori %iota3A_582, %xor3A_587 : vector<16xi32>
      %xor3A_589 = arith.constant 2 : i32
      %xor3A_590 = vector.broadcast %xor3A_589 : i32 to vector<16xi32>
      %xor3A_591 = arith.xori %iota3A_582, %xor3A_590 : vector<16xi32>
      %xor3A_592 = arith.constant 1 : i32
      %xor3A_593 = vector.broadcast %xor3A_592 : i32 to vector<16xi32>
      %xor3A_594 = arith.xori %iota3A_582, %xor3A_593 : vector<16xi32>
      %get3A_595 = arith.constant 0 : i32
      %get3A_596 = arith.index_cast %get3A_595 : i32 to index
      %get3A_597 = arith.constant 0 : index
      %get3A_598 = tpu.vector_load %arg14[%get3A_596, %get3A_597] {strides = array<i32>} : memref<2x64xf32, #tpu.memory_space<vmem>>, vector<16xf32>,
      %get3A_599 = arith.constant 0 : i32
      %get3A_600 = arith.index_cast %get3A_599 : i32 to index
      %get3A_601 = arith.constant 16 : index
      %get3A_602 = tpu.vector_load %arg14[%get3A_600, %get3A_601] {strides = array<i32>} : memref<2x64xf32, #tpu.memory_space<vmem>>, vector<16xf32>,
      %get3A_603 = arith.constant 0 : i32
      %get3A_604 = arith.index_cast %get3A_603 : i32 to index
      %get3A_605 = arith.constant 32 : index
      %get3A_606 = tpu.vector_load %arg14[%get3A_604, %get3A_605] {strides = array<i32>} : memref<2x64xf32, #tpu.memory_space<vmem>>, vector<16xf32>,
      %get3A_607 = arith.constant 0 : i32
      %get3A_608 = arith.index_cast %get3A_607 : i32 to index
      %get3A_609 = arith.constant 48 : index
      %get3A_610 = tpu.vector_load %arg14[%get3A_608, %get3A_609] {strides = array<i32>} : memref<2x64xf32, #tpu.memory_space<vmem>>, vector<16xf32>,
      %get3A_611 = arith.constant 1 : i32
      %get3A_612 = arith.index_cast %get3A_611 : i32 to index
      %get3A_613 = arith.constant 0 : index
      %get3A_614 = tpu.vector_load %arg14[%get3A_612, %get3A_613] {strides = array<i32>} : memref<2x64xf32, #tpu.memory_space<vmem>>, vector<16xf32>,
      %get3A_615 = arith.constant 1 : i32
      %get3A_616 = arith.index_cast %get3A_615 : i32 to index
      %get3A_617 = arith.constant 16 : index
      %get3A_618 = tpu.vector_load %arg14[%get3A_616, %get3A_617] {strides = array<i32>} : memref<2x64xf32, #tpu.memory_space<vmem>>, vector<16xf32>,
      %get3A_619 = arith.constant 1 : i32
      %get3A_620 = arith.index_cast %get3A_619 : i32 to index
      %get3A_621 = arith.constant 32 : index
      %get3A_622 = tpu.vector_load %arg14[%get3A_620, %get3A_621] {strides = array<i32>} : memref<2x64xf32, #tpu.memory_space<vmem>>, vector<16xf32>,
      %get3A_623 = arith.constant 1 : i32
      %get3A_624 = arith.index_cast %get3A_623 : i32 to index
      %get3A_625 = arith.constant 48 : index
      %get3A_626 = tpu.vector_load %arg14[%get3A_624, %get3A_625] {strides = array<i32>} : memref<2x64xf32, #tpu.memory_space<vmem>>, vector<16xf32>,
      %add3A_627 = arith.constant 0 : i32
      %add3A_628 = vector.broadcast %add3A_627 : i32 to vector<16xi32>
      %add3A_629 = arith.addi %add3A_628, %iota3A_582 : vector<16xi32>
      %add3A_630 = arith.constant 16 : i32
      %add3A_631 = vector.broadcast %add3A_630 : i32 to vector<16xi32>
      %add3A_632 = arith.addi %add3A_631, %iota3A_582 : vector<16xi32>
      %add3A_633 = arith.constant 32 : i32
      %add3A_634 = vector.broadcast %add3A_633 : i32 to vector<16xi32>
      %add3A_635 = arith.addi %add3A_634, %iota3A_582 : vector<16xi32>
      %add3A_636 = arith.constant 48 : i32
      %add3A_637 = vector.broadcast %add3A_636 : i32 to vector<16xi32>
      %add3A_638 = arith.addi %add3A_637, %iota3A_582 : vector<16xi32>
      %broadcast_in_dim3A_639 = arith.constant 0 : i32
      %broadcast_in_dim3A_640 = vector.broadcast %broadcast_in_dim3A_639 : i32 to vector<16xi32>
      %parallel_loop3A_641 = arith.constant 0 : i32
      %parallel_loop3A_642 = arith.constant 128 : i32
      %parallel_loop3A_643 = arith.constant 1 : i32
      scf.for %parallel_loop3A_656 = %parallel_loop3A_641 to %parallel_loop3A_642 step %parallel_loop3A_643  : i32 {
        %parallel_loop3A_657 = arith.index_cast %parallel_loop3A_656 : i32 to index
        %parallel_loop3A_658 = arith.constant 0 : index
        %parallel_loop3A_659 = tpu.vector_load %arg11[%parallel_loop3A_657, %parallel_loop3A_658] {strides = array<i32>} : memref<128x64xf32, #tpu.memory_space<vmem>>, vector<16xf32>,
        %parallel_loop3A_660 = arith.index_cast %parallel_loop3A_656 : i32 to index
        %parallel_loop3A_661 = arith.constant 16 : index
        %parallel_loop3A_662 = tpu.vector_load %arg11[%parallel_loop3A_660, %parallel_loop3A_661] {strides = array<i32>} : memref<128x64xf32, #tpu.memory_space<vmem>>, vector<16xf32>,
        %parallel_loop3A_663 = arith.index_cast %parallel_loop3A_656 : i32 to index
        %parallel_loop3A_664 = arith.constant 32 : index
        %parallel_loop3A_665 = tpu.vector_load %arg11[%parallel_loop3A_663, %parallel_loop3A_664] {strides = array<i32>} : memref<128x64xf32, #tpu.memory_space<vmem>>, vector<16xf32>,
        %parallel_loop3A_666 = arith.index_cast %parallel_loop3A_656 : i32 to index
        %parallel_loop3A_667 = arith.constant 48 : index
        %parallel_loop3A_668 = tpu.vector_load %arg11[%parallel_loop3A_666, %parallel_loop3A_667] {strides = array<i32>} : memref<128x64xf32, #tpu.memory_space<vmem>>, vector<16xf32>,
        %parallel_loop3A_669 = arith.addf %parallel_loop3A_659, %parallel_loop3A_662 : vector<16xf32>
        %parallel_loop3A_670 = arith.addf %parallel_loop3A_665, %parallel_loop3A_668 : vector<16xf32>
        %parallel_loop3A_671 = arith.addf %parallel_loop3A_669, %parallel_loop3A_670 : vector<16xf32>
        %parallel_loop3A_672 = arith.mulf %parallel_loop3A_659, %parallel_loop3A_659 : vector<16xf32>
        %parallel_loop3A_673 = arith.mulf %parallel_loop3A_662, %parallel_loop3A_662 : vector<16xf32>
        %parallel_loop3A_674 = arith.addf %parallel_loop3A_672, %parallel_loop3A_673 : vector<16xf32>
        %parallel_loop3A_675 = arith.mulf %parallel_loop3A_665, %parallel_loop3A_665 : vector<16xf32>
        %parallel_loop3A_676 = arith.mulf %parallel_loop3A_668, %parallel_loop3A_668 : vector<16xf32>
        %parallel_loop3A_677 = arith.addf %parallel_loop3A_675, %parallel_loop3A_676 : vector<16xf32>
        %parallel_loop3A_678 = arith.addf %parallel_loop3A_674, %parallel_loop3A_677 : vector<16xf32>
        %parallel_loop3A_679 = vector.shape_cast %xor3A_585 : vector<16xi32> to vector<16x1xi32>
        %parallel_loop3A_680 = vector.shape_cast %parallel_loop3A_679 : vector<16x1xi32> to vector<16xi32>
        %parallel_loop3A_681 = tpu.dynamic_gather %parallel_loop3A_671[%parallel_loop3A_680] in [0] : vector<16xf32>, vector<16xi32> -> vector<16xf32>
        %parallel_loop3A_682 = arith.addf %parallel_loop3A_671, %parallel_loop3A_681 : vector<16xf32>
        %parallel_loop3A_683 = vector.shape_cast %xor3A_585 : vector<16xi32> to vector<16x1xi32>
        %parallel_loop3A_684 = vector.shape_cast %parallel_loop3A_683 : vector<16x1xi32> to vector<16xi32>
        %parallel_loop3A_685 = tpu.dynamic_gather %parallel_loop3A_678[%parallel_loop3A_684] in [0] : vector<16xf32>, vector<16xi32> -> vector<16xf32>
        %parallel_loop3A_686 = arith.addf %parallel_loop3A_678, %parallel_loop3A_685 : vector<16xf32>
        %parallel_loop3A_687 = vector.shape_cast %xor3A_588 : vector<16xi32> to vector<16x1xi32>
        %parallel_loop3A_688 = vector.shape_cast %parallel_loop3A_687 : vector<16x1xi32> to vector<16xi32>
        %parallel_loop3A_689 = tpu.dynamic_gather %parallel_loop3A_682[%parallel_loop3A_688] in [0] : vector<16xf32>, vector<16xi32> -> vector<16xf32>
        %parallel_loop3A_690 = arith.addf %parallel_loop3A_682, %parallel_loop3A_689 : vector<16xf32>
        %parallel_loop3A_691 = vector.shape_cast %xor3A_588 : vector<16xi32> to vector<16x1xi32>
        %parallel_loop3A_692 = vector.shape_cast %parallel_loop3A_691 : vector<16x1xi32> to vector<16xi32>
        %parallel_loop3A_693 = tpu.dynamic_gather %parallel_loop3A_686[%parallel_loop3A_692] in [0] : vector<16xf32>, vector<16xi32> -> vector<16xf32>
        %parallel_loop3A_694 = arith.addf %parallel_loop3A_686, %parallel_loop3A_693 : vector<16xf32>
        %parallel_loop3A_695 = vector.shape_cast %xor3A_591 : vector<16xi32> to vector<16x1xi32>
        %parallel_loop3A_696 = vector.shape_cast %parallel_loop3A_695 : vector<16x1xi32> to vector<16xi32>
        %parallel_loop3A_697 = tpu.dynamic_gather %parallel_loop3A_690[%parallel_loop3A_696] in [0] : vector<16xf32>, vector<16xi32> -> vector<16xf32>
        %parallel_loop3A_698 = arith.addf %parallel_loop3A_690, %parallel_loop3A_697 : vector<16xf32>
        %parallel_loop3A_699 = vector.shape_cast %xor3A_591 : vector<16xi32> to vector<16x1xi32>
        %parallel_loop3A_700 = vector.shape_cast %parallel_loop3A_699 : vector<16x1xi32> to vector<16xi32>
        %parallel_loop3A_701 = tpu.dynamic_gather %parallel_loop3A_694[%parallel_loop3A_700] in [0] : vector<16xf32>, vector<16xi32> -> vector<16xf32>
        %parallel_loop3A_702 = arith.addf %parallel_loop3A_694, %parallel_loop3A_701 : vector<16xf32>
        %parallel_loop3A_703 = vector.shape_cast %xor3A_594 : vector<16xi32> to vector<16x1xi32>
        %parallel_loop3A_704 = vector.shape_cast %parallel_loop3A_703 : vector<16x1xi32> to vector<16xi32>
        %parallel_loop3A_705 = tpu.dynamic_gather %parallel_loop3A_698[%parallel_loop3A_704] in [0] : vector<16xf32>, vector<16xi32> -> vector<16xf32>
        %parallel_loop3A_706 = arith.addf %parallel_loop3A_698, %parallel_loop3A_705 : vector<16xf32>
        %parallel_loop3A_707 = vector.shape_cast %xor3A_594 : vector<16xi32> to vector<16x1xi32>
        %parallel_loop3A_708 = vector.shape_cast %parallel_loop3A_707 : vector<16x1xi32> to vector<16xi32>
        %parallel_loop3A_709 = tpu.dynamic_gather %parallel_loop3A_702[%parallel_loop3A_708] in [0] : vector<16xf32>, vector<16xi32> -> vector<16xf32>
        %parallel_loop3A_710 = arith.addf %parallel_loop3A_702, %parallel_loop3A_709 : vector<16xf32>
        %parallel_loop3A_711 = arith.constant 1.562500e-02 : f32
        %parallel_loop3A_712 = vector.broadcast %parallel_loop3A_711 : f32 to vector<16xf32>
        %parallel_loop3A_713 = arith.mulf %parallel_loop3A_706, %parallel_loop3A_712 : vector<16xf32>
        %parallel_loop3A_714 = arith.constant 1.562500e-02 : f32
        %parallel_loop3A_715 = vector.broadcast %parallel_loop3A_714 : f32 to vector<16xf32>
        %parallel_loop3A_716 = arith.mulf %parallel_loop3A_710, %parallel_loop3A_715 : vector<16xf32>
        %parallel_loop3A_717 = arith.mulf %parallel_loop3A_713, %parallel_loop3A_713 : vector<16xf32>
        %parallel_loop3A_718 = arith.subf %parallel_loop3A_716, %parallel_loop3A_717 : vector<16xf32>
        %parallel_loop3A_719 = arith.constant 9.99999974E-6 : f32
        %parallel_loop3A_720 = vector.broadcast %parallel_loop3A_719 : f32 to vector<16xf32>
        %parallel_loop3A_721 = arith.addf %parallel_loop3A_718, %parallel_loop3A_720 : vector<16xf32>
        %parallel_loop3A_722 = vector.bitcast %parallel_loop3A_721 : vector<16xf32> to vector<16xi32>
        %parallel_loop3A_723 = arith.constant 1 : i32
        %parallel_loop3A_724 = vector.broadcast %parallel_loop3A_723 : i32 to vector<16xi32>
        %parallel_loop3A_725 = arith.shrui %parallel_loop3A_722, %parallel_loop3A_724 : vector<16xi32>
        %parallel_loop3A_726 = arith.constant 1597463007 : i32
        %parallel_loop3A_727 = vector.broadcast %parallel_loop3A_726 : i32 to vector<16xi32>
        %parallel_loop3A_728 = arith.subi %parallel_loop3A_727, %parallel_loop3A_725 : vector<16xi32>
        %parallel_loop3A_729 = vector.bitcast %parallel_loop3A_728 : vector<16xi32> to vector<16xf32>
        %parallel_loop3A_730 = arith.constant 5.000000e-01 : f32
        %parallel_loop3A_731 = vector.broadcast %parallel_loop3A_730 : f32 to vector<16xf32>
        %parallel_loop3A_732 = arith.mulf %parallel_loop3A_721, %parallel_loop3A_731 : vector<16xf32>
        %parallel_loop3A_733 = arith.mulf %parallel_loop3A_732, %parallel_loop3A_729 : vector<16xf32>
        %parallel_loop3A_734 = arith.mulf %parallel_loop3A_733, %parallel_loop3A_729 : vector<16xf32>
        %parallel_loop3A_735 = arith.constant 1.500000e+00 : f32
        %parallel_loop3A_736 = vector.broadcast %parallel_loop3A_735 : f32 to vector<16xf32>
        %parallel_loop3A_737 = arith.subf %parallel_loop3A_736, %parallel_loop3A_734 : vector<16xf32>
        %parallel_loop3A_738 = arith.mulf %parallel_loop3A_729, %parallel_loop3A_737 : vector<16xf32>
        %parallel_loop3A_739 = arith.mulf %parallel_loop3A_732, %parallel_loop3A_738 : vector<16xf32>
        %parallel_loop3A_740 = arith.mulf %parallel_loop3A_739, %parallel_loop3A_738 : vector<16xf32>
        %parallel_loop3A_741 = arith.constant 1.500000e+00 : f32
        %parallel_loop3A_742 = vector.broadcast %parallel_loop3A_741 : f32 to vector<16xf32>
        %parallel_loop3A_743 = arith.subf %parallel_loop3A_742, %parallel_loop3A_740 : vector<16xf32>
        %parallel_loop3A_744 = arith.mulf %parallel_loop3A_738, %parallel_loop3A_743 : vector<16xf32>
        %parallel_loop3A_745 = vector.broadcast %parallel_loop3A_656 : i32 to vector<16xi32>
        %parallel_loop3A_746 = arith.addi %broadcast_in_dim3A_640, %parallel_loop3A_745 : vector<16xi32>
        %parallel_loop3A_747 = arith.subf %parallel_loop3A_659, %parallel_loop3A_713 : vector<16xf32>
        %parallel_loop3A_748 = arith.mulf %parallel_loop3A_747, %parallel_loop3A_744 : vector<16xf32>
        %parallel_loop3A_749 = arith.mulf %parallel_loop3A_748, %get3A_598 : vector<16xf32>
        %parallel_loop3A_750 = arith.addf %parallel_loop3A_749, %get3A_614 : vector<16xf32>
        tpu.vector_store_idx %arg13[%add3A_629, %parallel_loop3A_746], %parallel_loop3A_750 : memref<64x129xf32, #tpu.memory_space<vmem>>[vector<16xi32>, vector<16xi32>], vector<16xf32>,
        %parallel_loop3A_751 = arith.subf %parallel_loop3A_662, %parallel_loop3A_713 : vector<16xf32>
        %parallel_loop3A_752 = arith.mulf %parallel_loop3A_751, %parallel_loop3A_744 : vector<16xf32>
        %parallel_loop3A_753 = arith.mulf %parallel_loop3A_752, %get3A_602 : vector<16xf32>
        %parallel_loop3A_754 = arith.addf %parallel_loop3A_753, %get3A_618 : vector<16xf32>
        tpu.vector_store_idx %arg13[%add3A_632, %parallel_loop3A_746], %parallel_loop3A_754 : memref<64x129xf32, #tpu.memory_space<vmem>>[vector<16xi32>, vector<16xi32>], vector<16xf32>,
        %parallel_loop3A_755 = arith.subf %parallel_loop3A_665, %parallel_loop3A_713 : vector<16xf32>
        %parallel_loop3A_756 = arith.mulf %parallel_loop3A_755, %parallel_loop3A_744 : vector<16xf32>
        %parallel_loop3A_757 = arith.mulf %parallel_loop3A_756, %get3A_606 : vector<16xf32>
        %parallel_loop3A_758 = arith.addf %parallel_loop3A_757, %get3A_622 : vector<16xf32>
        tpu.vector_store_idx %arg13[%add3A_635, %parallel_loop3A_746], %parallel_loop3A_758 : memref<64x129xf32, #tpu.memory_space<vmem>>[vector<16xi32>, vector<16xi32>], vector<16xf32>,
        %parallel_loop3A_759 = arith.subf %parallel_loop3A_668, %parallel_loop3A_713 : vector<16xf32>
        %parallel_loop3A_760 = arith.mulf %parallel_loop3A_759, %parallel_loop3A_744 : vector<16xf32>
        %parallel_loop3A_761 = arith.mulf %parallel_loop3A_760, %get3A_610 : vector<16xf32>
        %parallel_loop3A_762 = arith.addf %parallel_loop3A_761, %get3A_626 : vector<16xf32>
        tpu.vector_store_idx %arg13[%add3A_638, %parallel_loop3A_746], %parallel_loop3A_762 : memref<64x129xf32, #tpu.memory_space<vmem>>[vector<16xi32>, vector<16xi32>], vector<16xf32>,
      } {sc.loop_unroll_factor = 4 : i64, sc.parallel_access}
      %dma_start3A_644 = arith.constant 0 : i32
      %dma_start3A_645 = arith.constant 0 : i32
      %dma_start3A_646 = tpu.memref_slice %arg13[%dma_start3A_644, %dma_start3A_645] : memref<64x129xf32, #tpu.memory_space<vmem>> -> memref<64x128xf32, #tpu.memory_space<vmem>>
      %dma_start3A_647 = arith.constant 0 : i32
      %dma_start3A_648 = tpu.memref_slice %arg6[%add3A_531, %dma_start3A_647, %mul3A_2] : memref<200x64x4096xf32, #tpu.memory_space<hbm>> -> memref<1x64x128xf32, #tpu.memory_space<hbm>>
      %dma_start3A_649 = tpu.memref_squeeze %dma_start3A_648 : memref<1x64x128xf32, #tpu.memory_space<hbm>> -> memref<64x128xf32, #tpu.memory_space<hbm>>
      %dma_start3A_650 = arith.constant 0 : i32
      %dma_start3A_651 = tpu.memref_slice %arg6[%add3A_531, %dma_start3A_650, %mul3A_2] : memref<200x64x4096xf32, #tpu.memory_space<hbm>> -> memref<1x64x128xf32, #tpu.memory_space<hbm>>
      %dma_start3A_652 = tpu.memref_squeeze %dma_start3A_651 : memref<1x64x128xf32, #tpu.memory_space<hbm>> -> memref<64x128xf32, #tpu.memory_space<hbm>>
      %dma_start3A_653 = arith.constant 0 : i32
      %dma_start3A_654 = arith.constant 0 : i32
      %dma_start3A_655 = tpu.memref_slice %arg13[%dma_start3A_653, %dma_start3A_654] : memref<64x129xf32, #tpu.memory_space<vmem>> -> memref<64x128xf32, #tpu.memory_space<vmem>>
      tpu.enqueue_dma source(%dma_start3A_655 : memref<64x128xf32, #tpu.memory_space<vmem>>) target(%dma_start3A_652 : memref<64x128xf32, #tpu.memory_space<hbm>>) target_semaphore(%arg20 : memref<!tpu.dma_semaphore, #tpu.memory_space<semaphore_mem>>)
    }
    %scan3A_127 = arith.constant 50 : i32
    %dma_wait3A = arith.constant 198 : i32
    %dma_wait3A_128 = arith.constant 0 : i32
    %dma_wait3A_129 = arith.constant 0 : i32
    %dma_wait3A_130 = tpu.memref_slice %arg12[%dma_wait3A_128, %dma_wait3A_129] : memref<64x129xf32, #tpu.memory_space<vmem>> -> memref<64x128xf32, #tpu.memory_space<vmem>>
    %dma_wait3A_131 = arith.constant 0 : i32
    %dma_wait3A_132 = tpu.memref_slice %arg6[%dma_wait3A, %dma_wait3A_131, %mul3A_2] : memref<200x64x4096xf32, #tpu.memory_space<hbm>> -> memref<1x64x128xf32, #tpu.memory_space<hbm>>
    %dma_wait3A_133 = tpu.memref_squeeze %dma_wait3A_132 : memref<1x64x128xf32, #tpu.memory_space<hbm>> -> memref<64x128xf32, #tpu.memory_space<hbm>>
    %dma_wait3A_134 = arith.constant 0 : i32
    %dma_wait3A_135 = tpu.memref_slice %arg6[%dma_wait3A, %dma_wait3A_134, %mul3A_2] : memref<200x64x4096xf32, #tpu.memory_space<hbm>> -> memref<1x64x128xf32, #tpu.memory_space<hbm>>
    %dma_wait3A_136 = tpu.memref_squeeze %dma_wait3A_135 : memref<1x64x128xf32, #tpu.memory_space<hbm>> -> memref<64x128xf32, #tpu.memory_space<hbm>>
    %dma_wait3A_137 = arith.constant 0 : i32
    %dma_wait3A_138 = arith.constant 0 : i32
    %dma_wait3A_139 = tpu.memref_slice %arg12[%dma_wait3A_137, %dma_wait3A_138] : memref<64x129xf32, #tpu.memory_space<vmem>> -> memref<64x128xf32, #tpu.memory_space<vmem>>
    tpu.wait_dma2 semaphore(%arg19 : memref<!tpu.dma_semaphore, #tpu.memory_space<semaphore_mem>>) src(%dma_wait3A_139 : memref<64x128xf32, #tpu.memory_space<vmem>>) dst(%dma_wait3A_136 : memref<64x128xf32, #tpu.memory_space<hbm>>)
    %dma_wait3A_140 = arith.constant 199 : i32
    %dma_wait3A_141 = arith.constant 0 : i32
    %dma_wait3A_142 = arith.constant 0 : i32
    %dma_wait3A_143 = tpu.memref_slice %arg13[%dma_wait3A_141, %dma_wait3A_142] : memref<64x129xf32, #tpu.memory_space<vmem>> -> memref<64x128xf32, #tpu.memory_space<vmem>>
    %dma_wait3A_144 = arith.constant 0 : i32
    %dma_wait3A_145 = tpu.memref_slice %arg6[%dma_wait3A_140, %dma_wait3A_144, %mul3A_2] : memref<200x64x4096xf32, #tpu.memory_space<hbm>> -> memref<1x64x128xf32, #tpu.memory_space<hbm>>
    %dma_wait3A_146 = tpu.memref_squeeze %dma_wait3A_145 : memref<1x64x128xf32, #tpu.memory_space<hbm>> -> memref<64x128xf32, #tpu.memory_space<hbm>>
    %dma_wait3A_147 = arith.constant 0 : i32
    %dma_wait3A_148 = tpu.memref_slice %arg6[%dma_wait3A_140, %dma_wait3A_147, %mul3A_2] : memref<200x64x4096xf32, #tpu.memory_space<hbm>> -> memref<1x64x128xf32, #tpu.memory_space<hbm>>
    %dma_wait3A_149 = tpu.memref_squeeze %dma_wait3A_148 : memref<1x64x128xf32, #tpu.memory_space<hbm>> -> memref<64x128xf32, #tpu.memory_space<hbm>>
    %dma_wait3A_150 = arith.constant 0 : i32
    %dma_wait3A_151 = arith.constant 0 : i32
    %dma_wait3A_152 = tpu.memref_slice %arg13[%dma_wait3A_150, %dma_wait3A_151] : memref<64x129xf32, #tpu.memory_space<vmem>> -> memref<64x128xf32, #tpu.memory_space<vmem>>
    tpu.wait_dma2 semaphore(%arg20 : memref<!tpu.dma_semaphore, #tpu.memory_space<semaphore_mem>>) src(%dma_wait3A_152 : memref<64x128xf32, #tpu.memory_space<vmem>>) dst(%dma_wait3A_149 : memref<64x128xf32, #tpu.memory_space<hbm>>)
    return
  }
}

</mosaic_0001>

<sc_bundles>
// kernel: kernel.3.cloned.1.call-start
scs
__scs_entry_jumppad:
0x0: {  	(pc) =	sbr.rel $0x88, $3  }
0x1: {  	(tag) =	ssettag $0x0;
	lr =	simm.s32 $0x1  }
0x2: {  	[smem:$0x3F9D] =	sst lr;
	_ =	strace $0xD0000000  }
0x3: {  	_ = 	snop  }
0x4: {  	_ = 	snop  }
0x5: {  	_ = 	snop  }
0x6: {  	_ = 	snop  }
0x7: {  	_ = 	snop  }
__scs_overlays_trampoline_lowered:
0x8: {  	[smem:$0x3FAC] =	sst s0  }
0x9: {  	[smem:$0x3FAD] =	sst s1  }
0xa: {  	[smem:$0x3FAE] =	sst s2  }
0xb: {  	[smem:$0x3FAF] =	sst s3  }
0xc: {  	[smem:$0x3FB0] =	sst s4  }
0xd: {  	[smem:$0x3FB1] =	sst s5  }
0xe: {  	[smem:$0x3FB2] =	sst s6  }
0xf: {  	[smem:$0x3FB3] =	sst s7  }
0x10: {  	[smem:$0x3FB4] =	sst s8  }
0x11: {  	[smem:$0x3FB5] =	sst s9;
	s0 =	simm.s32 @!p0 $0x0  }
0x12: {  	s1 =	sld [smem:$0x3F9B];
	s0 =	simm.s32 @p0 $0x1  }
0x13: {  	[smem:$0x3FB6] =	sst s0;
	s0 =	simm.s32 @!p1 $0x0  }
0x14: {  	s2 =	sld [smem:$0x3F9A];
	s0 =	simm.s32 @p1 $0x1  }
0x15: {  	[smem:$0x3FB7] =	sst s0;
	s0 =	simm.s32 @!p2 $0x0  }
0x16: {  	s3 =	sld [smem:$0x3FDB];
	s0 =	simm.s32 @p2 $0x1  }
0x17: {  	s4 =	simm.s32 $0x1BF5;
	[smem:$0x3FB9] =	sst s0  }
0x18: {  	s0 =	sld [smem:$0x3F9C];
	_ =	swait.ge [sflag:s4], $0x0  }
0x19: {  	s7 =	sld [smem:$0x3F9D]  }
0x1a: {  	s8 =	sadd.s32 $0xFFFFE003, lr  }
0x1b: {  	s9 =	sadd.s32 $0xFFFFFEF7, lr;
	s5 =	simm.s32 $0xFFFFFFFF;
	p2 =	slt.u32 s8, $0xFFFFF086  }
0x1c: {  	p1 =	slt.u32 s9, $0xF7A;
	s5 =	simm.s32 @!p2 $0x0  }
0x1d: {  	s5 =	simm.s32 @p1 $0x1;
	p0 =	seq.s32 s7, s2  }
0x1e: {  	s7 =	smul.u32 @!p0 $0xF7A, s2;
	p2 =	seq.s32 @!p0 s5, $0x0  }
0x1f: {  	s9 =	smul.u32 $0xF7A, s1;
	s8 =	simm.s32 @!p0 $0x1BF5;
	p2 =	por !p2, p0  }
0x20: {  	[sflag:s8] =	ssyncset.s32 @!p0 $0xFFFFF086;
	s6 =	sadd.s32 @!p0 s3, s7;
	s7 =	simm.s32 @!p0 $0x108  }
0x21: {  	s3 =	sadd.s32 s3, s9;
	s6 =	sadd.s32 @!p0 $0x88, s6;
	s7 =	simm.s32 @p2 $0x1082  }
0x22: {  	[simem:s7], [sflag:s8] =	dma.local @!p0 [hbm:s6], $0xF7A  }
0x23: {  	s9 =	sor.u32 $0xD0000000, s2;
	s6 =	simm.s32 $0x108;
	_ =	swait.ge @!p0 [sflag:s8], $0x0  }
0x24: {  	s3 =	sadd.s32 $0x88, s3;
	s6 =	simm.s32 @!p1 $0x1082;
	[sflag:s4] =	ssyncset.s32 $0xFFFFF086  }
0x25: {  	[simem:s6], [sflag:s4] =	dma.local [hbm:s3], $0xF7A  }
0x26: {  	[smem:$0x3F9D] =	sst s1;
	(tag) =	ssettag s2;
	_ =	strace s9  }
0x27: {  	s1 =	sld [smem:$0x3FAD]  }
0x28: {  	s2 =	sld [smem:$0x3FAE]  }
0x29: {  	s4 =	sld [smem:$0x3FB0]  }
0x2a: {  	p0 =	seq.s32 s5, $0x0;
	s5 =	sld [smem:$0x3FB1]  }
0x2b: {  	s6 =	sld [smem:$0x3FB2]  }
0x2c: {  	s7 =	sld [smem:$0x3FB3]  }
0x2d: {  	s3 =	simm.s32 $0x108;
	s8 =	sld [smem:$0x3FB4]  }
0x2e: {  	s3 =	simm.s32 @!p0 $0x1082;
	s9 =	sld [smem:$0x3FB5]  }
0x2f: {  	lr =	sadd.s32 s0, s3;
	s0 =	sld [smem:$0x3FAC]  }
0x30: {  	s3 =	sld [smem:$0x3FAF]  }
0x31: {  	[smem:$0x3FB8] =	sst s10  }
0x32: {  	s10 =	sld [smem:$0x3FB6];
	_ =	sdelay $0x3  }
0x33: {  	p0 =	seq.s32 s10, $0x1;
	s10 =	sld [smem:$0x3FB8];
	_ =	sdelay $0x3  }
0x34: {  	[smem:$0x3FB8] =	sst s10  }
0x35: {  	s10 =	sld [smem:$0x3FB7];
	_ =	sdelay $0x3  }
0x36: {  	p1 =	seq.s32 s10, $0x1;
	s10 =	sld [smem:$0x3FB8];
	_ =	sdelay $0x3  }
0x37: {  	[smem:$0x3FB8] =	sst s10  }
0x38: {  	s10 =	sld [smem:$0x3FB9]  }
0x39: {  	_ = 	snop;
	(pc) =	sbr.ind lr, $3  }
0x3a: {  	_ = 	snop  }
0x3b: {  	_ = 	snop  }
0x3c: {  	p2 =	seq.s32 s10, $0x1;
	s10 =	sld [smem:$0x3FB8]  }
0x3d: {  	_ =	shalt  }
0x3e: {  	_ =	shalt  }
0x3f: {  	_ =	shalt  }
0x40: {  	_ =	shalt  }
0x41: {  	_ =	shalt  }
0x42: {  	_ =	shalt  }
0x43: {  	_ =	shalt  }
0x44: {  	_ =	shalt  }
0x45: {  	_ =	shalt  }
0x46: {  	_ =	shalt  }
0x47: {  	_ =	shalt  }
0x48: {  	_ =	shalt  }
0x49: {  	_ =	shalt  }
0x4a: {  	_ =	shalt  }
0x4b: {  	_ =	shalt  }
0x4c: {  	_ =	shalt  }
0x4d: {  	_ =	shalt  }
0x4e: {  	_ =	shalt  }
0x4f: {  	_ =	shalt  }
0x50: {  	_ =	shalt  }
0x51: {  	_ =	shalt  }
0x52: {  	_ =	shalt  }
0x53: {  	_ =	shalt  }
0x54: {  	_ =	shalt  }
0x55: {  	_ =	shalt  }
0x56: {  	_ =	shalt  }
0x57: {  	_ =	shalt  }
0x58: {  	_ =	shalt  }
0x59: {  	_ =	shalt  }
0x5a: {  	_ =	shalt  }
0x5b: {  	_ =	shalt  }
0x5c: {  	_ =	shalt  }
0x5d: {  	_ =	shalt  }
0x5e: {  	_ =	shalt  }
0x5f: {  	_ =	shalt  }
0x60: {  	_ =	shalt  }
0x61: {  	_ =	shalt  }
0x62: {  	_ =	shalt  }
0x63: {  	_ =	shalt  }
0x64: {  	_ =	shalt  }
0x65: {  	_ =	shalt  }
0x66: {  	_ =	shalt  }
0x67: {  	_ =	shalt  }
0x68: {  	_ =	shalt  }
0x69: {  	_ =	shalt  }
0x6a: {  	_ =	shalt  }
0x6b: {  	_ =	shalt  }
0x6c: {  	_ =	shalt  }
0x6d: {  	_ =	shalt  }
0x6e: {  	_ =	shalt  }
0x6f: {  	_ =	shalt  }
0x70: {  	_ =	shalt  }
0x71: {  	_ =	shalt  }
0x72: {  	_ =	shalt  }
0x73: {  	_ =	shalt  }
0x74: {  	_ =	shalt  }
0x75: {  	_ =	shalt  }
0x76: {  	_ =	shalt  }
0x77: {  	_ =	shalt  }
0x78: {  	_ =	shalt  }
0x79: {  	_ =	shalt  }
0x7a: {  	_ =	shalt  }
0x7b: {  	_ =	shalt  }
0x7c: {  	_ =	shalt  }
0x7d: {  	_ =	shalt  }
0x7e: {  	_ =	shalt  }
0x7f: {  	_ =	shalt  }
0x80: {  	_ =	shalt  }
0x81: {  	_ =	shalt  }
0x82: {  	_ =	shalt  }
0x83: {  	_ =	shalt  }
0x84: {  	_ =	shalt  }
0x85: {  	_ =	shalt  }
0x86: {  	_ =	shalt  }
0x87: {  	_ =	shalt  }
.Lfunc_end0:
.L_simem_size_0:
called_computation_lowered:
.L_overlay_start_0:
0x88: {  	s2 =	sld [smem:$0x3FD9]  }
0x89: {  	s3 =	sld [smem:$0x3FFE];
	_ =	sdelay $0x1  }
0x8a: {  	s1 =	srdreg.scid  }
0x8b: {  	s0 =	sand.u32 $0x1, s1  }
0x8c: {  	s17 =	sshll.u32 s0, $0xA;
	s2 =	sadd.s32 s3, s2  }
0x8d: {  	s2 =	sadd.s32 s2, s17  }
0x8e: {  	[smem:$0x3FC4] =	sst s2  }
0x8f: {  	_ = 	snop  }
0x90: {  	s2 =	sld [smem:$0x3FC7]  }
0x91: {  	s18 =	sld [smem:$0x3FC6]  }
0x92: {  	s4 =	sld [smem:$0x3FD0];
	(tm) =	ssettm $0x1  }
0x93: {  	s5 =	sld [smem:$0x3FFB];
	_ =	sdelay $0x3  }
0x94: {  	_ =	strace s5  }
0x95: {  	s5 =	sld [smem:$0x3FFC];
	_ =	sdelay $0x3  }
0x96: {  	_ =	strace s5  }
0x97: {  	s5 =	sld [smem:$0x3FFD];
	_ =	sdelay $0x3  }
0x98: {  	_ =	strace s5  }
0x99: {  	_ =	strace $0x8FFFFFFF  }
0x9a: {  	s19 =	sld [smem:$0x3FDB];
	_ =	sdelay $0x1  }
0x9b: {  	s6 =	simm.s32 $_scs_section_size  }
0x9c: {  	s7 =	simm.s32 $_size__tile_overlayer_lowered;
	s8 =	simm.s32 $_tile_overlayer_lowered  }
0x9d: {  	s22 =	simm.s32 $0x1BFF;
	s21 =	sshll.u32 s8, $0x1;
	s5 =	sadd.s32 s6, s19  }
0x9e: {  	s9 =	simm.s32 $0x0;
	s20 =	sshll.u32 s7, $0x1;
	s7 =	sadd.s32 s21, s5  }
0x9f: {  	[timem:s9], [sflag:s22] =	dma.local [hbm:s7], s20  }
0xa0: {  	_ =	swait.ge [sflag:s22], s20  }
0xa1: {  	s6 =	ssub.s32 $0x0, s20;
	[sflag:s22] =	ssyncset.done $0x0  }
0xa2: {  	[sflag:s22] =	ssyncadd.s32 s6;
	_ =	sdelay $0x1  }
0xa3: {  	s23 =	simm.s32 $0x1B8B  }
0xa4: {  	_ =	swait.ge [sflag:s23], $0x1  }
0xa5: {  	[sflag:s23] =	ssyncset.done $0x0  }
0xa6: {  	s25 =	simm.s32 $0x1B8E;
	s24 =	sld [smem:$0x3FFE];
	[sflag:s23] =	ssyncadd.s32 $0xFFFFFFFF  }
0xa7: {  	s26 =	simm.s32 $execute0_lowered;
	[smem:$0x3FD2] =	sst s25  }
0xa8: {  	s7 =	sshll.u32 s26, $0x1;
	_ =	strace $0x80000046;
	[dreg:$0x1] =	wrdreg $0xFFFFFFFF  }
0xa9: {  	s28 =	simm.s32 $_size_execute0_lowered;
	s5 =	sadd.s32 s5, s7;
	[dreg:$0x0] =	wrdreg $0x0  }
0xaa: {  	s7 =	sshll.u32 s28, $0x1;
	[dreg:$0x2] =	wrdreg s5  }
0xab: {  	[dreg:$0x3] =	wrdreg s7  }
0xac: {  	[dreg:$0x4] =	wrdreg $0xC0  }
0xad: {  	_ =	task [dreg:s9], $0x5FFFF  }
0xae: {  	[dreg:$0x1] =	wrdreg $0xFFFFFFFF  }
0xaf: {  	[dreg:$0x0] =	wrdreg $0x60  }
0xb0: {  	[dreg:$0x2] =	wrdreg s4  }
0xb1: {  	[dreg:$0x3] =	wrdreg s24  }
0xb2: {  	[dreg:$0x4] =	wrdreg s2  }
0xb3: {  	[dreg:$0x5] =	wrdreg s18  }
0xb4: {  	[dreg:$0x6] =	wrdreg $0x9  }
0xb5: {  	_ =	task.clear_ibuf [dreg:s9], $0x7FFFF;
	_ =	strace $0x90000046  }
0xb6: {  	s29 =	simm.s32 $0x9;
	_ =	strace $0x80000048  }
0xb7: {  	_ =	swait.ge [sflag:s29], $0x1  }
0xb8: {  	[sflag:s29] =	ssyncadd.s32 $0xFFFFFFFF  }
0xb9: {  	_ =	strace $0x90000048  }
0xba: {  	_ =	sfence  }
0xbb: {  	s30 =	sld [smem:$0x0];
	_ =	sdelay $0x2  }
0xbc: {  	s31 =	sshll.u32 s1, $0xD;
	s1 =	sshrl.u32 s1, $0x2  }
0xbd: {  	s3 =	sand.u32 $0x4000, s31;
	s1 =	sadd.s32 s1, s30  }
0xbe: {  	s0 =	sor.u32 s3, s0;
	s1 =	sshll.u32 s1, $0x11  }
0xbf: {  	s0 =	sor.u32 s1, s0  }
0xc0: {  	s0 =	sadd.s32 $0x8F2B, s0  }
0xc1: {  	[sflag:s0] =	ssyncadd.remote.s32 $0x1  }
0xc2: {  	_ =	sfence.sel $0xFFFF  }
0xc3: {  	[dreg:$0x0] =	wrdreg $0xFFFFFFFF;
	(pc) =	sbr.abs _section_cstart, $3  }
0xc4: {  	[dreg:$0x1] =	wrdreg $0xFFFFFFFF  }
0xc5: {  	_ =	task.clear_ibuf [dreg:s9], $0x2FFFF;
	_ =	strace $0x9FFFFFFF  }
0xc6: {  	(tm) =	ssettm $0x7FFFFFFF  }
0xc7: {  	_ =	shalt  }
tec
execute0_lowered:
.L_overlay_start_1:
0x0: {  	(tag) =	ssettag $0x1  }
0x1: {  	s0 =	rddreg [dreg:$0x0];
	v0 =	vimm.s32 $0xFEDCBA98;
	v1 =	vimm.s32 $0x76543210;
	v2 =	vimm.s32 $0xBA98FEDC  }
0x2: {  	s1 =	rddreg [dreg:$0x1];
	s4 =	simm.s32 $0x0;
	s2 =	srdreg.scid;
	v3 =	vimm.s32 $0x32107654;
	v4 =	vimm.s32 $0xDCFE98BA;
	v5 =	vimm.s32 $0x54761032  }
0x3: {  	s3 =	stileid.u32;
	s14 =	simm.s32 $0x7;
	s17 =	simm.s32 $0x20;
	v6 =	vimm.s32 $0xEFCDAB89;
	v7 =	vimm.s32 $0x67452301;
	v2 =	vunpack.c.l.s4.s8 v2  }
0x4: {  	s19 =	simm.s32 $0xC400;
	s20 =	simm.s32 $0xCC00;
	s21 =	simm.s32 $0xD400;
	v3 =	vunpack.c.l.s4.s8 v3;
	v4 =	vunpack.c.l.s4.s8 v4;
	v5 =	vunpack.c.l.s4.s8 v5  }
0x5: {  	s22 =	simm.s32 $0xDC00;
	s23 =	simm.s32 $0x1;
	s24 =	simm.s32 $0xE400;
	v0 =	vunpack.c.l.s4.s8 v0;
	v1 =	vunpack.c.l.s4.s8 v1;
	v2 =	vunpack.c.0.s8.s32 v2  }
0x6: {  	s25 =	simm.s32 $0x2;
	s28 =	simm.s32 $0x3;
	s29 =	simm.s32 $0x5;
	v3 =	vunpack.c.0.s8.s32 v3;
	v4 =	vunpack.c.0.s8.s32 v4;
	v5 =	vunpack.c.0.s8.s32 v5  }
0x7: {  	s30 =	simm.s32 $0x4;
	s31 =	simm.s32 $0x6;
	[smem:$0x7FF] =	sst s4;
	v6 =	vunpack.c.l.s4.s8 v6;
	v7 =	vunpack.c.l.s4.s8 v7;
	v0 =	vunpack.c.0.s8.s32 v0  }
0x8: {  	s2 =	sand.u32 $0x1, s2;
	s3 =	sshll.u32 s3, $0x8;
	s5 =	sadd.s32 $0xF42A00, s1;
	v2 =	vcombine.low v3, v2;
	v3 =	vcombine.low v5, v4;
	v5 =	vlaneseq.u32  }
0x9: {  	s7 =	sadd.s32 $0x600, s1;
	s9 =	sadd.s32 $0x8600, s1;
	s6 =	sshll.u32 s2, $0x7;
	v6 =	vunpack.c.0.s8.s32 v6;
	v7 =	vunpack.c.0.s8.s32 v7;
	v61 =	vmul.u32 $0x88, v5  }
0xa: {  	s10 =	sadd.s32 $0x10600, s1;
	s2 =	ssub.s32 $0x2, s2;
	s6 =	sor.u32 s6, s3;
	v1 =	vunpack.c.0.s8.s32 v1  }
0xb: {  	_ =	strace $0x80000047;
	s26 =	sshrl.u32 s2, $0x1;
	s8 =	sshrl.u32 s6, $0x3;
	v0 =	vand.u32 $0xF, v0;
	v4 =	vcombine.low v7, v6;
	v62 =	vadd.s32 $0x880, v61;
	[tilespmem:$0x1FFD0] =	vst v61  }
0xc: {  	s2 =	ssub.s32 s2, s26;
	s26 =	simm.s32 $0x10600;
	s0 =	sadd.s32 s0, s8;
	v0 =	vcombine.low v0, v1;
	v2 =	vand.u32 $0xF, v2;
	v63 =	vadd.s32 $0x1100, v61;
	[tilespmem:$0x1FFE0] =	vst v62  }
0xd: {  	s11 =	smax.u32 s2, $0x1;
	[dreg:$0x5] =	wrdreg s0;
	s0 =	simm.s32 $0x0;
	v3 =	vand.u32 $0xF, v3;
	v4 =	vand.u32 $0xF, v4;
	v1 =	vadd.s32 $0x1980, v61;
	[tilespmem:$0x1FFF0] =	vst v63  }
.LBB2_1:
0xe: {  	s1 =	rddreg [dreg:$0x5];
	s2 =	simm.s32 $0x80;
	s3 =	simm.s32 $0x1000  }
0xf: {  	[tilespmem:s4], [sflag:$0x7] =	stream.strided.gather [hbm4b:s1+s2], $0x6400, s3, s2, $0x38;
	[tilespmem:$0x12880] =	vst v63  }
0x10: {  	_ =	swait.ge [sflag:s14], $0x6400  }
0x11: {  	[sflag:s14] =	ssyncset.done $0x0  }
0x12: {  	[sflag:s14] =	ssyncadd.s32 $0xFFFF9C00  }
0x13: {  	s15 =	simm.s32 $0x12800;
	s13 =	rddreg [dreg:$0x2]  }
0x14: {  	[tilespmem:s15], [sflag:$0x7] =	stream.linear.gather [hbm4b:s13+s4], $0x40, $0x38;
	[tilespmem:$0x12880] =	vst v63  }
0x15: {  	_ =	swait.ge [sflag:s14], $0x40  }
0x16: {  	[sflag:s14] =	ssyncset.done $0x0  }
0x17: {  	[sflag:s14] =	ssyncadd.s32 $0xFFFFFFC0  }
0x18: {  	s18 =	simm.s32 $0x12840;
	s16 =	rddreg [dreg:$0x3]  }
0x19: {  	[tilespmem:s18], [sflag:$0x7] =	stream.linear.gather [hbm4b:s16+s4], $0x40, $0x38;
	[tilespmem:$0x12880] =	vst v63  }
0x1a: {  	_ =	swait.ge [sflag:s14], $0x40  }
0x1b: {  	[sflag:s14] =	ssyncset.done $0x0  }
0x1c: {  	s8 =	simm.s32 $0x6400;
	[sflag:s14] =	ssyncadd.s32 $0xFFFFFFC0  }
0x1d: {  	[tilespmem:s8], [sflag:$0x1] =	stream.indirect.gather [hbm4b:s5+s17], $0x40, s4, s17, $0xb8;
	[tilespmem:$0x12880] =	vst v63  }
0x1e: {  	s12 =	simm.s32 $0x6C00  }
0x1f: {  	[tilespmem:s12], [sflag:$0x1] =	stream.indirect.gather [hbm4b:s5+s17], $0x40, s17, s17, $0xb8;
	[tilespmem:$0x12880] =	vst v63  }
0x20: {  	s13 =	simm.s32 $0x7400;
	s15 =	simm.s32 $0x40  }
0x21: {  	[tilespmem:s13], [sflag:$0x1] =	stream.indirect.gather [hbm4b:s5+s17], $0x40, s15, s17, $0xb8;
	[tilespmem:$0x12880] =	vst v63  }
0x22: {  	s16 =	simm.s32 $0x7C00;
	s18 =	simm.s32 $0x60  }
0x23: {  	[tilespmem:s16], [sflag:$0x1] =	stream.indirect.gather [hbm4b:s5+s17], $0x40, s18, s17, $0xb8;
	[tilespmem:$0x12880] =	vst v63  }
0x24: {  	s3 =	simm.s32 $0x8400  }
0x25: {  	[tilespmem:s3], [sflag:$0x2] =	stream.indirect.gather [hbm4b:s5+s17], $0x40, s2, s17, $0xb8;
	[tilespmem:$0x12880] =	vst v63  }
0x26: {  	s8 =	simm.s32 $0xA0;
	s12 =	simm.s32 $0x8C00  }
0x27: {  	[tilespmem:s12], [sflag:$0x2] =	stream.indirect.gather [hbm4b:s5+s17], $0x40, s8, s17, $0xb8;
	[tilespmem:$0x12880] =	vst v63  }
0x28: {  	s13 =	simm.s32 $0xC0;
	s15 =	simm.s32 $0x9400  }
0x29: {  	[tilespmem:s15], [sflag:$0x2] =	stream.indirect.gather [hbm4b:s5+s17], $0x40, s13, s17, $0xb8;
	[tilespmem:$0x12880] =	vst v63  }
0x2a: {  	s16 =	simm.s32 $0xE0;
	s18 =	simm.s32 $0x9C00  }
0x2b: {  	[tilespmem:s18], [sflag:$0x2] =	stream.indirect.gather [hbm4b:s5+s17], $0x40, s16, s17, $0xb8;
	[tilespmem:$0x12880] =	vst v63  }
0x2c: {  	s2 =	simm.s32 $0x100;
	s3 =	simm.s32 $0xA400  }
0x2d: {  	[tilespmem:s3], [sflag:$0x3] =	stream.indirect.gather [hbm4b:s5+s17], $0x40, s2, s17, $0xb8;
	[tilespmem:$0x12880] =	vst v63  }
0x2e: {  	s8 =	simm.s32 $0x120;
	s12 =	simm.s32 $0xAC00  }
0x2f: {  	[tilespmem:s12], [sflag:$0x3] =	stream.indirect.gather [hbm4b:s5+s17], $0x40, s8, s17, $0xb8;
	[tilespmem:$0x12880] =	vst v63  }
0x30: {  	s13 =	simm.s32 $0x140;
	s15 =	simm.s32 $0xB400  }
0x31: {  	[tilespmem:s15], [sflag:$0x3] =	stream.indirect.gather [hbm4b:s5+s17], $0x40, s13, s17, $0xb8;
	[tilespmem:$0x12880] =	vst v63  }
0x32: {  	s16 =	simm.s32 $0x160;
	s18 =	simm.s32 $0xBC00;
	s3 =	simm.s32 $0x0  }
0x33: {  	[tilespmem:s18], [sflag:$0x3] =	stream.indirect.gather [hbm4b:s5+s17], $0x40, s16, s17, $0xb8;
	[tilespmem:$0x12880] =	vst v63  }
.LBB2_2:
0x34: {  	s1 =	sshllo.u32 s3, $0x2  }
0x35: {  	s2 =	sshll.u32 s1, $0x7  }
0x36: {  	s2 =	sand.u32 $0x3FFFFF80, s2  }
0x37: {  	[tilespmem:s19], [sflag:$0x4] =	stream.indirect.gather [hbm4b:s5+s17], $0x40, s2, s17, $0xb8;
	[tilespmem:$0x12880] =	vst v63  }
0x38: {  	s8 =	sor.u32 $0x20, s2  }
0x39: {  	[tilespmem:s20], [sflag:$0x4] =	stream.indirect.gather [hbm4b:s5+s17], $0x40, s8, s17, $0xb8;
	[tilespmem:$0x12880] =	vst v63  }
0x3a: {  	s18 =	sor.u32 $0x40, s2  }
0x3b: {  	[tilespmem:s21], [sflag:$0x4] =	stream.indirect.gather [hbm4b:s5+s17], $0x40, s18, s17, $0xb8;
	[tilespmem:$0x12880] =	vst v63  }
0x3c: {  	s2 =	sor.u32 $0x60, s2  }
0x3d: {  	[tilespmem:s22], [sflag:$0x4] =	stream.indirect.gather [hbm4b:s5+s17], $0x40, s2, s17, $0xb8;
	[tilespmem:$0x12880] =	vst v63  }
0x3e: {  	_ =	swait.ge [sflag:s23], $0x800  }
0x3f: {  	[sflag:s23] =	ssyncset.done $0x0  }
0x40: {  	[sflag:s23] =	ssyncadd.s32 $0xFFFFF800  }
0x41: {  	_ =	swait.ge [sflag:s23], $0x800  }
0x42: {  	[sflag:s23] =	ssyncset.done $0x0  }
0x43: {  	[sflag:s23] =	ssyncadd.s32 $0xFFFFF800  }
0x44: {  	_ =	swait.ge [sflag:s23], $0x800  }
0x45: {  	[sflag:s23] =	ssyncset.done $0x0  }
0x46: {  	[sflag:s23] =	ssyncadd.s32 $0xFFFFF800  }
0x47: {  	_ =	swait.ge [sflag:s23], $0x800  }
0x48: {  	p1 =	seq.s32 s3, $0x0;
	[sflag:s23] =	ssyncset.done $0x0  }
0x49: {  	s2 =	simm.s32 @!p1 $0x5;
	[sflag:s23] =	ssyncadd.s32 $0xFFFFF800  }
0x4a: {  	_ =	swait.ge @!p1 [sflag:s2], $0x2000  }
0x4b: {  	[sflag:s2] =	ssyncset.done @!p1 $0x0  }
0x4c: {  	s12 =	simm.s32 $0x6480;
	[sflag:s2] =	ssyncadd.s32 @!p1 $0xFFFFE000  }
0x4d: {  	v13 =	vld [tilespmem:s12+$0x40]  }
0x4e: {  	v10 =	vld [tilespmem:s12+$0x50]  }
0x4f: {  	v11 =	vld [tilespmem:s12+$0x60]  }
0x50: {  	v12 =	vld [tilespmem:s12+$0x70]  }
0x51: {  	v9 =	vld [tilespmem:s12+$0xFFFFFFA0]  }
0x52: {  	v18 =	vld [tilespmem:s12+$0xFFFFFFB0]  }
0x53: {  	v17 =	vld [tilespmem:s12+$0xFFFFFFC0]  }
0x54: {  	v16 =	vld [tilespmem:s12+$0xFFFFFFD0]  }
0x55: {  	v19 =	vld [tilespmem:s12+$0xFFFFFFE0]  }
0x56: {  	v20 =	vld [tilespmem:s12+$0xFFFFFFF0];
	_ =	sdelay $0x1  }
0x57: {  	v14 =	vadd.f32 v10, v13;
	v22 =	vmul.f32 v13, v13  }
0x58: {  	v15 =	vadd.f32 v12, v11;
	v23 =	vmul.f32 v10, v10;
	v24 =	vmul.f32 v11, v11  }
0x59: {  	v21 =	vld [tilespmem:s12+$0x0];
	v25 =	vmul.f32 v12, v12;
	v27 =	vmul.f32 v18, v18;
	v28 =	vadd.f32 v18, v9  }
0x5a: {  	v8 =	vld [tilespmem:s12+$0xFFFFFF90];
	v30 =	vmul.f32 v17, v17;
	v31 =	vadd.f32 v16, v17;
	v34 =	vadd.f32 v20, v19  }
0x5b: {  	v32 =	vmul.f32 v16, v16;
	v26 =	vadd.f32 v23, v22;
	v24 =	vadd.f32 v25, v24;
	v23 =	vld [tilespmem:s12+$0x10]  }
0x5c: {  	v33 =	vmul.f32 v19, v19;
	v14 =	vadd.f32 v15, v14;
	v25 =	vmul.f32 v9, v9;
	v22 =	vld [tilespmem:s12+$0x20]  }
0x5d: {  	v51 =	vmul.f32 v20, v20;
	v31 =	vadd.f32 v34, v31;
	v26 =	vadd.f32 v24, v26;
	v24 =	vld [tilespmem:s12+$0x30]  }
0x5e: {  	v35 =	vmul.f32 v21, v21;
	v29 =	vperm.xlane v14, v0;
	v25 =	vadd.f32 v27, v25;
	v27 =	vld [tilespmem:s12+$0xFFFFFF80]  }
0x5f: {  	v15 =	vmul.f32 v8, v8;
	v30 =	vadd.f32 v32, v30;
	v53 =	vperm.xlane v31, v0  }
0x60: {  	v32 =	vadd.f32 v51, v33;
	v14 =	vadd.f32 v14, v29;
	v29 =	vperm.xlane v26, v0  }
0x61: {  	v31 =	vadd.f32 v31, v53;
	v36 =	vadd.f32 v23, v21;
	v52 =	vmul.f32 v23, v23  }
0x62: {  	v37 =	vmul.f32 v22, v22;
	v26 =	vadd.f32 v26, v29;
	v29 =	vperm.xlane v14, v2  }
0x63: {  	v38 =	vadd.f32 v24, v22;
	v39 =	vadd.f32 v8, v27;
	v40 =	vmul.f32 v27, v27  }
0x64: {  	v41 =	vmul.f32 v24, v24;
	v34 =	vadd.f32 v52, v35;
	v14 =	vadd.f32 v29, v14  }
0x65: {  	v29 =	vperm.xlane v26, v2;
	v28 =	vadd.f32 v28, v39;
	v15 =	vadd.f32 v15, v40  }
0x66: {  	v36 =	vadd.f32 v38, v36;
	v54 =	vadd.f32 v41, v37  }
0x67: {  	v26 =	vadd.f32 v29, v26;
	v29 =	vperm.xlane v14, v3;
	v55 =	vperm.xlane v28, v0  }
0x68: {  	v15 =	vadd.f32 v25, v15;
	v25 =	vadd.f32 v32, v30;
	v56 =	vperm.xlane v36, v0  }
0x69: {  	v30 =	vadd.f32 v54, v34;
	v14 =	vadd.f32 v29, v14;
	v29 =	vperm.xlane v26, v3  }
0x6a: {  	s13 =	simm.s32 $0x3;
	v28 =	vadd.f32 v28, v55;
	v57 =	vperm.xlane v15, v0;
	v32 =	vadd.f32 v36, v56  }
0x6b: {  	v58 =	vperm.xlane v30, v0;
	v56 =	vmov s13;
	v26 =	vadd.f32 v29, v26  }
0x6c: {  	v29 =	vperm.xlane v14, v4;
	v33 =	vand.u32 $0x7F, v56;
	v15 =	vadd.f32 v15, v57  }
0x6d: {  	v60 =	vperm.xlane v28, v2;
	v30 =	vadd.f32 v30, v58;
	v36 =	vperm.xlane v32, v2  }
0x6e: {  	v58 =	vadd.s32 v61, v33;
	v14 =	vadd.f32 v29, v14;
	v29 =	vperm.xlane v26, v4  }
0x6f: {  	v28 =	vadd.f32 v60, v28;
	v37 =	vperm.xlane v15, v2;
	v32 =	vadd.f32 v36, v32  }
0x70: {  	v38 =	vperm.xlane v30, v2;
	v60 =	vadd.s32 v62, v33;
	v26 =	vadd.f32 v29, v26  }
0x71: {  	v14 =	vmul.f32 $1.562500000e-02, v14;
	v29 =	vperm.xlane v25, v0;
	v15 =	vadd.f32 v37, v15  }
0x72: {  	v39 =	vperm.xlane v28, v3;
	v30 =	vadd.f32 v38, v30;
	v41 =	vperm.xlane v32, v3  }
0x73: {  	v26 =	vmul.f32 $1.562500000e-02, v26;
	v59 =	vmul.f32 v14, v14;
	v25 =	vadd.f32 v25, v29  }
0x74: {  	v29 =	vperm.xlane v31, v2;
	v13 =	vsub.f32 v13, v14;
	v57 =	vsub.f32 v11, v14  }
0x75: {  	v28 =	vadd.f32 v39, v28;
	v43 =	vperm.xlane v15, v3;
	v32 =	vadd.f32 v41, v32  }
0x76: {  	v45 =	vperm.xlane v30, v3;
	v26 =	vsub.f32 v26, v59;
	v29 =	vadd.f32 v29, v31  }
0x77: {  	v31 =	vperm.xlane v25, v2;
	v15 =	vadd.f32 v43, v15;
	v46 =	vperm.xlane v28, v4  }
0x78: {  	v30 =	vadd.f32 v45, v30;
	v49 =	vperm.xlane v32, v4;
	v26 =	vadd.f32 $9.999999740e-06, v26  }
0x79: {  	v25 =	vadd.f32 v31, v25;
	v40 =	vperm.xlane v29, v3;
	v28 =	vadd.f32 v46, v28  }
0x7a: {  	v50 =	vperm.xlane v15, v4;
	v32 =	vadd.f32 v49, v32;
	v52 =	vperm.xlane v30, v4  }
0x7b: {  	v31 =	vshrl.u32 v26, $0x1;
	v26 =	vmul.f32 $5.000000000e-01, v26;
	v29 =	vadd.f32 v40, v29  }
0x7c: {  	v44 =	vperm.xlane v25, v3;
	v31 =	vsub.s32 $0x5F3759DF, v31;
	v15 =	vadd.f32 v50, v15  }
0x7d: {  	v28 =	vmul.f32 $1.562500000e-02, v28;
	v30 =	vadd.f32 v52, v30;
	v32 =	vmul.f32 $1.562500000e-02, v32  }
0x7e: {  	v42 =	vmul.f32 v31, v26;
	v25 =	vadd.f32 v44, v25;
	v47 =	vperm.xlane v29, v4  }
0x7f: {  	v15 =	vmul.f32 $1.562500000e-02, v15;
	v27 =	vsub.f32 v27, v28;
	v53 =	vmul.f32 v28, v28  }
0x80: {  	v36 =	vsub.f32 v8, v28;
	v37 =	vsub.f32 v9, v28;
	v30 =	vmul.f32 $1.562500000e-02, v30  }
0x81: {  	v55 =	vmul.f32 v32, v32;
	v18 =	vsub.f32 v18, v28;
	v21 =	vsub.f32 v21, v32  }
0x82: {  	v23 =	vsub.f32 v23, v32;
	v22 =	vsub.f32 v22, v32;
	v34 =	vmul.f32 v31, v42  }
0x83: {  	s15 =	simm.s32 $0x0;
	v29 =	vadd.f32 v47, v29;
	v51 =	vperm.xlane v25, v4;
	v15 =	vsub.f32 v15, v53  }
0x84: {  	v52 =	vmov s15;
	v30 =	vsub.f32 v30, v55;
	v48 =	vsub.f32 $1.500000000e+00, v34  }
0x85: {  	v24 =	vsub.f32 v24, v32;
	v25 =	vadd.f32 v51, v25;
	v29 =	vmul.f32 $1.562500000e-02, v29  }
0x86: {  	v15 =	vadd.f32 $9.999999740e-06, v15;
	v30 =	vadd.f32 $9.999999740e-06, v30;
	v31 =	vmul.f32 v31, v48  }
0x87: {  	v32 =	vand.u32 $0x7C, v52;
	v25 =	vmul.f32 $1.562500000e-02, v25;
	v54 =	vmul.f32 v29, v29  }
0x88: {  	v48 =	vshrl.u32 v15, $0x1;
	v49 =	vmul.f32 $5.000000000e-01, v15;
	v43 =	vshrl.u32 v30, $0x1  }
0x89: {  	v30 =	vmul.f32 $5.000000000e-01, v30;
	v26 =	vmul.f32 v31, v26;
	v40 =	vsub.s32 $0x5F3759DF, v48  }
0x8a: {  	v25 =	vsub.f32 v25, v54;
	v43 =	vsub.s32 $0x5F3759DF, v43;
	v44 =	vmul.f32 v40, v49  }
0x8b: {  	v35 =	vadd.s32 v63, v32;
	v46 =	vmul.f32 v43, v30;
	v26 =	vmul.f32 v26, v31  }
0x8c: {  	v53 =	vadd.s32 v61, v32;
	v25 =	vadd.f32 $9.999999740e-06, v25;
	v44 =	vmul.f32 v40, v44  }
0x8d: {  	v17 =	vsub.f32 v17, v29;
	v50 =	vmul.f32 v43, v46;
	v26 =	vsub.f32 $1.500000000e+00, v26  }
0x8e: {  	v5 =	vld [tilespmem:$0x12800];
	v42 =	vshrl.u32 v25, $0x1;
	v25 =	vmul.f32 $5.000000000e-01, v25;
	v44 =	vsub.f32 $1.500000000e+00, v44  }
0x8f: {  	v6 =	vld [tilespmem:$0x12810];
	v42 =	vsub.s32 $0x5F3759DF, v42;
	v28 =	vsub.f32 $1.500000000e+00, v50;
	v26 =	vmul.f32 v26, v31  }
0x90: {  	v7 =	vld [tilespmem:$0x12820];
	v31 =	vsub.f32 v10, v14;
	v45 =	vmul.f32 v42, v25;
	v40 =	vmul.f32 v40, v44  }
0x91: {  	v11 =	vld [tilespmem:$0x12830];
	v14 =	vsub.f32 v12, v14;
	v28 =	vmul.f32 v43, v28;
	v13 =	vmul.f32 v26, v13  }
0x92: {  	v16 =	vsub.f32 v16, v29;
	v12 =	vld [tilespmem:$0x12840];
	v31 =	vmul.f32 v26, v31;
	v34 =	vmul.f32 v26, v57  }
0x93: {  	v19 =	vsub.f32 v19, v29;
	v15 =	vld [tilespmem:$0x12870];
	v26 =	vmul.f32 v26, v14;
	v45 =	vmul.f32 v42, v45  }
0x94: {  	v20 =	vsub.f32 v20, v29;
	v14 =	vld [tilespmem:$0x12860];
	v29 =	vmul.f32 v40, v49;
	v30 =	vmul.f32 v28, v30  }
0x95: {  	v51 =	vadd.s32 v63, v33;
	v59 =	vmul.f32 v13, v5;
	v31 =	vmul.f32 v31, v6;
	v13 =	vld [tilespmem:$0x12850]  }
0x96: {  	v26 =	vmul.f32 v26, v11;
	v45 =	vsub.f32 $1.500000000e+00, v45;
	v29 =	vmul.f32 v29, v40  }
0x97: {  	v34 =	vmul.f32 v34, v7;
	v30 =	vmul.f32 v30, v28;
	v38 =	vadd.f32 v59, v12  }
0x98: {  	v26 =	vadd.f32 v26, v15;
	v42 =	vmul.f32 v42, v45;
	v29 =	vsub.f32 $1.500000000e+00, v29  }
0x99: {  	v33 =	vadd.s32 v1, v33;
	v47 =	vadd.f32 v34, v14;
	v30 =	vsub.f32 $1.500000000e+00, v30  }
0x9a: {  	v25 =	vmul.f32 v42, v25;
	v31 =	vadd.f32 v31, v13;
	v29 =	vmul.f32 v29, v40  }
0x9b: {  	s16 =	simm.s32 $0x1;
	v34 =	vadd.s32 v62, v32;
	[tilespmem:v58+s24+$0x0] =	vst.idx.msk $0xffff, v38;
	v28 =	vmul.f32 v30, v28  }
0x9c: {  	v54 =	vmov s16;
	v25 =	vmul.f32 v25, v42;
	[tilespmem:v60+s24+$0x0] =	vst.idx.msk $0xffff, v31;
	v55 =	vmul.f32 v29, v27  }
0x9d: {  	v36 =	vmul.f32 v29, v36;
	v31 =	vadd.s32 v1, v32;
	v37 =	vmul.f32 v29, v37  }
0x9e: {  	v40 =	vmul.f32 v29, v18;
	v18 =	vand.u32 $0x7D, v54;
	v21 =	vmul.f32 v28, v21  }
0x9f: {  	v58 =	vmul.f32 v28, v22;
	v59 =	vmul.f32 v28, v24;
	v25 =	vsub.f32 $1.500000000e+00, v25  }
0xa0: {  	s18 =	simm.s32 $0x2;
	[tilespmem:v51+s24+$0x0] =	vst.idx.msk $0xffff, v47;
	v32 =	vadd.s32 v62, v18;
	v22 =	vmul.f32 v55, v5  }
0xa1: {  	s13 =	simm.s32 $0x6580;
	v30 =	vmov s18;
	[tilespmem:v33+s24+$0x0] =	vst.idx.msk $0xffff, v26;
	v24 =	vmul.f32 v37, v7;
	v25 =	vmul.f32 v25, v42  }
0xa2: {  	v27 =	vld [tilespmem:s13+$0x40];
	v60 =	vmul.f32 v40, v11;
	v62 =	vadd.f32 v22, v12;
	v22 =	vmul.f32 v21, v5  }
0xa3: {  	v29 =	vld [tilespmem:s13+$0x60];
	v33 =	vadd.s32 v61, v18;
	v21 =	vmul.f32 v58, v7;
	v56 =	vmul.f32 v25, v17  }
0xa4: {  	v26 =	vld [tilespmem:s13+$0x70];
	v40 =	vadd.f32 v24, v14;
	v57 =	vmul.f32 v25, v16;
	v19 =	vmul.f32 v25, v19  }
0xa5: {  	v38 =	vadd.f32 v60, v15;
	v20 =	vmul.f32 v25, v20;
	v25 =	vmul.f32 v28, v23;
	v28 =	vld [tilespmem:s13+$0x50]  }
0xa6: {  	v37 =	vld [tilespmem:s13+$0xFFFFFFA0];
	v16 =	vand.u32 $0x7E, v30;
	v30 =	vadd.s32 v63, v18;
	v23 =	vmul.f32 v36, v6  }
0xa7: {  	v18 =	vadd.s32 v1, v18;
	v36 =	vld [tilespmem:s13+$0xFFFFFF90];
	[tilespmem:$0x1FFA0] =	vst v5;
	v63 =	vmul.f32 v56, v5;
	v50 =	vmul.f32 v57, v6  }
0xa8: {  	[tilespmem:$0x1FFB0] =	vst v6;
	v41 =	vadd.f32 v23, v13;
	v49 =	vmul.f32 v19, v7;
	v23 =	vmul.f32 v20, v11  }
0xa9: {  	v17 =	vadd.s32 v61, v16;
	v24 =	vld [tilespmem:s13+$0xFFFFFFB0];
	[tilespmem:$0x1FFC0] =	vst v7;
	v20 =	vmul.f32 v25, v6;
	v19 =	vmul.f32 v59, v11  }
0xaa: {  	s2 =	simm.s32 $0x4;
	s15 =	simm.s32 $0x8;
	v10 =	vmov v1;
	v25 =	vld [tilespmem:s13+$0xFFFFFFC0];
	[tilespmem:v53+s24+$0x0] =	vst.idx.msk $0xffff, v62;
	v39 =	vadd.f32 v63, v12;
	v45 =	vadd.f32 v28, v27  }
.LBB2_3:
0xab: {  	v42 =	vld [tilespmem:s13+$0xFFFFFFD0]  }
0xac: {  	v48 =	vmul.f32 v27, v27;
	v43 =	vld [tilespmem:s13+$0xFFFFFFE0]  }
0xad: {  	v51 =	vmul.f32 v28, v28;
	v44 =	vld [tilespmem:s13+$0xFFFFFFF0];
	v54 =	vadd.f32 v50, v13;
	v50 =	vadd.f32 v49, v14  }
0xae: {  	v46 =	vadd.f32 v26, v29;
	v52 =	vmul.f32 v29, v29;
	v53 =	vmul.f32 v26, v26  }
0xaf: {  	v23 =	vadd.f32 v23, v15;
	v48 =	vadd.f32 v51, v48;
	v55 =	vmul.f32 v36, v36  }
0xb0: {  	v49 =	vld [tilespmem:s13+$0xFFFFFF80];
	v56 =	vmul.f32 v37, v37;
	v57 =	vadd.f32 v46, v45;
	v63 =	vadd.f32 v53, v52  }
0xb1: {  	v58 =	vmul.f32 v24, v24;
	v59 =	vadd.f32 v42, v25;
	v61 =	vmul.f32 v43, v43  }
0xb2: {  	v47 =	vld [tilespmem:s13+$0x0];
	v62 =	vadd.f32 v44, v43;
	v51 =	vadd.f32 v63, v48;
	v60 =	vperm.xlane v57, v0  }
0xb3: {  	v52 =	vadd.f32 v24, v37;
	v53 =	vmul.f32 v25, v25;
	v46 =	vld [tilespmem:s13+$0x10];
	v56 =	vadd.f32 v58, v56  }
0xb4: {  	v45 =	vld [tilespmem:s13+$0x20];
	v58 =	vmul.f32 v42, v42;
	v57 =	vadd.f32 v57, v60;
	v60 =	vperm.xlane v51, v0  }
0xb5: {  	v7 =	vadd.f32 v36, v49;
	v8 =	vmul.f32 v49, v49;
	v59 =	vadd.f32 v62, v59;
	v48 =	vld [tilespmem:s13+$0x30]  }
0xb6: {  	v53 =	vadd.f32 v58, v53;
	v51 =	vadd.f32 v51, v60;
	v60 =	vperm.xlane v57, v2  }
0xb7: {  	v58 =	vmul.f32 v44, v44;
	v63 =	vmul.f32 v47, v47;
	v7 =	vadd.f32 v52, v7  }
0xb8: {  	v8 =	vadd.f32 v55, v8;
	v57 =	vadd.f32 v60, v57;
	v60 =	vperm.xlane v51, v2  }
0xb9: {  	v52 =	vperm.xlane v59, v0;
	v58 =	vadd.f32 v58, v61;
	v1 =	vadd.f32 v46, v47  }
0xba: {  	v6 =	vadd.f32 v48, v45;
	v51 =	vadd.f32 v60, v51;
	v60 =	vperm.xlane v57, v3  }
0xbb: {  	v8 =	vadd.f32 v56, v8;
	v5 =	vmul.f32 v45, v45;
	v9 =	vmul.f32 v48, v48  }
0xbc: {  	v1 =	vadd.f32 v6, v1;
	v6 =	vadd.f32 v60, v57;
	v55 =	vperm.xlane v51, v3  }
0xbd: {  	v62 =	vmul.f32 v46, v46;
	v52 =	vadd.f32 v59, v52;
	v56 =	vperm.xlane v8, v0  }
0xbe: {  	v5 =	vadd.f32 v9, v5;
	v9 =	vadd.f32 v55, v51;
	v51 =	vperm.xlane v6, v4  }
0xbf: {  	v53 =	vadd.f32 v58, v53;
	v57 =	vperm.xlane v7, v0;
	v60 =	vadd.f32 v62, v63  }
0xc0: {  	v8 =	vadd.f32 v8, v56;
	v6 =	vadd.f32 v51, v6;
	v51 =	vperm.xlane v9, v4  }
0xc1: {  	v5 =	vadd.f32 v5, v60;
	v55 =	vperm.xlane v1, v0;
	v7 =	vadd.f32 v7, v57  }
0xc2: {  	[tilespmem:v34+s24+$0x0] =	vst.idx.msk $0xffff, v41;
	v60 =	vperm.xlane v53, v0;
	v9 =	vadd.f32 v51, v9;
	v6 =	vmul.f32 $1.562500000e-02, v6  }
0xc3: {  	v56 =	vperm.xlane v52, v2;
	v1 =	vadd.f32 v1, v55;
	v58 =	vperm.xlane v7, v2  }
0xc4: {  	[tilespmem:v35+s24+$0x0] =	vst.idx.msk $0xffff, v40;
	v51 =	vadd.f32 v53, v60;
	v9 =	vmul.f32 $1.562500000e-02, v9;
	v60 =	vmul.f32 v6, v6  }
0xc5: {  	v35 =	vadd.f32 v56, v52;
	v59 =	vperm.xlane v5, v0;
	v57 =	vperm.xlane v1, v2  }
0xc6: {  	v7 =	vadd.f32 v58, v7;
	v58 =	vperm.xlane v8, v2;
	v9 =	vsub.f32 v9, v60  }
0xc7: {  	v5 =	vadd.f32 v5, v59;
	v53 =	vperm.xlane v35, v3;
	v1 =	vadd.f32 v57, v1  }
0xc8: {  	[tilespmem:v31+s24+$0x0] =	vst.idx.msk $0xffff, v38;
	v59 =	vperm.xlane v51, v2;
	v8 =	vadd.f32 v58, v8;
	v9 =	vadd.f32 $9.999999740e-06, v9  }
0xc9: {  	v31 =	vperm.xlane v7, v3;
	v58 =	vadd.f32 v53, v35;
	v27 =	vsub.f32 v27, v6  }
0xca: {  	[tilespmem:v33+s24+$0x0] =	vst.idx.msk $0xffff, v39;
	v28 =	vsub.f32 v28, v6;
	v55 =	vshrl.u32 v9, $0x1;
	v9 =	vmul.f32 $5.000000000e-01, v9  }
0xcb: {  	[tilespmem:v32+s24+$0x0] =	vst.idx.msk $0xffff, v54;
	v60 =	vperm.xlane v5, v2;
	v52 =	vadd.f32 v59, v51;
	v56 =	vsub.s32 $0x5F3759DF, v55  }
0xcc: {  	v7 =	vadd.f32 v31, v7;
	v31 =	vperm.xlane v1, v3;
	v59 =	vmul.f32 v56, v9  }
0xcd: {  	v29 =	vsub.f32 v29, v6;
	v57 =	vperm.xlane v8, v3;
	v5 =	vadd.f32 v60, v5  }
0xce: {  	v60 =	vperm.xlane v52, v3;
	v1 =	vadd.f32 v31, v1;
	v35 =	vmul.f32 v56, v59  }
0xcf: {  	v8 =	vadd.f32 v57, v8;
	v51 =	vperm.xlane v7, v4;
	v31 =	vperm.xlane v5, v3  }
0xd0: {  	[tilespmem:v30+s24+$0x0] =	vst.idx.msk $0xffff, v50;
	v38 =	vadd.f32 v60, v52;
	v52 =	vperm.xlane v58, v4;
	v53 =	vsub.f32 $1.500000000e+00, v35  }
0xd1: {  	v7 =	vadd.f32 v51, v7;
	v30 =	vperm.xlane v8, v4;
	v5 =	vadd.f32 v31, v5  }
0xd2: {  	v31 =	vperm.xlane v1, v4;
	v34 =	vadd.f32 v52, v58;
	v33 =	vmul.f32 v56, v53  }
0xd3: {  	v54 =	vperm.xlane v38, v4;
	v8 =	vadd.f32 v30, v8;
	v7 =	vmul.f32 $1.562500000e-02, v7  }
0xd4: {  	v1 =	vadd.f32 v31, v1;
	v31 =	vperm.xlane v5, v4;
	v9 =	vmul.f32 v33, v9  }
0xd5: {  	v6 =	vsub.f32 v26, v6;
	v34 =	vmul.f32 $1.562500000e-02, v34;
	v8 =	vmul.f32 $1.562500000e-02, v8  }
0xd6: {  	v61 =	vld [tilespmem:$0x1FFD0];
	v30 =	vsub.f32 v49, v7;
	v35 =	vadd.f32 v54, v38;
	v9 =	vmul.f32 v9, v33  }
0xd7: {  	v63 =	vld [tilespmem:$0x1FFF0];
	v55 =	vmul.f32 v7, v7;
	v32 =	vsub.f32 v37, v7;
	v5 =	vadd.f32 v31, v5  }
0xd8: {  	v62 =	vld [tilespmem:$0x1FFE0];
	v1 =	vmul.f32 $1.562500000e-02, v1;
	v35 =	vmul.f32 $1.562500000e-02, v35;
	v9 =	vsub.f32 $1.500000000e+00, v9  }
0xd9: {  	v51 =	vld [tilespmem:$0x1FFA0];
	v8 =	vsub.f32 v8, v55;
	v56 =	vmul.f32 v34, v34;
	v5 =	vmul.f32 $1.562500000e-02, v5  }
0xda: {  	s8 =	sadd.s32 $0x3, s2;
	v52 =	vld [tilespmem:$0x1FFB0];
	v31 =	vsub.f32 v36, v7;
	v57 =	vmul.f32 v1, v1;
	v9 =	vmul.f32 v9, v33  }
0xdb: {  	v58 =	vmov s8;
	v8 =	vadd.f32 $9.999999740e-06, v8;
	v53 =	vld [tilespmem:$0x1FFC0];
	v35 =	vsub.f32 v35, v56  }
0xdc: {  	v5 =	vsub.f32 v5, v57;
	v33 =	vand.u32 $0x7F, v58;
	v27 =	vmul.f32 v9, v27  }
0xdd: {  	v41 =	vshrl.u32 v8, $0x1;
	v59 =	vadd.s32 v61, v33;
	v28 =	vmul.f32 v9, v28  }
0xde: {  	v29 =	vmul.f32 v9, v29;
	v26 =	vmul.f32 v27, v51;
	v27 =	vadd.s32 v62, v33  }
0xdf: {  	v60 =	vadd.s32 v63, v33;
	v6 =	vmul.f32 v9, v6;
	v28 =	vmul.f32 v28, v52  }
0xe0: {  	v9 =	vadd.f32 v26, v12;
	v26 =	vmul.f32 v29, v53;
	v29 =	vadd.s32 v10, v33  }
0xe1: {  	v40 =	vadd.f32 $9.999999740e-06, v35;
	v6 =	vmul.f32 v6, v11;
	v28 =	vadd.f32 v28, v13  }
0xe2: {  	v8 =	vmul.f32 $5.000000000e-01, v8;
	v5 =	vadd.f32 $9.999999740e-06, v5;
	[tilespmem:v59+s24+$0x0] =	vst.idx.msk $0xffff, v9;
	v9 =	vadd.f32 v26, v14  }
0xe3: {  	v6 =	vadd.f32 v6, v15;
	v26 =	vshrl.u32 v40, $0x1;
	[tilespmem:v27+s24+$0x0] =	vst.idx.msk $0xffff, v28;
	v27 =	vmul.f32 $5.000000000e-01, v40  }
0xe4: {  	v28 =	vshrl.u32 v5, $0x1;
	v5 =	vmul.f32 $5.000000000e-01, v5;
	[tilespmem:v60+s24+$0x0] =	vst.idx.msk $0xffff, v9;
	v9 =	vsub.s32 $0x5F3759DF, v41  }
0xe5: {  	v26 =	vsub.s32 $0x5F3759DF, v26;
	v28 =	vsub.s32 $0x5F3759DF, v28;
	[tilespmem:v29+s24+$0x0] =	vst.idx.msk $0xffff, v6;
	v6 =	vmul.f32 v9, v8  }
0xe6: {  	v7 =	vsub.f32 v24, v7;
	v24 =	vmul.f32 v26, v27;
	v49 =	vmul.f32 v28, v5  }
0xe7: {  	v22 =	vadd.f32 v22, v12;
	v20 =	vadd.f32 v20, v13;
	v6 =	vmul.f32 v9, v6  }
0xe8: {  	v21 =	vadd.f32 v21, v14;
	v24 =	vmul.f32 v26, v24;
	v33 =	vmul.f32 v28, v49  }
0xe9: {  	v19 =	vadd.f32 v19, v15;
	[tilespmem:v18+s24+$0x0] =	vst.idx.msk $0xffff, v23;
	v6 =	vsub.f32 $1.500000000e+00, v6  }
0xea: {  	[tilespmem:v17+s24+$0x0] =	vst.idx.msk $0xffff, v22;
	v24 =	vsub.f32 $1.500000000e+00, v24;
	v33 =	vsub.f32 $1.500000000e+00, v33  }
0xeb: {  	v36 =	vadd.s32 v62, v16;
	v25 =	vsub.f32 v25, v34;
	v6 =	vmul.f32 v9, v6  }
0xec: {  	v50 =	vsub.f32 v43, v34;
	v9 =	vmul.f32 v26, v24;
	v26 =	vmul.f32 v28, v33  }
0xed: {  	v54 =	vsub.f32 v44, v34;
	v56 =	vadd.s32 v63, v16;
	v8 =	vmul.f32 v6, v8  }
0xee: {  	v16 =	vadd.s32 v10, v16;
	v27 =	vmul.f32 v9, v27;
	v5 =	vmul.f32 v26, v5  }
0xef: {  	v55 =	vsub.f32 v47, v1;
	v57 =	vsub.f32 v46, v1;
	v8 =	vmul.f32 v8, v6  }
0xf0: {  	s18 =	sadd.s32 $0x2, s2;
	v29 =	vsub.f32 v42, v34;
	v27 =	vmul.f32 v27, v9;
	v5 =	vmul.f32 v5, v26  }
0xf1: {  	v17 =	vmov s18;
	[tilespmem:v36+s24+$0x0] =	vst.idx.msk $0xffff, v20;
	v24 =	vsub.f32 v45, v1;
	v8 =	vsub.f32 $1.500000000e+00, v8  }
0xf2: {  	[tilespmem:v56+s24+$0x0] =	vst.idx.msk $0xffff, v21;
	v28 =	vmov s2;
	v23 =	vsub.f32 $1.500000000e+00, v27;
	v5 =	vsub.f32 $1.500000000e+00, v5  }
0xf3: {  	[tilespmem:v16+s24+$0x0] =	vst.idx.msk $0xffff, v19;
	v1 =	vsub.f32 v48, v1;
	v18 =	vand.u32 $0x7C, v28;
	v6 =	vmul.f32 v8, v6  }
0xf4: {  	v58 =	vadd.s32 v61, v18;
	v8 =	vmul.f32 v23, v9;
	v5 =	vmul.f32 v5, v26  }
0xf5: {  	s16 =	sadd.s32 $0x1, s2;
	v34 =	vadd.s32 v62, v18;
	v19 =	vmul.f32 v6, v30;
	v20 =	vmul.f32 v6, v31  }
0xf6: {  	v9 =	vmov s16;
	v21 =	vmul.f32 v6, v32;
	v6 =	vmul.f32 v6, v7  }
0xf7: {  	v7 =	vand.u32 $0x7D, v9;
	v9 =	vmul.f32 v8, v25;
	v22 =	vmul.f32 v8, v29  }
0xf8: {  	s13 =	sadd.s32 $0x100, s13;
	v35 =	vadd.s32 v63, v18;
	v23 =	vmul.f32 v8, v50;
	v8 =	vmul.f32 v8, v54  }
0xf9: {  	v28 =	vld [tilespmem:s13+$0x50];
	v31 =	vadd.s32 v10, v18;
	v25 =	vmul.f32 v5, v55;
	v59 =	vmul.f32 v5, v57  }
0xfa: {  	v27 =	vld [tilespmem:s13+$0x40];
	v60 =	vmul.f32 v5, v24;
	v1 =	vmul.f32 v5, v1;
	v33 =	vadd.s32 v61, v7  }
0xfb: {  	v32 =	vadd.s32 v62, v7;
	v30 =	vadd.s32 v63, v7;
	v5 =	vmul.f32 v19, v51  }
0xfc: {  	v18 =	vadd.s32 v10, v7;
	v19 =	vmul.f32 v20, v52;
	v7 =	vmul.f32 v21, v53  }
0xfd: {  	p0 =	slt.u32 s15, $0x7C;
	v37 =	vld [tilespmem:s13+$0xFFFFFFA0];
	v16 =	vand.u32 $0x7E, v17;
	v6 =	vmul.f32 v6, v11;
	v9 =	vmul.f32 v9, v51  }
.Ltmp0:
0xfe: {  	v36 =	vld [tilespmem:s13+$0xFFFFFF90];
	v17 =	vadd.s32 v61, v16;
	v50 =	vmul.f32 v22, v52;
	v49 =	vmul.f32 v23, v53;
	(pc) =	sbr.rel @p0 .LBB2_3-.Ltmp0, $4  }
0xff: {  	v26 =	vld [tilespmem:s13+$0x70];
	v45 =	vadd.f32 v28, v27;
	v23 =	vmul.f32 v8, v11;
	v22 =	vmul.f32 v25, v51  }
0x100: {  	v29 =	vld [tilespmem:s13+$0x60];
	v20 =	vmul.f32 v59, v52;
	v5 =	vadd.f32 v5, v12;
	v41 =	vadd.f32 v19, v13  }
0x101: {  	v24 =	vld [tilespmem:s13+$0xFFFFFFB0];
	v21 =	vmul.f32 v60, v53;
	v40 =	vadd.f32 v7, v14;
	v38 =	vadd.f32 v6, v15  }
0x102: {  	s2 =	smov.u32 s15;
	s15 =	sadd.s32 $0x4, s15;
	v25 =	vld [tilespmem:s13+$0xFFFFFFC0];
	v19 =	vmul.f32 v1, v11;
	v39 =	vadd.f32 v9, v12;
	[tilespmem:v58+s24+$0x0] =	vst.idx.msk $0xffff, v5  }
0x103: {  	v48 =	vld [tilespmem:s13+$0xFFFFFFD0]  }
0x104: {  	v5 =	vmul.f32 v27, v27;
	v47 =	vld [tilespmem:s13+$0xFFFFFFE0]  }
0x105: {  	v6 =	vmul.f32 v28, v28;
	v46 =	vld [tilespmem:s13+$0xFFFFFFF0];
	v50 =	vadd.f32 v50, v13;
	v23 =	vadd.f32 v23, v15  }
0x106: {  	v9 =	vmul.f32 v36, v36;
	v44 =	vld [tilespmem:s13+$0x0];
	v20 =	vadd.f32 v20, v13;
	v1 =	vadd.f32 v26, v29  }
0x107: {  	v43 =	vld [tilespmem:s13+$0x10];
	v8 =	vmul.f32 v26, v26;
	v7 =	vmul.f32 v29, v29;
	v5 =	vadd.f32 v6, v5  }
0x108: {  	v54 =	vld [tilespmem:s13+$0xFFFFFF80];
	v59 =	vmul.f32 v24, v24;
	v51 =	vadd.f32 v24, v37;
	v1 =	vadd.f32 v1, v45  }
0x109: {  	v6 =	vadd.f32 v8, v7;
	v7 =	vmul.f32 v37, v37;
	v52 =	vmul.f32 v25, v25  }
0x10a: {  	v53 =	vadd.f32 v48, v25;
	v60 =	vmul.f32 v48, v48;
	v55 =	vmul.f32 v47, v47  }
0x10b: {  	v56 =	vadd.f32 v46, v47;
	v5 =	vadd.f32 v6, v5;
	v6 =	vperm.xlane v1, v0  }
0x10c: {  	v42 =	vld [tilespmem:s13+$0x20];
	v57 =	vmul.f32 v44, v44;
	v58 =	vadd.f32 v43, v44;
	v7 =	vadd.f32 v59, v7  }
0x10d: {  	v45 =	vld [tilespmem:s13+$0x30];
	v59 =	vadd.f32 v36, v54;
	v1 =	vadd.f32 v1, v6;
	v6 =	vperm.xlane v5, v0  }
0x10e: {  	v8 =	vadd.f32 v60, v52;
	v52 =	vmul.f32 v46, v46;
	v53 =	vadd.f32 v56, v53  }
0x10f: {  	v56 =	vmul.f32 v43, v43;
	v5 =	vadd.f32 v5, v6;
	v6 =	vperm.xlane v1, v2  }
0x110: {  	v51 =	vadd.f32 v51, v59;
	v52 =	vadd.f32 v52, v55;
	v55 =	vmul.f32 v54, v54  }
0x111: {  	v59 =	vmul.f32 v42, v42;
	v1 =	vadd.f32 v6, v1;
	v6 =	vperm.xlane v5, v2  }
0x112: {  	v60 =	vadd.f32 v45, v42;
	v9 =	vadd.f32 v9, v55;
	v55 =	vmul.f32 v45, v45  }
0x113: {  	v56 =	vadd.f32 v56, v57;
	v5 =	vadd.f32 v6, v5;
	v6 =	vperm.xlane v1, v3  }
0x114: {  	v58 =	vadd.f32 v60, v58;
	v55 =	vadd.f32 v55, v59  }
0x115: {  	v19 =	vadd.f32 v19, v15;
	v1 =	vadd.f32 v6, v1;
	v6 =	vperm.xlane v5, v3  }
0x116: {  	v8 =	vadd.f32 v52, v8;
	v52 =	vadd.f32 v55, v56;
	v55 =	vperm.xlane v58, v0  }
0x117: {  	v5 =	vadd.f32 v6, v5;
	v6 =	vperm.xlane v51, v0;
	v60 =	vperm.xlane v1, v4  }
0x118: {  	v57 =	vperm.xlane v53, v0;
	v7 =	vadd.f32 v7, v9;
	v55 =	vadd.f32 v58, v55  }
0x119: {  	v56 =	vperm.xlane v5, v4;
	v6 =	vadd.f32 v51, v6;
	v1 =	vadd.f32 v60, v1  }
0x11a: {  	v60 =	vperm.xlane v7, v0;
	v51 =	vadd.f32 v53, v57;
	v53 =	vperm.xlane v8, v0  }
0x11b: {  	v5 =	vadd.f32 v56, v5;
	v1 =	vmul.f32 $1.562500000e-02, v1;
	v56 =	vperm.xlane v6, v2  }
0x11c: {  	v7 =	vadd.f32 v7, v60;
	v60 =	vperm.xlane v52, v0;
	v57 =	vperm.xlane v51, v2  }
0x11d: {  	v8 =	vadd.f32 v8, v53;
	v5 =	vmul.f32 $1.562500000e-02, v5;
	v53 =	vmul.f32 v1, v1  }
0x11e: {  	v9 =	vadd.f32 v52, v60;
	v52 =	vperm.xlane v55, v2;
	v6 =	vadd.f32 v56, v6  }
0x11f: {  	v60 =	vperm.xlane v7, v2;
	v51 =	vadd.f32 v57, v51;
	v56 =	vadd.f32 v49, v14  }
0x120: {  	v5 =	vsub.f32 v5, v53;
	v53 =	vperm.xlane v8, v2;
	v52 =	vadd.f32 v52, v55  }
0x121: {  	v55 =	vperm.xlane v9, v2;
	v7 =	vadd.f32 v60, v7;
	v60 =	vperm.xlane v6, v3  }
0x122: {  	v5 =	vadd.f32 $9.999999740e-06, v5;
	v8 =	vadd.f32 v53, v8;
	v53 =	vperm.xlane v51, v3  }
0x123: {  	v9 =	vadd.f32 v55, v9;
	v6 =	vadd.f32 v60, v6;
	v60 =	vperm.xlane v52, v3  }
0x124: {  	v57 =	vperm.xlane v7, v3;
	v55 =	vshrl.u32 v5, $0x1;
	v5 =	vmul.f32 $5.000000000e-01, v5  }
0x125: {  	v51 =	vadd.f32 v53, v51;
	v58 =	vperm.xlane v8, v3;
	v52 =	vadd.f32 v60, v52  }
0x126: {  	v60 =	vperm.xlane v9, v3;
	v7 =	vadd.f32 v57, v7;
	v55 =	vsub.s32 $0x5F3759DF, v55  }
0x127: {  	v57 =	vperm.xlane v6, v4;
	v53 =	vmul.f32 v55, v5;
	v8 =	vadd.f32 v58, v8  }
0x128: {  	v58 =	vperm.xlane v51, v4;
	v9 =	vadd.f32 v60, v9;
	v60 =	vperm.xlane v52, v4  }
0x129: {  	v6 =	vadd.f32 v57, v6;
	v57 =	vperm.xlane v7, v4;
	v53 =	vmul.f32 v55, v53  }
0x12a: {  	v51 =	vadd.f32 v58, v51;
	v52 =	vadd.f32 v60, v52;
	v60 =	vperm.xlane v8, v4  }
0x12b: {  	v7 =	vadd.f32 v57, v7;
	v6 =	vmul.f32 $1.562500000e-02, v6;
	v53 =	vsub.f32 $1.500000000e+00, v53  }
0x12c: {  	v8 =	vadd.f32 v60, v8;
	v60 =	vperm.xlane v9, v4;
	v51 =	vmul.f32 $1.562500000e-02, v51  }
0x12d: {  	v58 =	vsub.f32 v27, v1;
	v7 =	vmul.f32 $1.562500000e-02, v7;
	v59 =	vmul.f32 v6, v6  }
0x12e: {  	v54 =	vsub.f32 v54, v6;
	v36 =	vsub.f32 v36, v6;
	v53 =	vmul.f32 v55, v53  }
0x12f: {  	v49 =	vmul.f32 $1.562500000e-02, v52;
	v37 =	vsub.f32 v37, v6;
	v6 =	vsub.f32 v24, v6  }
0x130: {  	v9 =	vadd.f32 v60, v9;
	v8 =	vmul.f32 $1.562500000e-02, v8;
	v5 =	vmul.f32 v53, v5  }
0x131: {  	s8 =	sadd.s32 $0x3, s2;
	v7 =	vsub.f32 v7, v59;
	v60 =	vmul.f32 v51, v51;
	v57 =	vmul.f32 v49, v49  }
0x132: {  	v59 =	vmov s8;
	v55 =	vsub.f32 v29, v1;
	v5 =	vmul.f32 v5, v53  }
0x133: {  	[tilespmem:v34+s24+$0x0] =	vst.idx.msk $0xffff, v41;
	v48 =	vsub.f32 v48, v51;
	v9 =	vmul.f32 $1.562500000e-02, v9;
	v8 =	vsub.f32 v8, v60  }
0x134: {  	[tilespmem:v35+s24+$0x0] =	vst.idx.msk $0xffff, v40;
	v52 =	vand.u32 $0x7F, v59;
	v7 =	vadd.f32 $9.999999740e-06, v7;
	v5 =	vsub.f32 $1.500000000e+00, v5  }
0x135: {  	v60 =	vsub.f32 v28, v1;
	v35 =	vadd.s32 v61, v52;
	v9 =	vsub.f32 v9, v57  }
0x136: {  	v41 =	vld [tilespmem:$0x1FFA0];
	v1 =	vsub.f32 v26, v1;
	v8 =	vadd.f32 $9.999999740e-06, v8;
	v5 =	vmul.f32 v5, v53  }
0x137: {  	v57 =	vadd.s32 v62, v52;
	v9 =	vadd.f32 $9.999999740e-06, v9;
	v53 =	vld [tilespmem:$0x1FFB0];
	[tilespmem:v31+s24+$0x0] =	vst.idx.msk $0xffff, v38;
	v31 =	vsub.f32 v46, v51  }
0x138: {  	v38 =	vld [tilespmem:$0x1FFC0];
	[tilespmem:v33+s24+$0x0] =	vst.idx.msk $0xffff, v39;
	v27 =	vmul.f32 v5, v58;
	v58 =	vshrl.u32 v7, $0x1;
	v7 =	vmul.f32 $5.000000000e-01, v7  }
0x139: {  	v39 =	vsub.f32 v25, v51;
	v28 =	vmul.f32 v5, v60;
	v29 =	vmul.f32 v5, v55  }
0x13a: {  	v1 =	vmul.f32 v5, v1;
	v5 =	vadd.s32 v63, v52;
	[tilespmem:v32+s24+$0x0] =	vst.idx.msk $0xffff, v50;
	v34 =	vsub.s32 $0x5F3759DF, v58  }
0x13b: {  	v50 =	vsub.f32 v47, v51;
	v55 =	vadd.f32 v22, v12;
	v60 =	vmul.f32 v34, v7  }
0x13c: {  	v47 =	vsub.f32 v44, v49;
	v58 =	vadd.s32 v10, v52;
	v59 =	vmul.f32 v27, v41  }
0x13d: {  	v52 =	vadd.s32 v63, v16;
	v28 =	vmul.f32 v28, v53;
	v27 =	vmul.f32 v34, v60  }
0x13e: {  	v26 =	vadd.f32 v59, v12;
	v59 =	vshrl.u32 v8, $0x1;
	v8 =	vmul.f32 $5.000000000e-01, v8  }
0x13f: {  	v29 =	vmul.f32 v29, v38;
	v60 =	vsub.s32 $0x5F3759DF, v59;
	v27 =	vsub.f32 $1.500000000e+00, v27  }
0x140: {  	v1 =	vmul.f32 v1, v11;
	v28 =	vadd.f32 v28, v13;
	v32 =	vmul.f32 v60, v8  }
0x141: {  	v29 =	vadd.f32 v29, v14;
	[tilespmem:v35+s24+$0x0] =	vst.idx.msk $0xffff, v26;
	v27 =	vmul.f32 v34, v27  }
0x142: {  	[tilespmem:v57+s24+$0x0] =	vst.idx.msk $0xffff, v28;
	v34 =	vshrl.u32 v9, $0x1;
	v9 =	vmul.f32 $5.000000000e-01, v9;
	v35 =	vmul.f32 v60, v32  }
0x143: {  	[tilespmem:v5+s24+$0x0] =	vst.idx.msk $0xffff, v29;
	v5 =	vadd.s32 v62, v16;
	v26 =	vsub.s32 $0x5F3759DF, v34;
	v7 =	vmul.f32 v27, v7  }
0x144: {  	v1 =	vadd.f32 v1, v15;
	v40 =	vmul.f32 v26, v9;
	v24 =	vsub.f32 $1.500000000e+00, v35  }
0x145: {  	[tilespmem:v30+s24+$0x0] =	vst.idx.msk $0xffff, v56;
	v56 =	vadd.s32 v10, v16;
	v7 =	vmul.f32 v7, v27  }
0x146: {  	[tilespmem:v58+s24+$0x0] =	vst.idx.msk $0xffff, v1;
	v58 =	vmov s2;
	v1 =	vmul.f32 v26, v40;
	v24 =	vmul.f32 v60, v24  }
0x147: {  	[tilespmem:v17+s24+$0x0] =	vst.idx.msk $0xffff, v55;
	v57 =	vadd.f32 v21, v14;
	v59 =	vand.u32 $0x7C, v58;
	v7 =	vsub.f32 $1.500000000e+00, v7  }
0x148: {  	s15 =	sadd.s32 $0x1, s2;
	v30 =	vadd.s32 v62, v59;
	[tilespmem:v5+s24+$0x0] =	vst.idx.msk $0xffff, v20;
	v1 =	vsub.f32 $1.500000000e+00, v1;
	v8 =	vmul.f32 v24, v8  }
0x149: {  	v34 =	vmov s15;
	v33 =	vadd.s32 v63, v59;
	[tilespmem:v52+s24+$0x0] =	vst.idx.msk $0xffff, v57;
	v7 =	vmul.f32 v7, v27  }
0x14a: {  	v52 =	vsub.f32 v42, v49;
	v1 =	vmul.f32 v26, v1;
	v5 =	vmul.f32 v8, v24  }
0x14b: {  	v26 =	vadd.s32 v61, v59;
	v8 =	vadd.s32 v10, v59;
	v60 =	vmul.f32 v7, v54  }
0x14c: {  	[tilespmem:v18+s24+$0x0] =	vst.idx.msk $0xffff, v23;
	v27 =	vmul.f32 v7, v36;
	v9 =	vmul.f32 v1, v9;
	v5 =	vsub.f32 $1.500000000e+00, v5  }
0x14d: {  	[tilespmem:v56+s24+$0x0] =	vst.idx.msk $0xffff, v19;
	v32 =	vmul.f32 v7, v37;
	v6 =	vmul.f32 v7, v6;
	v7 =	vand.u32 $0x7D, v34  }
0x14e: {  	v54 =	vsub.f32 v45, v49;
	v37 =	vadd.s32 v61, v7;
	v18 =	vmul.f32 v60, v41  }
0x14f: {  	v40 =	vadd.s32 v62, v7;
	v46 =	vadd.s32 v63, v7;
	v20 =	vmul.f32 v27, v53  }
0x150: {  	v5 =	vmul.f32 v5, v24;
	v16 =	vmul.f32 v32, v38;
	v18 =	vadd.f32 v18, v12  }
0x151: {  	v9 =	vmul.f32 v9, v1;
	v6 =	vmul.f32 v6, v11;
	v20 =	vadd.f32 v20, v13  }
0x152: {  	v35 =	vmul.f32 v5, v39;
	v16 =	vadd.f32 v16, v14;
	[tilespmem:v26+s24+$0x0] =	vst.idx.msk $0xffff, v18  }
0x153: {  	v36 =	vmul.f32 v5, v48;
	v6 =	vadd.f32 v6, v15;
	[tilespmem:v30+s24+$0x0] =	vst.idx.msk $0xffff, v20  }
0x154: {  	v39 =	vmul.f32 v5, v50;
	v17 =	vmul.f32 v35, v41;
	[tilespmem:v33+s24+$0x0] =	vst.idx.msk $0xffff, v16  }
0x155: {  	v5 =	vmul.f32 v5, v31;
	v18 =	vmul.f32 v36, v53;
	[tilespmem:v8+s24+$0x0] =	vst.idx.msk $0xffff, v6;
	v6 =	vsub.f32 $1.500000000e+00, v9  }
0x156: {  	v7 =	vadd.s32 v10, v7;
	v21 =	vmul.f32 v39, v38;
	v17 =	vadd.f32 v17, v12  }
0x157: {  	s16 =	sadd.s32 $0x2, s2;
	v5 =	vmul.f32 v5, v11;
	v48 =	vadd.f32 v18, v13;
	v1 =	vmul.f32 v6, v1  }
0x158: {  	v50 =	vsub.f32 v43, v49;
	v51 =	vadd.f32 v21, v14;
	[tilespmem:v37+s24+$0x0] =	vst.idx.msk $0xffff, v17;
	v6 =	vmov s16  }
0x159: {  	v5 =	vadd.f32 v5, v15;
	[tilespmem:v40+s24+$0x0] =	vst.idx.msk $0xffff, v48;
	v6 =	vand.u32 $0x7E, v6;
	v55 =	vmul.f32 v1, v47  }
0x15a: {  	[tilespmem:v46+s24+$0x0] =	vst.idx.msk $0xffff, v51;
	v9 =	vmul.f32 v1, v50;
	v56 =	vadd.s32 v61, v6  }
0x15b: {  	v8 =	vmul.f32 v1, v52;
	v58 =	vadd.s32 v62, v6;
	v57 =	vmul.f32 v55, v41  }
0x15c: {  	v1 =	vmul.f32 v1, v54;
	v59 =	vadd.s32 v63, v6;
	v9 =	vmul.f32 v9, v53  }
0x15d: {  	v6 =	vadd.s32 v10, v6;
	v8 =	vmul.f32 v8, v38;
	v60 =	vadd.f32 v57, v12  }
0x15e: {  	s18 =	sshll.u32 s3, $0x14;
	[tilespmem:v7+s24+$0x0] =	vst.idx.msk $0xffff, v5;
	v1 =	vmul.f32 v1, v11;
	v5 =	vadd.f32 v9, v13  }
0x15f: {  	s2 =	sor.u32 s6, s18;
	v7 =	vadd.f32 v8, v14;
	[tilespmem:v56+s24+$0x0] =	vst.idx.msk $0xffff, v60  }
0x160: {  	s13 =	sshrl.u32 s2, $0x3;
	v1 =	vadd.f32 v1, v15;
	[tilespmem:v58+s24+$0x0] =	vst.idx.msk $0xffff, v5  }
0x161: {  	s15 =	simm.s32 $0xE400;
	s2 =	sadd.s32 s7, s13;
	[tilespmem:v59+s24+$0x0] =	vst.idx.msk $0xffff, v7  }
0x162: {  	s18 =	simm.s32 $0xE488;
	s12 =	sadd.s32 $0x0, s2;
	s16 =	simm.s32 $0x200;
	v46 =	vmov v10;
	[tilespmem:v6+s24+$0x0] =	vst.idx.msk $0xffff, v1  }
.LBB2_5:
0x163: {  	[hbm4b:s12+s4] =	stream.linear.scatter [tilespmem:s15], [sflag:$0x5], $0x80, $0x38;
	[tilespmem:$0x12880] =	vst v63  }
0x164: {  	s8 =	smov.u32 s16;
	s15 =	smov.u32 s18;
	p0 =	sne.s32 s16, $0x7E00  }
.Ltmp1:
0x165: {  	s16 =	sadd.s32 $0x200, s16;
	(pc) =	sbr.rel @p0 .LBB2_5-.Ltmp1, $2  }
0x166: {  	_ =	sdelay $0x2  }
0x167: {  	s18 =	sadd.s32 $0x88, s18;
	s12 =	sadd.s32 s8, s2  }
0x168: {  	[hbm4b:s12+s4] =	stream.linear.scatter [tilespmem:s15], [sflag:$0x5], $0x80, $0x38;
	[tilespmem:$0x12880] =	vst v63  }
0x169: {  	p0 =	seq.s32 s3, $0x31  }
0x16a: {  	s2 =	sshll.u32 @!p0 s3, $0x9  }
0x16b: {  	s2 =	sand.u32 @!p0 $0x3FFFFE00, s2  }
0x16c: {  	s12 =	simm.s32 @!p0 $0x20;
	s15 =	simm.s32 @!p0 $0x6400;
	s8 =	sadd.s32 @!p0 $0x200, s2  }
0x16d: {  	[tilespmem:s15], [sflag:$0x1] =	stream.indirect.gather @!p0 [hbm4b:s5+s12], $0x40, s8, s12, $0xb8;
	[tilespmem:$0x12880] =	vst v63  }
0x16e: {  	s8 =	sadd.s32 @!p0 $0x220, s2;
	s15 =	simm.s32 @!p0 $0x6C00  }
0x16f: {  	[tilespmem:s15], [sflag:$0x1] =	stream.indirect.gather @!p0 [hbm4b:s5+s12], $0x40, s8, s12, $0xb8;
	[tilespmem:$0x12880] =	vst v63  }
0x170: {  	s8 =	sadd.s32 @!p0 $0x240, s2;
	s15 =	simm.s32 @!p0 $0x7400  }
0x171: {  	[tilespmem:s15], [sflag:$0x1] =	stream.indirect.gather @!p0 [hbm4b:s5+s12], $0x40, s8, s12, $0xb8;
	[tilespmem:$0x12880] =	vst v63  }
0x172: {  	s8 =	sadd.s32 @!p0 $0x260, s2;
	s15 =	simm.s32 @!p0 $0x7C00  }
0x173: {  	[tilespmem:s15], [sflag:$0x1] =	stream.indirect.gather @!p0 [hbm4b:s5+s12], $0x40, s8, s12, $0xb8;
	[tilespmem:$0x12880] =	vst v63  }
0x174: {  	_ =	swait.ge [sflag:s25], $0x800  }
0x175: {  	[sflag:s25] =	ssyncset.done $0x0  }
0x176: {  	[sflag:s25] =	ssyncadd.s32 $0xFFFFF800  }
0x177: {  	_ =	swait.ge [sflag:s25], $0x800  }
0x178: {  	[sflag:s25] =	ssyncset.done $0x0  }
0x179: {  	[sflag:s25] =	ssyncadd.s32 $0xFFFFF800  }
0x17a: {  	_ =	swait.ge [sflag:s25], $0x800  }
0x17b: {  	[sflag:s25] =	ssyncset.done $0x0  }
0x17c: {  	[sflag:s25] =	ssyncadd.s32 $0xFFFFF800  }
0x17d: {  	_ =	swait.ge [sflag:s25], $0x800  }
0x17e: {  	[sflag:s25] =	ssyncset.done $0x0  }
0x17f: {  	s8 =	simm.s32 @!p1 $0x6;
	[sflag:s25] =	ssyncadd.s32 $0xFFFFF800  }
0x180: {  	_ =	swait.ge @!p1 [sflag:s8], $0x2000  }
0x181: {  	[sflag:s8] =	ssyncset.done @!p1 $0x0  }
0x182: {  	s18 =	simm.s32 $0x8480;
	[sflag:s8] =	ssyncadd.s32 @!p1 $0xFFFFE000  }
0x183: {  	v13 =	vld [tilespmem:s18+$0x40]  }
0x184: {  	v10 =	vld [tilespmem:s18+$0x50]  }
0x185: {  	v11 =	vld [tilespmem:s18+$0x60]  }
0x186: {  	v12 =	vld [tilespmem:s18+$0x70]  }
0x187: {  	v9 =	vld [tilespmem:s18+$0xFFFFFFA0]  }
0x188: {  	v18 =	vld [tilespmem:s18+$0xFFFFFFB0]  }
0x189: {  	v17 =	vld [tilespmem:s18+$0xFFFFFFC0]  }
0x18a: {  	v16 =	vld [tilespmem:s18+$0xFFFFFFD0]  }
0x18b: {  	v19 =	vld [tilespmem:s18+$0xFFFFFFE0]  }
0x18c: {  	v20 =	vld [tilespmem:s18+$0xFFFFFFF0]  }
0x18d: {  	v21 =	vld [tilespmem:s18+$0x0];
	v1 =	vadd.f32 v10, v13  }
0x18e: {  	v23 =	vld [tilespmem:s18+$0x10];
	v5 =	vadd.f32 v12, v11;
	v6 =	vmul.f32 v13, v13;
	v7 =	vmul.f32 v10, v10  }
0x18f: {  	v22 =	vld [tilespmem:s18+$0x20];
	v14 =	vmul.f32 v11, v11;
	v15 =	vmul.f32 v12, v12;
	v25 =	vadd.f32 v18, v9  }
0x190: {  	v24 =	vld [tilespmem:s18+$0x30];
	v26 =	vmul.f32 v17, v17;
	v27 =	vadd.f32 v16, v17;
	v28 =	vmul.f32 v16, v16  }
0x191: {  	v29 =	vmul.f32 v19, v19;
	v30 =	vadd.f32 v20, v19;
	v1 =	vadd.f32 v5, v1  }
0x192: {  	v31 =	vmul.f32 v21, v21;
	v6 =	vadd.f32 v7, v6;
	v7 =	vadd.f32 v15, v14  }
0x193: {  	v32 =	vadd.f32 v23, v21;
	v14 =	vmul.f32 v9, v9;
	v15 =	vmul.f32 v18, v18  }
0x194: {  	v8 =	vld [tilespmem:s18+$0xFFFFFF90];
	v33 =	vmul.f32 v22, v22;
	v6 =	vadd.f32 v7, v6;
	v7 =	vperm.xlane v1, v0  }
0x195: {  	v34 =	vadd.f32 v24, v22;
	v37 =	vmul.f32 v24, v24;
	v14 =	vadd.f32 v15, v14;
	v15 =	vld [tilespmem:s18+$0xFFFFFF80]  }
0x196: {  	v26 =	vadd.f32 v28, v26;
	v1 =	vadd.f32 v1, v7;
	v7 =	vperm.xlane v6, v0  }
0x197: {  	v28 =	vmul.f32 v20, v20;
	v27 =	vadd.f32 v30, v27;
	v30 =	vmul.f32 v23, v23  }
0x198: {  	v32 =	vadd.f32 v34, v32;
	v6 =	vadd.f32 v6, v7;
	v7 =	vperm.xlane v1, v2  }
0x199: {  	v5 =	vmul.f32 v8, v8;
	v28 =	vadd.f32 v28, v29;
	v30 =	vadd.f32 v30, v31  }
0x19a: {  	v36 =	vmul.f32 v15, v15;
	v1 =	vadd.f32 v7, v1;
	v7 =	vperm.xlane v6, v2  }
0x19b: {  	v29 =	vperm.xlane v27, v0;
	v31 =	vadd.f32 v37, v33;
	v35 =	vadd.f32 v8, v15  }
0x19c: {  	v5 =	vadd.f32 v5, v36;
	v6 =	vadd.f32 v7, v6;
	v7 =	vperm.xlane v1, v3  }
0x19d: {  	v27 =	vadd.f32 v27, v29;
	v25 =	vadd.f32 v25, v35  }
0x19e: {  	v5 =	vadd.f32 v14, v5;
	v1 =	vadd.f32 v7, v1;
	v7 =	vperm.xlane v6, v3  }
0x19f: {  	v14 =	vadd.f32 v28, v26;
	v26 =	vadd.f32 v31, v30;
	v28 =	vperm.xlane v32, v0  }
0x1a0: {  	v43 =	vperm.xlane v25, v0;
	v6 =	vadd.f32 v7, v6;
	v7 =	vperm.xlane v1, v4  }
0x1a1: {  	v30 =	vperm.xlane v5, v0;
	v28 =	vadd.f32 v32, v28;
	v29 =	vperm.xlane v26, v0  }
0x1a2: {  	v25 =	vadd.f32 v25, v43;
	v1 =	vadd.f32 v7, v1;
	v7 =	vperm.xlane v6, v4  }
0x1a3: {  	v5 =	vadd.f32 v5, v30;
	v26 =	vadd.f32 v26, v29;
	v29 =	vperm.xlane v28, v2  }
0x1a4: {  	v31 =	vperm.xlane v25, v2;
	v6 =	vadd.f32 v7, v6;
	v1 =	vmul.f32 $1.562500000e-02, v1  }
0x1a5: {  	v28 =	vadd.f32 v29, v28;
	v29 =	vperm.xlane v26, v2;
	v7 =	vperm.xlane v14, v0  }
0x1a6: {  	v25 =	vadd.f32 v31, v25;
	v6 =	vmul.f32 $1.562500000e-02, v6;
	v30 =	vmul.f32 v1, v1  }
0x1a7: {  	v26 =	vadd.f32 v29, v26;
	v7 =	vadd.f32 v14, v7;
	v14 =	vperm.xlane v27, v2  }
0x1a8: {  	v29 =	vperm.xlane v28, v3;
	v13 =	vsub.f32 v13, v1;
	v6 =	vsub.f32 v6, v30  }
0x1a9: {  	v30 =	vperm.xlane v5, v2;
	v14 =	vadd.f32 v14, v27;
	v27 =	vperm.xlane v7, v2  }
0x1aa: {  	v28 =	vadd.f32 v29, v28;
	v6 =	vadd.f32 $9.999999740e-06, v6  }
0x1ab: {  	v5 =	vadd.f32 v30, v5;
	v30 =	vperm.xlane v25, v3;
	v7 =	vadd.f32 v27, v7  }
0x1ac: {  	v31 =	vperm.xlane v14, v3;
	v27 =	vshrl.u32 v6, $0x1;
	v6 =	vmul.f32 $5.000000000e-01, v6  }
0x1ad: {  	v25 =	vadd.f32 v30, v25;
	v44 =	vperm.xlane v5, v3;
	v27 =	vsub.s32 $0x5F3759DF, v27  }
0x1ae: {  	v14 =	vadd.f32 v31, v14;
	v31 =	vperm.xlane v7, v3;
	v30 =	vmul.f32 v27, v6  }
0x1af: {  	v29 =	vperm.xlane v26, v3;
	v5 =	vadd.f32 v44, v5;
	v45 =	vperm.xlane v25, v4  }
0x1b0: {  	v7 =	vadd.f32 v31, v7;
	v31 =	vperm.xlane v14, v4;
	v30 =	vmul.f32 v27, v30  }
0x1b1: {  	v26 =	vadd.f32 v29, v26;
	v25 =	vadd.f32 v45, v25;
	v47 =	vperm.xlane v5, v4  }
0x1b2: {  	v14 =	vadd.f32 v31, v14;
	v31 =	vperm.xlane v7, v4;
	v29 =	vsub.f32 $1.500000000e+00, v30  }
0x1b3: {  	v30 =	vperm.xlane v28, v4;
	v5 =	vadd.f32 v47, v5;
	v25 =	vmul.f32 $1.562500000e-02, v25  }
0x1b4: {  	v7 =	vadd.f32 v31, v7;
	v27 =	vmul.f32 v27, v29;
	v29 =	vperm.xlane v26, v4  }
0x1b5: {  	v28 =	vadd.f32 v30, v28;
	v30 =	vmul.f32 $1.562500000e-02, v14;
	v5 =	vmul.f32 $1.562500000e-02, v5  }
0x1b6: {  	v48 =	vsub.f32 v9, v25;
	v7 =	vmul.f32 $1.562500000e-02, v7;
	v18 =	vsub.f32 v18, v25  }
0x1b7: {  	v6 =	vmul.f32 v27, v6;
	v14 =	vadd.f32 v29, v26;
	v26 =	vsub.f32 v15, v25  }
0x1b8: {  	v15 =	vmul.f32 v25, v25;
	v29 =	vsub.f32 v8, v25;
	v31 =	vmul.f32 v30, v30  }
0x1b9: {  	v17 =	vsub.f32 v17, v30;
	v16 =	vsub.f32 v16, v30;
	v6 =	vmul.f32 v6, v27  }
0x1ba: {  	v28 =	vmul.f32 $1.562500000e-02, v28;
	v5 =	vsub.f32 v5, v15;
	v7 =	vsub.f32 v7, v31  }
0x1bb: {  	v14 =	vmul.f32 $1.562500000e-02, v14;
	v15 =	vsub.f32 v10, v1;
	v6 =	vsub.f32 $1.500000000e+00, v6  }
0x1bc: {  	v49 =	vmul.f32 v28, v28;
	v31 =	vsub.f32 v11, v1;
	v5 =	vadd.f32 $9.999999740e-06, v5  }
0x1bd: {  	v1 =	vsub.f32 v12, v1;
	v21 =	vsub.f32 v21, v28;
	v6 =	vmul.f32 v6, v27  }
0x1be: {  	v23 =	vsub.f32 v23, v28;
	v54 =	vshrl.u32 v5, $0x1;
	v5 =	vmul.f32 $5.000000000e-01, v5  }
0x1bf: {  	v10 =	vld [tilespmem:$0x12820];
	v14 =	vsub.f32 v14, v49;
	v13 =	vmul.f32 v6, v13;
	v15 =	vmul.f32 v6, v15  }
0x1c0: {  	v31 =	vmul.f32 v6, v31;
	v1 =	vmul.f32 v6, v1;
	v6 =	vadd.f32 $9.999999740e-06, v7  }
0x1c1: {  	v22 =	vsub.f32 v22, v28;
	v37 =	vsub.s32 $0x5F3759DF, v54;
	v7 =	vadd.f32 $9.999999740e-06, v14  }
0x1c2: {  	v24 =	vsub.f32 v24, v28;
	v14 =	vld [tilespmem:$0x12860];
	v40 =	vmul.f32 v37, v5;
	v38 =	vshrl.u32 v6, $0x1  }
0x1c3: {  	v6 =	vmul.f32 $5.000000000e-01, v6;
	v39 =	vshrl.u32 v7, $0x1;
	v7 =	vmul.f32 $5.000000000e-01, v7  }
0x1c4: {  	s15 =	simm.s32 $0x0;
	v31 =	vmul.f32 v31, v10;
	v38 =	vsub.s32 $0x5F3759DF, v38;
	v39 =	vsub.s32 $0x5F3759DF, v39  }
0x1c5: {  	v8 =	vld [tilespmem:$0x12800];
	v28 =	vmov s15;
	v41 =	vmul.f32 v38, v6;
	v55 =	vmul.f32 v39, v7  }
0x1c6: {  	v19 =	vsub.f32 v19, v30;
	v28 =	vand.u32 $0x7C, v28;
	v40 =	vmul.f32 v37, v40  }
0x1c7: {  	v9 =	vld [tilespmem:$0x12810];
	v43 =	vadd.f32 v31, v14;
	v41 =	vmul.f32 v38, v41;
	v31 =	vmul.f32 v39, v55  }
0x1c8: {  	v20 =	vsub.f32 v20, v30;
	v59 =	vadd.s32 v61, v28;
	v56 =	vsub.f32 $1.500000000e+00, v40  }
0x1c9: {  	s12 =	simm.s32 $0x3;
	v11 =	vld [tilespmem:$0x12830];
	v34 =	vadd.s32 v62, v28;
	v57 =	vsub.f32 $1.500000000e+00, v41;
	v25 =	vsub.f32 $1.500000000e+00, v31  }
0x1ca: {  	v12 =	vld [tilespmem:$0x12840];
	v27 =	vmov s12;
	v51 =	vmul.f32 v13, v8;
	v31 =	vmul.f32 v37, v56  }
0x1cb: {  	v27 =	vand.u32 $0x7F, v27;
	v13 =	vld [tilespmem:$0x12850];
	v58 =	vmul.f32 v38, v57;
	v25 =	vmul.f32 v39, v25  }
0x1cc: {  	v50 =	vadd.s32 v61, v27;
	v53 =	vmul.f32 v15, v9;
	v5 =	vmul.f32 v31, v5  }
0x1cd: {  	v52 =	vadd.s32 v62, v27;
	v15 =	vld [tilespmem:$0x12870];
	v6 =	vmul.f32 v58, v6;
	v7 =	vmul.f32 v25, v7  }
0x1ce: {  	v44 =	vadd.s32 v63, v27;
	v27 =	vadd.s32 v46, v27;
	v5 =	vmul.f32 v5, v31  }
0x1cf: {  	v42 =	vadd.f32 v51, v12;
	v6 =	vmul.f32 v6, v58;
	v7 =	vmul.f32 v7, v25  }
0x1d0: {  	v1 =	vmul.f32 v1, v11;
	v36 =	vadd.f32 v53, v13;
	v5 =	vsub.f32 $1.500000000e+00, v5  }
0x1d1: {  	s16 =	simm.s32 $0x1;
	v35 =	vadd.s32 v63, v28;
	[tilespmem:v50+s26+$0x0] =	vst.idx.msk $0xffff, v42;
	v6 =	vsub.f32 $1.500000000e+00, v6;
	v7 =	vsub.f32 $1.500000000e+00, v7  }
0x1d2: {  	v30 =	vmov s16;
	v1 =	vadd.f32 v1, v15;
	[tilespmem:v52+s26+$0x0] =	vst.idx.msk $0xffff, v36;
	v5 =	vmul.f32 v5, v31  }
0x1d3: {  	s18 =	simm.s32 $0x2;
	v31 =	vadd.s32 v46, v28;
	v6 =	vmul.f32 v6, v58;
	v7 =	vmul.f32 v7, v25  }
0x1d4: {  	[tilespmem:v44+s26+$0x0] =	vst.idx.msk $0xffff, v43;
	v25 =	vmov s18;
	v26 =	vmul.f32 v5, v26;
	v29 =	vmul.f32 v5, v29  }
0x1d5: {  	s16 =	simm.s32 $0x8580;
	[tilespmem:v27+s26+$0x0] =	vst.idx.msk $0xffff, v1;
	v60 =	vmul.f32 v5, v48;
	v5 =	vmul.f32 v5, v18;
	v18 =	vand.u32 $0x7D, v30  }
0x1d6: {  	v27 =	vld [tilespmem:s16+$0x40];
	v33 =	vadd.s32 v61, v18;
	v1 =	vmul.f32 v6, v17;
	v37 =	vmul.f32 v6, v16  }
0x1d7: {  	v28 =	vld [tilespmem:s16+$0x50];
	v32 =	vadd.s32 v62, v18;
	v19 =	vmul.f32 v6, v19;
	v6 =	vmul.f32 v6, v20  }
0x1d8: {  	v30 =	vadd.s32 v63, v18;
	v20 =	vmul.f32 v7, v21;
	v21 =	vmul.f32 v7, v23  }
0x1d9: {  	v16 =	vand.u32 $0x7E, v25;
	v25 =	vmul.f32 v7, v22;
	v7 =	vmul.f32 v7, v24  }
0x1da: {  	v36 =	vld [tilespmem:s16+$0xFFFFFF90];
	v18 =	vadd.s32 v46, v18;
	v22 =	vmul.f32 v26, v8;
	v23 =	vmul.f32 v29, v9  }
0x1db: {  	v29 =	vld [tilespmem:s16+$0x60];
	v24 =	vmul.f32 v60, v10;
	v5 =	vmul.f32 v5, v11;
	v17 =	vadd.s32 v61, v16  }
0x1dc: {  	v26 =	vld [tilespmem:s16+$0x70];
	v45 =	vadd.f32 v28, v27;
	v63 =	vadd.f32 v22, v12;
	v1 =	vmul.f32 v1, v8  }
0x1dd: {  	v50 =	vmul.f32 v37, v9;
	v41 =	vadd.f32 v23, v13;
	v49 =	vmul.f32 v19, v10;
	v37 =	vld [tilespmem:s16+$0xFFFFFFA0];
	[tilespmem:$0x1FF70] =	vst v8  }
0x1de: {  	v23 =	vmul.f32 v6, v11;
	v40 =	vadd.f32 v24, v14;
	v22 =	vmul.f32 v20, v8;
	[tilespmem:$0x1FF80] =	vst v9  }
0x1df: {  	v20 =	vmul.f32 v21, v9;
	v38 =	vadd.f32 v5, v15;
	v21 =	vmul.f32 v25, v10;
	v24 =	vld [tilespmem:s16+$0xFFFFFFB0];
	[tilespmem:$0x1FF90] =	vst v10  }
0x1e0: {  	s15 =	simm.s32 $0x4;
	s18 =	simm.s32 $0x8;
	v19 =	vmul.f32 v7, v11;
	v10 =	vmov v46;
	v25 =	vld [tilespmem:s16+$0xFFFFFFC0];
	[tilespmem:v59+s26+$0x0] =	vst.idx.msk $0xffff, v63;
	v39 =	vadd.f32 v1, v12  }
.LBB2_7:
0x1e1: {  	v42 =	vld [tilespmem:s16+$0xFFFFFFD0]  }
0x1e2: {  	v5 =	vmul.f32 v27, v27;
	v6 =	vmul.f32 v28, v28;
	v43 =	vld [tilespmem:s16+$0xFFFFFFE0];
	v51 =	vadd.f32 v50, v13  }
0x1e3: {  	v44 =	vld [tilespmem:s16+$0xFFFFFFF0];
	v1 =	vadd.f32 v26, v29;
	v7 =	vmul.f32 v29, v29;
	v46 =	vmul.f32 v26, v26  }
0x1e4: {  	v47 =	vld [tilespmem:s16+$0x0];
	v50 =	vadd.f32 v49, v14;
	v5 =	vadd.f32 v6, v5;
	v52 =	vmul.f32 v36, v36  }
0x1e5: {  	v49 =	vld [tilespmem:s16+$0xFFFFFF80];
	v48 =	vmul.f32 v37, v37;
	v1 =	vadd.f32 v1, v45;
	v6 =	vadd.f32 v46, v7  }
0x1e6: {  	v53 =	vmul.f32 v24, v24;
	v54 =	vmul.f32 v25, v25  }
0x1e7: {  	v55 =	vadd.f32 v42, v25;
	v5 =	vadd.f32 v6, v5;
	v6 =	vperm.xlane v1, v0  }
0x1e8: {  	v56 =	vmul.f32 v42, v42;
	v57 =	vmul.f32 v43, v43;
	v58 =	vadd.f32 v44, v43  }
0x1e9: {  	v7 =	vadd.f32 v24, v37;
	v1 =	vadd.f32 v1, v6;
	v6 =	vperm.xlane v5, v0  }
0x1ea: {  	v59 =	vmul.f32 v47, v47;
	v46 =	vld [tilespmem:s16+$0x10];
	v53 =	vadd.f32 v53, v48;
	v63 =	vadd.f32 v36, v49  }
0x1eb: {  	v45 =	vld [tilespmem:s16+$0x20];
	v8 =	vmul.f32 v49, v49;
	v5 =	vadd.f32 v5, v6;
	v6 =	vperm.xlane v1, v2  }
0x1ec: {  	v48 =	vld [tilespmem:s16+$0x30];
	v54 =	vadd.f32 v56, v54;
	v56 =	vmul.f32 v44, v44;
	v55 =	vadd.f32 v58, v55  }
0x1ed: {  	v8 =	vadd.f32 v52, v8;
	v1 =	vadd.f32 v6, v1;
	v6 =	vperm.xlane v5, v2  }
0x1ee: {  	v7 =	vadd.f32 v7, v63;
	v56 =	vadd.f32 v56, v57;
	v52 =	vperm.xlane v55, v0  }
0x1ef: {  	v8 =	vadd.f32 v53, v8;
	v5 =	vadd.f32 v6, v5;
	v6 =	vperm.xlane v1, v3  }
0x1f0: {  	v60 =	vadd.f32 v46, v47;
	v58 =	vmul.f32 v46, v46;
	v61 =	vmul.f32 v45, v45  }
0x1f1: {  	v62 =	vadd.f32 v48, v45;
	v1 =	vadd.f32 v6, v1;
	v6 =	vperm.xlane v5, v3  }
0x1f2: {  	v9 =	vmul.f32 v48, v48;
	v53 =	vadd.f32 v56, v54;
	v52 =	vadd.f32 v55, v52  }
0x1f3: {  	v57 =	vadd.f32 v62, v60;
	v5 =	vadd.f32 v6, v5;
	v6 =	vperm.xlane v1, v4  }
0x1f4: {  	v60 =	vperm.xlane v7, v0;
	v58 =	vadd.f32 v58, v59;
	v9 =	vadd.f32 v9, v61  }
0x1f5: {  	v56 =	vperm.xlane v8, v0;
	v1 =	vadd.f32 v6, v1;
	v6 =	vperm.xlane v5, v4  }
0x1f6: {  	v9 =	vadd.f32 v9, v58;
	v54 =	vperm.xlane v57, v0;
	v7 =	vadd.f32 v7, v60  }
0x1f7: {  	[tilespmem:v34+s26+$0x0] =	vst.idx.msk $0xffff, v41;
	v60 =	vperm.xlane v53, v0;
	v5 =	vadd.f32 v6, v5;
	v1 =	vmul.f32 $1.562500000e-02, v1  }
0x1f8: {  	v6 =	vadd.f32 v8, v56;
	v8 =	vperm.xlane v7, v2;
	v56 =	vperm.xlane v9, v0  }
0x1f9: {  	[tilespmem:v35+s26+$0x0] =	vst.idx.msk $0xffff, v40;
	v54 =	vadd.f32 v57, v54;
	v5 =	vmul.f32 $1.562500000e-02, v5;
	v58 =	vmul.f32 v1, v1  }
0x1fa: {  	v59 =	vperm.xlane v52, v2;
	v57 =	vadd.f32 v53, v60;
	v9 =	vadd.f32 v9, v56  }
0x1fb: {  	v7 =	vadd.f32 v8, v7;
	v8 =	vperm.xlane v6, v2;
	v5 =	vsub.f32 v5, v58  }
0x1fc: {  	v35 =	vadd.f32 v59, v52;
	v60 =	vperm.xlane v54, v2;
	v52 =	vperm.xlane v57, v2  }
0x1fd: {  	[tilespmem:v33+s26+$0x0] =	vst.idx.msk $0xffff, v39;
	v6 =	vadd.f32 v8, v6;
	v8 =	vperm.xlane v9, v2;
	v5 =	vadd.f32 $9.999999740e-06, v5  }
0x1fe: {  	v34 =	vadd.f32 v60, v54;
	v53 =	vadd.f32 v52, v57;
	v54 =	vperm.xlane v35, v3  }
0x1ff: {  	[tilespmem:v31+s26+$0x0] =	vst.idx.msk $0xffff, v38;
	v8 =	vadd.f32 v8, v9;
	v9 =	vshrl.u32 v5, $0x1;
	v5 =	vmul.f32 $5.000000000e-01, v5  }
0x200: {  	[tilespmem:v32+s26+$0x0] =	vst.idx.msk $0xffff, v51;
	v56 =	vadd.f32 v54, v35;
	v31 =	vperm.xlane v7, v3;
	v9 =	vsub.s32 $0x5F3759DF, v9  }
0x201: {  	v28 =	vsub.f32 v28, v1;
	v58 =	vperm.xlane v53, v3;
	v57 =	vmul.f32 v9, v5  }
0x202: {  	v51 =	vperm.xlane v56, v4;
	v7 =	vadd.f32 v31, v7;
	v31 =	vperm.xlane v34, v3  }
0x203: {  	v29 =	vsub.f32 v29, v1;
	v38 =	vadd.f32 v58, v53;
	v35 =	vmul.f32 v9, v57  }
0x204: {  	v55 =	vperm.xlane v6, v3;
	v33 =	vadd.f32 v51, v56;
	v31 =	vadd.f32 v31, v34  }
0x205: {  	v59 =	vperm.xlane v8, v3;
	v60 =	vperm.xlane v7, v4;
	v53 =	vsub.f32 $1.500000000e+00, v35  }
0x206: {  	[tilespmem:v30+s26+$0x0] =	vst.idx.msk $0xffff, v50;
	v6 =	vadd.f32 v55, v6;
	v54 =	vperm.xlane v38, v4;
	v33 =	vmul.f32 $1.562500000e-02, v33  }
0x207: {  	v8 =	vadd.f32 v59, v8;
	v52 =	vperm.xlane v31, v4;
	v9 =	vmul.f32 v9, v53  }
0x208: {  	v7 =	vadd.f32 v60, v7;
	v30 =	vperm.xlane v6, v4;
	v58 =	vmul.f32 v33, v33  }
0x209: {  	v56 =	vadd.f32 v54, v38;
	v55 =	vperm.xlane v8, v4;
	v5 =	vmul.f32 v9, v5  }
0x20a: {  	v31 =	vadd.f32 v52, v31;
	v6 =	vadd.f32 v30, v6;
	v7 =	vmul.f32 $1.562500000e-02, v7  }
0x20b: {  	v63 =	vld [tilespmem:$0x1FFF0];
	v34 =	vmul.f32 $1.562500000e-02, v56;
	v8 =	vadd.f32 v55, v8;
	v5 =	vmul.f32 v5, v9  }
0x20c: {  	v62 =	vld [tilespmem:$0x1FFE0];
	v6 =	vmul.f32 $1.562500000e-02, v6;
	v30 =	vsub.f32 v49, v7;
	v35 =	vmul.f32 $1.562500000e-02, v31  }
0x20d: {  	v61 =	vld [tilespmem:$0x1FFD0];
	v57 =	vmul.f32 v7, v7;
	v31 =	vsub.f32 v36, v7;
	v5 =	vsub.f32 $1.500000000e+00, v5  }
0x20e: {  	v51 =	vld [tilespmem:$0x1FF70];
	v32 =	vsub.f32 v37, v7;
	v8 =	vmul.f32 $1.562500000e-02, v8;
	v59 =	vmul.f32 v35, v35  }
0x20f: {  	s8 =	sadd.s32 $0x3, s15;
	v52 =	vld [tilespmem:$0x1FF80];
	v6 =	vsub.f32 v6, v57;
	v5 =	vmul.f32 v5, v9;
	v9 =	vsub.f32 v27, v1  }
0x210: {  	v34 =	vsub.f32 v34, v58;
	v53 =	vld [tilespmem:$0x1FF90];
	v8 =	vsub.f32 v8, v59;
	v27 =	vmov s8  }
0x211: {  	v6 =	vadd.f32 $9.999999740e-06, v6;
	v27 =	vand.u32 $0x7F, v27;
	v9 =	vmul.f32 v5, v9  }
0x212: {  	v1 =	vsub.f32 v26, v1;
	v41 =	vadd.s32 v61, v27;
	v28 =	vmul.f32 v5, v28  }
0x213: {  	v26 =	vadd.s32 v62, v27;
	v29 =	vmul.f32 v5, v29;
	v9 =	vmul.f32 v9, v51  }
0x214: {  	v49 =	vadd.s32 v63, v27;
	v1 =	vmul.f32 v5, v1;
	v28 =	vmul.f32 v28, v52  }
0x215: {  	v27 =	vadd.s32 v10, v27;
	v5 =	vadd.f32 v9, v12;
	v9 =	vmul.f32 v29, v53  }
0x216: {  	v1 =	vmul.f32 v1, v11;
	v29 =	vadd.f32 $9.999999740e-06, v34;
	v28 =	vadd.f32 v28, v13  }
0x217: {  	v50 =	vshrl.u32 v6, $0x1;
	v8 =	vadd.f32 $9.999999740e-06, v8;
	[tilespmem:v41+s26+$0x0] =	vst.idx.msk $0xffff, v5;
	v5 =	vadd.f32 v9, v14  }
0x218: {  	v6 =	vmul.f32 $5.000000000e-01, v6;
	v1 =	vadd.f32 v1, v15;
	v9 =	vshrl.u32 v29, $0x1;
	[tilespmem:v26+s26+$0x0] =	vst.idx.msk $0xffff, v28  }
0x219: {  	v26 =	vmul.f32 $5.000000000e-01, v29;
	v28 =	vshrl.u32 v8, $0x1;
	[tilespmem:v49+s26+$0x0] =	vst.idx.msk $0xffff, v5;
	v5 =	vsub.s32 $0x5F3759DF, v50  }
0x21a: {  	v8 =	vmul.f32 $5.000000000e-01, v8;
	v9 =	vsub.s32 $0x5F3759DF, v9;
	[tilespmem:v27+s26+$0x0] =	vst.idx.msk $0xffff, v1;
	v1 =	vmul.f32 v5, v6  }
0x21b: {  	v7 =	vsub.f32 v24, v7;
	v28 =	vsub.s32 $0x5F3759DF, v28;
	v24 =	vmul.f32 v9, v26  }
0x21c: {  	v23 =	vadd.f32 v23, v15;
	v29 =	vmul.f32 v28, v8;
	v1 =	vmul.f32 v5, v1  }
0x21d: {  	v22 =	vadd.f32 v22, v12;
	v20 =	vadd.f32 v20, v13;
	v24 =	vmul.f32 v9, v24  }
0x21e: {  	v21 =	vadd.f32 v21, v14;
	v29 =	vmul.f32 v28, v29;
	v1 =	vsub.f32 $1.500000000e+00, v1  }
0x21f: {  	v19 =	vadd.f32 v19, v15;
	v60 =	vadd.s32 v62, v16;
	v24 =	vsub.f32 $1.500000000e+00, v24  }
0x220: {  	[tilespmem:v18+s26+$0x0] =	vst.idx.msk $0xffff, v23;
	v25 =	vsub.f32 v25, v33;
	v29 =	vsub.f32 $1.500000000e+00, v29;
	v1 =	vmul.f32 v5, v1  }
0x221: {  	v54 =	vsub.f32 v43, v33;
	v55 =	vsub.f32 v44, v33;
	v5 =	vmul.f32 v9, v24  }
0x222: {  	v56 =	vsub.f32 v47, v35;
	v24 =	vmul.f32 v28, v29;
	v6 =	vmul.f32 v1, v6  }
0x223: {  	v57 =	vadd.s32 v63, v16;
	v58 =	vsub.f32 v46, v35;
	v26 =	vmul.f32 v5, v26  }
0x224: {  	v16 =	vadd.s32 v10, v16;
	v8 =	vmul.f32 v24, v8;
	v6 =	vmul.f32 v6, v1  }
0x225: {  	v27 =	vsub.f32 v42, v33;
	v9 =	vsub.f32 v45, v35;
	v26 =	vmul.f32 v26, v5  }
0x226: {  	[tilespmem:v17+s26+$0x0] =	vst.idx.msk $0xffff, v22;
	v29 =	vmov s15;
	v8 =	vmul.f32 v8, v24;
	v6 =	vsub.f32 $1.500000000e+00, v6  }
0x227: {  	[tilespmem:v60+s26+$0x0] =	vst.idx.msk $0xffff, v20;
	v28 =	vsub.f32 v48, v35;
	v18 =	vand.u32 $0x7C, v29;
	v23 =	vsub.f32 $1.500000000e+00, v26  }
0x228: {  	[tilespmem:v57+s26+$0x0] =	vst.idx.msk $0xffff, v21;
	v59 =	vadd.s32 v61, v18;
	v8 =	vsub.f32 $1.500000000e+00, v8;
	v1 =	vmul.f32 v6, v1  }
0x229: {  	s12 =	sadd.s32 $0x1, s15;
	v34 =	vadd.s32 v62, v18;
	v35 =	vadd.s32 v63, v18;
	v5 =	vmul.f32 v23, v5  }
0x22a: {  	[tilespmem:v16+s26+$0x0] =	vst.idx.msk $0xffff, v19;
	v6 =	vmov s12;
	s12 =	sadd.s32 $0x2, s15;
	v8 =	vmul.f32 v8, v24;
	v19 =	vmul.f32 v1, v30  }
0x22b: {  	v17 =	vmov s12;
	v20 =	vmul.f32 v1, v31;
	v21 =	vmul.f32 v1, v32  }
0x22c: {  	v6 =	vand.u32 $0x7D, v6;
	v1 =	vmul.f32 v1, v7;
	v7 =	vmul.f32 v5, v25  }
0x22d: {  	v31 =	vadd.s32 v10, v18;
	v22 =	vmul.f32 v5, v27;
	v23 =	vmul.f32 v5, v54  }
0x22e: {  	v33 =	vadd.s32 v61, v6;
	v5 =	vmul.f32 v5, v55;
	v24 =	vmul.f32 v8, v56  }
0x22f: {  	s16 =	sadd.s32 $0x100, s16;
	v32 =	vadd.s32 v62, v6;
	v25 =	vmul.f32 v8, v58;
	v9 =	vmul.f32 v8, v9  }
0x230: {  	v36 =	vld [tilespmem:s16+$0xFFFFFF90];
	v30 =	vadd.s32 v63, v6;
	v8 =	vmul.f32 v8, v28;
	v19 =	vmul.f32 v19, v51  }
0x231: {  	v27 =	vld [tilespmem:s16+$0x40];
	v18 =	vadd.s32 v10, v6;
	v20 =	vmul.f32 v20, v52;
	v6 =	vmul.f32 v21, v53  }
0x232: {  	p1 =	slt.u32 s18, $0x7C;
	v16 =	vand.u32 $0x7E, v17;
	v28 =	vld [tilespmem:s16+$0x50];
	v1 =	vmul.f32 v1, v11;
	v7 =	vmul.f32 v7, v51  }
.Ltmp2:
0x233: {  	v37 =	vld [tilespmem:s16+$0xFFFFFFA0];
	v17 =	vadd.s32 v61, v16;
	v50 =	vmul.f32 v22, v52;
	v49 =	vmul.f32 v23, v53;
	(pc) =	sbr.rel @p1 .LBB2_7-.Ltmp2, $4  }
0x234: {  	v29 =	vld [tilespmem:s16+$0x60];
	v23 =	vmul.f32 v5, v11;
	v22 =	vmul.f32 v24, v51;
	v60 =	vadd.f32 v19, v12  }
0x235: {  	v26 =	vld [tilespmem:s16+$0x70];
	v21 =	vmul.f32 v9, v53;
	v41 =	vadd.f32 v20, v13;
	v40 =	vadd.f32 v6, v14  }
0x236: {  	v24 =	vld [tilespmem:s16+$0xFFFFFFB0];
	v20 =	vmul.f32 v25, v52;
	v38 =	vadd.f32 v1, v15;
	v19 =	vmul.f32 v8, v11  }
0x237: {  	s15 =	smov.u32 s18;
	s18 =	sadd.s32 $0x4, s18;
	v25 =	vld [tilespmem:s16+$0xFFFFFFC0];
	v39 =	vadd.f32 v7, v12;
	v45 =	vadd.f32 v28, v27;
	[tilespmem:v59+s26+$0x0] =	vst.idx.msk $0xffff, v60  }
0x238: {  	v48 =	vld [tilespmem:s16+$0xFFFFFFD0]  }
0x239: {  	v5 =	vmul.f32 v27, v27;
	v47 =	vld [tilespmem:s16+$0xFFFFFFE0]  }
0x23a: {  	v6 =	vmul.f32 v28, v28;
	v46 =	vld [tilespmem:s16+$0xFFFFFFF0];
	v50 =	vadd.f32 v50, v13;
	v23 =	vadd.f32 v23, v15  }
0x23b: {  	v9 =	vmul.f32 v36, v36;
	v44 =	vld [tilespmem:s16+$0x0];
	v20 =	vadd.f32 v20, v13;
	v1 =	vadd.f32 v26, v29  }
0x23c: {  	v43 =	vld [tilespmem:s16+$0x10];
	v7 =	vmul.f32 v29, v29;
	v8 =	vmul.f32 v26, v26;
	v5 =	vadd.f32 v6, v5  }
0x23d: {  	v54 =	vld [tilespmem:s16+$0xFFFFFF80];
	v59 =	vmul.f32 v24, v24;
	v51 =	vadd.f32 v24, v37;
	v1 =	vadd.f32 v1, v45  }
0x23e: {  	v6 =	vadd.f32 v8, v7;
	v7 =	vmul.f32 v37, v37;
	v52 =	vmul.f32 v25, v25  }
0x23f: {  	v53 =	vadd.f32 v48, v25;
	v60 =	vmul.f32 v48, v48;
	v55 =	vmul.f32 v47, v47  }
0x240: {  	v56 =	vadd.f32 v46, v47;
	v5 =	vadd.f32 v6, v5;
	v6 =	vperm.xlane v1, v0  }
0x241: {  	v42 =	vld [tilespmem:s16+$0x20];
	v57 =	vmul.f32 v44, v44;
	v58 =	vadd.f32 v43, v44;
	v7 =	vadd.f32 v59, v7  }
0x242: {  	v45 =	vld [tilespmem:s16+$0x30];
	v59 =	vadd.f32 v36, v54;
	v1 =	vadd.f32 v1, v6;
	v6 =	vperm.xlane v5, v0  }
0x243: {  	v8 =	vadd.f32 v60, v52;
	v52 =	vmul.f32 v46, v46;
	v53 =	vadd.f32 v56, v53  }
0x244: {  	v56 =	vmul.f32 v43, v43;
	v5 =	vadd.f32 v5, v6;
	v6 =	vperm.xlane v1, v2  }
0x245: {  	v51 =	vadd.f32 v51, v59;
	v52 =	vadd.f32 v52, v55;
	v55 =	vmul.f32 v54, v54  }
0x246: {  	v59 =	vmul.f32 v42, v42;
	v1 =	vadd.f32 v6, v1;
	v6 =	vperm.xlane v5, v2  }
0x247: {  	v60 =	vadd.f32 v45, v42;
	v9 =	vadd.f32 v9, v55;
	v55 =	vmul.f32 v45, v45  }
0x248: {  	v56 =	vadd.f32 v56, v57;
	v5 =	vadd.f32 v6, v5;
	v6 =	vperm.xlane v1, v3  }
0x249: {  	v58 =	vadd.f32 v60, v58;
	v55 =	vadd.f32 v55, v59  }
0x24a: {  	v19 =	vadd.f32 v19, v15;
	v1 =	vadd.f32 v6, v1;
	v6 =	vperm.xlane v5, v3  }
0x24b: {  	v8 =	vadd.f32 v52, v8;
	v52 =	vadd.f32 v55, v56;
	v55 =	vperm.xlane v58, v0  }
0x24c: {  	v5 =	vadd.f32 v6, v5;
	v6 =	vperm.xlane v51, v0;
	v60 =	vperm.xlane v1, v4  }
0x24d: {  	v57 =	vperm.xlane v53, v0;
	v7 =	vadd.f32 v7, v9;
	v55 =	vadd.f32 v58, v55  }
0x24e: {  	v56 =	vperm.xlane v5, v4;
	v6 =	vadd.f32 v51, v6;
	v1 =	vadd.f32 v60, v1  }
0x24f: {  	v60 =	vperm.xlane v7, v0;
	v51 =	vadd.f32 v53, v57;
	v53 =	vperm.xlane v8, v0  }
0x250: {  	v5 =	vadd.f32 v56, v5;
	v1 =	vmul.f32 $1.562500000e-02, v1;
	v56 =	vperm.xlane v6, v2  }
0x251: {  	v7 =	vadd.f32 v7, v60;
	v60 =	vperm.xlane v52, v0;
	v57 =	vperm.xlane v51, v2  }
0x252: {  	v8 =	vadd.f32 v8, v53;
	v5 =	vmul.f32 $1.562500000e-02, v5;
	v53 =	vmul.f32 v1, v1  }
0x253: {  	v9 =	vadd.f32 v52, v60;
	v52 =	vperm.xlane v55, v2;
	v6 =	vadd.f32 v56, v6  }
0x254: {  	v60 =	vperm.xlane v7, v2;
	v51 =	vadd.f32 v57, v51;
	v56 =	vadd.f32 v49, v14  }
0x255: {  	v5 =	vsub.f32 v5, v53;
	v53 =	vperm.xlane v8, v2;
	v52 =	vadd.f32 v52, v55  }
0x256: {  	v55 =	vperm.xlane v9, v2;
	v7 =	vadd.f32 v60, v7;
	v60 =	vperm.xlane v6, v3  }
0x257: {  	v5 =	vadd.f32 $9.999999740e-06, v5;
	v8 =	vadd.f32 v53, v8;
	v53 =	vperm.xlane v51, v3  }
0x258: {  	v9 =	vadd.f32 v55, v9;
	v6 =	vadd.f32 v60, v6;
	v60 =	vperm.xlane v52, v3  }
0x259: {  	v57 =	vperm.xlane v7, v3;
	v55 =	vshrl.u32 v5, $0x1;
	v5 =	vmul.f32 $5.000000000e-01, v5  }
0x25a: {  	v51 =	vadd.f32 v53, v51;
	v58 =	vperm.xlane v8, v3;
	v52 =	vadd.f32 v60, v52  }
0x25b: {  	v60 =	vperm.xlane v9, v3;
	v7 =	vadd.f32 v57, v7;
	v55 =	vsub.s32 $0x5F3759DF, v55  }
0x25c: {  	v57 =	vperm.xlane v6, v4;
	v53 =	vmul.f32 v55, v5;
	v8 =	vadd.f32 v58, v8  }
0x25d: {  	v58 =	vperm.xlane v51, v4;
	v9 =	vadd.f32 v60, v9;
	v60 =	vperm.xlane v52, v4  }
0x25e: {  	v6 =	vadd.f32 v57, v6;
	v57 =	vperm.xlane v7, v4;
	v53 =	vmul.f32 v55, v53  }
0x25f: {  	v51 =	vadd.f32 v58, v51;
	v52 =	vadd.f32 v60, v52;
	v60 =	vperm.xlane v8, v4  }
0x260: {  	v7 =	vadd.f32 v57, v7;
	v6 =	vmul.f32 $1.562500000e-02, v6;
	v53 =	vsub.f32 $1.500000000e+00, v53  }
0x261: {  	v8 =	vadd.f32 v60, v8;
	v60 =	vperm.xlane v9, v4;
	v51 =	vmul.f32 $1.562500000e-02, v51  }
0x262: {  	v58 =	vsub.f32 v27, v1;
	v7 =	vmul.f32 $1.562500000e-02, v7;
	v59 =	vmul.f32 v6, v6  }
0x263: {  	v54 =	vsub.f32 v54, v6;
	v36 =	vsub.f32 v36, v6;
	v53 =	vmul.f32 v55, v53  }
0x264: {  	v49 =	vmul.f32 $1.562500000e-02, v52;
	v37 =	vsub.f32 v37, v6;
	v6 =	vsub.f32 v24, v6  }
0x265: {  	v9 =	vadd.f32 v60, v9;
	v8 =	vmul.f32 $1.562500000e-02, v8;
	v5 =	vmul.f32 v53, v5  }
0x266: {  	s8 =	sadd.s32 $0x3, s15;
	v7 =	vsub.f32 v7, v59;
	v60 =	vmul.f32 v51, v51;
	v57 =	vmul.f32 v49, v49  }
0x267: {  	v59 =	vmov s8;
	v55 =	vsub.f32 v29, v1;
	v5 =	vmul.f32 v5, v53  }
0x268: {  	[tilespmem:v34+s26+$0x0] =	vst.idx.msk $0xffff, v41;
	v48 =	vsub.f32 v48, v51;
	v9 =	vmul.f32 $1.562500000e-02, v9;
	v8 =	vsub.f32 v8, v60  }
0x269: {  	[tilespmem:v35+s26+$0x0] =	vst.idx.msk $0xffff, v40;
	v52 =	vand.u32 $0x7F, v59;
	v7 =	vadd.f32 $9.999999740e-06, v7;
	v5 =	vsub.f32 $1.500000000e+00, v5  }
0x26a: {  	v60 =	vsub.f32 v28, v1;
	v35 =	vadd.s32 v61, v52;
	v9 =	vsub.f32 v9, v57  }
0x26b: {  	v41 =	vld [tilespmem:$0x1FF70];
	v1 =	vsub.f32 v26, v1;
	v8 =	vadd.f32 $9.999999740e-06, v8;
	v5 =	vmul.f32 v5, v53  }
0x26c: {  	v57 =	vadd.s32 v62, v52;
	v9 =	vadd.f32 $9.999999740e-06, v9;
	v53 =	vld [tilespmem:$0x1FF80];
	[tilespmem:v31+s26+$0x0] =	vst.idx.msk $0xffff, v38;
	v31 =	vsub.f32 v46, v51  }
0x26d: {  	v38 =	vld [tilespmem:$0x1FF90];
	[tilespmem:v33+s26+$0x0] =	vst.idx.msk $0xffff, v39;
	v27 =	vmul.f32 v5, v58;
	v58 =	vshrl.u32 v7, $0x1;
	v7 =	vmul.f32 $5.000000000e-01, v7  }
0x26e: {  	v39 =	vsub.f32 v25, v51;
	v28 =	vmul.f32 v5, v60;
	v29 =	vmul.f32 v5, v55  }
0x26f: {  	v1 =	vmul.f32 v5, v1;
	v5 =	vadd.s32 v63, v52;
	[tilespmem:v32+s26+$0x0] =	vst.idx.msk $0xffff, v50;
	v34 =	vsub.s32 $0x5F3759DF, v58  }
0x270: {  	v50 =	vsub.f32 v47, v51;
	v55 =	vadd.f32 v22, v12;
	v60 =	vmul.f32 v34, v7  }
0x271: {  	v47 =	vsub.f32 v44, v49;
	v58 =	vadd.s32 v10, v52;
	v59 =	vmul.f32 v27, v41  }
0x272: {  	v52 =	vadd.s32 v63, v16;
	v28 =	vmul.f32 v28, v53;
	v27 =	vmul.f32 v34, v60  }
0x273: {  	v26 =	vadd.f32 v59, v12;
	v59 =	vshrl.u32 v8, $0x1;
	v8 =	vmul.f32 $5.000000000e-01, v8  }
0x274: {  	v29 =	vmul.f32 v29, v38;
	v60 =	vsub.s32 $0x5F3759DF, v59;
	v27 =	vsub.f32 $1.500000000e+00, v27  }
0x275: {  	v1 =	vmul.f32 v1, v11;
	v28 =	vadd.f32 v28, v13;
	v32 =	vmul.f32 v60, v8  }
0x276: {  	v29 =	vadd.f32 v29, v14;
	[tilespmem:v35+s26+$0x0] =	vst.idx.msk $0xffff, v26;
	v27 =	vmul.f32 v34, v27  }
0x277: {  	[tilespmem:v57+s26+$0x0] =	vst.idx.msk $0xffff, v28;
	v34 =	vshrl.u32 v9, $0x1;
	v9 =	vmul.f32 $5.000000000e-01, v9;
	v35 =	vmul.f32 v60, v32  }
0x278: {  	[tilespmem:v5+s26+$0x0] =	vst.idx.msk $0xffff, v29;
	v5 =	vadd.s32 v62, v16;
	v26 =	vsub.s32 $0x5F3759DF, v34;
	v7 =	vmul.f32 v27, v7  }
0x279: {  	v1 =	vadd.f32 v1, v15;
	v40 =	vmul.f32 v26, v9;
	v24 =	vsub.f32 $1.500000000e+00, v35  }
0x27a: {  	[tilespmem:v30+s26+$0x0] =	vst.idx.msk $0xffff, v56;
	v56 =	vadd.s32 v10, v16;
	v7 =	vmul.f32 v7, v27  }
0x27b: {  	[tilespmem:v58+s26+$0x0] =	vst.idx.msk $0xffff, v1;
	v58 =	vmov s15;
	v1 =	vmul.f32 v26, v40;
	v24 =	vmul.f32 v60, v24  }
0x27c: {  	[tilespmem:v17+s26+$0x0] =	vst.idx.msk $0xffff, v55;
	v57 =	vadd.f32 v21, v14;
	v59 =	vand.u32 $0x7C, v58;
	v7 =	vsub.f32 $1.500000000e+00, v7  }
0x27d: {  	s16 =	sadd.s32 $0x1, s15;
	v30 =	vadd.s32 v62, v59;
	[tilespmem:v5+s26+$0x0] =	vst.idx.msk $0xffff, v20;
	v1 =	vsub.f32 $1.500000000e+00, v1;
	v8 =	vmul.f32 v24, v8  }
0x27e: {  	v34 =	vmov s16;
	v33 =	vadd.s32 v63, v59;
	[tilespmem:v52+s26+$0x0] =	vst.idx.msk $0xffff, v57;
	v7 =	vmul.f32 v7, v27  }
0x27f: {  	v52 =	vsub.f32 v42, v49;
	v1 =	vmul.f32 v26, v1;
	v5 =	vmul.f32 v8, v24  }
0x280: {  	v26 =	vadd.s32 v61, v59;
	v8 =	vadd.s32 v10, v59;
	v60 =	vmul.f32 v7, v54  }
0x281: {  	[tilespmem:v18+s26+$0x0] =	vst.idx.msk $0xffff, v23;
	v27 =	vmul.f32 v7, v36;
	v9 =	vmul.f32 v1, v9;
	v5 =	vsub.f32 $1.500000000e+00, v5  }
0x282: {  	[tilespmem:v56+s26+$0x0] =	vst.idx.msk $0xffff, v19;
	v32 =	vmul.f32 v7, v37;
	v6 =	vmul.f32 v7, v6;
	v7 =	vand.u32 $0x7D, v34  }
0x283: {  	v54 =	vsub.f32 v45, v49;
	v37 =	vadd.s32 v61, v7;
	v18 =	vmul.f32 v60, v41  }
0x284: {  	v40 =	vadd.s32 v62, v7;
	v46 =	vadd.s32 v63, v7;
	v20 =	vmul.f32 v27, v53  }
0x285: {  	v5 =	vmul.f32 v5, v24;
	v16 =	vmul.f32 v32, v38;
	v18 =	vadd.f32 v18, v12  }
0x286: {  	v9 =	vmul.f32 v9, v1;
	v6 =	vmul.f32 v6, v11;
	v20 =	vadd.f32 v20, v13  }
0x287: {  	v35 =	vmul.f32 v5, v39;
	v16 =	vadd.f32 v16, v14;
	[tilespmem:v26+s26+$0x0] =	vst.idx.msk $0xffff, v18  }
0x288: {  	v36 =	vmul.f32 v5, v48;
	v6 =	vadd.f32 v6, v15;
	[tilespmem:v30+s26+$0x0] =	vst.idx.msk $0xffff, v20  }
0x289: {  	v39 =	vmul.f32 v5, v50;
	v17 =	vmul.f32 v35, v41;
	[tilespmem:v33+s26+$0x0] =	vst.idx.msk $0xffff, v16  }
0x28a: {  	v5 =	vmul.f32 v5, v31;
	v18 =	vmul.f32 v36, v53;
	[tilespmem:v8+s26+$0x0] =	vst.idx.msk $0xffff, v6;
	v6 =	vsub.f32 $1.500000000e+00, v9  }
0x28b: {  	v7 =	vadd.s32 v10, v7;
	v21 =	vmul.f32 v39, v38;
	v17 =	vadd.f32 v17, v12  }
0x28c: {  	s18 =	sadd.s32 $0x2, s15;
	v5 =	vmul.f32 v5, v11;
	v48 =	vadd.f32 v18, v13;
	v1 =	vmul.f32 v6, v1  }
0x28d: {  	v50 =	vsub.f32 v43, v49;
	v51 =	vadd.f32 v21, v14;
	[tilespmem:v37+s26+$0x0] =	vst.idx.msk $0xffff, v17;
	v6 =	vmov s18  }
0x28e: {  	v5 =	vadd.f32 v5, v15;
	[tilespmem:v40+s26+$0x0] =	vst.idx.msk $0xffff, v48;
	v6 =	vand.u32 $0x7E, v6;
	v55 =	vmul.f32 v1, v47  }
0x28f: {  	[tilespmem:v46+s26+$0x0] =	vst.idx.msk $0xffff, v51;
	v9 =	vmul.f32 v1, v50;
	v56 =	vadd.s32 v61, v6  }
0x290: {  	v8 =	vmul.f32 v1, v52;
	v58 =	vadd.s32 v62, v6;
	v57 =	vmul.f32 v55, v41  }
0x291: {  	v1 =	vmul.f32 v1, v54;
	v59 =	vadd.s32 v63, v6;
	v9 =	vmul.f32 v9, v53  }
0x292: {  	v6 =	vadd.s32 v10, v6;
	v8 =	vmul.f32 v8, v38;
	v60 =	vadd.f32 v57, v12  }
0x293: {  	[tilespmem:v7+s26+$0x0] =	vst.idx.msk $0xffff, v5;
	v1 =	vmul.f32 v1, v11;
	v5 =	vadd.f32 v9, v13  }
0x294: {  	v7 =	vadd.f32 v8, v14;
	[tilespmem:v56+s26+$0x0] =	vst.idx.msk $0xffff, v60  }
0x295: {  	v1 =	vadd.f32 v1, v15;
	[tilespmem:v58+s26+$0x0] =	vst.idx.msk $0xffff, v5  }
0x296: {  	s12 =	simm.s32 $0x10688;
	s15 =	sadd.s32 s13, s9;
	[tilespmem:v59+s26+$0x0] =	vst.idx.msk $0xffff, v7  }
0x297: {  	s16 =	simm.s32 $0x10600;
	s8 =	sadd.s32 $0x0, s15;
	s18 =	simm.s32 $0x200;
	v46 =	vmov v10;
	[tilespmem:v6+s26+$0x0] =	vst.idx.msk $0xffff, v1  }
.LBB2_9:
0x298: {  	[hbm4b:s8+s4] =	stream.linear.scatter [tilespmem:s16], [sflag:$0x6], $0x80, $0x38;
	[tilespmem:$0x12880] =	vst v63  }
0x299: {  	s8 =	smov.u32 s18;
	s16 =	smov.u32 s12;
	p1 =	sne.s32 s18, $0x7E00  }
.Ltmp3:
0x29a: {  	s18 =	sadd.s32 $0x200, s18;
	(pc) =	sbr.rel @p1 .LBB2_9-.Ltmp3, $2  }
0x29b: {  	_ =	sdelay $0x2  }
0x29c: {  	s12 =	sadd.s32 $0x88, s12;
	s8 =	sadd.s32 s8, s15  }
0x29d: {  	[hbm4b:s8+s4] =	stream.linear.scatter [tilespmem:s16], [sflag:$0x6], $0x80, $0x38;
	[tilespmem:$0x12880] =	vst v63  }
0x29e: {  	s8 =	sadd.s32 @!p0 $0x280, s2;
	s12 =	simm.s32 @!p0 $0x20;
	s15 =	simm.s32 @!p0 $0x8400  }
0x29f: {  	[tilespmem:s15], [sflag:$0x2] =	stream.indirect.gather @!p0 [hbm4b:s5+s12], $0x40, s8, s12, $0xb8;
	[tilespmem:$0x12880] =	vst v63  }
0x2a0: {  	s8 =	sadd.s32 @!p0 $0x2A0, s2;
	s15 =	simm.s32 @!p0 $0x8C00  }
0x2a1: {  	[tilespmem:s15], [sflag:$0x2] =	stream.indirect.gather @!p0 [hbm4b:s5+s12], $0x40, s8, s12, $0xb8;
	[tilespmem:$0x12880] =	vst v63  }
0x2a2: {  	s8 =	sadd.s32 @!p0 $0x2C0, s2;
	s15 =	simm.s32 @!p0 $0x9400  }
0x2a3: {  	[tilespmem:s15], [sflag:$0x2] =	stream.indirect.gather @!p0 [hbm4b:s5+s12], $0x40, s8, s12, $0xb8;
	[tilespmem:$0x12880] =	vst v63  }
0x2a4: {  	s8 =	sadd.s32 @!p0 $0x2E0, s2;
	s15 =	simm.s32 @!p0 $0x9C00  }
0x2a5: {  	[tilespmem:s15], [sflag:$0x2] =	stream.indirect.gather @!p0 [hbm4b:s5+s12], $0x40, s8, s12, $0xb8;
	[tilespmem:$0x12880] =	vst v63  }
0x2a6: {  	_ =	swait.ge [sflag:s28], $0x800  }
0x2a7: {  	[sflag:s28] =	ssyncset.done $0x0  }
0x2a8: {  	[sflag:s28] =	ssyncadd.s32 $0xFFFFF800  }
0x2a9: {  	_ =	swait.ge [sflag:s28], $0x800  }
0x2aa: {  	[sflag:s28] =	ssyncset.done $0x0  }
0x2ab: {  	[sflag:s28] =	ssyncadd.s32 $0xFFFFF800  }
0x2ac: {  	_ =	swait.ge [sflag:s28], $0x800  }
0x2ad: {  	[sflag:s28] =	ssyncset.done $0x0  }
0x2ae: {  	[sflag:s28] =	ssyncadd.s32 $0xFFFFF800  }
0x2af: {  	_ =	swait.ge [sflag:s28], $0x800  }
0x2b0: {  	[sflag:s28] =	ssyncset.done $0x0  }
0x2b1: {  	[sflag:s28] =	ssyncadd.s32 $0xFFFFF800  }
0x2b2: {  	_ =	swait.ge [sflag:s29], $0x2000  }
0x2b3: {  	[sflag:s29] =	ssyncset.done $0x0  }
0x2b4: {  	s18 =	simm.s32 $0xA480;
	[sflag:s29] =	ssyncadd.s32 $0xFFFFE000  }
0x2b5: {  	v13 =	vld [tilespmem:s18+$0x40]  }
0x2b6: {  	v10 =	vld [tilespmem:s18+$0x50]  }
0x2b7: {  	v11 =	vld [tilespmem:s18+$0x60]  }
0x2b8: {  	v12 =	vld [tilespmem:s18+$0x70]  }
0x2b9: {  	v9 =	vld [tilespmem:s18+$0xFFFFFFA0]  }
0x2ba: {  	v18 =	vld [tilespmem:s18+$0xFFFFFFB0]  }
0x2bb: {  	v17 =	vld [tilespmem:s18+$0xFFFFFFC0]  }
0x2bc: {  	v16 =	vld [tilespmem:s18+$0xFFFFFFD0]  }
0x2bd: {  	v19 =	vld [tilespmem:s18+$0xFFFFFFE0]  }
0x2be: {  	v20 =	vld [tilespmem:s18+$0xFFFFFFF0]  }
0x2bf: {  	v21 =	vld [tilespmem:s18+$0x0];
	v1 =	vadd.f32 v10, v13  }
0x2c0: {  	v23 =	vld [tilespmem:s18+$0x10];
	v5 =	vadd.f32 v12, v11;
	v6 =	vmul.f32 v13, v13;
	v7 =	vmul.f32 v10, v10  }
0x2c1: {  	v22 =	vld [tilespmem:s18+$0x20];
	v14 =	vmul.f32 v11, v11;
	v15 =	vmul.f32 v12, v12;
	v25 =	vadd.f32 v18, v9  }
0x2c2: {  	v24 =	vld [tilespmem:s18+$0x30];
	v26 =	vmul.f32 v17, v17;
	v27 =	vadd.f32 v16, v17;
	v28 =	vmul.f32 v16, v16  }
0x2c3: {  	v29 =	vmul.f32 v19, v19;
	v30 =	vadd.f32 v20, v19;
	v1 =	vadd.f32 v5, v1  }
0x2c4: {  	v31 =	vmul.f32 v21, v21;
	v6 =	vadd.f32 v7, v6;
	v7 =	vadd.f32 v15, v14  }
0x2c5: {  	v32 =	vadd.f32 v23, v21;
	v14 =	vmul.f32 v9, v9;
	v15 =	vmul.f32 v18, v18  }
0x2c6: {  	v8 =	vld [tilespmem:s18+$0xFFFFFF90];
	v33 =	vmul.f32 v22, v22;
	v6 =	vadd.f32 v7, v6;
	v7 =	vperm.xlane v1, v0  }
0x2c7: {  	v34 =	vadd.f32 v24, v22;
	v37 =	vmul.f32 v24, v24;
	v14 =	vadd.f32 v15, v14;
	v15 =	vld [tilespmem:s18+$0xFFFFFF80]  }
0x2c8: {  	v26 =	vadd.f32 v28, v26;
	v1 =	vadd.f32 v1, v7;
	v7 =	vperm.xlane v6, v0  }
0x2c9: {  	v28 =	vmul.f32 v20, v20;
	v27 =	vadd.f32 v30, v27;
	v30 =	vmul.f32 v23, v23  }
0x2ca: {  	v32 =	vadd.f32 v34, v32;
	v6 =	vadd.f32 v6, v7;
	v7 =	vperm.xlane v1, v2  }
0x2cb: {  	v5 =	vmul.f32 v8, v8;
	v28 =	vadd.f32 v28, v29;
	v30 =	vadd.f32 v30, v31  }
0x2cc: {  	v36 =	vmul.f32 v15, v15;
	v1 =	vadd.f32 v7, v1;
	v7 =	vperm.xlane v6, v2  }
0x2cd: {  	v29 =	vperm.xlane v27, v0;
	v31 =	vadd.f32 v37, v33;
	v35 =	vadd.f32 v8, v15  }
0x2ce: {  	v5 =	vadd.f32 v5, v36;
	v6 =	vadd.f32 v7, v6;
	v7 =	vperm.xlane v1, v3  }
0x2cf: {  	v27 =	vadd.f32 v27, v29;
	v25 =	vadd.f32 v25, v35  }
0x2d0: {  	v5 =	vadd.f32 v14, v5;
	v1 =	vadd.f32 v7, v1;
	v7 =	vperm.xlane v6, v3  }
0x2d1: {  	v14 =	vadd.f32 v28, v26;
	v26 =	vadd.f32 v31, v30;
	v28 =	vperm.xlane v32, v0  }
0x2d2: {  	v43 =	vperm.xlane v25, v0;
	v6 =	vadd.f32 v7, v6;
	v7 =	vperm.xlane v1, v4  }
0x2d3: {  	v30 =	vperm.xlane v5, v0;
	v28 =	vadd.f32 v32, v28;
	v29 =	vperm.xlane v26, v0  }
0x2d4: {  	v25 =	vadd.f32 v25, v43;
	v1 =	vadd.f32 v7, v1;
	v7 =	vperm.xlane v6, v4  }
0x2d5: {  	v5 =	vadd.f32 v5, v30;
	v26 =	vadd.f32 v26, v29;
	v29 =	vperm.xlane v28, v2  }
0x2d6: {  	v31 =	vperm.xlane v25, v2;
	v6 =	vadd.f32 v7, v6;
	v1 =	vmul.f32 $1.562500000e-02, v1  }
0x2d7: {  	v28 =	vadd.f32 v29, v28;
	v29 =	vperm.xlane v26, v2;
	v7 =	vperm.xlane v14, v0  }
0x2d8: {  	v25 =	vadd.f32 v31, v25;
	v6 =	vmul.f32 $1.562500000e-02, v6;
	v30 =	vmul.f32 v1, v1  }
0x2d9: {  	v26 =	vadd.f32 v29, v26;
	v7 =	vadd.f32 v14, v7;
	v14 =	vperm.xlane v27, v2  }
0x2da: {  	v29 =	vperm.xlane v28, v3;
	v13 =	vsub.f32 v13, v1;
	v6 =	vsub.f32 v6, v30  }
0x2db: {  	v30 =	vperm.xlane v5, v2;
	v14 =	vadd.f32 v14, v27;
	v27 =	vperm.xlane v7, v2  }
0x2dc: {  	v28 =	vadd.f32 v29, v28;
	v6 =	vadd.f32 $9.999999740e-06, v6  }
0x2dd: {  	v5 =	vadd.f32 v30, v5;
	v30 =	vperm.xlane v25, v3;
	v7 =	vadd.f32 v27, v7  }
0x2de: {  	v31 =	vperm.xlane v14, v3;
	v27 =	vshrl.u32 v6, $0x1;
	v6 =	vmul.f32 $5.000000000e-01, v6  }
0x2df: {  	v25 =	vadd.f32 v30, v25;
	v44 =	vperm.xlane v5, v3;
	v27 =	vsub.s32 $0x5F3759DF, v27  }
0x2e0: {  	v14 =	vadd.f32 v31, v14;
	v31 =	vperm.xlane v7, v3;
	v30 =	vmul.f32 v27, v6  }
0x2e1: {  	v29 =	vperm.xlane v26, v3;
	v5 =	vadd.f32 v44, v5;
	v45 =	vperm.xlane v25, v4  }
0x2e2: {  	v7 =	vadd.f32 v31, v7;
	v31 =	vperm.xlane v14, v4;
	v30 =	vmul.f32 v27, v30  }
0x2e3: {  	v26 =	vadd.f32 v29, v26;
	v25 =	vadd.f32 v45, v25;
	v47 =	vperm.xlane v5, v4  }
0x2e4: {  	v14 =	vadd.f32 v31, v14;
	v31 =	vperm.xlane v7, v4;
	v29 =	vsub.f32 $1.500000000e+00, v30  }
0x2e5: {  	v30 =	vperm.xlane v28, v4;
	v5 =	vadd.f32 v47, v5;
	v25 =	vmul.f32 $1.562500000e-02, v25  }
0x2e6: {  	v7 =	vadd.f32 v31, v7;
	v27 =	vmul.f32 v27, v29;
	v29 =	vperm.xlane v26, v4  }
0x2e7: {  	v28 =	vadd.f32 v30, v28;
	v30 =	vmul.f32 $1.562500000e-02, v14;
	v5 =	vmul.f32 $1.562500000e-02, v5  }
0x2e8: {  	v48 =	vsub.f32 v9, v25;
	v7 =	vmul.f32 $1.562500000e-02, v7;
	v18 =	vsub.f32 v18, v25  }
0x2e9: {  	v6 =	vmul.f32 v27, v6;
	v14 =	vadd.f32 v29, v26;
	v26 =	vsub.f32 v15, v25  }
0x2ea: {  	v15 =	vmul.f32 v25, v25;
	v29 =	vsub.f32 v8, v25;
	v31 =	vmul.f32 v30, v30  }
0x2eb: {  	v17 =	vsub.f32 v17, v30;
	v16 =	vsub.f32 v16, v30;
	v6 =	vmul.f32 v6, v27  }
0x2ec: {  	v28 =	vmul.f32 $1.562500000e-02, v28;
	v5 =	vsub.f32 v5, v15;
	v7 =	vsub.f32 v7, v31  }
0x2ed: {  	v14 =	vmul.f32 $1.562500000e-02, v14;
	v15 =	vsub.f32 v10, v1;
	v6 =	vsub.f32 $1.500000000e+00, v6  }
0x2ee: {  	v49 =	vmul.f32 v28, v28;
	v31 =	vsub.f32 v11, v1;
	v5 =	vadd.f32 $9.999999740e-06, v5  }
0x2ef: {  	v1 =	vsub.f32 v12, v1;
	v21 =	vsub.f32 v21, v28;
	v6 =	vmul.f32 v6, v27  }
0x2f0: {  	v23 =	vsub.f32 v23, v28;
	v54 =	vshrl.u32 v5, $0x1;
	v5 =	vmul.f32 $5.000000000e-01, v5  }
0x2f1: {  	v10 =	vld [tilespmem:$0x12820];
	v14 =	vsub.f32 v14, v49;
	v13 =	vmul.f32 v6, v13;
	v15 =	vmul.f32 v6, v15  }
0x2f2: {  	v31 =	vmul.f32 v6, v31;
	v1 =	vmul.f32 v6, v1;
	v6 =	vadd.f32 $9.999999740e-06, v7  }
0x2f3: {  	v22 =	vsub.f32 v22, v28;
	v37 =	vsub.s32 $0x5F3759DF, v54;
	v7 =	vadd.f32 $9.999999740e-06, v14  }
0x2f4: {  	v24 =	vsub.f32 v24, v28;
	v14 =	vld [tilespmem:$0x12860];
	v40 =	vmul.f32 v37, v5;
	v38 =	vshrl.u32 v6, $0x1  }
0x2f5: {  	v6 =	vmul.f32 $5.000000000e-01, v6;
	v39 =	vshrl.u32 v7, $0x1;
	v7 =	vmul.f32 $5.000000000e-01, v7  }
0x2f6: {  	s15 =	simm.s32 $0x0;
	v31 =	vmul.f32 v31, v10;
	v38 =	vsub.s32 $0x5F3759DF, v38;
	v39 =	vsub.s32 $0x5F3759DF, v39  }
0x2f7: {  	v8 =	vld [tilespmem:$0x12800];
	v28 =	vmov s15;
	v41 =	vmul.f32 v38, v6;
	v55 =	vmul.f32 v39, v7  }
0x2f8: {  	v19 =	vsub.f32 v19, v30;
	v28 =	vand.u32 $0x7C, v28;
	v40 =	vmul.f32 v37, v40  }
0x2f9: {  	v9 =	vld [tilespmem:$0x12810];
	v43 =	vadd.f32 v31, v14;
	v41 =	vmul.f32 v38, v41;
	v31 =	vmul.f32 v39, v55  }
0x2fa: {  	v20 =	vsub.f32 v20, v30;
	v59 =	vadd.s32 v61, v28;
	v56 =	vsub.f32 $1.500000000e+00, v40  }
0x2fb: {  	s12 =	simm.s32 $0x3;
	v11 =	vld [tilespmem:$0x12830];
	v34 =	vadd.s32 v62, v28;
	v57 =	vsub.f32 $1.500000000e+00, v41;
	v25 =	vsub.f32 $1.500000000e+00, v31  }
0x2fc: {  	v12 =	vld [tilespmem:$0x12840];
	v27 =	vmov s12;
	v51 =	vmul.f32 v13, v8;
	v31 =	vmul.f32 v37, v56  }
0x2fd: {  	v27 =	vand.u32 $0x7F, v27;
	v13 =	vld [tilespmem:$0x12850];
	v58 =	vmul.f32 v38, v57;
	v25 =	vmul.f32 v39, v25  }
0x2fe: {  	v50 =	vadd.s32 v61, v27;
	v53 =	vmul.f32 v15, v9;
	v5 =	vmul.f32 v31, v5  }
0x2ff: {  	v52 =	vadd.s32 v62, v27;
	v15 =	vld [tilespmem:$0x12870];
	v6 =	vmul.f32 v58, v6;
	v7 =	vmul.f32 v25, v7  }
0x300: {  	v44 =	vadd.s32 v63, v27;
	v27 =	vadd.s32 v46, v27;
	v5 =	vmul.f32 v5, v31  }
0x301: {  	v42 =	vadd.f32 v51, v12;
	v6 =	vmul.f32 v6, v58;
	v7 =	vmul.f32 v7, v25  }
0x302: {  	v1 =	vmul.f32 v1, v11;
	v36 =	vadd.f32 v53, v13;
	v5 =	vsub.f32 $1.500000000e+00, v5  }
0x303: {  	s16 =	simm.s32 $0x1;
	v35 =	vadd.s32 v63, v28;
	[tilespmem:v50+s24+$0x0] =	vst.idx.msk $0xffff, v42;
	v6 =	vsub.f32 $1.500000000e+00, v6;
	v7 =	vsub.f32 $1.500000000e+00, v7  }
0x304: {  	v30 =	vmov s16;
	v1 =	vadd.f32 v1, v15;
	[tilespmem:v52+s24+$0x0] =	vst.idx.msk $0xffff, v36;
	v5 =	vmul.f32 v5, v31  }
0x305: {  	s18 =	simm.s32 $0x2;
	v31 =	vadd.s32 v46, v28;
	v6 =	vmul.f32 v6, v58;
	v7 =	vmul.f32 v7, v25  }
0x306: {  	[tilespmem:v44+s24+$0x0] =	vst.idx.msk $0xffff, v43;
	v25 =	vmov s18;
	v26 =	vmul.f32 v5, v26;
	v29 =	vmul.f32 v5, v29  }
0x307: {  	s16 =	simm.s32 $0xA580;
	[tilespmem:v27+s24+$0x0] =	vst.idx.msk $0xffff, v1;
	v60 =	vmul.f32 v5, v48;
	v5 =	vmul.f32 v5, v18;
	v18 =	vand.u32 $0x7D, v30  }
0x308: {  	v27 =	vld [tilespmem:s16+$0x40];
	v33 =	vadd.s32 v61, v18;
	v1 =	vmul.f32 v6, v17;
	v37 =	vmul.f32 v6, v16  }
0x309: {  	v28 =	vld [tilespmem:s16+$0x50];
	v32 =	vadd.s32 v62, v18;
	v19 =	vmul.f32 v6, v19;
	v6 =	vmul.f32 v6, v20  }
0x30a: {  	v30 =	vadd.s32 v63, v18;
	v20 =	vmul.f32 v7, v21;
	v21 =	vmul.f32 v7, v23  }
0x30b: {  	v16 =	vand.u32 $0x7E, v25;
	v25 =	vmul.f32 v7, v22;
	v7 =	vmul.f32 v7, v24  }
0x30c: {  	v36 =	vld [tilespmem:s16+$0xFFFFFF90];
	v18 =	vadd.s32 v46, v18;
	v22 =	vmul.f32 v26, v8;
	v23 =	vmul.f32 v29, v9  }
0x30d: {  	v29 =	vld [tilespmem:s16+$0x60];
	v24 =	vmul.f32 v60, v10;
	v5 =	vmul.f32 v5, v11;
	v17 =	vadd.s32 v61, v16  }
0x30e: {  	v26 =	vld [tilespmem:s16+$0x70];
	v45 =	vadd.f32 v28, v27;
	v63 =	vadd.f32 v22, v12;
	v1 =	vmul.f32 v1, v8  }
0x30f: {  	v50 =	vmul.f32 v37, v9;
	v41 =	vadd.f32 v23, v13;
	v49 =	vmul.f32 v19, v10;
	v37 =	vld [tilespmem:s16+$0xFFFFFFA0];
	[tilespmem:$0x1FF40] =	vst v8  }
0x310: {  	v23 =	vmul.f32 v6, v11;
	v40 =	vadd.f32 v24, v14;
	v22 =	vmul.f32 v20, v8;
	[tilespmem:$0x1FF50] =	vst v9  }
0x311: {  	v20 =	vmul.f32 v21, v9;
	v38 =	vadd.f32 v5, v15;
	v21 =	vmul.f32 v25, v10;
	v24 =	vld [tilespmem:s16+$0xFFFFFFB0];
	[tilespmem:$0x1FF60] =	vst v10  }
0x312: {  	s15 =	simm.s32 $0x4;
	s18 =	simm.s32 $0x8;
	v19 =	vmul.f32 v7, v11;
	v10 =	vmov v46;
	v25 =	vld [tilespmem:s16+$0xFFFFFFC0];
	[tilespmem:v59+s24+$0x0] =	vst.idx.msk $0xffff, v63;
	v39 =	vadd.f32 v1, v12  }
.LBB2_11:
0x313: {  	v42 =	vld [tilespmem:s16+$0xFFFFFFD0]  }
0x314: {  	v5 =	vmul.f32 v27, v27;
	v6 =	vmul.f32 v28, v28;
	v43 =	vld [tilespmem:s16+$0xFFFFFFE0];
	v51 =	vadd.f32 v50, v13  }
0x315: {  	v44 =	vld [tilespmem:s16+$0xFFFFFFF0];
	v1 =	vadd.f32 v26, v29;
	v7 =	vmul.f32 v29, v29;
	v46 =	vmul.f32 v26, v26  }
0x316: {  	v47 =	vld [tilespmem:s16+$0x0];
	v50 =	vadd.f32 v49, v14;
	v5 =	vadd.f32 v6, v5;
	v52 =	vmul.f32 v36, v36  }
0x317: {  	v49 =	vld [tilespmem:s16+$0xFFFFFF80];
	v48 =	vmul.f32 v37, v37;
	v1 =	vadd.f32 v1, v45;
	v6 =	vadd.f32 v46, v7  }
0x318: {  	v53 =	vmul.f32 v24, v24;
	v54 =	vmul.f32 v25, v25  }
0x319: {  	v55 =	vadd.f32 v42, v25;
	v5 =	vadd.f32 v6, v5;
	v6 =	vperm.xlane v1, v0  }
0x31a: {  	v56 =	vmul.f32 v42, v42;
	v57 =	vmul.f32 v43, v43;
	v58 =	vadd.f32 v44, v43  }
0x31b: {  	v7 =	vadd.f32 v24, v37;
	v1 =	vadd.f32 v1, v6;
	v6 =	vperm.xlane v5, v0  }
0x31c: {  	v59 =	vmul.f32 v47, v47;
	v46 =	vld [tilespmem:s16+$0x10];
	v53 =	vadd.f32 v53, v48;
	v63 =	vadd.f32 v36, v49  }
0x31d: {  	v45 =	vld [tilespmem:s16+$0x20];
	v8 =	vmul.f32 v49, v49;
	v5 =	vadd.f32 v5, v6;
	v6 =	vperm.xlane v1, v2  }
0x31e: {  	v48 =	vld [tilespmem:s16+$0x30];
	v54 =	vadd.f32 v56, v54;
	v56 =	vmul.f32 v44, v44;
	v55 =	vadd.f32 v58, v55  }
0x31f: {  	v8 =	vadd.f32 v52, v8;
	v1 =	vadd.f32 v6, v1;
	v6 =	vperm.xlane v5, v2  }
0x320: {  	v7 =	vadd.f32 v7, v63;
	v56 =	vadd.f32 v56, v57;
	v52 =	vperm.xlane v55, v0  }
0x321: {  	v8 =	vadd.f32 v53, v8;
	v5 =	vadd.f32 v6, v5;
	v6 =	vperm.xlane v1, v3  }
0x322: {  	v60 =	vadd.f32 v46, v47;
	v58 =	vmul.f32 v46, v46;
	v61 =	vmul.f32 v45, v45  }
0x323: {  	v62 =	vadd.f32 v48, v45;
	v1 =	vadd.f32 v6, v1;
	v6 =	vperm.xlane v5, v3  }
0x324: {  	v9 =	vmul.f32 v48, v48;
	v53 =	vadd.f32 v56, v54;
	v52 =	vadd.f32 v55, v52  }
0x325: {  	v57 =	vadd.f32 v62, v60;
	v5 =	vadd.f32 v6, v5;
	v6 =	vperm.xlane v1, v4  }
0x326: {  	v60 =	vperm.xlane v7, v0;
	v58 =	vadd.f32 v58, v59;
	v9 =	vadd.f32 v9, v61  }
0x327: {  	v56 =	vperm.xlane v8, v0;
	v1 =	vadd.f32 v6, v1;
	v6 =	vperm.xlane v5, v4  }
0x328: {  	v9 =	vadd.f32 v9, v58;
	v54 =	vperm.xlane v57, v0;
	v7 =	vadd.f32 v7, v60  }
0x329: {  	[tilespmem:v34+s24+$0x0] =	vst.idx.msk $0xffff, v41;
	v60 =	vperm.xlane v53, v0;
	v5 =	vadd.f32 v6, v5;
	v1 =	vmul.f32 $1.562500000e-02, v1  }
0x32a: {  	v6 =	vadd.f32 v8, v56;
	v8 =	vperm.xlane v7, v2;
	v56 =	vperm.xlane v9, v0  }
0x32b: {  	[tilespmem:v35+s24+$0x0] =	vst.idx.msk $0xffff, v40;
	v54 =	vadd.f32 v57, v54;
	v5 =	vmul.f32 $1.562500000e-02, v5;
	v58 =	vmul.f32 v1, v1  }
0x32c: {  	v59 =	vperm.xlane v52, v2;
	v57 =	vadd.f32 v53, v60;
	v9 =	vadd.f32 v9, v56  }
0x32d: {  	v7 =	vadd.f32 v8, v7;
	v8 =	vperm.xlane v6, v2;
	v5 =	vsub.f32 v5, v58  }
0x32e: {  	v35 =	vadd.f32 v59, v52;
	v60 =	vperm.xlane v54, v2;
	v52 =	vperm.xlane v57, v2  }
0x32f: {  	[tilespmem:v33+s24+$0x0] =	vst.idx.msk $0xffff, v39;
	v6 =	vadd.f32 v8, v6;
	v8 =	vperm.xlane v9, v2;
	v5 =	vadd.f32 $9.999999740e-06, v5  }
0x330: {  	v34 =	vadd.f32 v60, v54;
	v53 =	vadd.f32 v52, v57;
	v54 =	vperm.xlane v35, v3  }
0x331: {  	[tilespmem:v31+s24+$0x0] =	vst.idx.msk $0xffff, v38;
	v8 =	vadd.f32 v8, v9;
	v9 =	vshrl.u32 v5, $0x1;
	v5 =	vmul.f32 $5.000000000e-01, v5  }
0x332: {  	[tilespmem:v32+s24+$0x0] =	vst.idx.msk $0xffff, v51;
	v56 =	vadd.f32 v54, v35;
	v31 =	vperm.xlane v7, v3;
	v9 =	vsub.s32 $0x5F3759DF, v9  }
0x333: {  	v28 =	vsub.f32 v28, v1;
	v58 =	vperm.xlane v53, v3;
	v57 =	vmul.f32 v9, v5  }
0x334: {  	v51 =	vperm.xlane v56, v4;
	v7 =	vadd.f32 v31, v7;
	v31 =	vperm.xlane v34, v3  }
0x335: {  	v29 =	vsub.f32 v29, v1;
	v38 =	vadd.f32 v58, v53;
	v35 =	vmul.f32 v9, v57  }
0x336: {  	v55 =	vperm.xlane v6, v3;
	v33 =	vadd.f32 v51, v56;
	v31 =	vadd.f32 v31, v34  }
0x337: {  	v59 =	vperm.xlane v8, v3;
	v60 =	vperm.xlane v7, v4;
	v53 =	vsub.f32 $1.500000000e+00, v35  }
0x338: {  	[tilespmem:v30+s24+$0x0] =	vst.idx.msk $0xffff, v50;
	v6 =	vadd.f32 v55, v6;
	v54 =	vperm.xlane v38, v4;
	v33 =	vmul.f32 $1.562500000e-02, v33  }
0x339: {  	v8 =	vadd.f32 v59, v8;
	v52 =	vperm.xlane v31, v4;
	v9 =	vmul.f32 v9, v53  }
0x33a: {  	v7 =	vadd.f32 v60, v7;
	v30 =	vperm.xlane v6, v4;
	v58 =	vmul.f32 v33, v33  }
0x33b: {  	v56 =	vadd.f32 v54, v38;
	v55 =	vperm.xlane v8, v4;
	v5 =	vmul.f32 v9, v5  }
0x33c: {  	v31 =	vadd.f32 v52, v31;
	v6 =	vadd.f32 v30, v6;
	v7 =	vmul.f32 $1.562500000e-02, v7  }
0x33d: {  	v63 =	vld [tilespmem:$0x1FFF0];
	v34 =	vmul.f32 $1.562500000e-02, v56;
	v8 =	vadd.f32 v55, v8;
	v5 =	vmul.f32 v5, v9  }
0x33e: {  	v62 =	vld [tilespmem:$0x1FFE0];
	v6 =	vmul.f32 $1.562500000e-02, v6;
	v30 =	vsub.f32 v49, v7;
	v35 =	vmul.f32 $1.562500000e-02, v31  }
0x33f: {  	v61 =	vld [tilespmem:$0x1FFD0];
	v57 =	vmul.f32 v7, v7;
	v31 =	vsub.f32 v36, v7;
	v5 =	vsub.f32 $1.500000000e+00, v5  }
0x340: {  	v51 =	vld [tilespmem:$0x1FF40];
	v32 =	vsub.f32 v37, v7;
	v8 =	vmul.f32 $1.562500000e-02, v8;
	v59 =	vmul.f32 v35, v35  }
0x341: {  	s8 =	sadd.s32 $0x3, s15;
	v52 =	vld [tilespmem:$0x1FF50];
	v6 =	vsub.f32 v6, v57;
	v5 =	vmul.f32 v5, v9;
	v9 =	vsub.f32 v27, v1  }
0x342: {  	v34 =	vsub.f32 v34, v58;
	v53 =	vld [tilespmem:$0x1FF60];
	v8 =	vsub.f32 v8, v59;
	v27 =	vmov s8  }
0x343: {  	v6 =	vadd.f32 $9.999999740e-06, v6;
	v27 =	vand.u32 $0x7F, v27;
	v9 =	vmul.f32 v5, v9  }
0x344: {  	v1 =	vsub.f32 v26, v1;
	v41 =	vadd.s32 v61, v27;
	v28 =	vmul.f32 v5, v28  }
0x345: {  	v26 =	vadd.s32 v62, v27;
	v29 =	vmul.f32 v5, v29;
	v9 =	vmul.f32 v9, v51  }
0x346: {  	v49 =	vadd.s32 v63, v27;
	v1 =	vmul.f32 v5, v1;
	v28 =	vmul.f32 v28, v52  }
0x347: {  	v27 =	vadd.s32 v10, v27;
	v5 =	vadd.f32 v9, v12;
	v9 =	vmul.f32 v29, v53  }
0x348: {  	v1 =	vmul.f32 v1, v11;
	v29 =	vadd.f32 $9.999999740e-06, v34;
	v28 =	vadd.f32 v28, v13  }
0x349: {  	v50 =	vshrl.u32 v6, $0x1;
	v8 =	vadd.f32 $9.999999740e-06, v8;
	[tilespmem:v41+s24+$0x0] =	vst.idx.msk $0xffff, v5;
	v5 =	vadd.f32 v9, v14  }
0x34a: {  	v6 =	vmul.f32 $5.000000000e-01, v6;
	v1 =	vadd.f32 v1, v15;
	v9 =	vshrl.u32 v29, $0x1;
	[tilespmem:v26+s24+$0x0] =	vst.idx.msk $0xffff, v28  }
0x34b: {  	v26 =	vmul.f32 $5.000000000e-01, v29;
	v28 =	vshrl.u32 v8, $0x1;
	[tilespmem:v49+s24+$0x0] =	vst.idx.msk $0xffff, v5;
	v5 =	vsub.s32 $0x5F3759DF, v50  }
0x34c: {  	v8 =	vmul.f32 $5.000000000e-01, v8;
	v9 =	vsub.s32 $0x5F3759DF, v9;
	[tilespmem:v27+s24+$0x0] =	vst.idx.msk $0xffff, v1;
	v1 =	vmul.f32 v5, v6  }
0x34d: {  	v7 =	vsub.f32 v24, v7;
	v28 =	vsub.s32 $0x5F3759DF, v28;
	v24 =	vmul.f32 v9, v26  }
0x34e: {  	v23 =	vadd.f32 v23, v15;
	v29 =	vmul.f32 v28, v8;
	v1 =	vmul.f32 v5, v1  }
0x34f: {  	v22 =	vadd.f32 v22, v12;
	v20 =	vadd.f32 v20, v13;
	v24 =	vmul.f32 v9, v24  }
0x350: {  	v21 =	vadd.f32 v21, v14;
	v29 =	vmul.f32 v28, v29;
	v1 =	vsub.f32 $1.500000000e+00, v1  }
0x351: {  	v19 =	vadd.f32 v19, v15;
	v60 =	vadd.s32 v62, v16;
	v24 =	vsub.f32 $1.500000000e+00, v24  }
0x352: {  	[tilespmem:v18+s24+$0x0] =	vst.idx.msk $0xffff, v23;
	v25 =	vsub.f32 v25, v33;
	v29 =	vsub.f32 $1.500000000e+00, v29;
	v1 =	vmul.f32 v5, v1  }
0x353: {  	v54 =	vsub.f32 v43, v33;
	v55 =	vsub.f32 v44, v33;
	v5 =	vmul.f32 v9, v24  }
0x354: {  	v56 =	vsub.f32 v47, v35;
	v24 =	vmul.f32 v28, v29;
	v6 =	vmul.f32 v1, v6  }
0x355: {  	v57 =	vadd.s32 v63, v16;
	v58 =	vsub.f32 v46, v35;
	v26 =	vmul.f32 v5, v26  }
0x356: {  	v16 =	vadd.s32 v10, v16;
	v8 =	vmul.f32 v24, v8;
	v6 =	vmul.f32 v6, v1  }
0x357: {  	v27 =	vsub.f32 v42, v33;
	v9 =	vsub.f32 v45, v35;
	v26 =	vmul.f32 v26, v5  }
0x358: {  	[tilespmem:v17+s24+$0x0] =	vst.idx.msk $0xffff, v22;
	v29 =	vmov s15;
	v8 =	vmul.f32 v8, v24;
	v6 =	vsub.f32 $1.500000000e+00, v6  }
0x359: {  	[tilespmem:v60+s24+$0x0] =	vst.idx.msk $0xffff, v20;
	v28 =	vsub.f32 v48, v35;
	v18 =	vand.u32 $0x7C, v29;
	v23 =	vsub.f32 $1.500000000e+00, v26  }
0x35a: {  	[tilespmem:v57+s24+$0x0] =	vst.idx.msk $0xffff, v21;
	v59 =	vadd.s32 v61, v18;
	v8 =	vsub.f32 $1.500000000e+00, v8;
	v1 =	vmul.f32 v6, v1  }
0x35b: {  	s12 =	sadd.s32 $0x1, s15;
	v34 =	vadd.s32 v62, v18;
	v35 =	vadd.s32 v63, v18;
	v5 =	vmul.f32 v23, v5  }
0x35c: {  	[tilespmem:v16+s24+$0x0] =	vst.idx.msk $0xffff, v19;
	v6 =	vmov s12;
	s12 =	sadd.s32 $0x2, s15;
	v8 =	vmul.f32 v8, v24;
	v19 =	vmul.f32 v1, v30  }
0x35d: {  	v17 =	vmov s12;
	v20 =	vmul.f32 v1, v31;
	v21 =	vmul.f32 v1, v32  }
0x35e: {  	v6 =	vand.u32 $0x7D, v6;
	v1 =	vmul.f32 v1, v7;
	v7 =	vmul.f32 v5, v25  }
0x35f: {  	v31 =	vadd.s32 v10, v18;
	v22 =	vmul.f32 v5, v27;
	v23 =	vmul.f32 v5, v54  }
0x360: {  	v33 =	vadd.s32 v61, v6;
	v5 =	vmul.f32 v5, v55;
	v24 =	vmul.f32 v8, v56  }
0x361: {  	s16 =	sadd.s32 $0x100, s16;
	v32 =	vadd.s32 v62, v6;
	v25 =	vmul.f32 v8, v58;
	v9 =	vmul.f32 v8, v9  }
0x362: {  	v36 =	vld [tilespmem:s16+$0xFFFFFF90];
	v30 =	vadd.s32 v63, v6;
	v8 =	vmul.f32 v8, v28;
	v19 =	vmul.f32 v19, v51  }
0x363: {  	v27 =	vld [tilespmem:s16+$0x40];
	v18 =	vadd.s32 v10, v6;
	v20 =	vmul.f32 v20, v52;
	v6 =	vmul.f32 v21, v53  }
0x364: {  	p1 =	slt.u32 s18, $0x7C;
	v16 =	vand.u32 $0x7E, v17;
	v28 =	vld [tilespmem:s16+$0x50];
	v1 =	vmul.f32 v1, v11;
	v7 =	vmul.f32 v7, v51  }
.Ltmp4:
0x365: {  	v37 =	vld [tilespmem:s16+$0xFFFFFFA0];
	v17 =	vadd.s32 v61, v16;
	v50 =	vmul.f32 v22, v52;
	v49 =	vmul.f32 v23, v53;
	(pc) =	sbr.rel @p1 .LBB2_11-.Ltmp4, $4  }
0x366: {  	v29 =	vld [tilespmem:s16+$0x60];
	v23 =	vmul.f32 v5, v11;
	v22 =	vmul.f32 v24, v51;
	v60 =	vadd.f32 v19, v12  }
0x367: {  	v26 =	vld [tilespmem:s16+$0x70];
	v21 =	vmul.f32 v9, v53;
	v41 =	vadd.f32 v20, v13;
	v40 =	vadd.f32 v6, v14  }
0x368: {  	v24 =	vld [tilespmem:s16+$0xFFFFFFB0];
	v20 =	vmul.f32 v25, v52;
	v38 =	vadd.f32 v1, v15;
	v19 =	vmul.f32 v8, v11  }
0x369: {  	s15 =	smov.u32 s18;
	s18 =	sadd.s32 $0x4, s18;
	v25 =	vld [tilespmem:s16+$0xFFFFFFC0];
	v39 =	vadd.f32 v7, v12;
	v45 =	vadd.f32 v28, v27;
	[tilespmem:v59+s24+$0x0] =	vst.idx.msk $0xffff, v60  }
0x36a: {  	v48 =	vld [tilespmem:s16+$0xFFFFFFD0]  }
0x36b: {  	v5 =	vmul.f32 v27, v27;
	v47 =	vld [tilespmem:s16+$0xFFFFFFE0]  }
0x36c: {  	v6 =	vmul.f32 v28, v28;
	v46 =	vld [tilespmem:s16+$0xFFFFFFF0];
	v50 =	vadd.f32 v50, v13;
	v23 =	vadd.f32 v23, v15  }
0x36d: {  	v9 =	vmul.f32 v36, v36;
	v44 =	vld [tilespmem:s16+$0x0];
	v20 =	vadd.f32 v20, v13;
	v1 =	vadd.f32 v26, v29  }
0x36e: {  	v43 =	vld [tilespmem:s16+$0x10];
	v7 =	vmul.f32 v29, v29;
	v8 =	vmul.f32 v26, v26;
	v5 =	vadd.f32 v6, v5  }
0x36f: {  	v54 =	vld [tilespmem:s16+$0xFFFFFF80];
	v59 =	vmul.f32 v24, v24;
	v51 =	vadd.f32 v24, v37;
	v1 =	vadd.f32 v1, v45  }
0x370: {  	v6 =	vadd.f32 v8, v7;
	v7 =	vmul.f32 v37, v37;
	v52 =	vmul.f32 v25, v25  }
0x371: {  	v53 =	vadd.f32 v48, v25;
	v60 =	vmul.f32 v48, v48;
	v55 =	vmul.f32 v47, v47  }
0x372: {  	v56 =	vadd.f32 v46, v47;
	v5 =	vadd.f32 v6, v5;
	v6 =	vperm.xlane v1, v0  }
0x373: {  	v42 =	vld [tilespmem:s16+$0x20];
	v57 =	vmul.f32 v44, v44;
	v58 =	vadd.f32 v43, v44;
	v7 =	vadd.f32 v59, v7  }
0x374: {  	v45 =	vld [tilespmem:s16+$0x30];
	v59 =	vadd.f32 v36, v54;
	v1 =	vadd.f32 v1, v6;
	v6 =	vperm.xlane v5, v0  }
0x375: {  	v8 =	vadd.f32 v60, v52;
	v52 =	vmul.f32 v46, v46;
	v53 =	vadd.f32 v56, v53  }
0x376: {  	v56 =	vmul.f32 v43, v43;
	v5 =	vadd.f32 v5, v6;
	v6 =	vperm.xlane v1, v2  }
0x377: {  	v51 =	vadd.f32 v51, v59;
	v52 =	vadd.f32 v52, v55;
	v55 =	vmul.f32 v54, v54  }
0x378: {  	v59 =	vmul.f32 v42, v42;
	v1 =	vadd.f32 v6, v1;
	v6 =	vperm.xlane v5, v2  }
0x379: {  	v60 =	vadd.f32 v45, v42;
	v9 =	vadd.f32 v9, v55;
	v55 =	vmul.f32 v45, v45  }
0x37a: {  	v56 =	vadd.f32 v56, v57;
	v5 =	vadd.f32 v6, v5;
	v6 =	vperm.xlane v1, v3  }
0x37b: {  	v58 =	vadd.f32 v60, v58;
	v55 =	vadd.f32 v55, v59  }
0x37c: {  	v19 =	vadd.f32 v19, v15;
	v1 =	vadd.f32 v6, v1;
	v6 =	vperm.xlane v5, v3  }
0x37d: {  	v8 =	vadd.f32 v52, v8;
	v52 =	vadd.f32 v55, v56;
	v55 =	vperm.xlane v58, v0  }
0x37e: {  	v5 =	vadd.f32 v6, v5;
	v6 =	vperm.xlane v51, v0;
	v60 =	vperm.xlane v1, v4  }
0x37f: {  	v57 =	vperm.xlane v53, v0;
	v7 =	vadd.f32 v7, v9;
	v55 =	vadd.f32 v58, v55  }
0x380: {  	v56 =	vperm.xlane v5, v4;
	v6 =	vadd.f32 v51, v6;
	v1 =	vadd.f32 v60, v1  }
0x381: {  	v60 =	vperm.xlane v7, v0;
	v51 =	vadd.f32 v53, v57;
	v53 =	vperm.xlane v8, v0  }
0x382: {  	v5 =	vadd.f32 v56, v5;
	v1 =	vmul.f32 $1.562500000e-02, v1;
	v56 =	vperm.xlane v6, v2  }
0x383: {  	v7 =	vadd.f32 v7, v60;
	v60 =	vperm.xlane v52, v0;
	v57 =	vperm.xlane v51, v2  }
0x384: {  	v8 =	vadd.f32 v8, v53;
	v5 =	vmul.f32 $1.562500000e-02, v5;
	v53 =	vmul.f32 v1, v1  }
0x385: {  	v9 =	vadd.f32 v52, v60;
	v52 =	vperm.xlane v55, v2;
	v6 =	vadd.f32 v56, v6  }
0x386: {  	v60 =	vperm.xlane v7, v2;
	v51 =	vadd.f32 v57, v51;
	v56 =	vadd.f32 v49, v14  }
0x387: {  	v5 =	vsub.f32 v5, v53;
	v53 =	vperm.xlane v8, v2;
	v52 =	vadd.f32 v52, v55  }
0x388: {  	v55 =	vperm.xlane v9, v2;
	v7 =	vadd.f32 v60, v7;
	v60 =	vperm.xlane v6, v3  }
0x389: {  	v5 =	vadd.f32 $9.999999740e-06, v5;
	v8 =	vadd.f32 v53, v8;
	v53 =	vperm.xlane v51, v3  }
0x38a: {  	v9 =	vadd.f32 v55, v9;
	v6 =	vadd.f32 v60, v6;
	v60 =	vperm.xlane v52, v3  }
0x38b: {  	v57 =	vperm.xlane v7, v3;
	v55 =	vshrl.u32 v5, $0x1;
	v5 =	vmul.f32 $5.000000000e-01, v5  }
0x38c: {  	v51 =	vadd.f32 v53, v51;
	v58 =	vperm.xlane v8, v3;
	v52 =	vadd.f32 v60, v52  }
0x38d: {  	v60 =	vperm.xlane v9, v3;
	v7 =	vadd.f32 v57, v7;
	v55 =	vsub.s32 $0x5F3759DF, v55  }
0x38e: {  	v57 =	vperm.xlane v6, v4;
	v53 =	vmul.f32 v55, v5;
	v8 =	vadd.f32 v58, v8  }
0x38f: {  	v58 =	vperm.xlane v51, v4;
	v9 =	vadd.f32 v60, v9;
	v60 =	vperm.xlane v52, v4  }
0x390: {  	v6 =	vadd.f32 v57, v6;
	v57 =	vperm.xlane v7, v4;
	v53 =	vmul.f32 v55, v53  }
0x391: {  	v51 =	vadd.f32 v58, v51;
	v52 =	vadd.f32 v60, v52;
	v60 =	vperm.xlane v8, v4  }
0x392: {  	v7 =	vadd.f32 v57, v7;
	v6 =	vmul.f32 $1.562500000e-02, v6;
	v53 =	vsub.f32 $1.500000000e+00, v53  }
0x393: {  	v8 =	vadd.f32 v60, v8;
	v60 =	vperm.xlane v9, v4;
	v51 =	vmul.f32 $1.562500000e-02, v51  }
0x394: {  	v58 =	vsub.f32 v27, v1;
	v7 =	vmul.f32 $1.562500000e-02, v7;
	v59 =	vmul.f32 v6, v6  }
0x395: {  	v54 =	vsub.f32 v54, v6;
	v36 =	vsub.f32 v36, v6;
	v53 =	vmul.f32 v55, v53  }
0x396: {  	v49 =	vmul.f32 $1.562500000e-02, v52;
	v37 =	vsub.f32 v37, v6;
	v6 =	vsub.f32 v24, v6  }
0x397: {  	v9 =	vadd.f32 v60, v9;
	v8 =	vmul.f32 $1.562500000e-02, v8;
	v5 =	vmul.f32 v53, v5  }
0x398: {  	s8 =	sadd.s32 $0x3, s15;
	v7 =	vsub.f32 v7, v59;
	v60 =	vmul.f32 v51, v51;
	v57 =	vmul.f32 v49, v49  }
0x399: {  	v59 =	vmov s8;
	v55 =	vsub.f32 v29, v1;
	v5 =	vmul.f32 v5, v53  }
0x39a: {  	[tilespmem:v34+s24+$0x0] =	vst.idx.msk $0xffff, v41;
	v48 =	vsub.f32 v48, v51;
	v9 =	vmul.f32 $1.562500000e-02, v9;
	v8 =	vsub.f32 v8, v60  }
0x39b: {  	[tilespmem:v35+s24+$0x0] =	vst.idx.msk $0xffff, v40;
	v52 =	vand.u32 $0x7F, v59;
	v7 =	vadd.f32 $9.999999740e-06, v7;
	v5 =	vsub.f32 $1.500000000e+00, v5  }
0x39c: {  	v60 =	vsub.f32 v28, v1;
	v35 =	vadd.s32 v61, v52;
	v9 =	vsub.f32 v9, v57  }
0x39d: {  	v41 =	vld [tilespmem:$0x1FF40];
	v1 =	vsub.f32 v26, v1;
	v8 =	vadd.f32 $9.999999740e-06, v8;
	v5 =	vmul.f32 v5, v53  }
0x39e: {  	v57 =	vadd.s32 v62, v52;
	v9 =	vadd.f32 $9.999999740e-06, v9;
	v53 =	vld [tilespmem:$0x1FF50];
	[tilespmem:v31+s24+$0x0] =	vst.idx.msk $0xffff, v38;
	v31 =	vsub.f32 v46, v51  }
0x39f: {  	v38 =	vld [tilespmem:$0x1FF60];
	[tilespmem:v33+s24+$0x0] =	vst.idx.msk $0xffff, v39;
	v27 =	vmul.f32 v5, v58;
	v58 =	vshrl.u32 v7, $0x1;
	v7 =	vmul.f32 $5.000000000e-01, v7  }
0x3a0: {  	v39 =	vsub.f32 v25, v51;
	v28 =	vmul.f32 v5, v60;
	v29 =	vmul.f32 v5, v55  }
0x3a1: {  	v1 =	vmul.f32 v5, v1;
	v5 =	vadd.s32 v63, v52;
	[tilespmem:v32+s24+$0x0] =	vst.idx.msk $0xffff, v50;
	v34 =	vsub.s32 $0x5F3759DF, v58  }
0x3a2: {  	v50 =	vsub.f32 v47, v51;
	v55 =	vadd.f32 v22, v12;
	v60 =	vmul.f32 v34, v7  }
0x3a3: {  	v47 =	vsub.f32 v44, v49;
	v58 =	vadd.s32 v10, v52;
	v59 =	vmul.f32 v27, v41  }
0x3a4: {  	v52 =	vadd.s32 v63, v16;
	v28 =	vmul.f32 v28, v53;
	v27 =	vmul.f32 v34, v60  }
0x3a5: {  	v26 =	vadd.f32 v59, v12;
	v59 =	vshrl.u32 v8, $0x1;
	v8 =	vmul.f32 $5.000000000e-01, v8  }
0x3a6: {  	v29 =	vmul.f32 v29, v38;
	v60 =	vsub.s32 $0x5F3759DF, v59;
	v27 =	vsub.f32 $1.500000000e+00, v27  }
0x3a7: {  	v1 =	vmul.f32 v1, v11;
	v28 =	vadd.f32 v28, v13;
	v32 =	vmul.f32 v60, v8  }
0x3a8: {  	v29 =	vadd.f32 v29, v14;
	[tilespmem:v35+s24+$0x0] =	vst.idx.msk $0xffff, v26;
	v27 =	vmul.f32 v34, v27  }
0x3a9: {  	[tilespmem:v57+s24+$0x0] =	vst.idx.msk $0xffff, v28;
	v34 =	vshrl.u32 v9, $0x1;
	v9 =	vmul.f32 $5.000000000e-01, v9;
	v35 =	vmul.f32 v60, v32  }
0x3aa: {  	[tilespmem:v5+s24+$0x0] =	vst.idx.msk $0xffff, v29;
	v5 =	vadd.s32 v62, v16;
	v26 =	vsub.s32 $0x5F3759DF, v34;
	v7 =	vmul.f32 v27, v7  }
0x3ab: {  	v1 =	vadd.f32 v1, v15;
	v40 =	vmul.f32 v26, v9;
	v24 =	vsub.f32 $1.500000000e+00, v35  }
0x3ac: {  	[tilespmem:v30+s24+$0x0] =	vst.idx.msk $0xffff, v56;
	v56 =	vadd.s32 v10, v16;
	v7 =	vmul.f32 v7, v27  }
0x3ad: {  	[tilespmem:v58+s24+$0x0] =	vst.idx.msk $0xffff, v1;
	v58 =	vmov s15;
	v1 =	vmul.f32 v26, v40;
	v24 =	vmul.f32 v60, v24  }
0x3ae: {  	[tilespmem:v17+s24+$0x0] =	vst.idx.msk $0xffff, v55;
	v57 =	vadd.f32 v21, v14;
	v59 =	vand.u32 $0x7C, v58;
	v7 =	vsub.f32 $1.500000000e+00, v7  }
0x3af: {  	s16 =	sadd.s32 $0x1, s15;
	v30 =	vadd.s32 v62, v59;
	[tilespmem:v5+s24+$0x0] =	vst.idx.msk $0xffff, v20;
	v1 =	vsub.f32 $1.500000000e+00, v1;
	v8 =	vmul.f32 v24, v8  }
0x3b0: {  	v34 =	vmov s16;
	v33 =	vadd.s32 v63, v59;
	[tilespmem:v52+s24+$0x0] =	vst.idx.msk $0xffff, v57;
	v7 =	vmul.f32 v7, v27  }
0x3b1: {  	v52 =	vsub.f32 v42, v49;
	v1 =	vmul.f32 v26, v1;
	v5 =	vmul.f32 v8, v24  }
0x3b2: {  	v26 =	vadd.s32 v61, v59;
	v8 =	vadd.s32 v10, v59;
	v60 =	vmul.f32 v7, v54  }
0x3b3: {  	[tilespmem:v18+s24+$0x0] =	vst.idx.msk $0xffff, v23;
	v27 =	vmul.f32 v7, v36;
	v9 =	vmul.f32 v1, v9;
	v5 =	vsub.f32 $1.500000000e+00, v5  }
0x3b4: {  	[tilespmem:v56+s24+$0x0] =	vst.idx.msk $0xffff, v19;
	v32 =	vmul.f32 v7, v37;
	v6 =	vmul.f32 v7, v6;
	v7 =	vand.u32 $0x7D, v34  }
0x3b5: {  	v54 =	vsub.f32 v45, v49;
	v37 =	vadd.s32 v61, v7;
	v18 =	vmul.f32 v60, v41  }
0x3b6: {  	v40 =	vadd.s32 v62, v7;
	v46 =	vadd.s32 v63, v7;
	v20 =	vmul.f32 v27, v53  }
0x3b7: {  	v5 =	vmul.f32 v5, v24;
	v16 =	vmul.f32 v32, v38;
	v18 =	vadd.f32 v18, v12  }
0x3b8: {  	v9 =	vmul.f32 v9, v1;
	v6 =	vmul.f32 v6, v11;
	v20 =	vadd.f32 v20, v13  }
0x3b9: {  	v35 =	vmul.f32 v5, v39;
	v16 =	vadd.f32 v16, v14;
	[tilespmem:v26+s24+$0x0] =	vst.idx.msk $0xffff, v18  }
0x3ba: {  	v36 =	vmul.f32 v5, v48;
	v6 =	vadd.f32 v6, v15;
	[tilespmem:v30+s24+$0x0] =	vst.idx.msk $0xffff, v20  }
0x3bb: {  	v39 =	vmul.f32 v5, v50;
	v17 =	vmul.f32 v35, v41;
	[tilespmem:v33+s24+$0x0] =	vst.idx.msk $0xffff, v16  }
0x3bc: {  	v5 =	vmul.f32 v5, v31;
	v18 =	vmul.f32 v36, v53;
	[tilespmem:v8+s24+$0x0] =	vst.idx.msk $0xffff, v6;
	v6 =	vsub.f32 $1.500000000e+00, v9  }
0x3bd: {  	v7 =	vadd.s32 v10, v7;
	v21 =	vmul.f32 v39, v38;
	v17 =	vadd.f32 v17, v12  }
0x3be: {  	s18 =	sadd.s32 $0x2, s15;
	v5 =	vmul.f32 v5, v11;
	v48 =	vadd.f32 v18, v13;
	v1 =	vmul.f32 v6, v1  }
0x3bf: {  	v50 =	vsub.f32 v43, v49;
	v51 =	vadd.f32 v21, v14;
	[tilespmem:v37+s24+$0x0] =	vst.idx.msk $0xffff, v17;
	v6 =	vmov s18  }
0x3c0: {  	v5 =	vadd.f32 v5, v15;
	[tilespmem:v40+s24+$0x0] =	vst.idx.msk $0xffff, v48;
	v6 =	vand.u32 $0x7E, v6;
	v55 =	vmul.f32 v1, v47  }
0x3c1: {  	[tilespmem:v46+s24+$0x0] =	vst.idx.msk $0xffff, v51;
	v9 =	vmul.f32 v1, v50;
	v56 =	vadd.s32 v61, v6  }
0x3c2: {  	v8 =	vmul.f32 v1, v52;
	v58 =	vadd.s32 v62, v6;
	v57 =	vmul.f32 v55, v41  }
0x3c3: {  	v1 =	vmul.f32 v1, v54;
	v59 =	vadd.s32 v63, v6;
	v9 =	vmul.f32 v9, v53  }
0x3c4: {  	v6 =	vadd.s32 v10, v6;
	v8 =	vmul.f32 v8, v38;
	v60 =	vadd.f32 v57, v12  }
0x3c5: {  	[tilespmem:v7+s24+$0x0] =	vst.idx.msk $0xffff, v5;
	v1 =	vmul.f32 v1, v11;
	v5 =	vadd.f32 v9, v13  }
0x3c6: {  	v7 =	vadd.f32 v8, v14;
	[tilespmem:v56+s24+$0x0] =	vst.idx.msk $0xffff, v60  }
0x3c7: {  	v1 =	vadd.f32 v1, v15;
	[tilespmem:v58+s24+$0x0] =	vst.idx.msk $0xffff, v5  }
0x3c8: {  	s13 =	sadd.s32 s13, s10;
	s12 =	simm.s32 $0xE488;
	[tilespmem:v59+s24+$0x0] =	vst.idx.msk $0xffff, v7  }
0x3c9: {  	s8 =	sadd.s32 $0x0, s13;
	s15 =	simm.s32 $0xE400;
	s16 =	simm.s32 $0x200;
	v46 =	vmov v10;
	[tilespmem:v6+s24+$0x0] =	vst.idx.msk $0xffff, v1  }
.LBB2_13:
0x3ca: {  	[hbm4b:s8+s4] =	stream.linear.scatter [tilespmem:s15], [sflag:$0x5], $0x80, $0x38;
	[tilespmem:$0x12880] =	vst v63  }
0x3cb: {  	s8 =	smov.u32 s16;
	s15 =	smov.u32 s12;
	p1 =	sne.s32 s16, $0x7E00  }
.Ltmp5:
0x3cc: {  	s16 =	sadd.s32 $0x200, s16;
	(pc) =	sbr.rel @p1 .LBB2_13-.Ltmp5, $2  }
0x3cd: {  	_ =	sdelay $0x2  }
0x3ce: {  	s12 =	sadd.s32 $0x88, s12;
	s8 =	sadd.s32 s8, s13  }
0x3cf: {  	[hbm4b:s8+s4] =	stream.linear.scatter [tilespmem:s15], [sflag:$0x5], $0x80, $0x38;
	[tilespmem:$0x12880] =	vst v63  }
0x3d0: {  	s8 =	sadd.s32 @!p0 $0x300, s2;
	s12 =	simm.s32 @!p0 $0x20;
	s13 =	simm.s32 @!p0 $0xA400  }
0x3d1: {  	[tilespmem:s13], [sflag:$0x3] =	stream.indirect.gather @!p0 [hbm4b:s5+s12], $0x40, s8, s12, $0xb8;
	[tilespmem:$0x12880] =	vst v63  }
0x3d2: {  	s8 =	sadd.s32 @!p0 $0x320, s2;
	s13 =	simm.s32 @!p0 $0xAC00  }
0x3d3: {  	[tilespmem:s13], [sflag:$0x3] =	stream.indirect.gather @!p0 [hbm4b:s5+s12], $0x40, s8, s12, $0xb8;
	[tilespmem:$0x12880] =	vst v63  }
0x3d4: {  	s8 =	sadd.s32 @!p0 $0x340, s2;
	s13 =	simm.s32 @!p0 $0xB400  }
0x3d5: {  	[tilespmem:s13], [sflag:$0x3] =	stream.indirect.gather @!p0 [hbm4b:s5+s12], $0x40, s8, s12, $0xb8;
	[tilespmem:$0x12880] =	vst v63  }
0x3d6: {  	s2 =	sadd.s32 @!p0 $0x360, s2;
	s8 =	simm.s32 @!p0 $0xBC00  }
0x3d7: {  	[tilespmem:s8], [sflag:$0x3] =	stream.indirect.gather @!p0 [hbm4b:s5+s12], $0x40, s2, s12, $0xb8;
	[tilespmem:$0x12880] =	vst v63  }
0x3d8: {  	_ =	swait.ge [sflag:s30], $0x800  }
0x3d9: {  	[sflag:s30] =	ssyncset.done $0x0  }
0x3da: {  	[sflag:s30] =	ssyncadd.s32 $0xFFFFF800  }
0x3db: {  	_ =	swait.ge [sflag:s30], $0x800  }
0x3dc: {  	[sflag:s30] =	ssyncset.done $0x0  }
0x3dd: {  	[sflag:s30] =	ssyncadd.s32 $0xFFFFF800  }
0x3de: {  	_ =	swait.ge [sflag:s30], $0x800  }
0x3df: {  	[sflag:s30] =	ssyncset.done $0x0  }
0x3e0: {  	[sflag:s30] =	ssyncadd.s32 $0xFFFFF800  }
0x3e1: {  	_ =	swait.ge [sflag:s30], $0x800  }
0x3e2: {  	[sflag:s30] =	ssyncset.done $0x0  }
0x3e3: {  	[sflag:s30] =	ssyncadd.s32 $0xFFFFF800  }
0x3e4: {  	_ =	swait.ge [sflag:s31], $0x2000  }
0x3e5: {  	[sflag:s31] =	ssyncset.done $0x0  }
0x3e6: {  	s12 =	simm.s32 $0xC480;
	[sflag:s31] =	ssyncadd.s32 $0xFFFFE000  }
0x3e7: {  	v13 =	vld [tilespmem:s12+$0x40]  }
0x3e8: {  	v10 =	vld [tilespmem:s12+$0x50]  }
0x3e9: {  	v11 =	vld [tilespmem:s12+$0x60]  }
0x3ea: {  	v12 =	vld [tilespmem:s12+$0x70]  }
0x3eb: {  	v9 =	vld [tilespmem:s12+$0xFFFFFFA0]  }
0x3ec: {  	v18 =	vld [tilespmem:s12+$0xFFFFFFB0]  }
0x3ed: {  	v17 =	vld [tilespmem:s12+$0xFFFFFFC0]  }
0x3ee: {  	v16 =	vld [tilespmem:s12+$0xFFFFFFD0]  }
0x3ef: {  	v19 =	vld [tilespmem:s12+$0xFFFFFFE0]  }
0x3f0: {  	v20 =	vld [tilespmem:s12+$0xFFFFFFF0]  }
0x3f1: {  	v21 =	vld [tilespmem:s12+$0x0];
	v1 =	vadd.f32 v10, v13  }
0x3f2: {  	v23 =	vld [tilespmem:s12+$0x10];
	v5 =	vadd.f32 v12, v11;
	v6 =	vmul.f32 v13, v13;
	v7 =	vmul.f32 v10, v10  }
0x3f3: {  	v22 =	vld [tilespmem:s12+$0x20];
	v14 =	vmul.f32 v11, v11;
	v15 =	vmul.f32 v12, v12;
	v25 =	vadd.f32 v18, v9  }
0x3f4: {  	v24 =	vld [tilespmem:s12+$0x30];
	v26 =	vmul.f32 v17, v17;
	v27 =	vadd.f32 v16, v17;
	v28 =	vmul.f32 v16, v16  }
0x3f5: {  	v29 =	vmul.f32 v19, v19;
	v30 =	vadd.f32 v20, v19;
	v1 =	vadd.f32 v5, v1  }
0x3f6: {  	v31 =	vmul.f32 v21, v21;
	v6 =	vadd.f32 v7, v6;
	v7 =	vadd.f32 v15, v14  }
0x3f7: {  	v32 =	vadd.f32 v23, v21;
	v14 =	vmul.f32 v9, v9;
	v15 =	vmul.f32 v18, v18  }
0x3f8: {  	v8 =	vld [tilespmem:s12+$0xFFFFFF90];
	v33 =	vmul.f32 v22, v22;
	v6 =	vadd.f32 v7, v6;
	v7 =	vperm.xlane v1, v0  }
0x3f9: {  	v34 =	vadd.f32 v24, v22;
	v37 =	vmul.f32 v24, v24;
	v14 =	vadd.f32 v15, v14;
	v15 =	vld [tilespmem:s12+$0xFFFFFF80]  }
0x3fa: {  	v26 =	vadd.f32 v28, v26;
	v1 =	vadd.f32 v1, v7;
	v7 =	vperm.xlane v6, v0  }
0x3fb: {  	v28 =	vmul.f32 v20, v20;
	v27 =	vadd.f32 v30, v27;
	v30 =	vmul.f32 v23, v23  }
0x3fc: {  	v32 =	vadd.f32 v34, v32;
	v6 =	vadd.f32 v6, v7;
	v7 =	vperm.xlane v1, v2  }
0x3fd: {  	v5 =	vmul.f32 v8, v8;
	v28 =	vadd.f32 v28, v29;
	v30 =	vadd.f32 v30, v31  }
0x3fe: {  	v36 =	vmul.f32 v15, v15;
	v1 =	vadd.f32 v7, v1;
	v7 =	vperm.xlane v6, v2  }
0x3ff: {  	v29 =	vperm.xlane v27, v0;
	v31 =	vadd.f32 v37, v33;
	v35 =	vadd.f32 v8, v15  }
0x400: {  	v5 =	vadd.f32 v5, v36;
	v6 =	vadd.f32 v7, v6;
	v7 =	vperm.xlane v1, v3  }
0x401: {  	v27 =	vadd.f32 v27, v29;
	v25 =	vadd.f32 v25, v35  }
0x402: {  	v5 =	vadd.f32 v14, v5;
	v1 =	vadd.f32 v7, v1;
	v7 =	vperm.xlane v6, v3  }
0x403: {  	v14 =	vadd.f32 v28, v26;
	v26 =	vadd.f32 v31, v30;
	v28 =	vperm.xlane v32, v0  }
0x404: {  	v43 =	vperm.xlane v25, v0;
	v6 =	vadd.f32 v7, v6;
	v7 =	vperm.xlane v1, v4  }
0x405: {  	v30 =	vperm.xlane v5, v0;
	v28 =	vadd.f32 v32, v28;
	v29 =	vperm.xlane v26, v0  }
0x406: {  	v25 =	vadd.f32 v25, v43;
	v1 =	vadd.f32 v7, v1;
	v7 =	vperm.xlane v6, v4  }
0x407: {  	v5 =	vadd.f32 v5, v30;
	v26 =	vadd.f32 v26, v29;
	v29 =	vperm.xlane v28, v2  }
0x408: {  	v31 =	vperm.xlane v25, v2;
	v6 =	vadd.f32 v7, v6;
	v1 =	vmul.f32 $1.562500000e-02, v1  }
0x409: {  	v28 =	vadd.f32 v29, v28;
	v29 =	vperm.xlane v26, v2;
	v7 =	vperm.xlane v14, v0  }
0x40a: {  	v25 =	vadd.f32 v31, v25;
	v6 =	vmul.f32 $1.562500000e-02, v6;
	v30 =	vmul.f32 v1, v1  }
0x40b: {  	v26 =	vadd.f32 v29, v26;
	v7 =	vadd.f32 v14, v7;
	v14 =	vperm.xlane v27, v2  }
0x40c: {  	v29 =	vperm.xlane v28, v3;
	v13 =	vsub.f32 v13, v1;
	v6 =	vsub.f32 v6, v30  }
0x40d: {  	v30 =	vperm.xlane v5, v2;
	v14 =	vadd.f32 v14, v27;
	v27 =	vperm.xlane v7, v2  }
0x40e: {  	v28 =	vadd.f32 v29, v28;
	v6 =	vadd.f32 $9.999999740e-06, v6  }
0x40f: {  	v5 =	vadd.f32 v30, v5;
	v30 =	vperm.xlane v25, v3;
	v7 =	vadd.f32 v27, v7  }
0x410: {  	v31 =	vperm.xlane v14, v3;
	v27 =	vshrl.u32 v6, $0x1;
	v6 =	vmul.f32 $5.000000000e-01, v6  }
0x411: {  	v25 =	vadd.f32 v30, v25;
	v44 =	vperm.xlane v5, v3;
	v27 =	vsub.s32 $0x5F3759DF, v27  }
0x412: {  	v14 =	vadd.f32 v31, v14;
	v31 =	vperm.xlane v7, v3;
	v30 =	vmul.f32 v27, v6  }
0x413: {  	v29 =	vperm.xlane v26, v3;
	v5 =	vadd.f32 v44, v5;
	v45 =	vperm.xlane v25, v4  }
0x414: {  	v7 =	vadd.f32 v31, v7;
	v31 =	vperm.xlane v14, v4;
	v30 =	vmul.f32 v27, v30  }
0x415: {  	v26 =	vadd.f32 v29, v26;
	v25 =	vadd.f32 v45, v25;
	v47 =	vperm.xlane v5, v4  }
0x416: {  	v14 =	vadd.f32 v31, v14;
	v31 =	vperm.xlane v7, v4;
	v29 =	vsub.f32 $1.500000000e+00, v30  }
0x417: {  	v30 =	vperm.xlane v28, v4;
	v5 =	vadd.f32 v47, v5;
	v25 =	vmul.f32 $1.562500000e-02, v25  }
0x418: {  	v7 =	vadd.f32 v31, v7;
	v27 =	vmul.f32 v27, v29;
	v29 =	vperm.xlane v26, v4  }
0x419: {  	v28 =	vadd.f32 v30, v28;
	v30 =	vmul.f32 $1.562500000e-02, v14;
	v5 =	vmul.f32 $1.562500000e-02, v5  }
0x41a: {  	v48 =	vsub.f32 v9, v25;
	v7 =	vmul.f32 $1.562500000e-02, v7;
	v18 =	vsub.f32 v18, v25  }
0x41b: {  	v6 =	vmul.f32 v27, v6;
	v14 =	vadd.f32 v29, v26;
	v26 =	vsub.f32 v15, v25  }
0x41c: {  	v15 =	vmul.f32 v25, v25;
	v29 =	vsub.f32 v8, v25;
	v31 =	vmul.f32 v30, v30  }
0x41d: {  	v17 =	vsub.f32 v17, v30;
	v16 =	vsub.f32 v16, v30;
	v6 =	vmul.f32 v6, v27  }
0x41e: {  	v28 =	vmul.f32 $1.562500000e-02, v28;
	v5 =	vsub.f32 v5, v15;
	v7 =	vsub.f32 v7, v31  }
0x41f: {  	v14 =	vmul.f32 $1.562500000e-02, v14;
	v15 =	vsub.f32 v10, v1;
	v6 =	vsub.f32 $1.500000000e+00, v6  }
0x420: {  	v49 =	vmul.f32 v28, v28;
	v31 =	vsub.f32 v11, v1;
	v5 =	vadd.f32 $9.999999740e-06, v5  }
0x421: {  	v1 =	vsub.f32 v12, v1;
	v21 =	vsub.f32 v21, v28;
	v6 =	vmul.f32 v6, v27  }
0x422: {  	v23 =	vsub.f32 v23, v28;
	v54 =	vshrl.u32 v5, $0x1;
	v5 =	vmul.f32 $5.000000000e-01, v5  }
0x423: {  	v10 =	vld [tilespmem:$0x12820];
	v14 =	vsub.f32 v14, v49;
	v13 =	vmul.f32 v6, v13;
	v15 =	vmul.f32 v6, v15  }
0x424: {  	v31 =	vmul.f32 v6, v31;
	v1 =	vmul.f32 v6, v1;
	v6 =	vadd.f32 $9.999999740e-06, v7  }
0x425: {  	v22 =	vsub.f32 v22, v28;
	v37 =	vsub.s32 $0x5F3759DF, v54;
	v7 =	vadd.f32 $9.999999740e-06, v14  }
0x426: {  	v24 =	vsub.f32 v24, v28;
	v14 =	vld [tilespmem:$0x12860];
	v40 =	vmul.f32 v37, v5;
	v38 =	vshrl.u32 v6, $0x1  }
0x427: {  	v6 =	vmul.f32 $5.000000000e-01, v6;
	v39 =	vshrl.u32 v7, $0x1;
	v7 =	vmul.f32 $5.000000000e-01, v7  }
0x428: {  	s15 =	simm.s32 $0x0;
	v31 =	vmul.f32 v31, v10;
	v38 =	vsub.s32 $0x5F3759DF, v38;
	v39 =	vsub.s32 $0x5F3759DF, v39  }
0x429: {  	v8 =	vld [tilespmem:$0x12800];
	v28 =	vmov s15;
	v41 =	vmul.f32 v38, v6;
	v55 =	vmul.f32 v39, v7  }
0x42a: {  	v19 =	vsub.f32 v19, v30;
	v28 =	vand.u32 $0x7C, v28;
	v40 =	vmul.f32 v37, v40  }
0x42b: {  	v9 =	vld [tilespmem:$0x12810];
	v43 =	vadd.f32 v31, v14;
	v41 =	vmul.f32 v38, v41;
	v31 =	vmul.f32 v39, v55  }
0x42c: {  	v20 =	vsub.f32 v20, v30;
	v59 =	vadd.s32 v61, v28;
	v56 =	vsub.f32 $1.500000000e+00, v40  }
0x42d: {  	s13 =	simm.s32 $0x3;
	v11 =	vld [tilespmem:$0x12830];
	v34 =	vadd.s32 v62, v28;
	v57 =	vsub.f32 $1.500000000e+00, v41;
	v25 =	vsub.f32 $1.500000000e+00, v31  }
0x42e: {  	v12 =	vld [tilespmem:$0x12840];
	v27 =	vmov s13;
	v51 =	vmul.f32 v13, v8;
	v31 =	vmul.f32 v37, v56  }
0x42f: {  	v27 =	vand.u32 $0x7F, v27;
	v13 =	vld [tilespmem:$0x12850];
	v58 =	vmul.f32 v38, v57;
	v25 =	vmul.f32 v39, v25  }
0x430: {  	v50 =	vadd.s32 v61, v27;
	v53 =	vmul.f32 v15, v9;
	v5 =	vmul.f32 v31, v5  }
0x431: {  	v52 =	vadd.s32 v62, v27;
	v15 =	vld [tilespmem:$0x12870];
	v6 =	vmul.f32 v58, v6;
	v7 =	vmul.f32 v25, v7  }
0x432: {  	v44 =	vadd.s32 v63, v27;
	v27 =	vadd.s32 v46, v27;
	v5 =	vmul.f32 v5, v31  }
0x433: {  	v42 =	vadd.f32 v51, v12;
	v6 =	vmul.f32 v6, v58;
	v7 =	vmul.f32 v7, v25  }
0x434: {  	v1 =	vmul.f32 v1, v11;
	v36 =	vadd.f32 v53, v13;
	v5 =	vsub.f32 $1.500000000e+00, v5  }
0x435: {  	s16 =	simm.s32 $0x1;
	v35 =	vadd.s32 v63, v28;
	[tilespmem:v50+s26+$0x0] =	vst.idx.msk $0xffff, v42;
	v6 =	vsub.f32 $1.500000000e+00, v6;
	v7 =	vsub.f32 $1.500000000e+00, v7  }
0x436: {  	v30 =	vmov s16;
	v1 =	vadd.f32 v1, v15;
	[tilespmem:v52+s26+$0x0] =	vst.idx.msk $0xffff, v36;
	v5 =	vmul.f32 v5, v31  }
0x437: {  	s18 =	simm.s32 $0x2;
	v31 =	vadd.s32 v46, v28;
	v6 =	vmul.f32 v6, v58;
	v7 =	vmul.f32 v7, v25  }
0x438: {  	[tilespmem:v44+s26+$0x0] =	vst.idx.msk $0xffff, v43;
	v25 =	vmov s18;
	v26 =	vmul.f32 v5, v26;
	v29 =	vmul.f32 v5, v29  }
0x439: {  	s13 =	simm.s32 $0xC580;
	[tilespmem:v27+s26+$0x0] =	vst.idx.msk $0xffff, v1;
	v60 =	vmul.f32 v5, v48;
	v5 =	vmul.f32 v5, v18;
	v18 =	vand.u32 $0x7D, v30  }
0x43a: {  	v27 =	vld [tilespmem:s13+$0x40];
	v33 =	vadd.s32 v61, v18;
	v1 =	vmul.f32 v6, v17;
	v37 =	vmul.f32 v6, v16  }
0x43b: {  	v28 =	vld [tilespmem:s13+$0x50];
	v32 =	vadd.s32 v62, v18;
	v19 =	vmul.f32 v6, v19;
	v6 =	vmul.f32 v6, v20  }
0x43c: {  	v30 =	vadd.s32 v63, v18;
	v20 =	vmul.f32 v7, v21;
	v21 =	vmul.f32 v7, v23  }
0x43d: {  	v16 =	vand.u32 $0x7E, v25;
	v25 =	vmul.f32 v7, v22;
	v7 =	vmul.f32 v7, v24  }
0x43e: {  	v36 =	vld [tilespmem:s13+$0xFFFFFF90];
	v18 =	vadd.s32 v46, v18;
	v22 =	vmul.f32 v26, v8;
	v23 =	vmul.f32 v29, v9  }
0x43f: {  	v29 =	vld [tilespmem:s13+$0x60];
	v24 =	vmul.f32 v60, v10;
	v5 =	vmul.f32 v5, v11;
	v17 =	vadd.s32 v61, v16  }
0x440: {  	v26 =	vld [tilespmem:s13+$0x70];
	v45 =	vadd.f32 v28, v27;
	v63 =	vadd.f32 v22, v12;
	v1 =	vmul.f32 v1, v8  }
0x441: {  	v50 =	vmul.f32 v37, v9;
	v41 =	vadd.f32 v23, v13;
	v49 =	vmul.f32 v19, v10;
	v37 =	vld [tilespmem:s13+$0xFFFFFFA0];
	[tilespmem:$0x1FF10] =	vst v8  }
0x442: {  	v23 =	vmul.f32 v6, v11;
	v40 =	vadd.f32 v24, v14;
	v22 =	vmul.f32 v20, v8;
	[tilespmem:$0x1FF20] =	vst v9  }
0x443: {  	v20 =	vmul.f32 v21, v9;
	v38 =	vadd.f32 v5, v15;
	v21 =	vmul.f32 v25, v10;
	v24 =	vld [tilespmem:s13+$0xFFFFFFB0];
	[tilespmem:$0x1FF30] =	vst v10  }
0x444: {  	s2 =	simm.s32 $0x4;
	s15 =	simm.s32 $0x8;
	v19 =	vmul.f32 v7, v11;
	v10 =	vmov v46;
	v25 =	vld [tilespmem:s13+$0xFFFFFFC0];
	[tilespmem:v59+s26+$0x0] =	vst.idx.msk $0xffff, v63;
	v39 =	vadd.f32 v1, v12  }
.LBB2_15:
0x445: {  	v42 =	vld [tilespmem:s13+$0xFFFFFFD0]  }
0x446: {  	v5 =	vmul.f32 v27, v27;
	v6 =	vmul.f32 v28, v28;
	v43 =	vld [tilespmem:s13+$0xFFFFFFE0];
	v51 =	vadd.f32 v50, v13  }
0x447: {  	v44 =	vld [tilespmem:s13+$0xFFFFFFF0];
	v1 =	vadd.f32 v26, v29;
	v7 =	vmul.f32 v29, v29;
	v46 =	vmul.f32 v26, v26  }
0x448: {  	v47 =	vld [tilespmem:s13+$0x0];
	v50 =	vadd.f32 v49, v14;
	v5 =	vadd.f32 v6, v5;
	v52 =	vmul.f32 v36, v36  }
0x449: {  	v49 =	vld [tilespmem:s13+$0xFFFFFF80];
	v48 =	vmul.f32 v37, v37;
	v1 =	vadd.f32 v1, v45;
	v6 =	vadd.f32 v46, v7  }
0x44a: {  	v53 =	vmul.f32 v24, v24;
	v54 =	vmul.f32 v25, v25  }
0x44b: {  	v55 =	vadd.f32 v42, v25;
	v5 =	vadd.f32 v6, v5;
	v6 =	vperm.xlane v1, v0  }
0x44c: {  	v56 =	vmul.f32 v42, v42;
	v57 =	vmul.f32 v43, v43;
	v58 =	vadd.f32 v44, v43  }
0x44d: {  	v7 =	vadd.f32 v24, v37;
	v1 =	vadd.f32 v1, v6;
	v6 =	vperm.xlane v5, v0  }
0x44e: {  	v59 =	vmul.f32 v47, v47;
	v46 =	vld [tilespmem:s13+$0x10];
	v53 =	vadd.f32 v53, v48;
	v63 =	vadd.f32 v36, v49  }
0x44f: {  	v45 =	vld [tilespmem:s13+$0x20];
	v8 =	vmul.f32 v49, v49;
	v5 =	vadd.f32 v5, v6;
	v6 =	vperm.xlane v1, v2  }
0x450: {  	v48 =	vld [tilespmem:s13+$0x30];
	v54 =	vadd.f32 v56, v54;
	v56 =	vmul.f32 v44, v44;
	v55 =	vadd.f32 v58, v55  }
0x451: {  	v8 =	vadd.f32 v52, v8;
	v1 =	vadd.f32 v6, v1;
	v6 =	vperm.xlane v5, v2  }
0x452: {  	v7 =	vadd.f32 v7, v63;
	v56 =	vadd.f32 v56, v57;
	v52 =	vperm.xlane v55, v0  }
0x453: {  	v8 =	vadd.f32 v53, v8;
	v5 =	vadd.f32 v6, v5;
	v6 =	vperm.xlane v1, v3  }
0x454: {  	v60 =	vadd.f32 v46, v47;
	v58 =	vmul.f32 v46, v46;
	v61 =	vmul.f32 v45, v45  }
0x455: {  	v62 =	vadd.f32 v48, v45;
	v1 =	vadd.f32 v6, v1;
	v6 =	vperm.xlane v5, v3  }
0x456: {  	v9 =	vmul.f32 v48, v48;
	v53 =	vadd.f32 v56, v54;
	v52 =	vadd.f32 v55, v52  }
0x457: {  	v57 =	vadd.f32 v62, v60;
	v5 =	vadd.f32 v6, v5;
	v6 =	vperm.xlane v1, v4  }
0x458: {  	v60 =	vperm.xlane v7, v0;
	v58 =	vadd.f32 v58, v59;
	v9 =	vadd.f32 v9, v61  }
0x459: {  	v56 =	vperm.xlane v8, v0;
	v1 =	vadd.f32 v6, v1;
	v6 =	vperm.xlane v5, v4  }
0x45a: {  	v9 =	vadd.f32 v9, v58;
	v54 =	vperm.xlane v57, v0;
	v7 =	vadd.f32 v7, v60  }
0x45b: {  	[tilespmem:v34+s26+$0x0] =	vst.idx.msk $0xffff, v41;
	v60 =	vperm.xlane v53, v0;
	v5 =	vadd.f32 v6, v5;
	v1 =	vmul.f32 $1.562500000e-02, v1  }
0x45c: {  	v6 =	vadd.f32 v8, v56;
	v8 =	vperm.xlane v7, v2;
	v56 =	vperm.xlane v9, v0  }
0x45d: {  	[tilespmem:v35+s26+$0x0] =	vst.idx.msk $0xffff, v40;
	v54 =	vadd.f32 v57, v54;
	v5 =	vmul.f32 $1.562500000e-02, v5;
	v58 =	vmul.f32 v1, v1  }
0x45e: {  	v59 =	vperm.xlane v52, v2;
	v57 =	vadd.f32 v53, v60;
	v9 =	vadd.f32 v9, v56  }
0x45f: {  	v7 =	vadd.f32 v8, v7;
	v8 =	vperm.xlane v6, v2;
	v5 =	vsub.f32 v5, v58  }
0x460: {  	v35 =	vadd.f32 v59, v52;
	v60 =	vperm.xlane v54, v2;
	v52 =	vperm.xlane v57, v2  }
0x461: {  	[tilespmem:v33+s26+$0x0] =	vst.idx.msk $0xffff, v39;
	v6 =	vadd.f32 v8, v6;
	v8 =	vperm.xlane v9, v2;
	v5 =	vadd.f32 $9.999999740e-06, v5  }
0x462: {  	v34 =	vadd.f32 v60, v54;
	v53 =	vadd.f32 v52, v57;
	v54 =	vperm.xlane v35, v3  }
0x463: {  	[tilespmem:v31+s26+$0x0] =	vst.idx.msk $0xffff, v38;
	v8 =	vadd.f32 v8, v9;
	v9 =	vshrl.u32 v5, $0x1;
	v5 =	vmul.f32 $5.000000000e-01, v5  }
0x464: {  	[tilespmem:v32+s26+$0x0] =	vst.idx.msk $0xffff, v51;
	v56 =	vadd.f32 v54, v35;
	v31 =	vperm.xlane v7, v3;
	v9 =	vsub.s32 $0x5F3759DF, v9  }
0x465: {  	v28 =	vsub.f32 v28, v1;
	v58 =	vperm.xlane v53, v3;
	v57 =	vmul.f32 v9, v5  }
0x466: {  	v51 =	vperm.xlane v56, v4;
	v7 =	vadd.f32 v31, v7;
	v31 =	vperm.xlane v34, v3  }
0x467: {  	v29 =	vsub.f32 v29, v1;
	v38 =	vadd.f32 v58, v53;
	v35 =	vmul.f32 v9, v57  }
0x468: {  	v55 =	vperm.xlane v6, v3;
	v33 =	vadd.f32 v51, v56;
	v31 =	vadd.f32 v31, v34  }
0x469: {  	v59 =	vperm.xlane v8, v3;
	v60 =	vperm.xlane v7, v4;
	v53 =	vsub.f32 $1.500000000e+00, v35  }
0x46a: {  	[tilespmem:v30+s26+$0x0] =	vst.idx.msk $0xffff, v50;
	v6 =	vadd.f32 v55, v6;
	v54 =	vperm.xlane v38, v4;
	v33 =	vmul.f32 $1.562500000e-02, v33  }
0x46b: {  	v8 =	vadd.f32 v59, v8;
	v52 =	vperm.xlane v31, v4;
	v9 =	vmul.f32 v9, v53  }
0x46c: {  	v7 =	vadd.f32 v60, v7;
	v30 =	vperm.xlane v6, v4;
	v58 =	vmul.f32 v33, v33  }
0x46d: {  	v56 =	vadd.f32 v54, v38;
	v55 =	vperm.xlane v8, v4;
	v5 =	vmul.f32 v9, v5  }
0x46e: {  	v31 =	vadd.f32 v52, v31;
	v6 =	vadd.f32 v30, v6;
	v7 =	vmul.f32 $1.562500000e-02, v7  }
0x46f: {  	v63 =	vld [tilespmem:$0x1FFF0];
	v34 =	vmul.f32 $1.562500000e-02, v56;
	v8 =	vadd.f32 v55, v8;
	v5 =	vmul.f32 v5, v9  }
0x470: {  	v62 =	vld [tilespmem:$0x1FFE0];
	v6 =	vmul.f32 $1.562500000e-02, v6;
	v30 =	vsub.f32 v49, v7;
	v35 =	vmul.f32 $1.562500000e-02, v31  }
0x471: {  	v61 =	vld [tilespmem:$0x1FFD0];
	v57 =	vmul.f32 v7, v7;
	v31 =	vsub.f32 v36, v7;
	v5 =	vsub.f32 $1.500000000e+00, v5  }
0x472: {  	v51 =	vld [tilespmem:$0x1FF10];
	v32 =	vsub.f32 v37, v7;
	v8 =	vmul.f32 $1.562500000e-02, v8;
	v59 =	vmul.f32 v35, v35  }
0x473: {  	s8 =	sadd.s32 $0x3, s2;
	v52 =	vld [tilespmem:$0x1FF20];
	v6 =	vsub.f32 v6, v57;
	v5 =	vmul.f32 v5, v9;
	v9 =	vsub.f32 v27, v1  }
0x474: {  	v34 =	vsub.f32 v34, v58;
	v53 =	vld [tilespmem:$0x1FF30];
	v8 =	vsub.f32 v8, v59;
	v27 =	vmov s8  }
0x475: {  	v6 =	vadd.f32 $9.999999740e-06, v6;
	v27 =	vand.u32 $0x7F, v27;
	v9 =	vmul.f32 v5, v9  }
0x476: {  	v1 =	vsub.f32 v26, v1;
	v41 =	vadd.s32 v61, v27;
	v28 =	vmul.f32 v5, v28  }
0x477: {  	v26 =	vadd.s32 v62, v27;
	v29 =	vmul.f32 v5, v29;
	v9 =	vmul.f32 v9, v51  }
0x478: {  	v49 =	vadd.s32 v63, v27;
	v1 =	vmul.f32 v5, v1;
	v28 =	vmul.f32 v28, v52  }
0x479: {  	v27 =	vadd.s32 v10, v27;
	v5 =	vadd.f32 v9, v12;
	v9 =	vmul.f32 v29, v53  }
0x47a: {  	v1 =	vmul.f32 v1, v11;
	v29 =	vadd.f32 $9.999999740e-06, v34;
	v28 =	vadd.f32 v28, v13  }
0x47b: {  	v50 =	vshrl.u32 v6, $0x1;
	v8 =	vadd.f32 $9.999999740e-06, v8;
	[tilespmem:v41+s26+$0x0] =	vst.idx.msk $0xffff, v5;
	v5 =	vadd.f32 v9, v14  }
0x47c: {  	v6 =	vmul.f32 $5.000000000e-01, v6;
	v1 =	vadd.f32 v1, v15;
	v9 =	vshrl.u32 v29, $0x1;
	[tilespmem:v26+s26+$0x0] =	vst.idx.msk $0xffff, v28  }
0x47d: {  	v26 =	vmul.f32 $5.000000000e-01, v29;
	v28 =	vshrl.u32 v8, $0x1;
	[tilespmem:v49+s26+$0x0] =	vst.idx.msk $0xffff, v5;
	v5 =	vsub.s32 $0x5F3759DF, v50  }
0x47e: {  	v8 =	vmul.f32 $5.000000000e-01, v8;
	v9 =	vsub.s32 $0x5F3759DF, v9;
	[tilespmem:v27+s26+$0x0] =	vst.idx.msk $0xffff, v1;
	v1 =	vmul.f32 v5, v6  }
0x47f: {  	v7 =	vsub.f32 v24, v7;
	v28 =	vsub.s32 $0x5F3759DF, v28;
	v24 =	vmul.f32 v9, v26  }
0x480: {  	v23 =	vadd.f32 v23, v15;
	v29 =	vmul.f32 v28, v8;
	v1 =	vmul.f32 v5, v1  }
0x481: {  	v22 =	vadd.f32 v22, v12;
	v20 =	vadd.f32 v20, v13;
	v24 =	vmul.f32 v9, v24  }
0x482: {  	s18 =	sadd.s32 $0x2, s2;
	v21 =	vadd.f32 v21, v14;
	v29 =	vmul.f32 v28, v29;
	v1 =	vsub.f32 $1.500000000e+00, v1  }
0x483: {  	v19 =	vadd.f32 v19, v15;
	[tilespmem:v17+s26+$0x0] =	vst.idx.msk $0xffff, v22;
	v17 =	vmov s18;
	v24 =	vsub.f32 $1.500000000e+00, v24  }
0x484: {  	[tilespmem:v18+s26+$0x0] =	vst.idx.msk $0xffff, v23;
	v60 =	vadd.s32 v62, v16;
	v29 =	vsub.f32 $1.500000000e+00, v29;
	v1 =	vmul.f32 v5, v1  }
0x485: {  	v25 =	vsub.f32 v25, v33;
	v54 =	vsub.f32 v43, v33;
	v5 =	vmul.f32 v9, v24  }
0x486: {  	v57 =	vadd.s32 v63, v16;
	v24 =	vmul.f32 v28, v29;
	v6 =	vmul.f32 v1, v6  }
0x487: {  	v55 =	vsub.f32 v44, v33;
	v16 =	vadd.s32 v10, v16;
	v26 =	vmul.f32 v5, v26  }
0x488: {  	v56 =	vsub.f32 v47, v35;
	v8 =	vmul.f32 v24, v8;
	v6 =	vmul.f32 v6, v1  }
0x489: {  	v58 =	vsub.f32 v46, v35;
	v27 =	vsub.f32 v42, v33;
	v26 =	vmul.f32 v26, v5  }
0x48a: {  	[tilespmem:v60+s26+$0x0] =	vst.idx.msk $0xffff, v20;
	v9 =	vsub.f32 v45, v35;
	v8 =	vmul.f32 v8, v24;
	v6 =	vsub.f32 $1.500000000e+00, v6  }
0x48b: {  	[tilespmem:v57+s26+$0x0] =	vst.idx.msk $0xffff, v21;
	v28 =	vsub.f32 v48, v35;
	v29 =	vmov s2;
	v23 =	vsub.f32 $1.500000000e+00, v26  }
0x48c: {  	[tilespmem:v16+s26+$0x0] =	vst.idx.msk $0xffff, v19;
	v18 =	vand.u32 $0x7C, v29;
	v8 =	vsub.f32 $1.500000000e+00, v8;
	v1 =	vmul.f32 v6, v1  }
0x48d: {  	v59 =	vadd.s32 v61, v18;
	v34 =	vadd.s32 v62, v18;
	v5 =	vmul.f32 v23, v5  }
0x48e: {  	s16 =	sadd.s32 $0x1, s2;
	v35 =	vadd.s32 v63, v18;
	v8 =	vmul.f32 v8, v24;
	v19 =	vmul.f32 v1, v30  }
0x48f: {  	v6 =	vmov s16;
	v20 =	vmul.f32 v1, v31;
	v21 =	vmul.f32 v1, v32  }
0x490: {  	v6 =	vand.u32 $0x7D, v6;
	v1 =	vmul.f32 v1, v7;
	v7 =	vmul.f32 v5, v25  }
0x491: {  	v31 =	vadd.s32 v10, v18;
	v22 =	vmul.f32 v5, v27;
	v23 =	vmul.f32 v5, v54  }
0x492: {  	v33 =	vadd.s32 v61, v6;
	v5 =	vmul.f32 v5, v55;
	v24 =	vmul.f32 v8, v56  }
0x493: {  	s13 =	sadd.s32 $0x100, s13;
	v32 =	vadd.s32 v62, v6;
	v25 =	vmul.f32 v8, v58;
	v9 =	vmul.f32 v8, v9  }
0x494: {  	v36 =	vld [tilespmem:s13+$0xFFFFFF90];
	v30 =	vadd.s32 v63, v6;
	v8 =	vmul.f32 v8, v28;
	v19 =	vmul.f32 v19, v51  }
0x495: {  	v27 =	vld [tilespmem:s13+$0x40];
	v18 =	vadd.s32 v10, v6;
	v20 =	vmul.f32 v20, v52;
	v6 =	vmul.f32 v21, v53  }
0x496: {  	p0 =	slt.u32 s15, $0x7C;
	v16 =	vand.u32 $0x7E, v17;
	v28 =	vld [tilespmem:s13+$0x50];
	v1 =	vmul.f32 v1, v11;
	v7 =	vmul.f32 v7, v51  }
.Ltmp6:
0x497: {  	v37 =	vld [tilespmem:s13+$0xFFFFFFA0];
	v17 =	vadd.s32 v61, v16;
	v50 =	vmul.f32 v22, v52;
	v49 =	vmul.f32 v23, v53;
	(pc) =	sbr.rel @p0 .LBB2_15-.Ltmp6, $4  }
0x498: {  	v29 =	vld [tilespmem:s13+$0x60];
	v23 =	vmul.f32 v5, v11;
	v22 =	vmul.f32 v24, v51;
	v60 =	vadd.f32 v19, v12  }
0x499: {  	v26 =	vld [tilespmem:s13+$0x70];
	v21 =	vmul.f32 v9, v53;
	v41 =	vadd.f32 v20, v13;
	v40 =	vadd.f32 v6, v14  }
0x49a: {  	v24 =	vld [tilespmem:s13+$0xFFFFFFB0];
	v20 =	vmul.f32 v25, v52;
	v38 =	vadd.f32 v1, v15;
	v19 =	vmul.f32 v8, v11  }
0x49b: {  	s2 =	smov.u32 s15;
	s15 =	sadd.s32 $0x4, s15;
	v25 =	vld [tilespmem:s13+$0xFFFFFFC0];
	v39 =	vadd.f32 v7, v12;
	v45 =	vadd.f32 v28, v27;
	[tilespmem:v59+s26+$0x0] =	vst.idx.msk $0xffff, v60  }
0x49c: {  	v48 =	vld [tilespmem:s13+$0xFFFFFFD0]  }
0x49d: {  	v5 =	vmul.f32 v27, v27;
	v47 =	vld [tilespmem:s13+$0xFFFFFFE0]  }
0x49e: {  	v6 =	vmul.f32 v28, v28;
	v46 =	vld [tilespmem:s13+$0xFFFFFFF0];
	v50 =	vadd.f32 v50, v13;
	v23 =	vadd.f32 v23, v15  }
0x49f: {  	v9 =	vmul.f32 v36, v36;
	v44 =	vld [tilespmem:s13+$0x0];
	v20 =	vadd.f32 v20, v13;
	v1 =	vadd.f32 v26, v29  }
0x4a0: {  	v43 =	vld [tilespmem:s13+$0x10];
	v7 =	vmul.f32 v29, v29;
	v8 =	vmul.f32 v26, v26;
	v5 =	vadd.f32 v6, v5  }
0x4a1: {  	v54 =	vld [tilespmem:s13+$0xFFFFFF80];
	v59 =	vmul.f32 v24, v24;
	v51 =	vadd.f32 v24, v37;
	v1 =	vadd.f32 v1, v45  }
0x4a2: {  	v6 =	vadd.f32 v8, v7;
	v7 =	vmul.f32 v37, v37;
	v52 =	vmul.f32 v25, v25  }
0x4a3: {  	v53 =	vadd.f32 v48, v25;
	v60 =	vmul.f32 v48, v48;
	v55 =	vmul.f32 v47, v47  }
0x4a4: {  	v56 =	vadd.f32 v46, v47;
	v5 =	vadd.f32 v6, v5;
	v6 =	vperm.xlane v1, v0  }
0x4a5: {  	v42 =	vld [tilespmem:s13+$0x20];
	v57 =	vmul.f32 v44, v44;
	v58 =	vadd.f32 v43, v44;
	v7 =	vadd.f32 v59, v7  }
0x4a6: {  	v45 =	vld [tilespmem:s13+$0x30];
	v59 =	vadd.f32 v36, v54;
	v1 =	vadd.f32 v1, v6;
	v6 =	vperm.xlane v5, v0  }
0x4a7: {  	v8 =	vadd.f32 v60, v52;
	v52 =	vmul.f32 v46, v46;
	v53 =	vadd.f32 v56, v53  }
0x4a8: {  	v56 =	vmul.f32 v43, v43;
	v5 =	vadd.f32 v5, v6;
	v6 =	vperm.xlane v1, v2  }
0x4a9: {  	v51 =	vadd.f32 v51, v59;
	v52 =	vadd.f32 v52, v55;
	v55 =	vmul.f32 v54, v54  }
0x4aa: {  	v59 =	vmul.f32 v42, v42;
	v1 =	vadd.f32 v6, v1;
	v6 =	vperm.xlane v5, v2  }
0x4ab: {  	v60 =	vadd.f32 v45, v42;
	v9 =	vadd.f32 v9, v55;
	v55 =	vmul.f32 v45, v45  }
0x4ac: {  	v56 =	vadd.f32 v56, v57;
	v5 =	vadd.f32 v6, v5;
	v6 =	vperm.xlane v1, v3  }
0x4ad: {  	v58 =	vadd.f32 v60, v58;
	v55 =	vadd.f32 v55, v59  }
0x4ae: {  	v19 =	vadd.f32 v19, v15;
	v1 =	vadd.f32 v6, v1;
	v6 =	vperm.xlane v5, v3  }
0x4af: {  	v8 =	vadd.f32 v52, v8;
	v52 =	vadd.f32 v55, v56;
	v55 =	vperm.xlane v58, v0  }
0x4b0: {  	v5 =	vadd.f32 v6, v5;
	v6 =	vperm.xlane v51, v0;
	v60 =	vperm.xlane v1, v4  }
0x4b1: {  	v57 =	vperm.xlane v53, v0;
	v7 =	vadd.f32 v7, v9;
	v55 =	vadd.f32 v58, v55  }
0x4b2: {  	v56 =	vperm.xlane v5, v4;
	v6 =	vadd.f32 v51, v6;
	v1 =	vadd.f32 v60, v1  }
0x4b3: {  	v60 =	vperm.xlane v7, v0;
	v51 =	vadd.f32 v53, v57;
	v53 =	vperm.xlane v8, v0  }
0x4b4: {  	v5 =	vadd.f32 v56, v5;
	v1 =	vmul.f32 $1.562500000e-02, v1;
	v56 =	vperm.xlane v6, v2  }
0x4b5: {  	v7 =	vadd.f32 v7, v60;
	v60 =	vperm.xlane v52, v0;
	v57 =	vperm.xlane v51, v2  }
0x4b6: {  	v8 =	vadd.f32 v8, v53;
	v5 =	vmul.f32 $1.562500000e-02, v5;
	v53 =	vmul.f32 v1, v1  }
0x4b7: {  	v9 =	vadd.f32 v52, v60;
	v52 =	vperm.xlane v55, v2;
	v6 =	vadd.f32 v56, v6  }
0x4b8: {  	v60 =	vperm.xlane v7, v2;
	v51 =	vadd.f32 v57, v51;
	v56 =	vadd.f32 v49, v14  }
0x4b9: {  	v5 =	vsub.f32 v5, v53;
	v53 =	vperm.xlane v8, v2;
	v52 =	vadd.f32 v52, v55  }
0x4ba: {  	v55 =	vperm.xlane v9, v2;
	v7 =	vadd.f32 v60, v7;
	v60 =	vperm.xlane v6, v3  }
0x4bb: {  	v5 =	vadd.f32 $9.999999740e-06, v5;
	v8 =	vadd.f32 v53, v8;
	v53 =	vperm.xlane v51, v3  }
0x4bc: {  	v9 =	vadd.f32 v55, v9;
	v6 =	vadd.f32 v60, v6;
	v60 =	vperm.xlane v52, v3  }
0x4bd: {  	v57 =	vperm.xlane v7, v3;
	v55 =	vshrl.u32 v5, $0x1;
	v5 =	vmul.f32 $5.000000000e-01, v5  }
0x4be: {  	v51 =	vadd.f32 v53, v51;
	v58 =	vperm.xlane v8, v3;
	v52 =	vadd.f32 v60, v52  }
0x4bf: {  	v60 =	vperm.xlane v9, v3;
	v7 =	vadd.f32 v57, v7;
	v55 =	vsub.s32 $0x5F3759DF, v55  }
0x4c0: {  	v57 =	vperm.xlane v6, v4;
	v53 =	vmul.f32 v55, v5;
	v8 =	vadd.f32 v58, v8  }
0x4c1: {  	v58 =	vperm.xlane v51, v4;
	v9 =	vadd.f32 v60, v9;
	v60 =	vperm.xlane v52, v4  }
0x4c2: {  	v6 =	vadd.f32 v57, v6;
	v57 =	vperm.xlane v7, v4;
	v53 =	vmul.f32 v55, v53  }
0x4c3: {  	v51 =	vadd.f32 v58, v51;
	v52 =	vadd.f32 v60, v52;
	v60 =	vperm.xlane v8, v4  }
0x4c4: {  	v7 =	vadd.f32 v57, v7;
	v6 =	vmul.f32 $1.562500000e-02, v6;
	v53 =	vsub.f32 $1.500000000e+00, v53  }
0x4c5: {  	v8 =	vadd.f32 v60, v8;
	v60 =	vperm.xlane v9, v4;
	v51 =	vmul.f32 $1.562500000e-02, v51  }
0x4c6: {  	v58 =	vsub.f32 v27, v1;
	v7 =	vmul.f32 $1.562500000e-02, v7;
	v59 =	vmul.f32 v6, v6  }
0x4c7: {  	v54 =	vsub.f32 v54, v6;
	v36 =	vsub.f32 v36, v6;
	v53 =	vmul.f32 v55, v53  }
0x4c8: {  	v49 =	vmul.f32 $1.562500000e-02, v52;
	v37 =	vsub.f32 v37, v6;
	v6 =	vsub.f32 v24, v6  }
0x4c9: {  	v9 =	vadd.f32 v60, v9;
	v8 =	vmul.f32 $1.562500000e-02, v8;
	v5 =	vmul.f32 v53, v5  }
0x4ca: {  	s8 =	sadd.s32 $0x3, s2;
	v7 =	vsub.f32 v7, v59;
	v60 =	vmul.f32 v51, v51;
	v57 =	vmul.f32 v49, v49  }
0x4cb: {  	v59 =	vmov s8;
	v55 =	vsub.f32 v29, v1;
	v5 =	vmul.f32 v5, v53  }
0x4cc: {  	[tilespmem:v34+s26+$0x0] =	vst.idx.msk $0xffff, v41;
	v48 =	vsub.f32 v48, v51;
	v9 =	vmul.f32 $1.562500000e-02, v9;
	v8 =	vsub.f32 v8, v60  }
0x4cd: {  	[tilespmem:v35+s26+$0x0] =	vst.idx.msk $0xffff, v40;
	v52 =	vand.u32 $0x7F, v59;
	v7 =	vadd.f32 $9.999999740e-06, v7;
	v5 =	vsub.f32 $1.500000000e+00, v5  }
0x4ce: {  	v60 =	vsub.f32 v28, v1;
	v35 =	vadd.s32 v61, v52;
	v9 =	vsub.f32 v9, v57  }
0x4cf: {  	v41 =	vld [tilespmem:$0x1FF10];
	v1 =	vsub.f32 v26, v1;
	v8 =	vadd.f32 $9.999999740e-06, v8;
	v5 =	vmul.f32 v5, v53  }
0x4d0: {  	v57 =	vadd.s32 v62, v52;
	v9 =	vadd.f32 $9.999999740e-06, v9;
	v53 =	vld [tilespmem:$0x1FF20];
	[tilespmem:v31+s26+$0x0] =	vst.idx.msk $0xffff, v38;
	v31 =	vsub.f32 v46, v51  }
0x4d1: {  	v38 =	vld [tilespmem:$0x1FF30];
	[tilespmem:v33+s26+$0x0] =	vst.idx.msk $0xffff, v39;
	v27 =	vmul.f32 v5, v58;
	v58 =	vshrl.u32 v7, $0x1;
	v7 =	vmul.f32 $5.000000000e-01, v7  }
0x4d2: {  	v39 =	vsub.f32 v25, v51;
	v28 =	vmul.f32 v5, v60;
	v29 =	vmul.f32 v5, v55  }
0x4d3: {  	v1 =	vmul.f32 v5, v1;
	v5 =	vadd.s32 v63, v52;
	[tilespmem:v32+s26+$0x0] =	vst.idx.msk $0xffff, v50;
	v34 =	vsub.s32 $0x5F3759DF, v58  }
0x4d4: {  	v50 =	vsub.f32 v47, v51;
	v55 =	vadd.f32 v22, v12;
	v60 =	vmul.f32 v34, v7  }
0x4d5: {  	v47 =	vsub.f32 v44, v49;
	v59 =	vmul.f32 v27, v41;
	v1 =	vmul.f32 v1, v11  }
0x4d6: {  	v58 =	vadd.s32 v10, v52;
	v28 =	vmul.f32 v28, v53;
	v27 =	vmul.f32 v34, v60  }
0x4d7: {  	v26 =	vadd.f32 v59, v12;
	v59 =	vshrl.u32 v8, $0x1;
	v8 =	vmul.f32 $5.000000000e-01, v8  }
0x4d8: {  	v29 =	vmul.f32 v29, v38;
	v60 =	vsub.s32 $0x5F3759DF, v59;
	v27 =	vsub.f32 $1.500000000e+00, v27  }
0x4d9: {  	v1 =	vadd.f32 v1, v15;
	v28 =	vadd.f32 v28, v13;
	v32 =	vmul.f32 v60, v8  }
0x4da: {  	v29 =	vadd.f32 v29, v14;
	[tilespmem:v35+s26+$0x0] =	vst.idx.msk $0xffff, v26;
	v27 =	vmul.f32 v34, v27  }
0x4db: {  	[tilespmem:v57+s26+$0x0] =	vst.idx.msk $0xffff, v28;
	v34 =	vshrl.u32 v9, $0x1;
	v9 =	vmul.f32 $5.000000000e-01, v9;
	v35 =	vmul.f32 v60, v32  }
0x4dc: {  	[tilespmem:v5+s26+$0x0] =	vst.idx.msk $0xffff, v29;
	v5 =	vadd.s32 v62, v16;
	v26 =	vsub.s32 $0x5F3759DF, v34;
	v7 =	vmul.f32 v27, v7  }
0x4dd: {  	[tilespmem:v30+s26+$0x0] =	vst.idx.msk $0xffff, v56;
	v52 =	vadd.s32 v63, v16;
	v40 =	vmul.f32 v26, v9;
	v24 =	vsub.f32 $1.500000000e+00, v35  }
0x4de: {  	v56 =	vadd.s32 v10, v16;
	[tilespmem:v58+s26+$0x0] =	vst.idx.msk $0xffff, v1;
	v58 =	vmov s2;
	v7 =	vmul.f32 v7, v27  }
0x4df: {  	v59 =	vand.u32 $0x7C, v58;
	v1 =	vmul.f32 v26, v40;
	v24 =	vmul.f32 v60, v24  }
0x4e0: {  	[tilespmem:v17+s26+$0x0] =	vst.idx.msk $0xffff, v55;
	v57 =	vadd.f32 v21, v14;
	v30 =	vadd.s32 v62, v59;
	v7 =	vsub.f32 $1.500000000e+00, v7  }
0x4e1: {  	s16 =	sadd.s32 $0x1, s2;
	v33 =	vadd.s32 v63, v59;
	[tilespmem:v5+s26+$0x0] =	vst.idx.msk $0xffff, v20;
	v1 =	vsub.f32 $1.500000000e+00, v1;
	v8 =	vmul.f32 v24, v8  }
0x4e2: {  	v34 =	vmov s16;
	[tilespmem:v52+s26+$0x0] =	vst.idx.msk $0xffff, v57;
	v52 =	vsub.f32 v42, v49;
	v7 =	vmul.f32 v7, v27  }
0x4e3: {  	v1 =	vmul.f32 v26, v1;
	v5 =	vmul.f32 v8, v24;
	v26 =	vadd.s32 v61, v59  }
0x4e4: {  	v8 =	vadd.s32 v10, v59;
	v60 =	vmul.f32 v7, v54;
	v27 =	vmul.f32 v7, v36  }
0x4e5: {  	[tilespmem:v18+s26+$0x0] =	vst.idx.msk $0xffff, v23;
	v9 =	vmul.f32 v1, v9;
	v5 =	vsub.f32 $1.500000000e+00, v5;
	v32 =	vmul.f32 v7, v37  }
0x4e6: {  	[tilespmem:v56+s26+$0x0] =	vst.idx.msk $0xffff, v19;
	v6 =	vmul.f32 v7, v6;
	v7 =	vand.u32 $0x7D, v34;
	v54 =	vsub.f32 v45, v49  }
0x4e7: {  	v37 =	vadd.s32 v61, v7;
	v40 =	vadd.s32 v62, v7;
	v18 =	vmul.f32 v60, v41  }
0x4e8: {  	v46 =	vadd.s32 v63, v7;
	v20 =	vmul.f32 v27, v53;
	v5 =	vmul.f32 v5, v24  }
0x4e9: {  	v9 =	vmul.f32 v9, v1;
	v16 =	vmul.f32 v32, v38;
	v18 =	vadd.f32 v18, v12  }
0x4ea: {  	v6 =	vmul.f32 v6, v11;
	v20 =	vadd.f32 v20, v13;
	v35 =	vmul.f32 v5, v39  }
0x4eb: {  	v36 =	vmul.f32 v5, v48;
	v16 =	vadd.f32 v16, v14;
	[tilespmem:v26+s26+$0x0] =	vst.idx.msk $0xffff, v18  }
0x4ec: {  	v39 =	vmul.f32 v5, v50;
	v6 =	vadd.f32 v6, v15;
	[tilespmem:v30+s26+$0x0] =	vst.idx.msk $0xffff, v20  }
0x4ed: {  	v5 =	vmul.f32 v5, v31;
	v17 =	vmul.f32 v35, v41;
	[tilespmem:v33+s26+$0x0] =	vst.idx.msk $0xffff, v16  }
0x4ee: {  	v7 =	vadd.s32 v10, v7;
	v18 =	vmul.f32 v36, v53;
	[tilespmem:v8+s26+$0x0] =	vst.idx.msk $0xffff, v6;
	v6 =	vsub.f32 $1.500000000e+00, v9  }
0x4ef: {  	v21 =	vmul.f32 v39, v38;
	v5 =	vmul.f32 v5, v11;
	v17 =	vadd.f32 v17, v12  }
0x4f0: {  	s18 =	sadd.s32 $0x2, s2;
	v50 =	vsub.f32 v43, v49;
	v48 =	vadd.f32 v18, v13;
	v1 =	vmul.f32 v6, v1  }
0x4f1: {  	v51 =	vadd.f32 v21, v14;
	v5 =	vadd.f32 v5, v15;
	[tilespmem:v37+s26+$0x0] =	vst.idx.msk $0xffff, v17;
	v6 =	vmov s18  }
0x4f2: {  	[tilespmem:v40+s26+$0x0] =	vst.idx.msk $0xffff, v48;
	v6 =	vand.u32 $0x7E, v6;
	v55 =	vmul.f32 v1, v47;
	v9 =	vmul.f32 v1, v50  }
0x4f3: {  	v8 =	vmul.f32 v1, v52;
	v56 =	vadd.s32 v61, v6;
	v1 =	vmul.f32 v1, v54  }
0x4f4: {  	[tilespmem:v46+s26+$0x0] =	vst.idx.msk $0xffff, v51;
	v58 =	vadd.s32 v62, v6;
	v57 =	vmul.f32 v55, v41  }
0x4f5: {  	v59 =	vadd.s32 v63, v6;
	v9 =	vmul.f32 v9, v53;
	v1 =	vmul.f32 v1, v11  }
0x4f6: {  	v6 =	vadd.s32 v10, v6;
	v8 =	vmul.f32 v8, v38;
	v60 =	vadd.f32 v57, v12  }
0x4f7: {  	s1 =	sshll.u32 s1, $0x12;
	[tilespmem:v7+s26+$0x0] =	vst.idx.msk $0xffff, v5;
	v5 =	vadd.f32 v9, v13;
	v1 =	vadd.f32 v1, v15  }
0x4f8: {  	s1 =	sor.u32 s6, s1;
	v7 =	vadd.f32 v8, v14;
	[tilespmem:v56+s26+$0x0] =	vst.idx.msk $0xffff, v60  }
0x4f9: {  	s1 =	sshrl.u32 s1, $0x3;
	[tilespmem:v58+s26+$0x0] =	vst.idx.msk $0xffff, v5  }
0x4fa: {  	s12 =	simm.s32 $0x10688;
	s1 =	sadd.s32 s7, s1;
	[tilespmem:v59+s26+$0x0] =	vst.idx.msk $0xffff, v7  }
0x4fb: {  	s13 =	simm.s32 $0x200;
	s8 =	sadd.s32 $0x0, s1;
	s2 =	simm.s32 $0x10600;
	[tilespmem:v6+s26+$0x0] =	vst.idx.msk $0xffff, v1;
	v1 =	vmov v10  }
.LBB2_17:
0x4fc: {  	[hbm4b:s8+s4] =	stream.linear.scatter [tilespmem:s2], [sflag:$0x6], $0x80, $0x38;
	[tilespmem:$0x12880] =	vst v63  }
0x4fd: {  	s8 =	smov.u32 s13;
	s2 =	smov.u32 s12;
	p0 =	sne.s32 s13, $0x7E00  }
.Ltmp7:
0x4fe: {  	s13 =	sadd.s32 $0x200, s13;
	(pc) =	sbr.rel @p0 .LBB2_17-.Ltmp7, $2  }
0x4ff: {  	_ =	sdelay $0x2  }
0x500: {  	s12 =	sadd.s32 $0x88, s12;
	s8 =	sadd.s32 s8, s1  }
0x501: {  	s3 =	sadd.s32 $0x1, s3  }
0x502: {  	p0 =	sne.s32 s3, $0x32  }
.Ltmp8:
0x503: {  	_ = 	snop;
	(pc) =	sbr.rel @p0 .LBB2_2-.Ltmp8, $2  }
0x504: {  	_ =	sdelay $0x2  }
0x505: {  	[hbm4b:s8+s4] =	stream.linear.scatter [tilespmem:s2], [sflag:$0x6], $0x80, $0x38;
	[tilespmem:$0x12880] =	vst v63  }
0x506: {  	s0 =	sadd.s32 $0x1, s0  }
0x507: {  	_ =	swait.ge [sflag:s29], $0x2000;
	p0 =	sne.s32 s0, s11  }
.Ltmp9:
0x508: {  	[sflag:s29] =	ssyncset.done $0x0;
	(pc) =	sbr.rel @p0 .LBB2_1-.Ltmp9, $4  }
0x509: {  	[sflag:s29] =	ssyncadd.s32 $0xFFFFE000  }
0x50a: {  	_ =	swait.ge [sflag:s31], $0x2000  }
0x50b: {  	[sflag:s31] =	ssyncset.done $0x0  }
0x50c: {  	[sflag:s31] =	ssyncadd.s32 $0xFFFFE000  }
0x50d: {  	_ =	sfence.sel $0x180000  }
0x50e: {  	[bflag:$0x0] =	sbarrier.arrive $0xFFFF  }
0x50f: {  	_ =	strace $0x90000047  }
0x510: {  	s0 =	stileid.u32;
	[bflag:$0x2] =	sbarrier.arrive $0xFFFF  }
0x511: {  	p0 =	sne.s32 s0, $0x0;
	s0 =	rddreg [dreg:$0x4]  }
0x512: {  	s0 =	sadd.s32 @!p0 $0x100000, s0  }
0x513: {  	[sflag:s0] =	ssyncadd.tile.s32 @!p0 $0x1;
	_ =	shalt  }
.Lfunc_end2:
_tile_overlayer_lowered:
.L_overlay_start_2:
0x514: {  	(tag) =	ssettag $0x2  }
0x515: {  	s0 =	rddreg [dreg:$0x0];
	s2 =	stileid.u32  }
0x516: {  	s1 =	rddreg [dreg:$0x1];
	p0 =	sne.s32 s2, $0x0  }
0x517: {  	s3 =	rddreg [dreg:$0x2];
	[bflag:$0x3] =	sbarrier.arrive $0xFFFF;
	s2 =	simm.s32 @!p0 $0x1C07  }
0x518: {  	[timem:s3], [sflag:s2] =	dma.local @!p0 [hbm:s0], s1  }
0x519: {  	s0 =	simm.s32 @!p0 $0x7  }
0x51a: {  	_ =	swait.ge @!p0 [sflag:s0], s1  }
0x51b: {  	s1 =	ssub.s32 @!p0 $0x0, s1;
	[sflag:s0] =	ssyncset.done @!p0 $0x0  }
0x51c: {  	[sflag:s0] =	ssyncadd.s32 @!p0 s1  }
0x51d: {  	[bflag:$0x3] =	sbarrier.arrive $0xFFFF  }
0x51e: {  	_ =	shalt  }

</sc_bundles>
